<compile_context>
chip_gen: v7x
topology: tpu7x:2x2x1
jax: 0.10.2.dev20260603
libtpu: 0.0.44.dev20260713+nightly
codegen_flags: <defaults>
</compile_context>

<pallas_src>
import functools

import jax
import jax.numpy as jnp
from jax import lax
from jax.experimental import pallas as pl
from jax.experimental.pallas import tpu as pltpu
from jax.experimental.pallas import tpu_sc as plsc

EMB = 128
N_COST, N_RAR, N_TYPE, N_UPG = 11, 5, 4, 21
N_COMB = N_COST * N_RAR * N_TYPE * N_UPG


def _prep_body(cardt_ref, costt_ref, rart_ref, typet_ref, upgt_ref, w_ref, b_ref,
               costs_ref, rars_ref, typs_ref, upgs_ref,
               pcard_ref, comb_ref, cidx_ref):
    w = w_ref[...]
    pcard_ref[...] = jnp.dot(cardt_ref[...], w[0:64, :],
                             preferred_element_type=jnp.float32)
    pc = jnp.dot(costt_ref[...], w[64:72, :], preferred_element_type=jnp.float32)
    pr = jnp.dot(rart_ref[...], w[72:80, :], preferred_element_type=jnp.float32)
    pt = jnp.dot(typet_ref[...], w[80:88, :], preferred_element_type=jnp.float32)
    pu = jnp.dot(upgt_ref[...], w[88:96, :], preferred_element_type=jnp.float32)
    tu = (pt[:, None, :] + pu[None, :, :]).reshape(N_TYPE * N_UPG, EMB)
    rtu = (pr[:, None, :] + tu[None, :, :]).reshape(N_RAR * N_TYPE * N_UPG, EMB)
    crtu = (pc[:, None, :] + rtu[None, :, :]).reshape(N_COMB, EMB)
    comb_ref[...] = crtu + b_ref[...]
    cidx_ref[...] = ((costs_ref[...] * N_RAR + rars_ref[...]) * N_TYPE
                     + typs_ref[...]) * N_UPG + upgs_ref[...]


def _sc_gather_add(n_rows, chunk, n_chunks_per_worker, nc, ns):
    mesh = plsc.VectorSubcoreMesh(core_axis_name="c", subcore_axis_name="s")
    rows_per_worker = chunk * n_chunks_per_worker
    ncw = n_chunks_per_worker
    G = 4
    n_groups = ncw // G
    assert n_groups * G == ncw and n_groups % 2 == 0

    @functools.partial(
        pl.kernel,
        mesh=mesh,
        out_type=jax.ShapeDtypeStruct((n_rows, EMB), jnp.float32),
        scratch_types=[
            [pltpu.VMEM((G, chunk), jnp.int32)] * 2,
            [pltpu.VMEM((G, chunk), jnp.int32)] * 2,
            [pltpu.VMEM((chunk, EMB), jnp.float32)] * 4,
            [pltpu.VMEM((chunk, EMB), jnp.float32)] * 2,
            [pltpu.SemaphoreType.DMA] * 2,
            [pltpu.SemaphoreType.DMA] * 2,
            [pltpu.SemaphoreType.DMA] * 4,
            [pltpu.SemaphoreType.DMA] * 2,
            [pltpu.SemaphoreType.DMA] * 4,
            pltpu.VMEM_SHARED((513, EMB), jnp.float32),
            pltpu.VMEM_SHARED((N_COMB, EMB), jnp.float32),
        ],
    )
    def body(pcard_hbm, comb_hbm, cids_hbm, cidx_hbm, out_hbm,
             ia, ib, ga, gb, sia, sib, sga, sgb, sw, sh_pcard, sh_comb):
        wid = lax.axis_index("s") * nc + lax.axis_index("c")
        w_chunk = wid * ncw
        w_base = wid * rows_per_worker

        @pl.when(lax.axis_index("s") == 0)
        def _():
            pltpu.sync_copy(pcard_hbm, sh_pcard)
            pltpu.sync_copy(comb_hbm, sh_comb)

        plsc.subcore_barrier()

        def idx_issue(g, s):
            sl = pl.ds(w_chunk + g * G, G)
            pltpu.async_copy(cids_hbm.at[sl], ia[s], sia[s])
            pltpu.async_copy(cidx_hbm.at[sl], ib[s], sib[s])

        def idx_drain(g, s):
            sl = pl.ds(w_chunk + g * G, G)
            pltpu.make_async_copy(cids_hbm.at[sl], ia[s], sia[s]).wait()
            pltpu.make_async_copy(cidx_hbm.at[sl], ib[s], sib[s]).wait()

        def gather_issue(s, row, t4, t2):
            pltpu.async_copy(sh_pcard.at[ia[s].at[row]], ga[t4], sga[t4])
            pltpu.async_copy(sh_comb.at[ib[s].at[row]], gb[t2], sgb[t2])

        def gather_drain(s, row, t4, t2):
            pltpu.make_async_copy(sh_pcard.at[ia[s].at[row]], ga[t4],
                                  sga[t4]).wait()
            pltpu.make_async_copy(sh_comb.at[ib[s].at[row]], gb[t2],
                                  sgb[t2]).wait()

        def add_into(t4, t2):
            @plsc.parallel_loop(0, chunk, 1, unroll=4)
            def _(r):
                for c in range(EMB // 16):
                    sl = pl.ds(c * 16, 16)
                    plsc.addupdate(ga[t4].at[r, sl], gb[t2][r, sl])

        def write_issue(c, t4):
            pltpu.async_copy(ga[t4],
                             out_hbm.at[pl.ds(w_base + c * chunk, chunk)],
                             sw[t4])

        def write_drain(c, t4):
            pltpu.make_async_copy(
                ga[t4], out_hbm.at[pl.ds(w_base + c * chunk, chunk)], sw[t4]
            ).wait()

        idx_issue(0, 0)
        idx_drain(0, 0)
        idx_issue(1, 1)
        gather_issue(0, 0, 0, 0)
        gather_issue(0, 1, 1, 1)

        def run_steps(m, first):
            for p in range(2):
                for k in range(G):
                    c = 8 * m + 4 * p + k
                    t4 = k
                    t2 = k % 2
                    t4n = (k + 2) % 4
                    s2 = (p + (k + 2) // 4) % 2
                    row2 = (4 * p + k + 2) % 4
                    gather_drain(p, k, t4, t2)
                    add_into(t4, t2)
                    if first:
                        if 4 * p + k >= 2:
                            write_drain(c - 2, t4n)
                        if k == 2:
                            idx_drain(2 * m + p + 1, s2)
                        gather_issue(s2, row2, t4n, t2)
                    else:
                        write_drain(c - 2, t4n)
                        if k == 2:
                            @pl.when(c + 2 < ncw)
                            def _():
                                idx_drain(2 * m + p + 1, s2)
                                gather_issue(s2, row2, t4n, t2)
                        else:
                            @pl.when(c + 2 < ncw)
                            def _():
                                gather_issue(s2, row2, t4n, t2)
                    write_issue(c, t4)
                if first:
                    idx_issue(2 * m + p + 2, p)
                else:
                    @pl.when(2 * m + p + 2 < n_groups)
                    def _():
                        idx_issue(2 * m + p + 2, p)

        run_steps(0, True)

        def loop_body(m, carry):
            run_steps(m, False)
            return carry

        lax.fori_loop(1, n_groups // 2, loop_body, 0)
        write_drain(ncw - 2, 2)
        write_drain(ncw - 1, 3)

    return body


def kernel(card_ids, costs, rarities, types, upgrades,
           card_id_table, cost_table, rarity_table, type_table, upgrade_table,
           W, b):
    B, L = card_ids.shape
    n_rows = B * L

    pcard, comb, cidx = pl.pallas_call(
        _prep_body,
        out_shape=[
            jax.ShapeDtypeStruct((card_id_table.shape[0], EMB), jnp.float32),
            jax.ShapeDtypeStruct((N_COMB, EMB), jnp.float32),
            jax.ShapeDtypeStruct((B, L), jnp.int32),
        ],
    )(card_id_table, cost_table, rarity_table, type_table, upgrade_table,
      W, b.reshape(1, EMB),
      costs.astype(jnp.int32), rarities.astype(jnp.int32),
      types.astype(jnp.int32), upgrades.astype(jnp.int32))

    info = plsc.get_sparse_core_info()
    nc, ns = info.num_cores, info.num_subcores
    nw = nc * ns
    chunk = 80
    n_chunks_per_worker = n_rows // (nw * chunk)
    assert n_chunks_per_worker * nw * chunk == n_rows

    sc = _sc_gather_add(n_rows, chunk, n_chunks_per_worker, nc, ns)
    out = sc(pcard, comb,
             card_ids.reshape(n_rows // chunk, chunk).astype(jnp.int32),
             cidx.reshape(n_rows // chunk, chunk))
    return out.reshape(B, L, EMB)

# --- scband reference (transcript-rebuilt; emitter-appended) ---
"""Pipeline reference for scband-card-embedding-24352464570230 (READ-ONLY COPY).

The authoritative reference and input builder live on the scoring server;
editing this copy changes nothing except your own understanding.
"""

import jax, jax.numpy as jnp
import numpy as np

B, L = 4096, 200
EMB = 128
MAX_CARDS = 512

def setup_inputs(seed: int = 0) -> dict:
    key = jax.random.key(seed)
    ks = jax.random.split(key, 12)
    card_ids = jax.random.randint(ks[0], (B, L), 0, MAX_CARDS + 1)
    costs = jax.random.randint(ks[1], (B, L), 0, 11)
    rarities = jax.random.randint(ks[2], (B, L), 0, 5)
    types = jax.random.randint(ks[3], (B, L), 0, 4)
    upgrades = jax.random.randint(ks[4], (B, L), 0, 21)
    half = EMB // 2
    card_id_table = jax.random.normal(ks[5], (MAX_CARDS + 1, half), dtype=jnp.float32) * 0.02
    cost_table = jax.random.normal(ks[6], (11, 8), dtype=jnp.float32) * 0.02
    rarity_table = jax.random.normal(ks[7], (5, 8), dtype=jnp.float32) * 0.02
    type_table = jax.random.normal(ks[8], (4, 8), dtype=jnp.float32) * 0.02
    upgrade_table = jax.random.normal(ks[9], (21, 8), dtype=jnp.float32) * 0.02
    feature_size = half + 8 + 8 + 8 + 8
    W = jax.random.normal(ks[10], (feature_size, EMB), dtype=jnp.float32) * (1.0 / np.sqrt(feature_size))
    b = jnp.zeros((EMB,), dtype=jnp.float32)
    return {
        'card_ids': card_ids, 'costs': costs, 'rarities': rarities,
        'types': types, 'upgrades': upgrades,
        'card_id_table': card_id_table, 'cost_table': cost_table,
        'rarity_table': rarity_table, 'type_table': type_table,
        'upgrade_table': upgrade_table, 'W': W, 'b': b,
    }

def reference(card_ids, costs, rarities, types, upgrades,
              card_id_table, cost_table, rarity_table, type_table, upgrade_table,
              W, b):
    id_emb = jnp.take(card_id_table, card_ids, axis=0)
    cost_emb = jnp.take(cost_table, costs, axis=0)
    rarity_emb = jnp.take(rarity_table, rarities, axis=0)
    type_emb = jnp.take(type_table, types, axis=0)
    upgrade_emb = jnp.take(upgrade_table, upgrades, axis=0)
    features = jnp.concatenate([id_emb, cost_emb, rarity_emb, type_emb, upgrade_emb], axis=-1)
    return jnp.dot(features, W) + b

if __name__ == "__main__":
    import jax
    _d = setup_inputs()
    print(jax.jit(kernel)(*tuple(_d.values())))

</pallas_src>

<mosaic_0001>
#map = affine_map<(d0, d1) -> (0, 0)>
module attributes {stable_mosaic.version = 14 : i64} {
  func.func @body(%arg0: i32, %arg1: i32, %arg2: memref<513x128xf32, #tpu.memory_space<hbm>>, %arg3: memref<4620x128xf32, #tpu.memory_space<hbm>>, %arg4: memref<10240x80xi32, #tpu.memory_space<hbm>>, %arg5: memref<10240x80xi32, #tpu.memory_space<hbm>>, %arg6: memref<819200x128xf32, #tpu.memory_space<hbm>>, %arg7: memref<4x80xi32, #tpu.memory_space<vmem>>, %arg8: memref<4x80xi32, #tpu.memory_space<vmem>>, %arg9: memref<4x80xi32, #tpu.memory_space<vmem>>, %arg10: memref<4x80xi32, #tpu.memory_space<vmem>>, %arg11: memref<80x128xf32, #tpu.memory_space<vmem>>, %arg12: memref<80x128xf32, #tpu.memory_space<vmem>>, %arg13: memref<80x128xf32, #tpu.memory_space<vmem>>, %arg14: memref<80x128xf32, #tpu.memory_space<vmem>>, %arg15: memref<80x128xf32, #tpu.memory_space<vmem>>, %arg16: memref<80x128xf32, #tpu.memory_space<vmem>>, %arg17: memref<!tpu.dma_semaphore, #tpu.memory_space<semaphore_mem>>, %arg18: memref<!tpu.dma_semaphore, #tpu.memory_space<semaphore_mem>>, %arg19: memref<!tpu.dma_semaphore, #tpu.memory_space<semaphore_mem>>, %arg20: memref<!tpu.dma_semaphore, #tpu.memory_space<semaphore_mem>>, %arg21: memref<!tpu.dma_semaphore, #tpu.memory_space<semaphore_mem>>, %arg22: memref<!tpu.dma_semaphore, #tpu.memory_space<semaphore_mem>>, %arg23: memref<!tpu.dma_semaphore, #tpu.memory_space<semaphore_mem>>, %arg24: memref<!tpu.dma_semaphore, #tpu.memory_space<semaphore_mem>>, %arg25: memref<!tpu.dma_semaphore, #tpu.memory_space<semaphore_mem>>, %arg26: memref<!tpu.dma_semaphore, #tpu.memory_space<semaphore_mem>>, %arg27: memref<!tpu.dma_semaphore, #tpu.memory_space<semaphore_mem>>, %arg28: memref<!tpu.dma_semaphore, #tpu.memory_space<semaphore_mem>>, %arg29: memref<!tpu.dma_semaphore, #tpu.memory_space<semaphore_mem>>, %arg30: memref<!tpu.dma_semaphore, #tpu.memory_space<semaphore_mem>>, %arg31: memref<513x128xf32, #tpu.memory_space<vmem_shared>>, %arg32: memref<4620x128xf32, #tpu.memory_space<vmem_shared>>) attributes {dimension_semantics = [#tpu.dimension_semantics<core_parallel>, #tpu.dimension_semantics<subcore_parallel>], iteration_bounds = array<i64: 2, 16>, scalar_prefetch = 0 : i64, scratch_operands = 26 : i64, tpu.core_type = #tpu.core_type<sc_vector_subcore>, window_params = [{transform_indices = #map}, {transform_indices = #map}, {transform_indices = #map}, {transform_indices = #map}, {transform_indices = #map}]} {
    %mul3A = arith.constant 2 : i32
    %mul3A_0 = arith.muli %arg1, %mul3A : i32
    %add3A = arith.addi %mul3A_0, %arg0 : i32
    %mul3A_1 = arith.constant 320 : i32
    %mul3A_2 = arith.muli %add3A, %mul3A_1 : i32
    %mul3A_3 = arith.constant 25600 : i32
    %mul3A_4 = arith.muli %add3A, %mul3A_3 : i32
    %eq3A = arith.constant 0 : i32
    %eq3A_5 = arith.cmpi eq, %arg1, %eq3A : i32
    %convert_element_type3A = arith.extui %eq3A_5 : i1 to i32
    %cond3A = arith.constant 0 : i32
    %cond3A_6 = arith.cmpi ne, %convert_element_type3A, %cond3A : i32
    scf.if %cond3A_6 {
      "tpu.region"() ({
        %run_scoped3A = tpu.sem_alloc : memref<!tpu.dma_semaphore, #tpu.memory_space<semaphore_mem>>
        tpu.enqueue_dma source(%arg2 : memref<513x128xf32, #tpu.memory_space<hbm>>) target(%arg31 : memref<513x128xf32, #tpu.memory_space<vmem_shared>>) target_semaphore(%run_scoped3A : memref<!tpu.dma_semaphore, #tpu.memory_space<semaphore_mem>>)
        tpu.wait_dma2 semaphore(%run_scoped3A : memref<!tpu.dma_semaphore, #tpu.memory_space<semaphore_mem>>) src(%arg2 : memref<513x128xf32, #tpu.memory_space<hbm>>) dst(%arg31 : memref<513x128xf32, #tpu.memory_space<vmem_shared>>)
        tpu.yield
      }) : () -> ()
      "tpu.region"() ({
        %run_scoped3A = tpu.sem_alloc : memref<!tpu.dma_semaphore, #tpu.memory_space<semaphore_mem>>
        tpu.enqueue_dma source(%arg3 : memref<4620x128xf32, #tpu.memory_space<hbm>>) target(%arg32 : memref<4620x128xf32, #tpu.memory_space<vmem_shared>>) target_semaphore(%run_scoped3A : memref<!tpu.dma_semaphore, #tpu.memory_space<semaphore_mem>>)
        tpu.wait_dma2 semaphore(%run_scoped3A : memref<!tpu.dma_semaphore, #tpu.memory_space<semaphore_mem>>) src(%arg3 : memref<4620x128xf32, #tpu.memory_space<hbm>>) dst(%arg32 : memref<4620x128xf32, #tpu.memory_space<vmem_shared>>)
        tpu.yield
      }) : () -> ()
    } else {
    }
    %barrier3A = arith.constant 0 : index
    tpu.barrier barrier_id(%barrier3A)
    %add3A_7 = arith.constant 0 : i32
    %add3A_8 = arith.addi %mul3A_2, %add3A_7 : i32
    %dma_start3A = arith.constant 0 : i32
    %dma_start3A_9 = tpu.memref_slice %arg4[%add3A_8, %dma_start3A] : memref<10240x80xi32, #tpu.memory_space<hbm>> -> memref<4x80xi32, #tpu.memory_space<hbm>>
    %dma_start3A_10 = arith.constant 0 : i32
    %dma_start3A_11 = tpu.memref_slice %arg4[%add3A_8, %dma_start3A_10] : memref<10240x80xi32, #tpu.memory_space<hbm>> -> memref<4x80xi32, #tpu.memory_space<hbm>>
    tpu.enqueue_dma source(%dma_start3A_11 : memref<4x80xi32, #tpu.memory_space<hbm>>) target(%arg7 : memref<4x80xi32, #tpu.memory_space<vmem>>) target_semaphore(%arg17 : memref<!tpu.dma_semaphore, #tpu.memory_space<semaphore_mem>>)
    %dma_start3A_12 = arith.constant 0 : i32
    %dma_start3A_13 = tpu.memref_slice %arg5[%add3A_8, %dma_start3A_12] : memref<10240x80xi32, #tpu.memory_space<hbm>> -> memref<4x80xi32, #tpu.memory_space<hbm>>
    %dma_start3A_14 = arith.constant 0 : i32
    %dma_start3A_15 = tpu.memref_slice %arg5[%add3A_8, %dma_start3A_14] : memref<10240x80xi32, #tpu.memory_space<hbm>> -> memref<4x80xi32, #tpu.memory_space<hbm>>
    tpu.enqueue_dma source(%dma_start3A_15 : memref<4x80xi32, #tpu.memory_space<hbm>>) target(%arg9 : memref<4x80xi32, #tpu.memory_space<vmem>>) target_semaphore(%arg19 : memref<!tpu.dma_semaphore, #tpu.memory_space<semaphore_mem>>)
    %add3A_16 = arith.constant 0 : i32
    %add3A_17 = arith.addi %mul3A_2, %add3A_16 : i32
    %dma_wait3A = arith.constant 0 : i32
    %dma_wait3A_18 = tpu.memref_slice %arg4[%add3A_17, %dma_wait3A] : memref<10240x80xi32, #tpu.memory_space<hbm>> -> memref<4x80xi32, #tpu.memory_space<hbm>>
    %dma_wait3A_19 = arith.constant 0 : i32
    %dma_wait3A_20 = tpu.memref_slice %arg4[%add3A_17, %dma_wait3A_19] : memref<10240x80xi32, #tpu.memory_space<hbm>> -> memref<4x80xi32, #tpu.memory_space<hbm>>
    tpu.wait_dma2 semaphore(%arg17 : memref<!tpu.dma_semaphore, #tpu.memory_space<semaphore_mem>>) src(%dma_wait3A_20 : memref<4x80xi32, #tpu.memory_space<hbm>>) dst(%arg7 : memref<4x80xi32, #tpu.memory_space<vmem>>)
    %dma_wait3A_21 = arith.constant 0 : i32
    %dma_wait3A_22 = tpu.memref_slice %arg5[%add3A_17, %dma_wait3A_21] : memref<10240x80xi32, #tpu.memory_space<hbm>> -> memref<4x80xi32, #tpu.memory_space<hbm>>
    %dma_wait3A_23 = arith.constant 0 : i32
    %dma_wait3A_24 = tpu.memref_slice %arg5[%add3A_17, %dma_wait3A_23] : memref<10240x80xi32, #tpu.memory_space<hbm>> -> memref<4x80xi32, #tpu.memory_space<hbm>>
    tpu.wait_dma2 semaphore(%arg19 : memref<!tpu.dma_semaphore, #tpu.memory_space<semaphore_mem>>) src(%dma_wait3A_24 : memref<4x80xi32, #tpu.memory_space<hbm>>) dst(%arg9 : memref<4x80xi32, #tpu.memory_space<vmem>>)
    %add3A_25 = arith.constant 4 : i32
    %add3A_26 = arith.addi %mul3A_2, %add3A_25 : i32
    %dma_start3A_27 = arith.constant 0 : i32
    %dma_start3A_28 = tpu.memref_slice %arg4[%add3A_26, %dma_start3A_27] : memref<10240x80xi32, #tpu.memory_space<hbm>> -> memref<4x80xi32, #tpu.memory_space<hbm>>
    %dma_start3A_29 = arith.constant 0 : i32
    %dma_start3A_30 = tpu.memref_slice %arg4[%add3A_26, %dma_start3A_29] : memref<10240x80xi32, #tpu.memory_space<hbm>> -> memref<4x80xi32, #tpu.memory_space<hbm>>
    tpu.enqueue_dma source(%dma_start3A_30 : memref<4x80xi32, #tpu.memory_space<hbm>>) target(%arg8 : memref<4x80xi32, #tpu.memory_space<vmem>>) target_semaphore(%arg18 : memref<!tpu.dma_semaphore, #tpu.memory_space<semaphore_mem>>)
    %dma_start3A_31 = arith.constant 0 : i32
    %dma_start3A_32 = tpu.memref_slice %arg5[%add3A_26, %dma_start3A_31] : memref<10240x80xi32, #tpu.memory_space<hbm>> -> memref<4x80xi32, #tpu.memory_space<hbm>>
    %dma_start3A_33 = arith.constant 0 : i32
    %dma_start3A_34 = tpu.memref_slice %arg5[%add3A_26, %dma_start3A_33] : memref<10240x80xi32, #tpu.memory_space<hbm>> -> memref<4x80xi32, #tpu.memory_space<hbm>>
    tpu.enqueue_dma source(%dma_start3A_34 : memref<4x80xi32, #tpu.memory_space<hbm>>) target(%arg10 : memref<4x80xi32, #tpu.memory_space<vmem>>) target_semaphore(%arg20 : memref<!tpu.dma_semaphore, #tpu.memory_space<semaphore_mem>>)
    %dma_start3A_35 = arith.constant 0 : i32
    %dma_start3A_36 = arith.constant 0 : i32
    %dma_start3A_37 = tpu.memref_slice %arg7[%dma_start3A_35, %dma_start3A_36] : memref<4x80xi32, #tpu.memory_space<vmem>> -> memref<1x80xi32, #tpu.memory_space<vmem>>
    %dma_start3A_38 = tpu.memref_squeeze %dma_start3A_37 : memref<1x80xi32, #tpu.memory_space<vmem>> -> memref<80xi32, #tpu.memory_space<vmem>>
    %dma_start3A_39 = arith.constant 0 : i32
    %dma_start3A_40 = arith.constant 0 : i32
    %dma_start3A_41 = tpu.memref_slice %arg31[%dma_start3A_39, %dma_start3A_40] : memref<513x128xf32, #tpu.memory_space<vmem_shared>> -> memref<513x128xf32, #tpu.memory_space<vmem_shared>>
    tpu.enqueue_indirect_dma source(%dma_start3A_41 : memref<513x128xf32, #tpu.memory_space<vmem_shared>>) target(%arg11 : memref<80x128xf32, #tpu.memory_space<vmem>>) offsets(%dma_start3A_38 : memref<80xi32, #tpu.memory_space<vmem>>) semaphore(%arg21 : memref<!tpu.dma_semaphore, #tpu.memory_space<semaphore_mem>>)
    %dma_start3A_42 = arith.constant 0 : i32
    %dma_start3A_43 = arith.constant 0 : i32
    %dma_start3A_44 = tpu.memref_slice %arg9[%dma_start3A_42, %dma_start3A_43] : memref<4x80xi32, #tpu.memory_space<vmem>> -> memref<1x80xi32, #tpu.memory_space<vmem>>
    %dma_start3A_45 = tpu.memref_squeeze %dma_start3A_44 : memref<1x80xi32, #tpu.memory_space<vmem>> -> memref<80xi32, #tpu.memory_space<vmem>>
    %dma_start3A_46 = arith.constant 0 : i32
    %dma_start3A_47 = arith.constant 0 : i32
    %dma_start3A_48 = tpu.memref_slice %arg32[%dma_start3A_46, %dma_start3A_47] : memref<4620x128xf32, #tpu.memory_space<vmem_shared>> -> memref<4620x128xf32, #tpu.memory_space<vmem_shared>>
    tpu.enqueue_indirect_dma source(%dma_start3A_48 : memref<4620x128xf32, #tpu.memory_space<vmem_shared>>) target(%arg15 : memref<80x128xf32, #tpu.memory_space<vmem>>) offsets(%dma_start3A_45 : memref<80xi32, #tpu.memory_space<vmem>>) semaphore(%arg25 : memref<!tpu.dma_semaphore, #tpu.memory_space<semaphore_mem>>)
    %dma_start3A_49 = arith.constant 1 : i32
    %dma_start3A_50 = arith.constant 0 : i32
    %dma_start3A_51 = tpu.memref_slice %arg7[%dma_start3A_49, %dma_start3A_50] : memref<4x80xi32, #tpu.memory_space<vmem>> -> memref<1x80xi32, #tpu.memory_space<vmem>>
    %dma_start3A_52 = tpu.memref_squeeze %dma_start3A_51 : memref<1x80xi32, #tpu.memory_space<vmem>> -> memref<80xi32, #tpu.memory_space<vmem>>
    %dma_start3A_53 = arith.constant 0 : i32
    %dma_start3A_54 = arith.constant 0 : i32
    %dma_start3A_55 = tpu.memref_slice %arg31[%dma_start3A_53, %dma_start3A_54] : memref<513x128xf32, #tpu.memory_space<vmem_shared>> -> memref<513x128xf32, #tpu.memory_space<vmem_shared>>
    tpu.enqueue_indirect_dma source(%dma_start3A_55 : memref<513x128xf32, #tpu.memory_space<vmem_shared>>) target(%arg12 : memref<80x128xf32, #tpu.memory_space<vmem>>) offsets(%dma_start3A_52 : memref<80xi32, #tpu.memory_space<vmem>>) semaphore(%arg22 : memref<!tpu.dma_semaphore, #tpu.memory_space<semaphore_mem>>)
    %dma_start3A_56 = arith.constant 1 : i32
    %dma_start3A_57 = arith.constant 0 : i32
    %dma_start3A_58 = tpu.memref_slice %arg9[%dma_start3A_56, %dma_start3A_57] : memref<4x80xi32, #tpu.memory_space<vmem>> -> memref<1x80xi32, #tpu.memory_space<vmem>>
    %dma_start3A_59 = tpu.memref_squeeze %dma_start3A_58 : memref<1x80xi32, #tpu.memory_space<vmem>> -> memref<80xi32, #tpu.memory_space<vmem>>
    %dma_start3A_60 = arith.constant 0 : i32
    %dma_start3A_61 = arith.constant 0 : i32
    %dma_start3A_62 = tpu.memref_slice %arg32[%dma_start3A_60, %dma_start3A_61] : memref<4620x128xf32, #tpu.memory_space<vmem_shared>> -> memref<4620x128xf32, #tpu.memory_space<vmem_shared>>
    tpu.enqueue_indirect_dma source(%dma_start3A_62 : memref<4620x128xf32, #tpu.memory_space<vmem_shared>>) target(%arg16 : memref<80x128xf32, #tpu.memory_space<vmem>>) offsets(%dma_start3A_59 : memref<80xi32, #tpu.memory_space<vmem>>) semaphore(%arg26 : memref<!tpu.dma_semaphore, #tpu.memory_space<semaphore_mem>>)
    %dma_wait3A_63 = arith.constant 0 : i32
    %dma_wait3A_64 = arith.constant 0 : i32
    %dma_wait3A_65 = tpu.memref_slice %arg7[%dma_wait3A_63, %dma_wait3A_64] : memref<4x80xi32, #tpu.memory_space<vmem>> -> memref<1x80xi32, #tpu.memory_space<vmem>>
    %dma_wait3A_66 = tpu.memref_squeeze %dma_wait3A_65 : memref<1x80xi32, #tpu.memory_space<vmem>> -> memref<80xi32, #tpu.memory_space<vmem>>
    %dma_wait3A_67 = arith.constant 0 : i32
    %dma_wait3A_68 = arith.constant 0 : i32
    %dma_wait3A_69 = tpu.memref_slice %arg31[%dma_wait3A_67, %dma_wait3A_68] : memref<513x128xf32, #tpu.memory_space<vmem_shared>> -> memref<513x128xf32, #tpu.memory_space<vmem_shared>>
    tpu.wait_indirect_dma semaphore(%arg21 : memref<!tpu.dma_semaphore, #tpu.memory_space<semaphore_mem>>) src(%dma_wait3A_69 : memref<513x128xf32, #tpu.memory_space<vmem_shared>>) dst(%arg11 : memref<80x128xf32, #tpu.memory_space<vmem>>)
    %dma_wait3A_70 = arith.constant 0 : i32
    %dma_wait3A_71 = arith.constant 0 : i32
    %dma_wait3A_72 = tpu.memref_slice %arg9[%dma_wait3A_70, %dma_wait3A_71] : memref<4x80xi32, #tpu.memory_space<vmem>> -> memref<1x80xi32, #tpu.memory_space<vmem>>
    %dma_wait3A_73 = tpu.memref_squeeze %dma_wait3A_72 : memref<1x80xi32, #tpu.memory_space<vmem>> -> memref<80xi32, #tpu.memory_space<vmem>>
    %dma_wait3A_74 = arith.constant 0 : i32
    %dma_wait3A_75 = arith.constant 0 : i32
    %dma_wait3A_76 = tpu.memref_slice %arg32[%dma_wait3A_74, %dma_wait3A_75] : memref<4620x128xf32, #tpu.memory_space<vmem_shared>> -> memref<4620x128xf32, #tpu.memory_space<vmem_shared>>
    tpu.wait_indirect_dma semaphore(%arg25 : memref<!tpu.dma_semaphore, #tpu.memory_space<semaphore_mem>>) src(%dma_wait3A_76 : memref<4620x128xf32, #tpu.memory_space<vmem_shared>>) dst(%arg15 : memref<80x128xf32, #tpu.memory_space<vmem>>)
    %parallel_loop3A = arith.constant 0 : i32
    %parallel_loop3A_77 = arith.constant 80 : i32
    %parallel_loop3A_78 = arith.constant 1 : i32
    scf.for %parallel_loop3A_451 = %parallel_loop3A to %parallel_loop3A_77 step %parallel_loop3A_78  : i32 {
      %parallel_loop3A_452 = arith.index_cast %parallel_loop3A_451 : i32 to index
      %parallel_loop3A_453 = arith.constant 0 : index
      %parallel_loop3A_454 = tpu.vector_load %arg15[%parallel_loop3A_452, %parallel_loop3A_453] {strides = array<i32>} : memref<80x128xf32, #tpu.memory_space<vmem>>, vector<1x16xf32>,
      %parallel_loop3A_455 = vector.shape_cast %parallel_loop3A_454 : vector<1x16xf32> to vector<16xf32>
      %parallel_loop3A_456 = arith.index_cast %parallel_loop3A_451 : i32 to index
      %parallel_loop3A_457 = arith.constant 0 : index
      %parallel_loop3A_458 = tpu.vector_load %arg11[%parallel_loop3A_456, %parallel_loop3A_457] {strides = array<i32>} : memref<80x128xf32, #tpu.memory_space<vmem>>, vector<1x16xf32>,
      %parallel_loop3A_459 = vector.shape_cast %parallel_loop3A_458 : vector<1x16xf32> to vector<16xf32>
      %parallel_loop3A_460 = vector.shape_cast %parallel_loop3A_455 : vector<16xf32> to vector<1x16xf32>
      tpu.vector_store %arg11[%parallel_loop3A_456, %parallel_loop3A_457], %parallel_loop3A_460 {add = true, strides = array<i32>} : memref<80x128xf32, #tpu.memory_space<vmem>>, vector<1x16xf32>,
      %parallel_loop3A_461 = arith.index_cast %parallel_loop3A_451 : i32 to index
      %parallel_loop3A_462 = arith.constant 16 : index
      %parallel_loop3A_463 = tpu.vector_load %arg15[%parallel_loop3A_461, %parallel_loop3A_462] {strides = array<i32>} : memref<80x128xf32, #tpu.memory_space<vmem>>, vector<1x16xf32>,
      %parallel_loop3A_464 = vector.shape_cast %parallel_loop3A_463 : vector<1x16xf32> to vector<16xf32>
      %parallel_loop3A_465 = arith.index_cast %parallel_loop3A_451 : i32 to index
      %parallel_loop3A_466 = arith.constant 16 : index
      %parallel_loop3A_467 = tpu.vector_load %arg11[%parallel_loop3A_465, %parallel_loop3A_466] {strides = array<i32>} : memref<80x128xf32, #tpu.memory_space<vmem>>, vector<1x16xf32>,
      %parallel_loop3A_468 = vector.shape_cast %parallel_loop3A_467 : vector<1x16xf32> to vector<16xf32>
      %parallel_loop3A_469 = vector.shape_cast %parallel_loop3A_464 : vector<16xf32> to vector<1x16xf32>
      tpu.vector_store %arg11[%parallel_loop3A_465, %parallel_loop3A_466], %parallel_loop3A_469 {add = true, strides = array<i32>} : memref<80x128xf32, #tpu.memory_space<vmem>>, vector<1x16xf32>,
      %parallel_loop3A_470 = arith.index_cast %parallel_loop3A_451 : i32 to index
      %parallel_loop3A_471 = arith.constant 32 : index
      %parallel_loop3A_472 = tpu.vector_load %arg15[%parallel_loop3A_470, %parallel_loop3A_471] {strides = array<i32>} : memref<80x128xf32, #tpu.memory_space<vmem>>, vector<1x16xf32>,
      %parallel_loop3A_473 = vector.shape_cast %parallel_loop3A_472 : vector<1x16xf32> to vector<16xf32>
      %parallel_loop3A_474 = arith.index_cast %parallel_loop3A_451 : i32 to index
      %parallel_loop3A_475 = arith.constant 32 : index
      %parallel_loop3A_476 = tpu.vector_load %arg11[%parallel_loop3A_474, %parallel_loop3A_475] {strides = array<i32>} : memref<80x128xf32, #tpu.memory_space<vmem>>, vector<1x16xf32>,
      %parallel_loop3A_477 = vector.shape_cast %parallel_loop3A_476 : vector<1x16xf32> to vector<16xf32>
      %parallel_loop3A_478 = vector.shape_cast %parallel_loop3A_473 : vector<16xf32> to vector<1x16xf32>
      tpu.vector_store %arg11[%parallel_loop3A_474, %parallel_loop3A_475], %parallel_loop3A_478 {add = true, strides = array<i32>} : memref<80x128xf32, #tpu.memory_space<vmem>>, vector<1x16xf32>,
      %parallel_loop3A_479 = arith.index_cast %parallel_loop3A_451 : i32 to index
      %parallel_loop3A_480 = arith.constant 48 : index
      %parallel_loop3A_481 = tpu.vector_load %arg15[%parallel_loop3A_479, %parallel_loop3A_480] {strides = array<i32>} : memref<80x128xf32, #tpu.memory_space<vmem>>, vector<1x16xf32>,
      %parallel_loop3A_482 = vector.shape_cast %parallel_loop3A_481 : vector<1x16xf32> to vector<16xf32>
      %parallel_loop3A_483 = arith.index_cast %parallel_loop3A_451 : i32 to index
      %parallel_loop3A_484 = arith.constant 48 : index
      %parallel_loop3A_485 = tpu.vector_load %arg11[%parallel_loop3A_483, %parallel_loop3A_484] {strides = array<i32>} : memref<80x128xf32, #tpu.memory_space<vmem>>, vector<1x16xf32>,
      %parallel_loop3A_486 = vector.shape_cast %parallel_loop3A_485 : vector<1x16xf32> to vector<16xf32>
      %parallel_loop3A_487 = vector.shape_cast %parallel_loop3A_482 : vector<16xf32> to vector<1x16xf32>
      tpu.vector_store %arg11[%parallel_loop3A_483, %parallel_loop3A_484], %parallel_loop3A_487 {add = true, strides = array<i32>} : memref<80x128xf32, #tpu.memory_space<vmem>>, vector<1x16xf32>,
      %parallel_loop3A_488 = arith.index_cast %parallel_loop3A_451 : i32 to index
      %parallel_loop3A_489 = arith.constant 64 : index
      %parallel_loop3A_490 = tpu.vector_load %arg15[%parallel_loop3A_488, %parallel_loop3A_489] {strides = array<i32>} : memref<80x128xf32, #tpu.memory_space<vmem>>, vector<1x16xf32>,
      %parallel_loop3A_491 = vector.shape_cast %parallel_loop3A_490 : vector<1x16xf32> to vector<16xf32>
      %parallel_loop3A_492 = arith.index_cast %parallel_loop3A_451 : i32 to index
      %parallel_loop3A_493 = arith.constant 64 : index
      %parallel_loop3A_494 = tpu.vector_load %arg11[%parallel_loop3A_492, %parallel_loop3A_493] {strides = array<i32>} : memref<80x128xf32, #tpu.memory_space<vmem>>, vector<1x16xf32>,
      %parallel_loop3A_495 = vector.shape_cast %parallel_loop3A_494 : vector<1x16xf32> to vector<16xf32>
      %parallel_loop3A_496 = vector.shape_cast %parallel_loop3A_491 : vector<16xf32> to vector<1x16xf32>
      tpu.vector_store %arg11[%parallel_loop3A_492, %parallel_loop3A_493], %parallel_loop3A_496 {add = true, strides = array<i32>} : memref<80x128xf32, #tpu.memory_space<vmem>>, vector<1x16xf32>,
      %parallel_loop3A_497 = arith.index_cast %parallel_loop3A_451 : i32 to index
      %parallel_loop3A_498 = arith.constant 80 : index
      %parallel_loop3A_499 = tpu.vector_load %arg15[%parallel_loop3A_497, %parallel_loop3A_498] {strides = array<i32>} : memref<80x128xf32, #tpu.memory_space<vmem>>, vector<1x16xf32>,
      %parallel_loop3A_500 = vector.shape_cast %parallel_loop3A_499 : vector<1x16xf32> to vector<16xf32>
      %parallel_loop3A_501 = arith.index_cast %parallel_loop3A_451 : i32 to index
      %parallel_loop3A_502 = arith.constant 80 : index
      %parallel_loop3A_503 = tpu.vector_load %arg11[%parallel_loop3A_501, %parallel_loop3A_502] {strides = array<i32>} : memref<80x128xf32, #tpu.memory_space<vmem>>, vector<1x16xf32>,
      %parallel_loop3A_504 = vector.shape_cast %parallel_loop3A_503 : vector<1x16xf32> to vector<16xf32>
      %parallel_loop3A_505 = vector.shape_cast %parallel_loop3A_500 : vector<16xf32> to vector<1x16xf32>
      tpu.vector_store %arg11[%parallel_loop3A_501, %parallel_loop3A_502], %parallel_loop3A_505 {add = true, strides = array<i32>} : memref<80x128xf32, #tpu.memory_space<vmem>>, vector<1x16xf32>,
      %parallel_loop3A_506 = arith.index_cast %parallel_loop3A_451 : i32 to index
      %parallel_loop3A_507 = arith.constant 96 : index
      %parallel_loop3A_508 = tpu.vector_load %arg15[%parallel_loop3A_506, %parallel_loop3A_507] {strides = array<i32>} : memref<80x128xf32, #tpu.memory_space<vmem>>, vector<1x16xf32>,
      %parallel_loop3A_509 = vector.shape_cast %parallel_loop3A_508 : vector<1x16xf32> to vector<16xf32>
      %parallel_loop3A_510 = arith.index_cast %parallel_loop3A_451 : i32 to index
      %parallel_loop3A_511 = arith.constant 96 : index
      %parallel_loop3A_512 = tpu.vector_load %arg11[%parallel_loop3A_510, %parallel_loop3A_511] {strides = array<i32>} : memref<80x128xf32, #tpu.memory_space<vmem>>, vector<1x16xf32>,
      %parallel_loop3A_513 = vector.shape_cast %parallel_loop3A_512 : vector<1x16xf32> to vector<16xf32>
      %parallel_loop3A_514 = vector.shape_cast %parallel_loop3A_509 : vector<16xf32> to vector<1x16xf32>
      tpu.vector_store %arg11[%parallel_loop3A_510, %parallel_loop3A_511], %parallel_loop3A_514 {add = true, strides = array<i32>} : memref<80x128xf32, #tpu.memory_space<vmem>>, vector<1x16xf32>,
      %parallel_loop3A_515 = arith.index_cast %parallel_loop3A_451 : i32 to index
      %parallel_loop3A_516 = arith.constant 112 : index
      %parallel_loop3A_517 = tpu.vector_load %arg15[%parallel_loop3A_515, %parallel_loop3A_516] {strides = array<i32>} : memref<80x128xf32, #tpu.memory_space<vmem>>, vector<1x16xf32>,
      %parallel_loop3A_518 = vector.shape_cast %parallel_loop3A_517 : vector<1x16xf32> to vector<16xf32>
      %parallel_loop3A_519 = arith.index_cast %parallel_loop3A_451 : i32 to index
      %parallel_loop3A_520 = arith.constant 112 : index
      %parallel_loop3A_521 = tpu.vector_load %arg11[%parallel_loop3A_519, %parallel_loop3A_520] {strides = array<i32>} : memref<80x128xf32, #tpu.memory_space<vmem>>, vector<1x16xf32>,
      %parallel_loop3A_522 = vector.shape_cast %parallel_loop3A_521 : vector<1x16xf32> to vector<16xf32>
      %parallel_loop3A_523 = vector.shape_cast %parallel_loop3A_518 : vector<16xf32> to vector<1x16xf32>
      tpu.vector_store %arg11[%parallel_loop3A_519, %parallel_loop3A_520], %parallel_loop3A_523 {add = true, strides = array<i32>} : memref<80x128xf32, #tpu.memory_space<vmem>>, vector<1x16xf32>,
    } {sc.loop_unroll_factor = 4 : i64, sc.parallel_access}
    %dma_start3A_79 = arith.constant 2 : i32
    %dma_start3A_80 = arith.constant 0 : i32
    %dma_start3A_81 = tpu.memref_slice %arg7[%dma_start3A_79, %dma_start3A_80] : memref<4x80xi32, #tpu.memory_space<vmem>> -> memref<1x80xi32, #tpu.memory_space<vmem>>
    %dma_start3A_82 = tpu.memref_squeeze %dma_start3A_81 : memref<1x80xi32, #tpu.memory_space<vmem>> -> memref<80xi32, #tpu.memory_space<vmem>>
    %dma_start3A_83 = arith.constant 0 : i32
    %dma_start3A_84 = arith.constant 0 : i32
    %dma_start3A_85 = tpu.memref_slice %arg31[%dma_start3A_83, %dma_start3A_84] : memref<513x128xf32, #tpu.memory_space<vmem_shared>> -> memref<513x128xf32, #tpu.memory_space<vmem_shared>>
    tpu.enqueue_indirect_dma source(%dma_start3A_85 : memref<513x128xf32, #tpu.memory_space<vmem_shared>>) target(%arg13 : memref<80x128xf32, #tpu.memory_space<vmem>>) offsets(%dma_start3A_82 : memref<80xi32, #tpu.memory_space<vmem>>) semaphore(%arg23 : memref<!tpu.dma_semaphore, #tpu.memory_space<semaphore_mem>>)
    %dma_start3A_86 = arith.constant 2 : i32
    %dma_start3A_87 = arith.constant 0 : i32
    %dma_start3A_88 = tpu.memref_slice %arg9[%dma_start3A_86, %dma_start3A_87] : memref<4x80xi32, #tpu.memory_space<vmem>> -> memref<1x80xi32, #tpu.memory_space<vmem>>
    %dma_start3A_89 = tpu.memref_squeeze %dma_start3A_88 : memref<1x80xi32, #tpu.memory_space<vmem>> -> memref<80xi32, #tpu.memory_space<vmem>>
    %dma_start3A_90 = arith.constant 0 : i32
    %dma_start3A_91 = arith.constant 0 : i32
    %dma_start3A_92 = tpu.memref_slice %arg32[%dma_start3A_90, %dma_start3A_91] : memref<4620x128xf32, #tpu.memory_space<vmem_shared>> -> memref<4620x128xf32, #tpu.memory_space<vmem_shared>>
    tpu.enqueue_indirect_dma source(%dma_start3A_92 : memref<4620x128xf32, #tpu.memory_space<vmem_shared>>) target(%arg15 : memref<80x128xf32, #tpu.memory_space<vmem>>) offsets(%dma_start3A_89 : memref<80xi32, #tpu.memory_space<vmem>>) semaphore(%arg25 : memref<!tpu.dma_semaphore, #tpu.memory_space<semaphore_mem>>)
    %add3A_93 = arith.constant 0 : i32
    %add3A_94 = arith.addi %mul3A_4, %add3A_93 : i32
    %dma_start3A_95 = arith.constant 0 : i32
    %dma_start3A_96 = tpu.memref_slice %arg6[%add3A_94, %dma_start3A_95] : memref<819200x128xf32, #tpu.memory_space<hbm>> -> memref<80x128xf32, #tpu.memory_space<hbm>>
    %dma_start3A_97 = arith.constant 0 : i32
    %dma_start3A_98 = tpu.memref_slice %arg6[%add3A_94, %dma_start3A_97] : memref<819200x128xf32, #tpu.memory_space<hbm>> -> memref<80x128xf32, #tpu.memory_space<hbm>>
    tpu.enqueue_dma source(%arg11 : memref<80x128xf32, #tpu.memory_space<vmem>>) target(%dma_start3A_98 : memref<80x128xf32, #tpu.memory_space<hbm>>) target_semaphore(%arg27 : memref<!tpu.dma_semaphore, #tpu.memory_space<semaphore_mem>>)
    %dma_wait3A_99 = arith.constant 1 : i32
    %dma_wait3A_100 = arith.constant 0 : i32
    %dma_wait3A_101 = tpu.memref_slice %arg7[%dma_wait3A_99, %dma_wait3A_100] : memref<4x80xi32, #tpu.memory_space<vmem>> -> memref<1x80xi32, #tpu.memory_space<vmem>>
    %dma_wait3A_102 = tpu.memref_squeeze %dma_wait3A_101 : memref<1x80xi32, #tpu.memory_space<vmem>> -> memref<80xi32, #tpu.memory_space<vmem>>
    %dma_wait3A_103 = arith.constant 0 : i32
    %dma_wait3A_104 = arith.constant 0 : i32
    %dma_wait3A_105 = tpu.memref_slice %arg31[%dma_wait3A_103, %dma_wait3A_104] : memref<513x128xf32, #tpu.memory_space<vmem_shared>> -> memref<513x128xf32, #tpu.memory_space<vmem_shared>>
    tpu.wait_indirect_dma semaphore(%arg22 : memref<!tpu.dma_semaphore, #tpu.memory_space<semaphore_mem>>) src(%dma_wait3A_105 : memref<513x128xf32, #tpu.memory_space<vmem_shared>>) dst(%arg12 : memref<80x128xf32, #tpu.memory_space<vmem>>)
    %dma_wait3A_106 = arith.constant 1 : i32
    %dma_wait3A_107 = arith.constant 0 : i32
    %dma_wait3A_108 = tpu.memref_slice %arg9[%dma_wait3A_106, %dma_wait3A_107] : memref<4x80xi32, #tpu.memory_space<vmem>> -> memref<1x80xi32, #tpu.memory_space<vmem>>
    %dma_wait3A_109 = tpu.memref_squeeze %dma_wait3A_108 : memref<1x80xi32, #tpu.memory_space<vmem>> -> memref<80xi32, #tpu.memory_space<vmem>>
    %dma_wait3A_110 = arith.constant 0 : i32
    %dma_wait3A_111 = arith.constant 0 : i32
    %dma_wait3A_112 = tpu.memref_slice %arg32[%dma_wait3A_110, %dma_wait3A_111] : memref<4620x128xf32, #tpu.memory_space<vmem_shared>> -> memref<4620x128xf32, #tpu.memory_space<vmem_shared>>
    tpu.wait_indirect_dma semaphore(%arg26 : memref<!tpu.dma_semaphore, #tpu.memory_space<semaphore_mem>>) src(%dma_wait3A_112 : memref<4620x128xf32, #tpu.memory_space<vmem_shared>>) dst(%arg16 : memref<80x128xf32, #tpu.memory_space<vmem>>)
    %parallel_loop3A_113 = arith.constant 0 : i32
    %parallel_loop3A_114 = arith.constant 80 : i32
    %parallel_loop3A_115 = arith.constant 1 : i32
    scf.for %parallel_loop3A_451 = %parallel_loop3A_113 to %parallel_loop3A_114 step %parallel_loop3A_115  : i32 {
      %parallel_loop3A_452 = arith.index_cast %parallel_loop3A_451 : i32 to index
      %parallel_loop3A_453 = arith.constant 0 : index
      %parallel_loop3A_454 = tpu.vector_load %arg16[%parallel_loop3A_452, %parallel_loop3A_453] {strides = array<i32>} : memref<80x128xf32, #tpu.memory_space<vmem>>, vector<1x16xf32>,
      %parallel_loop3A_455 = vector.shape_cast %parallel_loop3A_454 : vector<1x16xf32> to vector<16xf32>
      %parallel_loop3A_456 = arith.index_cast %parallel_loop3A_451 : i32 to index
      %parallel_loop3A_457 = arith.constant 0 : index
      %parallel_loop3A_458 = tpu.vector_load %arg12[%parallel_loop3A_456, %parallel_loop3A_457] {strides = array<i32>} : memref<80x128xf32, #tpu.memory_space<vmem>>, vector<1x16xf32>,
      %parallel_loop3A_459 = vector.shape_cast %parallel_loop3A_458 : vector<1x16xf32> to vector<16xf32>
      %parallel_loop3A_460 = vector.shape_cast %parallel_loop3A_455 : vector<16xf32> to vector<1x16xf32>
      tpu.vector_store %arg12[%parallel_loop3A_456, %parallel_loop3A_457], %parallel_loop3A_460 {add = true, strides = array<i32>} : memref<80x128xf32, #tpu.memory_space<vmem>>, vector<1x16xf32>,
      %parallel_loop3A_461 = arith.index_cast %parallel_loop3A_451 : i32 to index
      %parallel_loop3A_462 = arith.constant 16 : index
      %parallel_loop3A_463 = tpu.vector_load %arg16[%parallel_loop3A_461, %parallel_loop3A_462] {strides = array<i32>} : memref<80x128xf32, #tpu.memory_space<vmem>>, vector<1x16xf32>,
      %parallel_loop3A_464 = vector.shape_cast %parallel_loop3A_463 : vector<1x16xf32> to vector<16xf32>
      %parallel_loop3A_465 = arith.index_cast %parallel_loop3A_451 : i32 to index
      %parallel_loop3A_466 = arith.constant 16 : index
      %parallel_loop3A_467 = tpu.vector_load %arg12[%parallel_loop3A_465, %parallel_loop3A_466] {strides = array<i32>} : memref<80x128xf32, #tpu.memory_space<vmem>>, vector<1x16xf32>,
      %parallel_loop3A_468 = vector.shape_cast %parallel_loop3A_467 : vector<1x16xf32> to vector<16xf32>
      %parallel_loop3A_469 = vector.shape_cast %parallel_loop3A_464 : vector<16xf32> to vector<1x16xf32>
      tpu.vector_store %arg12[%parallel_loop3A_465, %parallel_loop3A_466], %parallel_loop3A_469 {add = true, strides = array<i32>} : memref<80x128xf32, #tpu.memory_space<vmem>>, vector<1x16xf32>,
      %parallel_loop3A_470 = arith.index_cast %parallel_loop3A_451 : i32 to index
      %parallel_loop3A_471 = arith.constant 32 : index
      %parallel_loop3A_472 = tpu.vector_load %arg16[%parallel_loop3A_470, %parallel_loop3A_471] {strides = array<i32>} : memref<80x128xf32, #tpu.memory_space<vmem>>, vector<1x16xf32>,
      %parallel_loop3A_473 = vector.shape_cast %parallel_loop3A_472 : vector<1x16xf32> to vector<16xf32>
      %parallel_loop3A_474 = arith.index_cast %parallel_loop3A_451 : i32 to index
      %parallel_loop3A_475 = arith.constant 32 : index
      %parallel_loop3A_476 = tpu.vector_load %arg12[%parallel_loop3A_474, %parallel_loop3A_475] {strides = array<i32>} : memref<80x128xf32, #tpu.memory_space<vmem>>, vector<1x16xf32>,
      %parallel_loop3A_477 = vector.shape_cast %parallel_loop3A_476 : vector<1x16xf32> to vector<16xf32>
      %parallel_loop3A_478 = vector.shape_cast %parallel_loop3A_473 : vector<16xf32> to vector<1x16xf32>
      tpu.vector_store %arg12[%parallel_loop3A_474, %parallel_loop3A_475], %parallel_loop3A_478 {add = true, strides = array<i32>} : memref<80x128xf32, #tpu.memory_space<vmem>>, vector<1x16xf32>,
      %parallel_loop3A_479 = arith.index_cast %parallel_loop3A_451 : i32 to index
      %parallel_loop3A_480 = arith.constant 48 : index
      %parallel_loop3A_481 = tpu.vector_load %arg16[%parallel_loop3A_479, %parallel_loop3A_480] {strides = array<i32>} : memref<80x128xf32, #tpu.memory_space<vmem>>, vector<1x16xf32>,
      %parallel_loop3A_482 = vector.shape_cast %parallel_loop3A_481 : vector<1x16xf32> to vector<16xf32>
      %parallel_loop3A_483 = arith.index_cast %parallel_loop3A_451 : i32 to index
      %parallel_loop3A_484 = arith.constant 48 : index
      %parallel_loop3A_485 = tpu.vector_load %arg12[%parallel_loop3A_483, %parallel_loop3A_484] {strides = array<i32>} : memref<80x128xf32, #tpu.memory_space<vmem>>, vector<1x16xf32>,
      %parallel_loop3A_486 = vector.shape_cast %parallel_loop3A_485 : vector<1x16xf32> to vector<16xf32>
      %parallel_loop3A_487 = vector.shape_cast %parallel_loop3A_482 : vector<16xf32> to vector<1x16xf32>
      tpu.vector_store %arg12[%parallel_loop3A_483, %parallel_loop3A_484], %parallel_loop3A_487 {add = true, strides = array<i32>} : memref<80x128xf32, #tpu.memory_space<vmem>>, vector<1x16xf32>,
      %parallel_loop3A_488 = arith.index_cast %parallel_loop3A_451 : i32 to index
      %parallel_loop3A_489 = arith.constant 64 : index
      %parallel_loop3A_490 = tpu.vector_load %arg16[%parallel_loop3A_488, %parallel_loop3A_489] {strides = array<i32>} : memref<80x128xf32, #tpu.memory_space<vmem>>, vector<1x16xf32>,
      %parallel_loop3A_491 = vector.shape_cast %parallel_loop3A_490 : vector<1x16xf32> to vector<16xf32>
      %parallel_loop3A_492 = arith.index_cast %parallel_loop3A_451 : i32 to index
      %parallel_loop3A_493 = arith.constant 64 : index
      %parallel_loop3A_494 = tpu.vector_load %arg12[%parallel_loop3A_492, %parallel_loop3A_493] {strides = array<i32>} : memref<80x128xf32, #tpu.memory_space<vmem>>, vector<1x16xf32>,
      %parallel_loop3A_495 = vector.shape_cast %parallel_loop3A_494 : vector<1x16xf32> to vector<16xf32>
      %parallel_loop3A_496 = vector.shape_cast %parallel_loop3A_491 : vector<16xf32> to vector<1x16xf32>
      tpu.vector_store %arg12[%parallel_loop3A_492, %parallel_loop3A_493], %parallel_loop3A_496 {add = true, strides = array<i32>} : memref<80x128xf32, #tpu.memory_space<vmem>>, vector<1x16xf32>,
      %parallel_loop3A_497 = arith.index_cast %parallel_loop3A_451 : i32 to index
      %parallel_loop3A_498 = arith.constant 80 : index
      %parallel_loop3A_499 = tpu.vector_load %arg16[%parallel_loop3A_497, %parallel_loop3A_498] {strides = array<i32>} : memref<80x128xf32, #tpu.memory_space<vmem>>, vector<1x16xf32>,
      %parallel_loop3A_500 = vector.shape_cast %parallel_loop3A_499 : vector<1x16xf32> to vector<16xf32>
      %parallel_loop3A_501 = arith.index_cast %parallel_loop3A_451 : i32 to index
      %parallel_loop3A_502 = arith.constant 80 : index
      %parallel_loop3A_503 = tpu.vector_load %arg12[%parallel_loop3A_501, %parallel_loop3A_502] {strides = array<i32>} : memref<80x128xf32, #tpu.memory_space<vmem>>, vector<1x16xf32>,
      %parallel_loop3A_504 = vector.shape_cast %parallel_loop3A_503 : vector<1x16xf32> to vector<16xf32>
      %parallel_loop3A_505 = vector.shape_cast %parallel_loop3A_500 : vector<16xf32> to vector<1x16xf32>
      tpu.vector_store %arg12[%parallel_loop3A_501, %parallel_loop3A_502], %parallel_loop3A_505 {add = true, strides = array<i32>} : memref<80x128xf32, #tpu.memory_space<vmem>>, vector<1x16xf32>,
      %parallel_loop3A_506 = arith.index_cast %parallel_loop3A_451 : i32 to index
      %parallel_loop3A_507 = arith.constant 96 : index
      %parallel_loop3A_508 = tpu.vector_load %arg16[%parallel_loop3A_506, %parallel_loop3A_507] {strides = array<i32>} : memref<80x128xf32, #tpu.memory_space<vmem>>, vector<1x16xf32>,
      %parallel_loop3A_509 = vector.shape_cast %parallel_loop3A_508 : vector<1x16xf32> to vector<16xf32>
      %parallel_loop3A_510 = arith.index_cast %parallel_loop3A_451 : i32 to index
      %parallel_loop3A_511 = arith.constant 96 : index
      %parallel_loop3A_512 = tpu.vector_load %arg12[%parallel_loop3A_510, %parallel_loop3A_511] {strides = array<i32>} : memref<80x128xf32, #tpu.memory_space<vmem>>, vector<1x16xf32>,
      %parallel_loop3A_513 = vector.shape_cast %parallel_loop3A_512 : vector<1x16xf32> to vector<16xf32>
      %parallel_loop3A_514 = vector.shape_cast %parallel_loop3A_509 : vector<16xf32> to vector<1x16xf32>
      tpu.vector_store %arg12[%parallel_loop3A_510, %parallel_loop3A_511], %parallel_loop3A_514 {add = true, strides = array<i32>} : memref<80x128xf32, #tpu.memory_space<vmem>>, vector<1x16xf32>,
      %parallel_loop3A_515 = arith.index_cast %parallel_loop3A_451 : i32 to index
      %parallel_loop3A_516 = arith.constant 112 : index
      %parallel_loop3A_517 = tpu.vector_load %arg16[%parallel_loop3A_515, %parallel_loop3A_516] {strides = array<i32>} : memref<80x128xf32, #tpu.memory_space<vmem>>, vector<1x16xf32>,
      %parallel_loop3A_518 = vector.shape_cast %parallel_loop3A_517 : vector<1x16xf32> to vector<16xf32>
      %parallel_loop3A_519 = arith.index_cast %parallel_loop3A_451 : i32 to index
      %parallel_loop3A_520 = arith.constant 112 : index
      %parallel_loop3A_521 = tpu.vector_load %arg12[%parallel_loop3A_519, %parallel_loop3A_520] {strides = array<i32>} : memref<80x128xf32, #tpu.memory_space<vmem>>, vector<1x16xf32>,
      %parallel_loop3A_522 = vector.shape_cast %parallel_loop3A_521 : vector<1x16xf32> to vector<16xf32>
      %parallel_loop3A_523 = vector.shape_cast %parallel_loop3A_518 : vector<16xf32> to vector<1x16xf32>
      tpu.vector_store %arg12[%parallel_loop3A_519, %parallel_loop3A_520], %parallel_loop3A_523 {add = true, strides = array<i32>} : memref<80x128xf32, #tpu.memory_space<vmem>>, vector<1x16xf32>,
    } {sc.loop_unroll_factor = 4 : i64, sc.parallel_access}
    %dma_start3A_116 = arith.constant 3 : i32
    %dma_start3A_117 = arith.constant 0 : i32
    %dma_start3A_118 = tpu.memref_slice %arg7[%dma_start3A_116, %dma_start3A_117] : memref<4x80xi32, #tpu.memory_space<vmem>> -> memref<1x80xi32, #tpu.memory_space<vmem>>
    %dma_start3A_119 = tpu.memref_squeeze %dma_start3A_118 : memref<1x80xi32, #tpu.memory_space<vmem>> -> memref<80xi32, #tpu.memory_space<vmem>>
    %dma_start3A_120 = arith.constant 0 : i32
    %dma_start3A_121 = arith.constant 0 : i32
    %dma_start3A_122 = tpu.memref_slice %arg31[%dma_start3A_120, %dma_start3A_121] : memref<513x128xf32, #tpu.memory_space<vmem_shared>> -> memref<513x128xf32, #tpu.memory_space<vmem_shared>>
    tpu.enqueue_indirect_dma source(%dma_start3A_122 : memref<513x128xf32, #tpu.memory_space<vmem_shared>>) target(%arg14 : memref<80x128xf32, #tpu.memory_space<vmem>>) offsets(%dma_start3A_119 : memref<80xi32, #tpu.memory_space<vmem>>) semaphore(%arg24 : memref<!tpu.dma_semaphore, #tpu.memory_space<semaphore_mem>>)
    %dma_start3A_123 = arith.constant 3 : i32
    %dma_start3A_124 = arith.constant 0 : i32
    %dma_start3A_125 = tpu.memref_slice %arg9[%dma_start3A_123, %dma_start3A_124] : memref<4x80xi32, #tpu.memory_space<vmem>> -> memref<1x80xi32, #tpu.memory_space<vmem>>
    %dma_start3A_126 = tpu.memref_squeeze %dma_start3A_125 : memref<1x80xi32, #tpu.memory_space<vmem>> -> memref<80xi32, #tpu.memory_space<vmem>>
    %dma_start3A_127 = arith.constant 0 : i32
    %dma_start3A_128 = arith.constant 0 : i32
    %dma_start3A_129 = tpu.memref_slice %arg32[%dma_start3A_127, %dma_start3A_128] : memref<4620x128xf32, #tpu.memory_space<vmem_shared>> -> memref<4620x128xf32, #tpu.memory_space<vmem_shared>>
    tpu.enqueue_indirect_dma source(%dma_start3A_129 : memref<4620x128xf32, #tpu.memory_space<vmem_shared>>) target(%arg16 : memref<80x128xf32, #tpu.memory_space<vmem>>) offsets(%dma_start3A_126 : memref<80xi32, #tpu.memory_space<vmem>>) semaphore(%arg26 : memref<!tpu.dma_semaphore, #tpu.memory_space<semaphore_mem>>)
    %add3A_130 = arith.constant 80 : i32
    %add3A_131 = arith.addi %mul3A_4, %add3A_130 : i32
    %dma_start3A_132 = arith.constant 0 : i32
    %dma_start3A_133 = tpu.memref_slice %arg6[%add3A_131, %dma_start3A_132] : memref<819200x128xf32, #tpu.memory_space<hbm>> -> memref<80x128xf32, #tpu.memory_space<hbm>>
    %dma_start3A_134 = arith.constant 0 : i32
    %dma_start3A_135 = tpu.memref_slice %arg6[%add3A_131, %dma_start3A_134] : memref<819200x128xf32, #tpu.memory_space<hbm>> -> memref<80x128xf32, #tpu.memory_space<hbm>>
    tpu.enqueue_dma source(%arg12 : memref<80x128xf32, #tpu.memory_space<vmem>>) target(%dma_start3A_135 : memref<80x128xf32, #tpu.memory_space<hbm>>) target_semaphore(%arg28 : memref<!tpu.dma_semaphore, #tpu.memory_space<semaphore_mem>>)
    %dma_wait3A_136 = arith.constant 2 : i32
    %dma_wait3A_137 = arith.constant 0 : i32
    %dma_wait3A_138 = tpu.memref_slice %arg7[%dma_wait3A_136, %dma_wait3A_137] : memref<4x80xi32, #tpu.memory_space<vmem>> -> memref<1x80xi32, #tpu.memory_space<vmem>>
    %dma_wait3A_139 = tpu.memref_squeeze %dma_wait3A_138 : memref<1x80xi32, #tpu.memory_space<vmem>> -> memref<80xi32, #tpu.memory_space<vmem>>
    %dma_wait3A_140 = arith.constant 0 : i32
    %dma_wait3A_141 = arith.constant 0 : i32
    %dma_wait3A_142 = tpu.memref_slice %arg31[%dma_wait3A_140, %dma_wait3A_141] : memref<513x128xf32, #tpu.memory_space<vmem_shared>> -> memref<513x128xf32, #tpu.memory_space<vmem_shared>>
    tpu.wait_indirect_dma semaphore(%arg23 : memref<!tpu.dma_semaphore, #tpu.memory_space<semaphore_mem>>) src(%dma_wait3A_142 : memref<513x128xf32, #tpu.memory_space<vmem_shared>>) dst(%arg13 : memref<80x128xf32, #tpu.memory_space<vmem>>)
    %dma_wait3A_143 = arith.constant 2 : i32
    %dma_wait3A_144 = arith.constant 0 : i32
    %dma_wait3A_145 = tpu.memref_slice %arg9[%dma_wait3A_143, %dma_wait3A_144] : memref<4x80xi32, #tpu.memory_space<vmem>> -> memref<1x80xi32, #tpu.memory_space<vmem>>
    %dma_wait3A_146 = tpu.memref_squeeze %dma_wait3A_145 : memref<1x80xi32, #tpu.memory_space<vmem>> -> memref<80xi32, #tpu.memory_space<vmem>>
    %dma_wait3A_147 = arith.constant 0 : i32
    %dma_wait3A_148 = arith.constant 0 : i32
    %dma_wait3A_149 = tpu.memref_slice %arg32[%dma_wait3A_147, %dma_wait3A_148] : memref<4620x128xf32, #tpu.memory_space<vmem_shared>> -> memref<4620x128xf32, #tpu.memory_space<vmem_shared>>
    tpu.wait_indirect_dma semaphore(%arg25 : memref<!tpu.dma_semaphore, #tpu.memory_space<semaphore_mem>>) src(%dma_wait3A_149 : memref<4620x128xf32, #tpu.memory_space<vmem_shared>>) dst(%arg15 : memref<80x128xf32, #tpu.memory_space<vmem>>)
    %parallel_loop3A_150 = arith.constant 0 : i32
    %parallel_loop3A_151 = arith.constant 80 : i32
    %parallel_loop3A_152 = arith.constant 1 : i32
    scf.for %parallel_loop3A_451 = %parallel_loop3A_150 to %parallel_loop3A_151 step %parallel_loop3A_152  : i32 {
      %parallel_loop3A_452 = arith.index_cast %parallel_loop3A_451 : i32 to index
      %parallel_loop3A_453 = arith.constant 0 : index
      %parallel_loop3A_454 = tpu.vector_load %arg15[%parallel_loop3A_452, %parallel_loop3A_453] {strides = array<i32>} : memref<80x128xf32, #tpu.memory_space<vmem>>, vector<1x16xf32>,
      %parallel_loop3A_455 = vector.shape_cast %parallel_loop3A_454 : vector<1x16xf32> to vector<16xf32>
      %parallel_loop3A_456 = arith.index_cast %parallel_loop3A_451 : i32 to index
      %parallel_loop3A_457 = arith.constant 0 : index
      %parallel_loop3A_458 = tpu.vector_load %arg13[%parallel_loop3A_456, %parallel_loop3A_457] {strides = array<i32>} : memref<80x128xf32, #tpu.memory_space<vmem>>, vector<1x16xf32>,
      %parallel_loop3A_459 = vector.shape_cast %parallel_loop3A_458 : vector<1x16xf32> to vector<16xf32>
      %parallel_loop3A_460 = vector.shape_cast %parallel_loop3A_455 : vector<16xf32> to vector<1x16xf32>
      tpu.vector_store %arg13[%parallel_loop3A_456, %parallel_loop3A_457], %parallel_loop3A_460 {add = true, strides = array<i32>} : memref<80x128xf32, #tpu.memory_space<vmem>>, vector<1x16xf32>,
      %parallel_loop3A_461 = arith.index_cast %parallel_loop3A_451 : i32 to index
      %parallel_loop3A_462 = arith.constant 16 : index
      %parallel_loop3A_463 = tpu.vector_load %arg15[%parallel_loop3A_461, %parallel_loop3A_462] {strides = array<i32>} : memref<80x128xf32, #tpu.memory_space<vmem>>, vector<1x16xf32>,
      %parallel_loop3A_464 = vector.shape_cast %parallel_loop3A_463 : vector<1x16xf32> to vector<16xf32>
      %parallel_loop3A_465 = arith.index_cast %parallel_loop3A_451 : i32 to index
      %parallel_loop3A_466 = arith.constant 16 : index
      %parallel_loop3A_467 = tpu.vector_load %arg13[%parallel_loop3A_465, %parallel_loop3A_466] {strides = array<i32>} : memref<80x128xf32, #tpu.memory_space<vmem>>, vector<1x16xf32>,
      %parallel_loop3A_468 = vector.shape_cast %parallel_loop3A_467 : vector<1x16xf32> to vector<16xf32>
      %parallel_loop3A_469 = vector.shape_cast %parallel_loop3A_464 : vector<16xf32> to vector<1x16xf32>
      tpu.vector_store %arg13[%parallel_loop3A_465, %parallel_loop3A_466], %parallel_loop3A_469 {add = true, strides = array<i32>} : memref<80x128xf32, #tpu.memory_space<vmem>>, vector<1x16xf32>,
      %parallel_loop3A_470 = arith.index_cast %parallel_loop3A_451 : i32 to index
      %parallel_loop3A_471 = arith.constant 32 : index
      %parallel_loop3A_472 = tpu.vector_load %arg15[%parallel_loop3A_470, %parallel_loop3A_471] {strides = array<i32>} : memref<80x128xf32, #tpu.memory_space<vmem>>, vector<1x16xf32>,
      %parallel_loop3A_473 = vector.shape_cast %parallel_loop3A_472 : vector<1x16xf32> to vector<16xf32>
      %parallel_loop3A_474 = arith.index_cast %parallel_loop3A_451 : i32 to index
      %parallel_loop3A_475 = arith.constant 32 : index
      %parallel_loop3A_476 = tpu.vector_load %arg13[%parallel_loop3A_474, %parallel_loop3A_475] {strides = array<i32>} : memref<80x128xf32, #tpu.memory_space<vmem>>, vector<1x16xf32>,
      %parallel_loop3A_477 = vector.shape_cast %parallel_loop3A_476 : vector<1x16xf32> to vector<16xf32>
      %parallel_loop3A_478 = vector.shape_cast %parallel_loop3A_473 : vector<16xf32> to vector<1x16xf32>
      tpu.vector_store %arg13[%parallel_loop3A_474, %parallel_loop3A_475], %parallel_loop3A_478 {add = true, strides = array<i32>} : memref<80x128xf32, #tpu.memory_space<vmem>>, vector<1x16xf32>,
      %parallel_loop3A_479 = arith.index_cast %parallel_loop3A_451 : i32 to index
      %parallel_loop3A_480 = arith.constant 48 : index
      %parallel_loop3A_481 = tpu.vector_load %arg15[%parallel_loop3A_479, %parallel_loop3A_480] {strides = array<i32>} : memref<80x128xf32, #tpu.memory_space<vmem>>, vector<1x16xf32>,
      %parallel_loop3A_482 = vector.shape_cast %parallel_loop3A_481 : vector<1x16xf32> to vector<16xf32>
      %parallel_loop3A_483 = arith.index_cast %parallel_loop3A_451 : i32 to index
      %parallel_loop3A_484 = arith.constant 48 : index
      %parallel_loop3A_485 = tpu.vector_load %arg13[%parallel_loop3A_483, %parallel_loop3A_484] {strides = array<i32>} : memref<80x128xf32, #tpu.memory_space<vmem>>, vector<1x16xf32>,
      %parallel_loop3A_486 = vector.shape_cast %parallel_loop3A_485 : vector<1x16xf32> to vector<16xf32>
      %parallel_loop3A_487 = vector.shape_cast %parallel_loop3A_482 : vector<16xf32> to vector<1x16xf32>
      tpu.vector_store %arg13[%parallel_loop3A_483, %parallel_loop3A_484], %parallel_loop3A_487 {add = true, strides = array<i32>} : memref<80x128xf32, #tpu.memory_space<vmem>>, vector<1x16xf32>,
      %parallel_loop3A_488 = arith.index_cast %parallel_loop3A_451 : i32 to index
      %parallel_loop3A_489 = arith.constant 64 : index
      %parallel_loop3A_490 = tpu.vector_load %arg15[%parallel_loop3A_488, %parallel_loop3A_489] {strides = array<i32>} : memref<80x128xf32, #tpu.memory_space<vmem>>, vector<1x16xf32>,
      %parallel_loop3A_491 = vector.shape_cast %parallel_loop3A_490 : vector<1x16xf32> to vector<16xf32>
      %parallel_loop3A_492 = arith.index_cast %parallel_loop3A_451 : i32 to index
      %parallel_loop3A_493 = arith.constant 64 : index
      %parallel_loop3A_494 = tpu.vector_load %arg13[%parallel_loop3A_492, %parallel_loop3A_493] {strides = array<i32>} : memref<80x128xf32, #tpu.memory_space<vmem>>, vector<1x16xf32>,
      %parallel_loop3A_495 = vector.shape_cast %parallel_loop3A_494 : vector<1x16xf32> to vector<16xf32>
      %parallel_loop3A_496 = vector.shape_cast %parallel_loop3A_491 : vector<16xf32> to vector<1x16xf32>
      tpu.vector_store %arg13[%parallel_loop3A_492, %parallel_loop3A_493], %parallel_loop3A_496 {add = true, strides = array<i32>} : memref<80x128xf32, #tpu.memory_space<vmem>>, vector<1x16xf32>,
      %parallel_loop3A_497 = arith.index_cast %parallel_loop3A_451 : i32 to index
      %parallel_loop3A_498 = arith.constant 80 : index
      %parallel_loop3A_499 = tpu.vector_load %arg15[%parallel_loop3A_497, %parallel_loop3A_498] {strides = array<i32>} : memref<80x128xf32, #tpu.memory_space<vmem>>, vector<1x16xf32>,
      %parallel_loop3A_500 = vector.shape_cast %parallel_loop3A_499 : vector<1x16xf32> to vector<16xf32>
      %parallel_loop3A_501 = arith.index_cast %parallel_loop3A_451 : i32 to index
      %parallel_loop3A_502 = arith.constant 80 : index
      %parallel_loop3A_503 = tpu.vector_load %arg13[%parallel_loop3A_501, %parallel_loop3A_502] {strides = array<i32>} : memref<80x128xf32, #tpu.memory_space<vmem>>, vector<1x16xf32>,
      %parallel_loop3A_504 = vector.shape_cast %parallel_loop3A_503 : vector<1x16xf32> to vector<16xf32>
      %parallel_loop3A_505 = vector.shape_cast %parallel_loop3A_500 : vector<16xf32> to vector<1x16xf32>
      tpu.vector_store %arg13[%parallel_loop3A_501, %parallel_loop3A_502], %parallel_loop3A_505 {add = true, strides = array<i32>} : memref<80x128xf32, #tpu.memory_space<vmem>>, vector<1x16xf32>,
      %parallel_loop3A_506 = arith.index_cast %parallel_loop3A_451 : i32 to index
      %parallel_loop3A_507 = arith.constant 96 : index
      %parallel_loop3A_508 = tpu.vector_load %arg15[%parallel_loop3A_506, %parallel_loop3A_507] {strides = array<i32>} : memref<80x128xf32, #tpu.memory_space<vmem>>, vector<1x16xf32>,
      %parallel_loop3A_509 = vector.shape_cast %parallel_loop3A_508 : vector<1x16xf32> to vector<16xf32>
      %parallel_loop3A_510 = arith.index_cast %parallel_loop3A_451 : i32 to index
      %parallel_loop3A_511 = arith.constant 96 : index
      %parallel_loop3A_512 = tpu.vector_load %arg13[%parallel_loop3A_510, %parallel_loop3A_511] {strides = array<i32>} : memref<80x128xf32, #tpu.memory_space<vmem>>, vector<1x16xf32>,
      %parallel_loop3A_513 = vector.shape_cast %parallel_loop3A_512 : vector<1x16xf32> to vector<16xf32>
      %parallel_loop3A_514 = vector.shape_cast %parallel_loop3A_509 : vector<16xf32> to vector<1x16xf32>
      tpu.vector_store %arg13[%parallel_loop3A_510, %parallel_loop3A_511], %parallel_loop3A_514 {add = true, strides = array<i32>} : memref<80x128xf32, #tpu.memory_space<vmem>>, vector<1x16xf32>,
      %parallel_loop3A_515 = arith.index_cast %parallel_loop3A_451 : i32 to index
      %parallel_loop3A_516 = arith.constant 112 : index
      %parallel_loop3A_517 = tpu.vector_load %arg15[%parallel_loop3A_515, %parallel_loop3A_516] {strides = array<i32>} : memref<80x128xf32, #tpu.memory_space<vmem>>, vector<1x16xf32>,
      %parallel_loop3A_518 = vector.shape_cast %parallel_loop3A_517 : vector<1x16xf32> to vector<16xf32>
      %parallel_loop3A_519 = arith.index_cast %parallel_loop3A_451 : i32 to index
      %parallel_loop3A_520 = arith.constant 112 : index
      %parallel_loop3A_521 = tpu.vector_load %arg13[%parallel_loop3A_519, %parallel_loop3A_520] {strides = array<i32>} : memref<80x128xf32, #tpu.memory_space<vmem>>, vector<1x16xf32>,
      %parallel_loop3A_522 = vector.shape_cast %parallel_loop3A_521 : vector<1x16xf32> to vector<16xf32>
      %parallel_loop3A_523 = vector.shape_cast %parallel_loop3A_518 : vector<16xf32> to vector<1x16xf32>
      tpu.vector_store %arg13[%parallel_loop3A_519, %parallel_loop3A_520], %parallel_loop3A_523 {add = true, strides = array<i32>} : memref<80x128xf32, #tpu.memory_space<vmem>>, vector<1x16xf32>,
    } {sc.loop_unroll_factor = 4 : i64, sc.parallel_access}
    %add3A_153 = arith.constant 0 : i32
    %add3A_154 = arith.addi %mul3A_4, %add3A_153 : i32
    %dma_wait3A_155 = arith.constant 0 : i32
    %dma_wait3A_156 = tpu.memref_slice %arg6[%add3A_154, %dma_wait3A_155] : memref<819200x128xf32, #tpu.memory_space<hbm>> -> memref<80x128xf32, #tpu.memory_space<hbm>>
    %dma_wait3A_157 = arith.constant 0 : i32
    %dma_wait3A_158 = tpu.memref_slice %arg6[%add3A_154, %dma_wait3A_157] : memref<819200x128xf32, #tpu.memory_space<hbm>> -> memref<80x128xf32, #tpu.memory_space<hbm>>
    tpu.wait_dma2 semaphore(%arg27 : memref<!tpu.dma_semaphore, #tpu.memory_space<semaphore_mem>>) src(%arg11 : memref<80x128xf32, #tpu.memory_space<vmem>>) dst(%dma_wait3A_158 : memref<80x128xf32, #tpu.memory_space<hbm>>)
    %add3A_159 = arith.constant 4 : i32
    %add3A_160 = arith.addi %mul3A_2, %add3A_159 : i32
    %dma_wait3A_161 = arith.constant 0 : i32
    %dma_wait3A_162 = tpu.memref_slice %arg4[%add3A_160, %dma_wait3A_161] : memref<10240x80xi32, #tpu.memory_space<hbm>> -> memref<4x80xi32, #tpu.memory_space<hbm>>
    %dma_wait3A_163 = arith.constant 0 : i32
    %dma_wait3A_164 = tpu.memref_slice %arg4[%add3A_160, %dma_wait3A_163] : memref<10240x80xi32, #tpu.memory_space<hbm>> -> memref<4x80xi32, #tpu.memory_space<hbm>>
    tpu.wait_dma2 semaphore(%arg18 : memref<!tpu.dma_semaphore, #tpu.memory_space<semaphore_mem>>) src(%dma_wait3A_164 : memref<4x80xi32, #tpu.memory_space<hbm>>) dst(%arg8 : memref<4x80xi32, #tpu.memory_space<vmem>>)
    %dma_wait3A_165 = arith.constant 0 : i32
    %dma_wait3A_166 = tpu.memref_slice %arg5[%add3A_160, %dma_wait3A_165] : memref<10240x80xi32, #tpu.memory_space<hbm>> -> memref<4x80xi32, #tpu.memory_space<hbm>>
    %dma_wait3A_167 = arith.constant 0 : i32
    %dma_wait3A_168 = tpu.memref_slice %arg5[%add3A_160, %dma_wait3A_167] : memref<10240x80xi32, #tpu.memory_space<hbm>> -> memref<4x80xi32, #tpu.memory_space<hbm>>
    tpu.wait_dma2 semaphore(%arg20 : memref<!tpu.dma_semaphore, #tpu.memory_space<semaphore_mem>>) src(%dma_wait3A_168 : memref<4x80xi32, #tpu.memory_space<hbm>>) dst(%arg10 : memref<4x80xi32, #tpu.memory_space<vmem>>)
    %dma_start3A_169 = arith.constant 0 : i32
    %dma_start3A_170 = arith.constant 0 : i32
    %dma_start3A_171 = tpu.memref_slice %arg8[%dma_start3A_169, %dma_start3A_170] : memref<4x80xi32, #tpu.memory_space<vmem>> -> memref<1x80xi32, #tpu.memory_space<vmem>>
    %dma_start3A_172 = tpu.memref_squeeze %dma_start3A_171 : memref<1x80xi32, #tpu.memory_space<vmem>> -> memref<80xi32, #tpu.memory_space<vmem>>
    %dma_start3A_173 = arith.constant 0 : i32
    %dma_start3A_174 = arith.constant 0 : i32
    %dma_start3A_175 = tpu.memref_slice %arg31[%dma_start3A_173, %dma_start3A_174] : memref<513x128xf32, #tpu.memory_space<vmem_shared>> -> memref<513x128xf32, #tpu.memory_space<vmem_shared>>
    tpu.enqueue_indirect_dma source(%dma_start3A_175 : memref<513x128xf32, #tpu.memory_space<vmem_shared>>) target(%arg11 : memref<80x128xf32, #tpu.memory_space<vmem>>) offsets(%dma_start3A_172 : memref<80xi32, #tpu.memory_space<vmem>>) semaphore(%arg21 : memref<!tpu.dma_semaphore, #tpu.memory_space<semaphore_mem>>)
    %dma_start3A_176 = arith.constant 0 : i32
    %dma_start3A_177 = arith.constant 0 : i32
    %dma_start3A_178 = tpu.memref_slice %arg10[%dma_start3A_176, %dma_start3A_177] : memref<4x80xi32, #tpu.memory_space<vmem>> -> memref<1x80xi32, #tpu.memory_space<vmem>>
    %dma_start3A_179 = tpu.memref_squeeze %dma_start3A_178 : memref<1x80xi32, #tpu.memory_space<vmem>> -> memref<80xi32, #tpu.memory_space<vmem>>
    %dma_start3A_180 = arith.constant 0 : i32
    %dma_start3A_181 = arith.constant 0 : i32
    %dma_start3A_182 = tpu.memref_slice %arg32[%dma_start3A_180, %dma_start3A_181] : memref<4620x128xf32, #tpu.memory_space<vmem_shared>> -> memref<4620x128xf32, #tpu.memory_space<vmem_shared>>
    tpu.enqueue_indirect_dma source(%dma_start3A_182 : memref<4620x128xf32, #tpu.memory_space<vmem_shared>>) target(%arg15 : memref<80x128xf32, #tpu.memory_space<vmem>>) offsets(%dma_start3A_179 : memref<80xi32, #tpu.memory_space<vmem>>) semaphore(%arg25 : memref<!tpu.dma_semaphore, #tpu.memory_space<semaphore_mem>>)
    %add3A_183 = arith.constant 160 : i32
    %add3A_184 = arith.addi %mul3A_4, %add3A_183 : i32
    %dma_start3A_185 = arith.constant 0 : i32
    %dma_start3A_186 = tpu.memref_slice %arg6[%add3A_184, %dma_start3A_185] : memref<819200x128xf32, #tpu.memory_space<hbm>> -> memref<80x128xf32, #tpu.memory_space<hbm>>
    %dma_start3A_187 = arith.constant 0 : i32
    %dma_start3A_188 = tpu.memref_slice %arg6[%add3A_184, %dma_start3A_187] : memref<819200x128xf32, #tpu.memory_space<hbm>> -> memref<80x128xf32, #tpu.memory_space<hbm>>
    tpu.enqueue_dma source(%arg13 : memref<80x128xf32, #tpu.memory_space<vmem>>) target(%dma_start3A_188 : memref<80x128xf32, #tpu.memory_space<hbm>>) target_semaphore(%arg29 : memref<!tpu.dma_semaphore, #tpu.memory_space<semaphore_mem>>)
    %dma_wait3A_189 = arith.constant 3 : i32
    %dma_wait3A_190 = arith.constant 0 : i32
    %dma_wait3A_191 = tpu.memref_slice %arg7[%dma_wait3A_189, %dma_wait3A_190] : memref<4x80xi32, #tpu.memory_space<vmem>> -> memref<1x80xi32, #tpu.memory_space<vmem>>
    %dma_wait3A_192 = tpu.memref_squeeze %dma_wait3A_191 : memref<1x80xi32, #tpu.memory_space<vmem>> -> memref<80xi32, #tpu.memory_space<vmem>>
    %dma_wait3A_193 = arith.constant 0 : i32
    %dma_wait3A_194 = arith.constant 0 : i32
    %dma_wait3A_195 = tpu.memref_slice %arg31[%dma_wait3A_193, %dma_wait3A_194] : memref<513x128xf32, #tpu.memory_space<vmem_shared>> -> memref<513x128xf32, #tpu.memory_space<vmem_shared>>
    tpu.wait_indirect_dma semaphore(%arg24 : memref<!tpu.dma_semaphore, #tpu.memory_space<semaphore_mem>>) src(%dma_wait3A_195 : memref<513x128xf32, #tpu.memory_space<vmem_shared>>) dst(%arg14 : memref<80x128xf32, #tpu.memory_space<vmem>>)
    %dma_wait3A_196 = arith.constant 3 : i32
    %dma_wait3A_197 = arith.constant 0 : i32
    %dma_wait3A_198 = tpu.memref_slice %arg9[%dma_wait3A_196, %dma_wait3A_197] : memref<4x80xi32, #tpu.memory_space<vmem>> -> memref<1x80xi32, #tpu.memory_space<vmem>>
    %dma_wait3A_199 = tpu.memref_squeeze %dma_wait3A_198 : memref<1x80xi32, #tpu.memory_space<vmem>> -> memref<80xi32, #tpu.memory_space<vmem>>
    %dma_wait3A_200 = arith.constant 0 : i32
    %dma_wait3A_201 = arith.constant 0 : i32
    %dma_wait3A_202 = tpu.memref_slice %arg32[%dma_wait3A_200, %dma_wait3A_201] : memref<4620x128xf32, #tpu.memory_space<vmem_shared>> -> memref<4620x128xf32, #tpu.memory_space<vmem_shared>>
    tpu.wait_indirect_dma semaphore(%arg26 : memref<!tpu.dma_semaphore, #tpu.memory_space<semaphore_mem>>) src(%dma_wait3A_202 : memref<4620x128xf32, #tpu.memory_space<vmem_shared>>) dst(%arg16 : memref<80x128xf32, #tpu.memory_space<vmem>>)
    %parallel_loop3A_203 = arith.constant 0 : i32
    %parallel_loop3A_204 = arith.constant 80 : i32
    %parallel_loop3A_205 = arith.constant 1 : i32
    scf.for %parallel_loop3A_451 = %parallel_loop3A_203 to %parallel_loop3A_204 step %parallel_loop3A_205  : i32 {
      %parallel_loop3A_452 = arith.index_cast %parallel_loop3A_451 : i32 to index
      %parallel_loop3A_453 = arith.constant 0 : index
      %parallel_loop3A_454 = tpu.vector_load %arg16[%parallel_loop3A_452, %parallel_loop3A_453] {strides = array<i32>} : memref<80x128xf32, #tpu.memory_space<vmem>>, vector<1x16xf32>,
      %parallel_loop3A_455 = vector.shape_cast %parallel_loop3A_454 : vector<1x16xf32> to vector<16xf32>
      %parallel_loop3A_456 = arith.index_cast %parallel_loop3A_451 : i32 to index
      %parallel_loop3A_457 = arith.constant 0 : index
      %parallel_loop3A_458 = tpu.vector_load %arg14[%parallel_loop3A_456, %parallel_loop3A_457] {strides = array<i32>} : memref<80x128xf32, #tpu.memory_space<vmem>>, vector<1x16xf32>,
      %parallel_loop3A_459 = vector.shape_cast %parallel_loop3A_458 : vector<1x16xf32> to vector<16xf32>
      %parallel_loop3A_460 = vector.shape_cast %parallel_loop3A_455 : vector<16xf32> to vector<1x16xf32>
      tpu.vector_store %arg14[%parallel_loop3A_456, %parallel_loop3A_457], %parallel_loop3A_460 {add = true, strides = array<i32>} : memref<80x128xf32, #tpu.memory_space<vmem>>, vector<1x16xf32>,
      %parallel_loop3A_461 = arith.index_cast %parallel_loop3A_451 : i32 to index
      %parallel_loop3A_462 = arith.constant 16 : index
      %parallel_loop3A_463 = tpu.vector_load %arg16[%parallel_loop3A_461, %parallel_loop3A_462] {strides = array<i32>} : memref<80x128xf32, #tpu.memory_space<vmem>>, vector<1x16xf32>,
      %parallel_loop3A_464 = vector.shape_cast %parallel_loop3A_463 : vector<1x16xf32> to vector<16xf32>
      %parallel_loop3A_465 = arith.index_cast %parallel_loop3A_451 : i32 to index
      %parallel_loop3A_466 = arith.constant 16 : index
      %parallel_loop3A_467 = tpu.vector_load %arg14[%parallel_loop3A_465, %parallel_loop3A_466] {strides = array<i32>} : memref<80x128xf32, #tpu.memory_space<vmem>>, vector<1x16xf32>,
      %parallel_loop3A_468 = vector.shape_cast %parallel_loop3A_467 : vector<1x16xf32> to vector<16xf32>
      %parallel_loop3A_469 = vector.shape_cast %parallel_loop3A_464 : vector<16xf32> to vector<1x16xf32>
      tpu.vector_store %arg14[%parallel_loop3A_465, %parallel_loop3A_466], %parallel_loop3A_469 {add = true, strides = array<i32>} : memref<80x128xf32, #tpu.memory_space<vmem>>, vector<1x16xf32>,
      %parallel_loop3A_470 = arith.index_cast %parallel_loop3A_451 : i32 to index
      %parallel_loop3A_471 = arith.constant 32 : index
      %parallel_loop3A_472 = tpu.vector_load %arg16[%parallel_loop3A_470, %parallel_loop3A_471] {strides = array<i32>} : memref<80x128xf32, #tpu.memory_space<vmem>>, vector<1x16xf32>,
      %parallel_loop3A_473 = vector.shape_cast %parallel_loop3A_472 : vector<1x16xf32> to vector<16xf32>
      %parallel_loop3A_474 = arith.index_cast %parallel_loop3A_451 : i32 to index
      %parallel_loop3A_475 = arith.constant 32 : index
      %parallel_loop3A_476 = tpu.vector_load %arg14[%parallel_loop3A_474, %parallel_loop3A_475] {strides = array<i32>} : memref<80x128xf32, #tpu.memory_space<vmem>>, vector<1x16xf32>,
      %parallel_loop3A_477 = vector.shape_cast %parallel_loop3A_476 : vector<1x16xf32> to vector<16xf32>
      %parallel_loop3A_478 = vector.shape_cast %parallel_loop3A_473 : vector<16xf32> to vector<1x16xf32>
      tpu.vector_store %arg14[%parallel_loop3A_474, %parallel_loop3A_475], %parallel_loop3A_478 {add = true, strides = array<i32>} : memref<80x128xf32, #tpu.memory_space<vmem>>, vector<1x16xf32>,
      %parallel_loop3A_479 = arith.index_cast %parallel_loop3A_451 : i32 to index
      %parallel_loop3A_480 = arith.constant 48 : index
      %parallel_loop3A_481 = tpu.vector_load %arg16[%parallel_loop3A_479, %parallel_loop3A_480] {strides = array<i32>} : memref<80x128xf32, #tpu.memory_space<vmem>>, vector<1x16xf32>,
      %parallel_loop3A_482 = vector.shape_cast %parallel_loop3A_481 : vector<1x16xf32> to vector<16xf32>
      %parallel_loop3A_483 = arith.index_cast %parallel_loop3A_451 : i32 to index
      %parallel_loop3A_484 = arith.constant 48 : index
      %parallel_loop3A_485 = tpu.vector_load %arg14[%parallel_loop3A_483, %parallel_loop3A_484] {strides = array<i32>} : memref<80x128xf32, #tpu.memory_space<vmem>>, vector<1x16xf32>,
      %parallel_loop3A_486 = vector.shape_cast %parallel_loop3A_485 : vector<1x16xf32> to vector<16xf32>
      %parallel_loop3A_487 = vector.shape_cast %parallel_loop3A_482 : vector<16xf32> to vector<1x16xf32>
      tpu.vector_store %arg14[%parallel_loop3A_483, %parallel_loop3A_484], %parallel_loop3A_487 {add = true, strides = array<i32>} : memref<80x128xf32, #tpu.memory_space<vmem>>, vector<1x16xf32>,
      %parallel_loop3A_488 = arith.index_cast %parallel_loop3A_451 : i32 to index
      %parallel_loop3A_489 = arith.constant 64 : index
      %parallel_loop3A_490 = tpu.vector_load %arg16[%parallel_loop3A_488, %parallel_loop3A_489] {strides = array<i32>} : memref<80x128xf32, #tpu.memory_space<vmem>>, vector<1x16xf32>,
      %parallel_loop3A_491 = vector.shape_cast %parallel_loop3A_490 : vector<1x16xf32> to vector<16xf32>
      %parallel_loop3A_492 = arith.index_cast %parallel_loop3A_451 : i32 to index
      %parallel_loop3A_493 = arith.constant 64 : index
      %parallel_loop3A_494 = tpu.vector_load %arg14[%parallel_loop3A_492, %parallel_loop3A_493] {strides = array<i32>} : memref<80x128xf32, #tpu.memory_space<vmem>>, vector<1x16xf32>,
      %parallel_loop3A_495 = vector.shape_cast %parallel_loop3A_494 : vector<1x16xf32> to vector<16xf32>
      %parallel_loop3A_496 = vector.shape_cast %parallel_loop3A_491 : vector<16xf32> to vector<1x16xf32>
      tpu.vector_store %arg14[%parallel_loop3A_492, %parallel_loop3A_493], %parallel_loop3A_496 {add = true, strides = array<i32>} : memref<80x128xf32, #tpu.memory_space<vmem>>, vector<1x16xf32>,
      %parallel_loop3A_497 = arith.index_cast %parallel_loop3A_451 : i32 to index
      %parallel_loop3A_498 = arith.constant 80 : index
      %parallel_loop3A_499 = tpu.vector_load %arg16[%parallel_loop3A_497, %parallel_loop3A_498] {strides = array<i32>} : memref<80x128xf32, #tpu.memory_space<vmem>>, vector<1x16xf32>,
      %parallel_loop3A_500 = vector.shape_cast %parallel_loop3A_499 : vector<1x16xf32> to vector<16xf32>
      %parallel_loop3A_501 = arith.index_cast %parallel_loop3A_451 : i32 to index
      %parallel_loop3A_502 = arith.constant 80 : index
      %parallel_loop3A_503 = tpu.vector_load %arg14[%parallel_loop3A_501, %parallel_loop3A_502] {strides = array<i32>} : memref<80x128xf32, #tpu.memory_space<vmem>>, vector<1x16xf32>,
      %parallel_loop3A_504 = vector.shape_cast %parallel_loop3A_503 : vector<1x16xf32> to vector<16xf32>
      %parallel_loop3A_505 = vector.shape_cast %parallel_loop3A_500 : vector<16xf32> to vector<1x16xf32>
      tpu.vector_store %arg14[%parallel_loop3A_501, %parallel_loop3A_502], %parallel_loop3A_505 {add = true, strides = array<i32>} : memref<80x128xf32, #tpu.memory_space<vmem>>, vector<1x16xf32>,
      %parallel_loop3A_506 = arith.index_cast %parallel_loop3A_451 : i32 to index
      %parallel_loop3A_507 = arith.constant 96 : index
      %parallel_loop3A_508 = tpu.vector_load %arg16[%parallel_loop3A_506, %parallel_loop3A_507] {strides = array<i32>} : memref<80x128xf32, #tpu.memory_space<vmem>>, vector<1x16xf32>,
      %parallel_loop3A_509 = vector.shape_cast %parallel_loop3A_508 : vector<1x16xf32> to vector<16xf32>
      %parallel_loop3A_510 = arith.index_cast %parallel_loop3A_451 : i32 to index
      %parallel_loop3A_511 = arith.constant 96 : index
      %parallel_loop3A_512 = tpu.vector_load %arg14[%parallel_loop3A_510, %parallel_loop3A_511] {strides = array<i32>} : memref<80x128xf32, #tpu.memory_space<vmem>>, vector<1x16xf32>,
      %parallel_loop3A_513 = vector.shape_cast %parallel_loop3A_512 : vector<1x16xf32> to vector<16xf32>
      %parallel_loop3A_514 = vector.shape_cast %parallel_loop3A_509 : vector<16xf32> to vector<1x16xf32>
      tpu.vector_store %arg14[%parallel_loop3A_510, %parallel_loop3A_511], %parallel_loop3A_514 {add = true, strides = array<i32>} : memref<80x128xf32, #tpu.memory_space<vmem>>, vector<1x16xf32>,
      %parallel_loop3A_515 = arith.index_cast %parallel_loop3A_451 : i32 to index
      %parallel_loop3A_516 = arith.constant 112 : index
      %parallel_loop3A_517 = tpu.vector_load %arg16[%parallel_loop3A_515, %parallel_loop3A_516] {strides = array<i32>} : memref<80x128xf32, #tpu.memory_space<vmem>>, vector<1x16xf32>,
      %parallel_loop3A_518 = vector.shape_cast %parallel_loop3A_517 : vector<1x16xf32> to vector<16xf32>
      %parallel_loop3A_519 = arith.index_cast %parallel_loop3A_451 : i32 to index
      %parallel_loop3A_520 = arith.constant 112 : index
      %parallel_loop3A_521 = tpu.vector_load %arg14[%parallel_loop3A_519, %parallel_loop3A_520] {strides = array<i32>} : memref<80x128xf32, #tpu.memory_space<vmem>>, vector<1x16xf32>,
      %parallel_loop3A_522 = vector.shape_cast %parallel_loop3A_521 : vector<1x16xf32> to vector<16xf32>
      %parallel_loop3A_523 = vector.shape_cast %parallel_loop3A_518 : vector<16xf32> to vector<1x16xf32>
      tpu.vector_store %arg14[%parallel_loop3A_519, %parallel_loop3A_520], %parallel_loop3A_523 {add = true, strides = array<i32>} : memref<80x128xf32, #tpu.memory_space<vmem>>, vector<1x16xf32>,
    } {sc.loop_unroll_factor = 4 : i64, sc.parallel_access}
    %add3A_206 = arith.constant 80 : i32
    %add3A_207 = arith.addi %mul3A_4, %add3A_206 : i32
    %dma_wait3A_208 = arith.constant 0 : i32
    %dma_wait3A_209 = tpu.memref_slice %arg6[%add3A_207, %dma_wait3A_208] : memref<819200x128xf32, #tpu.memory_space<hbm>> -> memref<80x128xf32, #tpu.memory_space<hbm>>
    %dma_wait3A_210 = arith.constant 0 : i32
    %dma_wait3A_211 = tpu.memref_slice %arg6[%add3A_207, %dma_wait3A_210] : memref<819200x128xf32, #tpu.memory_space<hbm>> -> memref<80x128xf32, #tpu.memory_space<hbm>>
    tpu.wait_dma2 semaphore(%arg28 : memref<!tpu.dma_semaphore, #tpu.memory_space<semaphore_mem>>) src(%arg12 : memref<80x128xf32, #tpu.memory_space<vmem>>) dst(%dma_wait3A_211 : memref<80x128xf32, #tpu.memory_space<hbm>>)
    %dma_start3A_212 = arith.constant 1 : i32
    %dma_start3A_213 = arith.constant 0 : i32
    %dma_start3A_214 = tpu.memref_slice %arg8[%dma_start3A_212, %dma_start3A_213] : memref<4x80xi32, #tpu.memory_space<vmem>> -> memref<1x80xi32, #tpu.memory_space<vmem>>
    %dma_start3A_215 = tpu.memref_squeeze %dma_start3A_214 : memref<1x80xi32, #tpu.memory_space<vmem>> -> memref<80xi32, #tpu.memory_space<vmem>>
    %dma_start3A_216 = arith.constant 0 : i32
    %dma_start3A_217 = arith.constant 0 : i32
    %dma_start3A_218 = tpu.memref_slice %arg31[%dma_start3A_216, %dma_start3A_217] : memref<513x128xf32, #tpu.memory_space<vmem_shared>> -> memref<513x128xf32, #tpu.memory_space<vmem_shared>>
    tpu.enqueue_indirect_dma source(%dma_start3A_218 : memref<513x128xf32, #tpu.memory_space<vmem_shared>>) target(%arg12 : memref<80x128xf32, #tpu.memory_space<vmem>>) offsets(%dma_start3A_215 : memref<80xi32, #tpu.memory_space<vmem>>) semaphore(%arg22 : memref<!tpu.dma_semaphore, #tpu.memory_space<semaphore_mem>>)
    %dma_start3A_219 = arith.constant 1 : i32
    %dma_start3A_220 = arith.constant 0 : i32
    %dma_start3A_221 = tpu.memref_slice %arg10[%dma_start3A_219, %dma_start3A_220] : memref<4x80xi32, #tpu.memory_space<vmem>> -> memref<1x80xi32, #tpu.memory_space<vmem>>
    %dma_start3A_222 = tpu.memref_squeeze %dma_start3A_221 : memref<1x80xi32, #tpu.memory_space<vmem>> -> memref<80xi32, #tpu.memory_space<vmem>>
    %dma_start3A_223 = arith.constant 0 : i32
    %dma_start3A_224 = arith.constant 0 : i32
    %dma_start3A_225 = tpu.memref_slice %arg32[%dma_start3A_223, %dma_start3A_224] : memref<4620x128xf32, #tpu.memory_space<vmem_shared>> -> memref<4620x128xf32, #tpu.memory_space<vmem_shared>>
    tpu.enqueue_indirect_dma source(%dma_start3A_225 : memref<4620x128xf32, #tpu.memory_space<vmem_shared>>) target(%arg16 : memref<80x128xf32, #tpu.memory_space<vmem>>) offsets(%dma_start3A_222 : memref<80xi32, #tpu.memory_space<vmem>>) semaphore(%arg26 : memref<!tpu.dma_semaphore, #tpu.memory_space<semaphore_mem>>)
    %add3A_226 = arith.constant 240 : i32
    %add3A_227 = arith.addi %mul3A_4, %add3A_226 : i32
    %dma_start3A_228 = arith.constant 0 : i32
    %dma_start3A_229 = tpu.memref_slice %arg6[%add3A_227, %dma_start3A_228] : memref<819200x128xf32, #tpu.memory_space<hbm>> -> memref<80x128xf32, #tpu.memory_space<hbm>>
    %dma_start3A_230 = arith.constant 0 : i32
    %dma_start3A_231 = tpu.memref_slice %arg6[%add3A_227, %dma_start3A_230] : memref<819200x128xf32, #tpu.memory_space<hbm>> -> memref<80x128xf32, #tpu.memory_space<hbm>>
    tpu.enqueue_dma source(%arg14 : memref<80x128xf32, #tpu.memory_space<vmem>>) target(%dma_start3A_231 : memref<80x128xf32, #tpu.memory_space<hbm>>) target_semaphore(%arg30 : memref<!tpu.dma_semaphore, #tpu.memory_space<semaphore_mem>>)
    %add3A_232 = arith.constant 8 : i32
    %add3A_233 = arith.addi %mul3A_2, %add3A_232 : i32
    %dma_start3A_234 = arith.constant 0 : i32
    %dma_start3A_235 = tpu.memref_slice %arg4[%add3A_233, %dma_start3A_234] : memref<10240x80xi32, #tpu.memory_space<hbm>> -> memref<4x80xi32, #tpu.memory_space<hbm>>
    %dma_start3A_236 = arith.constant 0 : i32
    %dma_start3A_237 = tpu.memref_slice %arg4[%add3A_233, %dma_start3A_236] : memref<10240x80xi32, #tpu.memory_space<hbm>> -> memref<4x80xi32, #tpu.memory_space<hbm>>
    tpu.enqueue_dma source(%dma_start3A_237 : memref<4x80xi32, #tpu.memory_space<hbm>>) target(%arg7 : memref<4x80xi32, #tpu.memory_space<vmem>>) target_semaphore(%arg17 : memref<!tpu.dma_semaphore, #tpu.memory_space<semaphore_mem>>)
    %dma_start3A_238 = arith.constant 0 : i32
    %dma_start3A_239 = tpu.memref_slice %arg5[%add3A_233, %dma_start3A_238] : memref<10240x80xi32, #tpu.memory_space<hbm>> -> memref<4x80xi32, #tpu.memory_space<hbm>>
    %dma_start3A_240 = arith.constant 0 : i32
    %dma_start3A_241 = tpu.memref_slice %arg5[%add3A_233, %dma_start3A_240] : memref<10240x80xi32, #tpu.memory_space<hbm>> -> memref<4x80xi32, #tpu.memory_space<hbm>>
    tpu.enqueue_dma source(%dma_start3A_241 : memref<4x80xi32, #tpu.memory_space<hbm>>) target(%arg9 : memref<4x80xi32, #tpu.memory_space<vmem>>) target_semaphore(%arg19 : memref<!tpu.dma_semaphore, #tpu.memory_space<semaphore_mem>>)
    %dma_wait3A_242 = arith.constant 0 : i32
    %dma_wait3A_243 = arith.constant 0 : i32
    %dma_wait3A_244 = tpu.memref_slice %arg8[%dma_wait3A_242, %dma_wait3A_243] : memref<4x80xi32, #tpu.memory_space<vmem>> -> memref<1x80xi32, #tpu.memory_space<vmem>>
    %dma_wait3A_245 = tpu.memref_squeeze %dma_wait3A_244 : memref<1x80xi32, #tpu.memory_space<vmem>> -> memref<80xi32, #tpu.memory_space<vmem>>
    %dma_wait3A_246 = arith.constant 0 : i32
    %dma_wait3A_247 = arith.constant 0 : i32
    %dma_wait3A_248 = tpu.memref_slice %arg31[%dma_wait3A_246, %dma_wait3A_247] : memref<513x128xf32, #tpu.memory_space<vmem_shared>> -> memref<513x128xf32, #tpu.memory_space<vmem_shared>>
    tpu.wait_indirect_dma semaphore(%arg21 : memref<!tpu.dma_semaphore, #tpu.memory_space<semaphore_mem>>) src(%dma_wait3A_248 : memref<513x128xf32, #tpu.memory_space<vmem_shared>>) dst(%arg11 : memref<80x128xf32, #tpu.memory_space<vmem>>)
    %dma_wait3A_249 = arith.constant 0 : i32
    %dma_wait3A_250 = arith.constant 0 : i32
    %dma_wait3A_251 = tpu.memref_slice %arg10[%dma_wait3A_249, %dma_wait3A_250] : memref<4x80xi32, #tpu.memory_space<vmem>> -> memref<1x80xi32, #tpu.memory_space<vmem>>
    %dma_wait3A_252 = tpu.memref_squeeze %dma_wait3A_251 : memref<1x80xi32, #tpu.memory_space<vmem>> -> memref<80xi32, #tpu.memory_space<vmem>>
    %dma_wait3A_253 = arith.constant 0 : i32
    %dma_wait3A_254 = arith.constant 0 : i32
    %dma_wait3A_255 = tpu.memref_slice %arg32[%dma_wait3A_253, %dma_wait3A_254] : memref<4620x128xf32, #tpu.memory_space<vmem_shared>> -> memref<4620x128xf32, #tpu.memory_space<vmem_shared>>
    tpu.wait_indirect_dma semaphore(%arg25 : memref<!tpu.dma_semaphore, #tpu.memory_space<semaphore_mem>>) src(%dma_wait3A_255 : memref<4620x128xf32, #tpu.memory_space<vmem_shared>>) dst(%arg15 : memref<80x128xf32, #tpu.memory_space<vmem>>)
    %parallel_loop3A_256 = arith.constant 0 : i32
    %parallel_loop3A_257 = arith.constant 80 : i32
    %parallel_loop3A_258 = arith.constant 1 : i32
    scf.for %parallel_loop3A_451 = %parallel_loop3A_256 to %parallel_loop3A_257 step %parallel_loop3A_258  : i32 {
      %parallel_loop3A_452 = arith.index_cast %parallel_loop3A_451 : i32 to index
      %parallel_loop3A_453 = arith.constant 0 : index
      %parallel_loop3A_454 = tpu.vector_load %arg15[%parallel_loop3A_452, %parallel_loop3A_453] {strides = array<i32>} : memref<80x128xf32, #tpu.memory_space<vmem>>, vector<1x16xf32>,
      %parallel_loop3A_455 = vector.shape_cast %parallel_loop3A_454 : vector<1x16xf32> to vector<16xf32>
      %parallel_loop3A_456 = arith.index_cast %parallel_loop3A_451 : i32 to index
      %parallel_loop3A_457 = arith.constant 0 : index
      %parallel_loop3A_458 = tpu.vector_load %arg11[%parallel_loop3A_456, %parallel_loop3A_457] {strides = array<i32>} : memref<80x128xf32, #tpu.memory_space<vmem>>, vector<1x16xf32>,
      %parallel_loop3A_459 = vector.shape_cast %parallel_loop3A_458 : vector<1x16xf32> to vector<16xf32>
      %parallel_loop3A_460 = vector.shape_cast %parallel_loop3A_455 : vector<16xf32> to vector<1x16xf32>
      tpu.vector_store %arg11[%parallel_loop3A_456, %parallel_loop3A_457], %parallel_loop3A_460 {add = true, strides = array<i32>} : memref<80x128xf32, #tpu.memory_space<vmem>>, vector<1x16xf32>,
      %parallel_loop3A_461 = arith.index_cast %parallel_loop3A_451 : i32 to index
      %parallel_loop3A_462 = arith.constant 16 : index
      %parallel_loop3A_463 = tpu.vector_load %arg15[%parallel_loop3A_461, %parallel_loop3A_462] {strides = array<i32>} : memref<80x128xf32, #tpu.memory_space<vmem>>, vector<1x16xf32>,
      %parallel_loop3A_464 = vector.shape_cast %parallel_loop3A_463 : vector<1x16xf32> to vector<16xf32>
      %parallel_loop3A_465 = arith.index_cast %parallel_loop3A_451 : i32 to index
      %parallel_loop3A_466 = arith.constant 16 : index
      %parallel_loop3A_467 = tpu.vector_load %arg11[%parallel_loop3A_465, %parallel_loop3A_466] {strides = array<i32>} : memref<80x128xf32, #tpu.memory_space<vmem>>, vector<1x16xf32>,
      %parallel_loop3A_468 = vector.shape_cast %parallel_loop3A_467 : vector<1x16xf32> to vector<16xf32>
      %parallel_loop3A_469 = vector.shape_cast %parallel_loop3A_464 : vector<16xf32> to vector<1x16xf32>
      tpu.vector_store %arg11[%parallel_loop3A_465, %parallel_loop3A_466], %parallel_loop3A_469 {add = true, strides = array<i32>} : memref<80x128xf32, #tpu.memory_space<vmem>>, vector<1x16xf32>,
      %parallel_loop3A_470 = arith.index_cast %parallel_loop3A_451 : i32 to index
      %parallel_loop3A_471 = arith.constant 32 : index
      %parallel_loop3A_472 = tpu.vector_load %arg15[%parallel_loop3A_470, %parallel_loop3A_471] {strides = array<i32>} : memref<80x128xf32, #tpu.memory_space<vmem>>, vector<1x16xf32>,
      %parallel_loop3A_473 = vector.shape_cast %parallel_loop3A_472 : vector<1x16xf32> to vector<16xf32>
      %parallel_loop3A_474 = arith.index_cast %parallel_loop3A_451 : i32 to index
      %parallel_loop3A_475 = arith.constant 32 : index
      %parallel_loop3A_476 = tpu.vector_load %arg11[%parallel_loop3A_474, %parallel_loop3A_475] {strides = array<i32>} : memref<80x128xf32, #tpu.memory_space<vmem>>, vector<1x16xf32>,
      %parallel_loop3A_477 = vector.shape_cast %parallel_loop3A_476 : vector<1x16xf32> to vector<16xf32>
      %parallel_loop3A_478 = vector.shape_cast %parallel_loop3A_473 : vector<16xf32> to vector<1x16xf32>
      tpu.vector_store %arg11[%parallel_loop3A_474, %parallel_loop3A_475], %parallel_loop3A_478 {add = true, strides = array<i32>} : memref<80x128xf32, #tpu.memory_space<vmem>>, vector<1x16xf32>,
      %parallel_loop3A_479 = arith.index_cast %parallel_loop3A_451 : i32 to index
      %parallel_loop3A_480 = arith.constant 48 : index
      %parallel_loop3A_481 = tpu.vector_load %arg15[%parallel_loop3A_479, %parallel_loop3A_480] {strides = array<i32>} : memref<80x128xf32, #tpu.memory_space<vmem>>, vector<1x16xf32>,
      %parallel_loop3A_482 = vector.shape_cast %parallel_loop3A_481 : vector<1x16xf32> to vector<16xf32>
      %parallel_loop3A_483 = arith.index_cast %parallel_loop3A_451 : i32 to index
      %parallel_loop3A_484 = arith.constant 48 : index
      %parallel_loop3A_485 = tpu.vector_load %arg11[%parallel_loop3A_483, %parallel_loop3A_484] {strides = array<i32>} : memref<80x128xf32, #tpu.memory_space<vmem>>, vector<1x16xf32>,
      %parallel_loop3A_486 = vector.shape_cast %parallel_loop3A_485 : vector<1x16xf32> to vector<16xf32>
      %parallel_loop3A_487 = vector.shape_cast %parallel_loop3A_482 : vector<16xf32> to vector<1x16xf32>
      tpu.vector_store %arg11[%parallel_loop3A_483, %parallel_loop3A_484], %parallel_loop3A_487 {add = true, strides = array<i32>} : memref<80x128xf32, #tpu.memory_space<vmem>>, vector<1x16xf32>,
      %parallel_loop3A_488 = arith.index_cast %parallel_loop3A_451 : i32 to index
      %parallel_loop3A_489 = arith.constant 64 : index
      %parallel_loop3A_490 = tpu.vector_load %arg15[%parallel_loop3A_488, %parallel_loop3A_489] {strides = array<i32>} : memref<80x128xf32, #tpu.memory_space<vmem>>, vector<1x16xf32>,
      %parallel_loop3A_491 = vector.shape_cast %parallel_loop3A_490 : vector<1x16xf32> to vector<16xf32>
      %parallel_loop3A_492 = arith.index_cast %parallel_loop3A_451 : i32 to index
      %parallel_loop3A_493 = arith.constant 64 : index
      %parallel_loop3A_494 = tpu.vector_load %arg11[%parallel_loop3A_492, %parallel_loop3A_493] {strides = array<i32>} : memref<80x128xf32, #tpu.memory_space<vmem>>, vector<1x16xf32>,
      %parallel_loop3A_495 = vector.shape_cast %parallel_loop3A_494 : vector<1x16xf32> to vector<16xf32>
      %parallel_loop3A_496 = vector.shape_cast %parallel_loop3A_491 : vector<16xf32> to vector<1x16xf32>
      tpu.vector_store %arg11[%parallel_loop3A_492, %parallel_loop3A_493], %parallel_loop3A_496 {add = true, strides = array<i32>} : memref<80x128xf32, #tpu.memory_space<vmem>>, vector<1x16xf32>,
      %parallel_loop3A_497 = arith.index_cast %parallel_loop3A_451 : i32 to index
      %parallel_loop3A_498 = arith.constant 80 : index
      %parallel_loop3A_499 = tpu.vector_load %arg15[%parallel_loop3A_497, %parallel_loop3A_498] {strides = array<i32>} : memref<80x128xf32, #tpu.memory_space<vmem>>, vector<1x16xf32>,
      %parallel_loop3A_500 = vector.shape_cast %parallel_loop3A_499 : vector<1x16xf32> to vector<16xf32>
      %parallel_loop3A_501 = arith.index_cast %parallel_loop3A_451 : i32 to index
      %parallel_loop3A_502 = arith.constant 80 : index
      %parallel_loop3A_503 = tpu.vector_load %arg11[%parallel_loop3A_501, %parallel_loop3A_502] {strides = array<i32>} : memref<80x128xf32, #tpu.memory_space<vmem>>, vector<1x16xf32>,
      %parallel_loop3A_504 = vector.shape_cast %parallel_loop3A_503 : vector<1x16xf32> to vector<16xf32>
      %parallel_loop3A_505 = vector.shape_cast %parallel_loop3A_500 : vector<16xf32> to vector<1x16xf32>
      tpu.vector_store %arg11[%parallel_loop3A_501, %parallel_loop3A_502], %parallel_loop3A_505 {add = true, strides = array<i32>} : memref<80x128xf32, #tpu.memory_space<vmem>>, vector<1x16xf32>,
      %parallel_loop3A_506 = arith.index_cast %parallel_loop3A_451 : i32 to index
      %parallel_loop3A_507 = arith.constant 96 : index
      %parallel_loop3A_508 = tpu.vector_load %arg15[%parallel_loop3A_506, %parallel_loop3A_507] {strides = array<i32>} : memref<80x128xf32, #tpu.memory_space<vmem>>, vector<1x16xf32>,
      %parallel_loop3A_509 = vector.shape_cast %parallel_loop3A_508 : vector<1x16xf32> to vector<16xf32>
      %parallel_loop3A_510 = arith.index_cast %parallel_loop3A_451 : i32 to index
      %parallel_loop3A_511 = arith.constant 96 : index
      %parallel_loop3A_512 = tpu.vector_load %arg11[%parallel_loop3A_510, %parallel_loop3A_511] {strides = array<i32>} : memref<80x128xf32, #tpu.memory_space<vmem>>, vector<1x16xf32>,
      %parallel_loop3A_513 = vector.shape_cast %parallel_loop3A_512 : vector<1x16xf32> to vector<16xf32>
      %parallel_loop3A_514 = vector.shape_cast %parallel_loop3A_509 : vector<16xf32> to vector<1x16xf32>
      tpu.vector_store %arg11[%parallel_loop3A_510, %parallel_loop3A_511], %parallel_loop3A_514 {add = true, strides = array<i32>} : memref<80x128xf32, #tpu.memory_space<vmem>>, vector<1x16xf32>,
      %parallel_loop3A_515 = arith.index_cast %parallel_loop3A_451 : i32 to index
      %parallel_loop3A_516 = arith.constant 112 : index
      %parallel_loop3A_517 = tpu.vector_load %arg15[%parallel_loop3A_515, %parallel_loop3A_516] {strides = array<i32>} : memref<80x128xf32, #tpu.memory_space<vmem>>, vector<1x16xf32>,
      %parallel_loop3A_518 = vector.shape_cast %parallel_loop3A_517 : vector<1x16xf32> to vector<16xf32>
      %parallel_loop3A_519 = arith.index_cast %parallel_loop3A_451 : i32 to index
      %parallel_loop3A_520 = arith.constant 112 : index
      %parallel_loop3A_521 = tpu.vector_load %arg11[%parallel_loop3A_519, %parallel_loop3A_520] {strides = array<i32>} : memref<80x128xf32, #tpu.memory_space<vmem>>, vector<1x16xf32>,
      %parallel_loop3A_522 = vector.shape_cast %parallel_loop3A_521 : vector<1x16xf32> to vector<16xf32>
      %parallel_loop3A_523 = vector.shape_cast %parallel_loop3A_518 : vector<16xf32> to vector<1x16xf32>
      tpu.vector_store %arg11[%parallel_loop3A_519, %parallel_loop3A_520], %parallel_loop3A_523 {add = true, strides = array<i32>} : memref<80x128xf32, #tpu.memory_space<vmem>>, vector<1x16xf32>,
    } {sc.loop_unroll_factor = 4 : i64, sc.parallel_access}
    %add3A_259 = arith.constant 160 : i32
    %add3A_260 = arith.addi %mul3A_4, %add3A_259 : i32
    %dma_wait3A_261 = arith.constant 0 : i32
    %dma_wait3A_262 = tpu.memref_slice %arg6[%add3A_260, %dma_wait3A_261] : memref<819200x128xf32, #tpu.memory_space<hbm>> -> memref<80x128xf32, #tpu.memory_space<hbm>>
    %dma_wait3A_263 = arith.constant 0 : i32
    %dma_wait3A_264 = tpu.memref_slice %arg6[%add3A_260, %dma_wait3A_263] : memref<819200x128xf32, #tpu.memory_space<hbm>> -> memref<80x128xf32, #tpu.memory_space<hbm>>
    tpu.wait_dma2 semaphore(%arg29 : memref<!tpu.dma_semaphore, #tpu.memory_space<semaphore_mem>>) src(%arg13 : memref<80x128xf32, #tpu.memory_space<vmem>>) dst(%dma_wait3A_264 : memref<80x128xf32, #tpu.memory_space<hbm>>)
    %dma_start3A_265 = arith.constant 2 : i32
    %dma_start3A_266 = arith.constant 0 : i32
    %dma_start3A_267 = tpu.memref_slice %arg8[%dma_start3A_265, %dma_start3A_266] : memref<4x80xi32, #tpu.memory_space<vmem>> -> memref<1x80xi32, #tpu.memory_space<vmem>>
    %dma_start3A_268 = tpu.memref_squeeze %dma_start3A_267 : memref<1x80xi32, #tpu.memory_space<vmem>> -> memref<80xi32, #tpu.memory_space<vmem>>
    %dma_start3A_269 = arith.constant 0 : i32
    %dma_start3A_270 = arith.constant 0 : i32
    %dma_start3A_271 = tpu.memref_slice %arg31[%dma_start3A_269, %dma_start3A_270] : memref<513x128xf32, #tpu.memory_space<vmem_shared>> -> memref<513x128xf32, #tpu.memory_space<vmem_shared>>
    tpu.enqueue_indirect_dma source(%dma_start3A_271 : memref<513x128xf32, #tpu.memory_space<vmem_shared>>) target(%arg13 : memref<80x128xf32, #tpu.memory_space<vmem>>) offsets(%dma_start3A_268 : memref<80xi32, #tpu.memory_space<vmem>>) semaphore(%arg23 : memref<!tpu.dma_semaphore, #tpu.memory_space<semaphore_mem>>)
    %dma_start3A_272 = arith.constant 2 : i32
    %dma_start3A_273 = arith.constant 0 : i32
    %dma_start3A_274 = tpu.memref_slice %arg10[%dma_start3A_272, %dma_start3A_273] : memref<4x80xi32, #tpu.memory_space<vmem>> -> memref<1x80xi32, #tpu.memory_space<vmem>>
    %dma_start3A_275 = tpu.memref_squeeze %dma_start3A_274 : memref<1x80xi32, #tpu.memory_space<vmem>> -> memref<80xi32, #tpu.memory_space<vmem>>
    %dma_start3A_276 = arith.constant 0 : i32
    %dma_start3A_277 = arith.constant 0 : i32
    %dma_start3A_278 = tpu.memref_slice %arg32[%dma_start3A_276, %dma_start3A_277] : memref<4620x128xf32, #tpu.memory_space<vmem_shared>> -> memref<4620x128xf32, #tpu.memory_space<vmem_shared>>
    tpu.enqueue_indirect_dma source(%dma_start3A_278 : memref<4620x128xf32, #tpu.memory_space<vmem_shared>>) target(%arg15 : memref<80x128xf32, #tpu.memory_space<vmem>>) offsets(%dma_start3A_275 : memref<80xi32, #tpu.memory_space<vmem>>) semaphore(%arg25 : memref<!tpu.dma_semaphore, #tpu.memory_space<semaphore_mem>>)
    %add3A_279 = arith.constant 320 : i32
    %add3A_280 = arith.addi %mul3A_4, %add3A_279 : i32
    %dma_start3A_281 = arith.constant 0 : i32
    %dma_start3A_282 = tpu.memref_slice %arg6[%add3A_280, %dma_start3A_281] : memref<819200x128xf32, #tpu.memory_space<hbm>> -> memref<80x128xf32, #tpu.memory_space<hbm>>
    %dma_start3A_283 = arith.constant 0 : i32
    %dma_start3A_284 = tpu.memref_slice %arg6[%add3A_280, %dma_start3A_283] : memref<819200x128xf32, #tpu.memory_space<hbm>> -> memref<80x128xf32, #tpu.memory_space<hbm>>
    tpu.enqueue_dma source(%arg11 : memref<80x128xf32, #tpu.memory_space<vmem>>) target(%dma_start3A_284 : memref<80x128xf32, #tpu.memory_space<hbm>>) target_semaphore(%arg27 : memref<!tpu.dma_semaphore, #tpu.memory_space<semaphore_mem>>)
    %dma_wait3A_285 = arith.constant 1 : i32
    %dma_wait3A_286 = arith.constant 0 : i32
    %dma_wait3A_287 = tpu.memref_slice %arg8[%dma_wait3A_285, %dma_wait3A_286] : memref<4x80xi32, #tpu.memory_space<vmem>> -> memref<1x80xi32, #tpu.memory_space<vmem>>
    %dma_wait3A_288 = tpu.memref_squeeze %dma_wait3A_287 : memref<1x80xi32, #tpu.memory_space<vmem>> -> memref<80xi32, #tpu.memory_space<vmem>>
    %dma_wait3A_289 = arith.constant 0 : i32
    %dma_wait3A_290 = arith.constant 0 : i32
    %dma_wait3A_291 = tpu.memref_slice %arg31[%dma_wait3A_289, %dma_wait3A_290] : memref<513x128xf32, #tpu.memory_space<vmem_shared>> -> memref<513x128xf32, #tpu.memory_space<vmem_shared>>
    tpu.wait_indirect_dma semaphore(%arg22 : memref<!tpu.dma_semaphore, #tpu.memory_space<semaphore_mem>>) src(%dma_wait3A_291 : memref<513x128xf32, #tpu.memory_space<vmem_shared>>) dst(%arg12 : memref<80x128xf32, #tpu.memory_space<vmem>>)
    %dma_wait3A_292 = arith.constant 1 : i32
    %dma_wait3A_293 = arith.constant 0 : i32
    %dma_wait3A_294 = tpu.memref_slice %arg10[%dma_wait3A_292, %dma_wait3A_293] : memref<4x80xi32, #tpu.memory_space<vmem>> -> memref<1x80xi32, #tpu.memory_space<vmem>>
    %dma_wait3A_295 = tpu.memref_squeeze %dma_wait3A_294 : memref<1x80xi32, #tpu.memory_space<vmem>> -> memref<80xi32, #tpu.memory_space<vmem>>
    %dma_wait3A_296 = arith.constant 0 : i32
    %dma_wait3A_297 = arith.constant 0 : i32
    %dma_wait3A_298 = tpu.memref_slice %arg32[%dma_wait3A_296, %dma_wait3A_297] : memref<4620x128xf32, #tpu.memory_space<vmem_shared>> -> memref<4620x128xf32, #tpu.memory_space<vmem_shared>>
    tpu.wait_indirect_dma semaphore(%arg26 : memref<!tpu.dma_semaphore, #tpu.memory_space<semaphore_mem>>) src(%dma_wait3A_298 : memref<4620x128xf32, #tpu.memory_space<vmem_shared>>) dst(%arg16 : memref<80x128xf32, #tpu.memory_space<vmem>>)
    %parallel_loop3A_299 = arith.constant 0 : i32
    %parallel_loop3A_300 = arith.constant 80 : i32
    %parallel_loop3A_301 = arith.constant 1 : i32
    scf.for %parallel_loop3A_451 = %parallel_loop3A_299 to %parallel_loop3A_300 step %parallel_loop3A_301  : i32 {
      %parallel_loop3A_452 = arith.index_cast %parallel_loop3A_451 : i32 to index
      %parallel_loop3A_453 = arith.constant 0 : index
      %parallel_loop3A_454 = tpu.vector_load %arg16[%parallel_loop3A_452, %parallel_loop3A_453] {strides = array<i32>} : memref<80x128xf32, #tpu.memory_space<vmem>>, vector<1x16xf32>,
      %parallel_loop3A_455 = vector.shape_cast %parallel_loop3A_454 : vector<1x16xf32> to vector<16xf32>
      %parallel_loop3A_456 = arith.index_cast %parallel_loop3A_451 : i32 to index
      %parallel_loop3A_457 = arith.constant 0 : index
      %parallel_loop3A_458 = tpu.vector_load %arg12[%parallel_loop3A_456, %parallel_loop3A_457] {strides = array<i32>} : memref<80x128xf32, #tpu.memory_space<vmem>>, vector<1x16xf32>,
      %parallel_loop3A_459 = vector.shape_cast %parallel_loop3A_458 : vector<1x16xf32> to vector<16xf32>
      %parallel_loop3A_460 = vector.shape_cast %parallel_loop3A_455 : vector<16xf32> to vector<1x16xf32>
      tpu.vector_store %arg12[%parallel_loop3A_456, %parallel_loop3A_457], %parallel_loop3A_460 {add = true, strides = array<i32>} : memref<80x128xf32, #tpu.memory_space<vmem>>, vector<1x16xf32>,
      %parallel_loop3A_461 = arith.index_cast %parallel_loop3A_451 : i32 to index
      %parallel_loop3A_462 = arith.constant 16 : index
      %parallel_loop3A_463 = tpu.vector_load %arg16[%parallel_loop3A_461, %parallel_loop3A_462] {strides = array<i32>} : memref<80x128xf32, #tpu.memory_space<vmem>>, vector<1x16xf32>,
      %parallel_loop3A_464 = vector.shape_cast %parallel_loop3A_463 : vector<1x16xf32> to vector<16xf32>
      %parallel_loop3A_465 = arith.index_cast %parallel_loop3A_451 : i32 to index
      %parallel_loop3A_466 = arith.constant 16 : index
      %parallel_loop3A_467 = tpu.vector_load %arg12[%parallel_loop3A_465, %parallel_loop3A_466] {strides = array<i32>} : memref<80x128xf32, #tpu.memory_space<vmem>>, vector<1x16xf32>,
      %parallel_loop3A_468 = vector.shape_cast %parallel_loop3A_467 : vector<1x16xf32> to vector<16xf32>
      %parallel_loop3A_469 = vector.shape_cast %parallel_loop3A_464 : vector<16xf32> to vector<1x16xf32>
      tpu.vector_store %arg12[%parallel_loop3A_465, %parallel_loop3A_466], %parallel_loop3A_469 {add = true, strides = array<i32>} : memref<80x128xf32, #tpu.memory_space<vmem>>, vector<1x16xf32>,
      %parallel_loop3A_470 = arith.index_cast %parallel_loop3A_451 : i32 to index
      %parallel_loop3A_471 = arith.constant 32 : index
      %parallel_loop3A_472 = tpu.vector_load %arg16[%parallel_loop3A_470, %parallel_loop3A_471] {strides = array<i32>} : memref<80x128xf32, #tpu.memory_space<vmem>>, vector<1x16xf32>,
      %parallel_loop3A_473 = vector.shape_cast %parallel_loop3A_472 : vector<1x16xf32> to vector<16xf32>
      %parallel_loop3A_474 = arith.index_cast %parallel_loop3A_451 : i32 to index
      %parallel_loop3A_475 = arith.constant 32 : index
      %parallel_loop3A_476 = tpu.vector_load %arg12[%parallel_loop3A_474, %parallel_loop3A_475] {strides = array<i32>} : memref<80x128xf32, #tpu.memory_space<vmem>>, vector<1x16xf32>,
      %parallel_loop3A_477 = vector.shape_cast %parallel_loop3A_476 : vector<1x16xf32> to vector<16xf32>
      %parallel_loop3A_478 = vector.shape_cast %parallel_loop3A_473 : vector<16xf32> to vector<1x16xf32>
      tpu.vector_store %arg12[%parallel_loop3A_474, %parallel_loop3A_475], %parallel_loop3A_478 {add = true, strides = array<i32>} : memref<80x128xf32, #tpu.memory_space<vmem>>, vector<1x16xf32>,
      %parallel_loop3A_479 = arith.index_cast %parallel_loop3A_451 : i32 to index
      %parallel_loop3A_480 = arith.constant 48 : index
      %parallel_loop3A_481 = tpu.vector_load %arg16[%parallel_loop3A_479, %parallel_loop3A_480] {strides = array<i32>} : memref<80x128xf32, #tpu.memory_space<vmem>>, vector<1x16xf32>,
      %parallel_loop3A_482 = vector.shape_cast %parallel_loop3A_481 : vector<1x16xf32> to vector<16xf32>
      %parallel_loop3A_483 = arith.index_cast %parallel_loop3A_451 : i32 to index
      %parallel_loop3A_484 = arith.constant 48 : index
      %parallel_loop3A_485 = tpu.vector_load %arg12[%parallel_loop3A_483, %parallel_loop3A_484] {strides = array<i32>} : memref<80x128xf32, #tpu.memory_space<vmem>>, vector<1x16xf32>,
      %parallel_loop3A_486 = vector.shape_cast %parallel_loop3A_485 : vector<1x16xf32> to vector<16xf32>
      %parallel_loop3A_487 = vector.shape_cast %parallel_loop3A_482 : vector<16xf32> to vector<1x16xf32>
      tpu.vector_store %arg12[%parallel_loop3A_483, %parallel_loop3A_484], %parallel_loop3A_487 {add = true, strides = array<i32>} : memref<80x128xf32, #tpu.memory_space<vmem>>, vector<1x16xf32>,
      %parallel_loop3A_488 = arith.index_cast %parallel_loop3A_451 : i32 to index
      %parallel_loop3A_489 = arith.constant 64 : index
      %parallel_loop3A_490 = tpu.vector_load %arg16[%parallel_loop3A_488, %parallel_loop3A_489] {strides = array<i32>} : memref<80x128xf32, #tpu.memory_space<vmem>>, vector<1x16xf32>,
      %parallel_loop3A_491 = vector.shape_cast %parallel_loop3A_490 : vector<1x16xf32> to vector<16xf32>
      %parallel_loop3A_492 = arith.index_cast %parallel_loop3A_451 : i32 to index
      %parallel_loop3A_493 = arith.constant 64 : index
      %parallel_loop3A_494 = tpu.vector_load %arg12[%parallel_loop3A_492, %parallel_loop3A_493] {strides = array<i32>} : memref<80x128xf32, #tpu.memory_space<vmem>>, vector<1x16xf32>,
      %parallel_loop3A_495 = vector.shape_cast %parallel_loop3A_494 : vector<1x16xf32> to vector<16xf32>
      %parallel_loop3A_496 = vector.shape_cast %parallel_loop3A_491 : vector<16xf32> to vector<1x16xf32>
      tpu.vector_store %arg12[%parallel_loop3A_492, %parallel_loop3A_493], %parallel_loop3A_496 {add = true, strides = array<i32>} : memref<80x128xf32, #tpu.memory_space<vmem>>, vector<1x16xf32>,
      %parallel_loop3A_497 = arith.index_cast %parallel_loop3A_451 : i32 to index
      %parallel_loop3A_498 = arith.constant 80 : index
      %parallel_loop3A_499 = tpu.vector_load %arg16[%parallel_loop3A_497, %parallel_loop3A_498] {strides = array<i32>} : memref<80x128xf32, #tpu.memory_space<vmem>>, vector<1x16xf32>,
      %parallel_loop3A_500 = vector.shape_cast %parallel_loop3A_499 : vector<1x16xf32> to vector<16xf32>
      %parallel_loop3A_501 = arith.index_cast %parallel_loop3A_451 : i32 to index
      %parallel_loop3A_502 = arith.constant 80 : index
      %parallel_loop3A_503 = tpu.vector_load %arg12[%parallel_loop3A_501, %parallel_loop3A_502] {strides = array<i32>} : memref<80x128xf32, #tpu.memory_space<vmem>>, vector<1x16xf32>,
      %parallel_loop3A_504 = vector.shape_cast %parallel_loop3A_503 : vector<1x16xf32> to vector<16xf32>
      %parallel_loop3A_505 = vector.shape_cast %parallel_loop3A_500 : vector<16xf32> to vector<1x16xf32>
      tpu.vector_store %arg12[%parallel_loop3A_501, %parallel_loop3A_502], %parallel_loop3A_505 {add = true, strides = array<i32>} : memref<80x128xf32, #tpu.memory_space<vmem>>, vector<1x16xf32>,
      %parallel_loop3A_506 = arith.index_cast %parallel_loop3A_451 : i32 to index
      %parallel_loop3A_507 = arith.constant 96 : index
      %parallel_loop3A_508 = tpu.vector_load %arg16[%parallel_loop3A_506, %parallel_loop3A_507] {strides = array<i32>} : memref<80x128xf32, #tpu.memory_space<vmem>>, vector<1x16xf32>,
      %parallel_loop3A_509 = vector.shape_cast %parallel_loop3A_508 : vector<1x16xf32> to vector<16xf32>
      %parallel_loop3A_510 = arith.index_cast %parallel_loop3A_451 : i32 to index
      %parallel_loop3A_511 = arith.constant 96 : index
      %parallel_loop3A_512 = tpu.vector_load %arg12[%parallel_loop3A_510, %parallel_loop3A_511] {strides = array<i32>} : memref<80x128xf32, #tpu.memory_space<vmem>>, vector<1x16xf32>,
      %parallel_loop3A_513 = vector.shape_cast %parallel_loop3A_512 : vector<1x16xf32> to vector<16xf32>
      %parallel_loop3A_514 = vector.shape_cast %parallel_loop3A_509 : vector<16xf32> to vector<1x16xf32>
      tpu.vector_store %arg12[%parallel_loop3A_510, %parallel_loop3A_511], %parallel_loop3A_514 {add = true, strides = array<i32>} : memref<80x128xf32, #tpu.memory_space<vmem>>, vector<1x16xf32>,
      %parallel_loop3A_515 = arith.index_cast %parallel_loop3A_451 : i32 to index
      %parallel_loop3A_516 = arith.constant 112 : index
      %parallel_loop3A_517 = tpu.vector_load %arg16[%parallel_loop3A_515, %parallel_loop3A_516] {strides = array<i32>} : memref<80x128xf32, #tpu.memory_space<vmem>>, vector<1x16xf32>,
      %parallel_loop3A_518 = vector.shape_cast %parallel_loop3A_517 : vector<1x16xf32> to vector<16xf32>
      %parallel_loop3A_519 = arith.index_cast %parallel_loop3A_451 : i32 to index
      %parallel_loop3A_520 = arith.constant 112 : index
      %parallel_loop3A_521 = tpu.vector_load %arg12[%parallel_loop3A_519, %parallel_loop3A_520] {strides = array<i32>} : memref<80x128xf32, #tpu.memory_space<vmem>>, vector<1x16xf32>,
      %parallel_loop3A_522 = vector.shape_cast %parallel_loop3A_521 : vector<1x16xf32> to vector<16xf32>
      %parallel_loop3A_523 = vector.shape_cast %parallel_loop3A_518 : vector<16xf32> to vector<1x16xf32>
      tpu.vector_store %arg12[%parallel_loop3A_519, %parallel_loop3A_520], %parallel_loop3A_523 {add = true, strides = array<i32>} : memref<80x128xf32, #tpu.memory_space<vmem>>, vector<1x16xf32>,
    } {sc.loop_unroll_factor = 4 : i64, sc.parallel_access}
    %add3A_302 = arith.constant 240 : i32
    %add3A_303 = arith.addi %mul3A_4, %add3A_302 : i32
    %dma_wait3A_304 = arith.constant 0 : i32
    %dma_wait3A_305 = tpu.memref_slice %arg6[%add3A_303, %dma_wait3A_304] : memref<819200x128xf32, #tpu.memory_space<hbm>> -> memref<80x128xf32, #tpu.memory_space<hbm>>
    %dma_wait3A_306 = arith.constant 0 : i32
    %dma_wait3A_307 = tpu.memref_slice %arg6[%add3A_303, %dma_wait3A_306] : memref<819200x128xf32, #tpu.memory_space<hbm>> -> memref<80x128xf32, #tpu.memory_space<hbm>>
    tpu.wait_dma2 semaphore(%arg30 : memref<!tpu.dma_semaphore, #tpu.memory_space<semaphore_mem>>) src(%arg14 : memref<80x128xf32, #tpu.memory_space<vmem>>) dst(%dma_wait3A_307 : memref<80x128xf32, #tpu.memory_space<hbm>>)
    %dma_start3A_308 = arith.constant 3 : i32
    %dma_start3A_309 = arith.constant 0 : i32
    %dma_start3A_310 = tpu.memref_slice %arg8[%dma_start3A_308, %dma_start3A_309] : memref<4x80xi32, #tpu.memory_space<vmem>> -> memref<1x80xi32, #tpu.memory_space<vmem>>
    %dma_start3A_311 = tpu.memref_squeeze %dma_start3A_310 : memref<1x80xi32, #tpu.memory_space<vmem>> -> memref<80xi32, #tpu.memory_space<vmem>>
    %dma_start3A_312 = arith.constant 0 : i32
    %dma_start3A_313 = arith.constant 0 : i32
    %dma_start3A_314 = tpu.memref_slice %arg31[%dma_start3A_312, %dma_start3A_313] : memref<513x128xf32, #tpu.memory_space<vmem_shared>> -> memref<513x128xf32, #tpu.memory_space<vmem_shared>>
    tpu.enqueue_indirect_dma source(%dma_start3A_314 : memref<513x128xf32, #tpu.memory_space<vmem_shared>>) target(%arg14 : memref<80x128xf32, #tpu.memory_space<vmem>>) offsets(%dma_start3A_311 : memref<80xi32, #tpu.memory_space<vmem>>) semaphore(%arg24 : memref<!tpu.dma_semaphore, #tpu.memory_space<semaphore_mem>>)
    %dma_start3A_315 = arith.constant 3 : i32
    %dma_start3A_316 = arith.constant 0 : i32
    %dma_start3A_317 = tpu.memref_slice %arg10[%dma_start3A_315, %dma_start3A_316] : memref<4x80xi32, #tpu.memory_space<vmem>> -> memref<1x80xi32, #tpu.memory_space<vmem>>
    %dma_start3A_318 = tpu.memref_squeeze %dma_start3A_317 : memref<1x80xi32, #tpu.memory_space<vmem>> -> memref<80xi32, #tpu.memory_space<vmem>>
    %dma_start3A_319 = arith.constant 0 : i32
    %dma_start3A_320 = arith.constant 0 : i32
    %dma_start3A_321 = tpu.memref_slice %arg32[%dma_start3A_319, %dma_start3A_320] : memref<4620x128xf32, #tpu.memory_space<vmem_shared>> -> memref<4620x128xf32, #tpu.memory_space<vmem_shared>>
    tpu.enqueue_indirect_dma source(%dma_start3A_321 : memref<4620x128xf32, #tpu.memory_space<vmem_shared>>) target(%arg16 : memref<80x128xf32, #tpu.memory_space<vmem>>) offsets(%dma_start3A_318 : memref<80xi32, #tpu.memory_space<vmem>>) semaphore(%arg26 : memref<!tpu.dma_semaphore, #tpu.memory_space<semaphore_mem>>)
    %add3A_322 = arith.constant 400 : i32
    %add3A_323 = arith.addi %mul3A_4, %add3A_322 : i32
    %dma_start3A_324 = arith.constant 0 : i32
    %dma_start3A_325 = tpu.memref_slice %arg6[%add3A_323, %dma_start3A_324] : memref<819200x128xf32, #tpu.memory_space<hbm>> -> memref<80x128xf32, #tpu.memory_space<hbm>>
    %dma_start3A_326 = arith.constant 0 : i32
    %dma_start3A_327 = tpu.memref_slice %arg6[%add3A_323, %dma_start3A_326] : memref<819200x128xf32, #tpu.memory_space<hbm>> -> memref<80x128xf32, #tpu.memory_space<hbm>>
    tpu.enqueue_dma source(%arg12 : memref<80x128xf32, #tpu.memory_space<vmem>>) target(%dma_start3A_327 : memref<80x128xf32, #tpu.memory_space<hbm>>) target_semaphore(%arg28 : memref<!tpu.dma_semaphore, #tpu.memory_space<semaphore_mem>>)
    %dma_wait3A_328 = arith.constant 2 : i32
    %dma_wait3A_329 = arith.constant 0 : i32
    %dma_wait3A_330 = tpu.memref_slice %arg8[%dma_wait3A_328, %dma_wait3A_329] : memref<4x80xi32, #tpu.memory_space<vmem>> -> memref<1x80xi32, #tpu.memory_space<vmem>>
    %dma_wait3A_331 = tpu.memref_squeeze %dma_wait3A_330 : memref<1x80xi32, #tpu.memory_space<vmem>> -> memref<80xi32, #tpu.memory_space<vmem>>
    %dma_wait3A_332 = arith.constant 0 : i32
    %dma_wait3A_333 = arith.constant 0 : i32
    %dma_wait3A_334 = tpu.memref_slice %arg31[%dma_wait3A_332, %dma_wait3A_333] : memref<513x128xf32, #tpu.memory_space<vmem_shared>> -> memref<513x128xf32, #tpu.memory_space<vmem_shared>>
    tpu.wait_indirect_dma semaphore(%arg23 : memref<!tpu.dma_semaphore, #tpu.memory_space<semaphore_mem>>) src(%dma_wait3A_334 : memref<513x128xf32, #tpu.memory_space<vmem_shared>>) dst(%arg13 : memref<80x128xf32, #tpu.memory_space<vmem>>)
    %dma_wait3A_335 = arith.constant 2 : i32
    %dma_wait3A_336 = arith.constant 0 : i32
    %dma_wait3A_337 = tpu.memref_slice %arg10[%dma_wait3A_335, %dma_wait3A_336] : memref<4x80xi32, #tpu.memory_space<vmem>> -> memref<1x80xi32, #tpu.memory_space<vmem>>
    %dma_wait3A_338 = tpu.memref_squeeze %dma_wait3A_337 : memref<1x80xi32, #tpu.memory_space<vmem>> -> memref<80xi32, #tpu.memory_space<vmem>>
    %dma_wait3A_339 = arith.constant 0 : i32
    %dma_wait3A_340 = arith.constant 0 : i32
    %dma_wait3A_341 = tpu.memref_slice %arg32[%dma_wait3A_339, %dma_wait3A_340] : memref<4620x128xf32, #tpu.memory_space<vmem_shared>> -> memref<4620x128xf32, #tpu.memory_space<vmem_shared>>
    tpu.wait_indirect_dma semaphore(%arg25 : memref<!tpu.dma_semaphore, #tpu.memory_space<semaphore_mem>>) src(%dma_wait3A_341 : memref<4620x128xf32, #tpu.memory_space<vmem_shared>>) dst(%arg15 : memref<80x128xf32, #tpu.memory_space<vmem>>)
    %parallel_loop3A_342 = arith.constant 0 : i32
    %parallel_loop3A_343 = arith.constant 80 : i32
    %parallel_loop3A_344 = arith.constant 1 : i32
    scf.for %parallel_loop3A_451 = %parallel_loop3A_342 to %parallel_loop3A_343 step %parallel_loop3A_344  : i32 {
      %parallel_loop3A_452 = arith.index_cast %parallel_loop3A_451 : i32 to index
      %parallel_loop3A_453 = arith.constant 0 : index
      %parallel_loop3A_454 = tpu.vector_load %arg15[%parallel_loop3A_452, %parallel_loop3A_453] {strides = array<i32>} : memref<80x128xf32, #tpu.memory_space<vmem>>, vector<1x16xf32>,
      %parallel_loop3A_455 = vector.shape_cast %parallel_loop3A_454 : vector<1x16xf32> to vector<16xf32>
      %parallel_loop3A_456 = arith.index_cast %parallel_loop3A_451 : i32 to index
      %parallel_loop3A_457 = arith.constant 0 : index
      %parallel_loop3A_458 = tpu.vector_load %arg13[%parallel_loop3A_456, %parallel_loop3A_457] {strides = array<i32>} : memref<80x128xf32, #tpu.memory_space<vmem>>, vector<1x16xf32>,
      %parallel_loop3A_459 = vector.shape_cast %parallel_loop3A_458 : vector<1x16xf32> to vector<16xf32>
      %parallel_loop3A_460 = vector.shape_cast %parallel_loop3A_455 : vector<16xf32> to vector<1x16xf32>
      tpu.vector_store %arg13[%parallel_loop3A_456, %parallel_loop3A_457], %parallel_loop3A_460 {add = true, strides = array<i32>} : memref<80x128xf32, #tpu.memory_space<vmem>>, vector<1x16xf32>,
      %parallel_loop3A_461 = arith.index_cast %parallel_loop3A_451 : i32 to index
      %parallel_loop3A_462 = arith.constant 16 : index
      %parallel_loop3A_463 = tpu.vector_load %arg15[%parallel_loop3A_461, %parallel_loop3A_462] {strides = array<i32>} : memref<80x128xf32, #tpu.memory_space<vmem>>, vector<1x16xf32>,
      %parallel_loop3A_464 = vector.shape_cast %parallel_loop3A_463 : vector<1x16xf32> to vector<16xf32>
      %parallel_loop3A_465 = arith.index_cast %parallel_loop3A_451 : i32 to index
      %parallel_loop3A_466 = arith.constant 16 : index
      %parallel_loop3A_467 = tpu.vector_load %arg13[%parallel_loop3A_465, %parallel_loop3A_466] {strides = array<i32>} : memref<80x128xf32, #tpu.memory_space<vmem>>, vector<1x16xf32>,
      %parallel_loop3A_468 = vector.shape_cast %parallel_loop3A_467 : vector<1x16xf32> to vector<16xf32>
      %parallel_loop3A_469 = vector.shape_cast %parallel_loop3A_464 : vector<16xf32> to vector<1x16xf32>
      tpu.vector_store %arg13[%parallel_loop3A_465, %parallel_loop3A_466], %parallel_loop3A_469 {add = true, strides = array<i32>} : memref<80x128xf32, #tpu.memory_space<vmem>>, vector<1x16xf32>,
      %parallel_loop3A_470 = arith.index_cast %parallel_loop3A_451 : i32 to index
      %parallel_loop3A_471 = arith.constant 32 : index
      %parallel_loop3A_472 = tpu.vector_load %arg15[%parallel_loop3A_470, %parallel_loop3A_471] {strides = array<i32>} : memref<80x128xf32, #tpu.memory_space<vmem>>, vector<1x16xf32>,
      %parallel_loop3A_473 = vector.shape_cast %parallel_loop3A_472 : vector<1x16xf32> to vector<16xf32>
      %parallel_loop3A_474 = arith.index_cast %parallel_loop3A_451 : i32 to index
      %parallel_loop3A_475 = arith.constant 32 : index
      %parallel_loop3A_476 = tpu.vector_load %arg13[%parallel_loop3A_474, %parallel_loop3A_475] {strides = array<i32>} : memref<80x128xf32, #tpu.memory_space<vmem>>, vector<1x16xf32>,
      %parallel_loop3A_477 = vector.shape_cast %parallel_loop3A_476 : vector<1x16xf32> to vector<16xf32>
      %parallel_loop3A_478 = vector.shape_cast %parallel_loop3A_473 : vector<16xf32> to vector<1x16xf32>
      tpu.vector_store %arg13[%parallel_loop3A_474, %parallel_loop3A_475], %parallel_loop3A_478 {add = true, strides = array<i32>} : memref<80x128xf32, #tpu.memory_space<vmem>>, vector<1x16xf32>,
      %parallel_loop3A_479 = arith.index_cast %parallel_loop3A_451 : i32 to index
      %parallel_loop3A_480 = arith.constant 48 : index
      %parallel_loop3A_481 = tpu.vector_load %arg15[%parallel_loop3A_479, %parallel_loop3A_480] {strides = array<i32>} : memref<80x128xf32, #tpu.memory_space<vmem>>, vector<1x16xf32>,
      %parallel_loop3A_482 = vector.shape_cast %parallel_loop3A_481 : vector<1x16xf32> to vector<16xf32>
      %parallel_loop3A_483 = arith.index_cast %parallel_loop3A_451 : i32 to index
      %parallel_loop3A_484 = arith.constant 48 : index
      %parallel_loop3A_485 = tpu.vector_load %arg13[%parallel_loop3A_483, %parallel_loop3A_484] {strides = array<i32>} : memref<80x128xf32, #tpu.memory_space<vmem>>, vector<1x16xf32>,
      %parallel_loop3A_486 = vector.shape_cast %parallel_loop3A_485 : vector<1x16xf32> to vector<16xf32>
      %parallel_loop3A_487 = vector.shape_cast %parallel_loop3A_482 : vector<16xf32> to vector<1x16xf32>
      tpu.vector_store %arg13[%parallel_loop3A_483, %parallel_loop3A_484], %parallel_loop3A_487 {add = true, strides = array<i32>} : memref<80x128xf32, #tpu.memory_space<vmem>>, vector<1x16xf32>,
      %parallel_loop3A_488 = arith.index_cast %parallel_loop3A_451 : i32 to index
      %parallel_loop3A_489 = arith.constant 64 : index
      %parallel_loop3A_490 = tpu.vector_load %arg15[%parallel_loop3A_488, %parallel_loop3A_489] {strides = array<i32>} : memref<80x128xf32, #tpu.memory_space<vmem>>, vector<1x16xf32>,
      %parallel_loop3A_491 = vector.shape_cast %parallel_loop3A_490 : vector<1x16xf32> to vector<16xf32>
      %parallel_loop3A_492 = arith.index_cast %parallel_loop3A_451 : i32 to index
      %parallel_loop3A_493 = arith.constant 64 : index
      %parallel_loop3A_494 = tpu.vector_load %arg13[%parallel_loop3A_492, %parallel_loop3A_493] {strides = array<i32>} : memref<80x128xf32, #tpu.memory_space<vmem>>, vector<1x16xf32>,
      %parallel_loop3A_495 = vector.shape_cast %parallel_loop3A_494 : vector<1x16xf32> to vector<16xf32>
      %parallel_loop3A_496 = vector.shape_cast %parallel_loop3A_491 : vector<16xf32> to vector<1x16xf32>
      tpu.vector_store %arg13[%parallel_loop3A_492, %parallel_loop3A_493], %parallel_loop3A_496 {add = true, strides = array<i32>} : memref<80x128xf32, #tpu.memory_space<vmem>>, vector<1x16xf32>,
      %parallel_loop3A_497 = arith.index_cast %parallel_loop3A_451 : i32 to index
      %parallel_loop3A_498 = arith.constant 80 : index
      %parallel_loop3A_499 = tpu.vector_load %arg15[%parallel_loop3A_497, %parallel_loop3A_498] {strides = array<i32>} : memref<80x128xf32, #tpu.memory_space<vmem>>, vector<1x16xf32>,
      %parallel_loop3A_500 = vector.shape_cast %parallel_loop3A_499 : vector<1x16xf32> to vector<16xf32>
      %parallel_loop3A_501 = arith.index_cast %parallel_loop3A_451 : i32 to index
      %parallel_loop3A_502 = arith.constant 80 : index
      %parallel_loop3A_503 = tpu.vector_load %arg13[%parallel_loop3A_501, %parallel_loop3A_502] {strides = array<i32>} : memref<80x128xf32, #tpu.memory_space<vmem>>, vector<1x16xf32>,
      %parallel_loop3A_504 = vector.shape_cast %parallel_loop3A_503 : vector<1x16xf32> to vector<16xf32>
      %parallel_loop3A_505 = vector.shape_cast %parallel_loop3A_500 : vector<16xf32> to vector<1x16xf32>
      tpu.vector_store %arg13[%parallel_loop3A_501, %parallel_loop3A_502], %parallel_loop3A_505 {add = true, strides = array<i32>} : memref<80x128xf32, #tpu.memory_space<vmem>>, vector<1x16xf32>,
      %parallel_loop3A_506 = arith.index_cast %parallel_loop3A_451 : i32 to index
      %parallel_loop3A_507 = arith.constant 96 : index
      %parallel_loop3A_508 = tpu.vector_load %arg15[%parallel_loop3A_506, %parallel_loop3A_507] {strides = array<i32>} : memref<80x128xf32, #tpu.memory_space<vmem>>, vector<1x16xf32>,
      %parallel_loop3A_509 = vector.shape_cast %parallel_loop3A_508 : vector<1x16xf32> to vector<16xf32>
      %parallel_loop3A_510 = arith.index_cast %parallel_loop3A_451 : i32 to index
      %parallel_loop3A_511 = arith.constant 96 : index
      %parallel_loop3A_512 = tpu.vector_load %arg13[%parallel_loop3A_510, %parallel_loop3A_511] {strides = array<i32>} : memref<80x128xf32, #tpu.memory_space<vmem>>, vector<1x16xf32>,
      %parallel_loop3A_513 = vector.shape_cast %parallel_loop3A_512 : vector<1x16xf32> to vector<16xf32>
      %parallel_loop3A_514 = vector.shape_cast %parallel_loop3A_509 : vector<16xf32> to vector<1x16xf32>
      tpu.vector_store %arg13[%parallel_loop3A_510, %parallel_loop3A_511], %parallel_loop3A_514 {add = true, strides = array<i32>} : memref<80x128xf32, #tpu.memory_space<vmem>>, vector<1x16xf32>,
      %parallel_loop3A_515 = arith.index_cast %parallel_loop3A_451 : i32 to index
      %parallel_loop3A_516 = arith.constant 112 : index
      %parallel_loop3A_517 = tpu.vector_load %arg15[%parallel_loop3A_515, %parallel_loop3A_516] {strides = array<i32>} : memref<80x128xf32, #tpu.memory_space<vmem>>, vector<1x16xf32>,
      %parallel_loop3A_518 = vector.shape_cast %parallel_loop3A_517 : vector<1x16xf32> to vector<16xf32>
      %parallel_loop3A_519 = arith.index_cast %parallel_loop3A_451 : i32 to index
      %parallel_loop3A_520 = arith.constant 112 : index
      %parallel_loop3A_521 = tpu.vector_load %arg13[%parallel_loop3A_519, %parallel_loop3A_520] {strides = array<i32>} : memref<80x128xf32, #tpu.memory_space<vmem>>, vector<1x16xf32>,
      %parallel_loop3A_522 = vector.shape_cast %parallel_loop3A_521 : vector<1x16xf32> to vector<16xf32>
      %parallel_loop3A_523 = vector.shape_cast %parallel_loop3A_518 : vector<16xf32> to vector<1x16xf32>
      tpu.vector_store %arg13[%parallel_loop3A_519, %parallel_loop3A_520], %parallel_loop3A_523 {add = true, strides = array<i32>} : memref<80x128xf32, #tpu.memory_space<vmem>>, vector<1x16xf32>,
    } {sc.loop_unroll_factor = 4 : i64, sc.parallel_access}
    %add3A_345 = arith.constant 320 : i32
    %add3A_346 = arith.addi %mul3A_4, %add3A_345 : i32
    %dma_wait3A_347 = arith.constant 0 : i32
    %dma_wait3A_348 = tpu.memref_slice %arg6[%add3A_346, %dma_wait3A_347] : memref<819200x128xf32, #tpu.memory_space<hbm>> -> memref<80x128xf32, #tpu.memory_space<hbm>>
    %dma_wait3A_349 = arith.constant 0 : i32
    %dma_wait3A_350 = tpu.memref_slice %arg6[%add3A_346, %dma_wait3A_349] : memref<819200x128xf32, #tpu.memory_space<hbm>> -> memref<80x128xf32, #tpu.memory_space<hbm>>
    tpu.wait_dma2 semaphore(%arg27 : memref<!tpu.dma_semaphore, #tpu.memory_space<semaphore_mem>>) src(%arg11 : memref<80x128xf32, #tpu.memory_space<vmem>>) dst(%dma_wait3A_350 : memref<80x128xf32, #tpu.memory_space<hbm>>)
    %add3A_351 = arith.constant 8 : i32
    %add3A_352 = arith.addi %mul3A_2, %add3A_351 : i32
    %dma_wait3A_353 = arith.constant 0 : i32
    %dma_wait3A_354 = tpu.memref_slice %arg4[%add3A_352, %dma_wait3A_353] : memref<10240x80xi32, #tpu.memory_space<hbm>> -> memref<4x80xi32, #tpu.memory_space<hbm>>
    %dma_wait3A_355 = arith.constant 0 : i32
    %dma_wait3A_356 = tpu.memref_slice %arg4[%add3A_352, %dma_wait3A_355] : memref<10240x80xi32, #tpu.memory_space<hbm>> -> memref<4x80xi32, #tpu.memory_space<hbm>>
    tpu.wait_dma2 semaphore(%arg17 : memref<!tpu.dma_semaphore, #tpu.memory_space<semaphore_mem>>) src(%dma_wait3A_356 : memref<4x80xi32, #tpu.memory_space<hbm>>) dst(%arg7 : memref<4x80xi32, #tpu.memory_space<vmem>>)
    %dma_wait3A_357 = arith.constant 0 : i32
    %dma_wait3A_358 = tpu.memref_slice %arg5[%add3A_352, %dma_wait3A_357] : memref<10240x80xi32, #tpu.memory_space<hbm>> -> memref<4x80xi32, #tpu.memory_space<hbm>>
    %dma_wait3A_359 = arith.constant 0 : i32
    %dma_wait3A_360 = tpu.memref_slice %arg5[%add3A_352, %dma_wait3A_359] : memref<10240x80xi32, #tpu.memory_space<hbm>> -> memref<4x80xi32, #tpu.memory_space<hbm>>
    tpu.wait_dma2 semaphore(%arg19 : memref<!tpu.dma_semaphore, #tpu.memory_space<semaphore_mem>>) src(%dma_wait3A_360 : memref<4x80xi32, #tpu.memory_space<hbm>>) dst(%arg9 : memref<4x80xi32, #tpu.memory_space<vmem>>)
    %dma_start3A_361 = arith.constant 0 : i32
    %dma_start3A_362 = arith.constant 0 : i32
    %dma_start3A_363 = tpu.memref_slice %arg7[%dma_start3A_361, %dma_start3A_362] : memref<4x80xi32, #tpu.memory_space<vmem>> -> memref<1x80xi32, #tpu.memory_space<vmem>>
    %dma_start3A_364 = tpu.memref_squeeze %dma_start3A_363 : memref<1x80xi32, #tpu.memory_space<vmem>> -> memref<80xi32, #tpu.memory_space<vmem>>
    %dma_start3A_365 = arith.constant 0 : i32
    %dma_start3A_366 = arith.constant 0 : i32
    %dma_start3A_367 = tpu.memref_slice %arg31[%dma_start3A_365, %dma_start3A_366] : memref<513x128xf32, #tpu.memory_space<vmem_shared>> -> memref<513x128xf32, #tpu.memory_space<vmem_shared>>
    tpu.enqueue_indirect_dma source(%dma_start3A_367 : memref<513x128xf32, #tpu.memory_space<vmem_shared>>) target(%arg11 : memref<80x128xf32, #tpu.memory_space<vmem>>) offsets(%dma_start3A_364 : memref<80xi32, #tpu.memory_space<vmem>>) semaphore(%arg21 : memref<!tpu.dma_semaphore, #tpu.memory_space<semaphore_mem>>)
    %dma_start3A_368 = arith.constant 0 : i32
    %dma_start3A_369 = arith.constant 0 : i32
    %dma_start3A_370 = tpu.memref_slice %arg9[%dma_start3A_368, %dma_start3A_369] : memref<4x80xi32, #tpu.memory_space<vmem>> -> memref<1x80xi32, #tpu.memory_space<vmem>>
    %dma_start3A_371 = tpu.memref_squeeze %dma_start3A_370 : memref<1x80xi32, #tpu.memory_space<vmem>> -> memref<80xi32, #tpu.memory_space<vmem>>
    %dma_start3A_372 = arith.constant 0 : i32
    %dma_start3A_373 = arith.constant 0 : i32
    %dma_start3A_374 = tpu.memref_slice %arg32[%dma_start3A_372, %dma_start3A_373] : memref<4620x128xf32, #tpu.memory_space<vmem_shared>> -> memref<4620x128xf32, #tpu.memory_space<vmem_shared>>
    tpu.enqueue_indirect_dma source(%dma_start3A_374 : memref<4620x128xf32, #tpu.memory_space<vmem_shared>>) target(%arg15 : memref<80x128xf32, #tpu.memory_space<vmem>>) offsets(%dma_start3A_371 : memref<80xi32, #tpu.memory_space<vmem>>) semaphore(%arg25 : memref<!tpu.dma_semaphore, #tpu.memory_space<semaphore_mem>>)
    %add3A_375 = arith.constant 480 : i32
    %add3A_376 = arith.addi %mul3A_4, %add3A_375 : i32
    %dma_start3A_377 = arith.constant 0 : i32
    %dma_start3A_378 = tpu.memref_slice %arg6[%add3A_376, %dma_start3A_377] : memref<819200x128xf32, #tpu.memory_space<hbm>> -> memref<80x128xf32, #tpu.memory_space<hbm>>
    %dma_start3A_379 = arith.constant 0 : i32
    %dma_start3A_380 = tpu.memref_slice %arg6[%add3A_376, %dma_start3A_379] : memref<819200x128xf32, #tpu.memory_space<hbm>> -> memref<80x128xf32, #tpu.memory_space<hbm>>
    tpu.enqueue_dma source(%arg13 : memref<80x128xf32, #tpu.memory_space<vmem>>) target(%dma_start3A_380 : memref<80x128xf32, #tpu.memory_space<hbm>>) target_semaphore(%arg29 : memref<!tpu.dma_semaphore, #tpu.memory_space<semaphore_mem>>)
    %dma_wait3A_381 = arith.constant 3 : i32
    %dma_wait3A_382 = arith.constant 0 : i32
    %dma_wait3A_383 = tpu.memref_slice %arg8[%dma_wait3A_381, %dma_wait3A_382] : memref<4x80xi32, #tpu.memory_space<vmem>> -> memref<1x80xi32, #tpu.memory_space<vmem>>
    %dma_wait3A_384 = tpu.memref_squeeze %dma_wait3A_383 : memref<1x80xi32, #tpu.memory_space<vmem>> -> memref<80xi32, #tpu.memory_space<vmem>>
    %dma_wait3A_385 = arith.constant 0 : i32
    %dma_wait3A_386 = arith.constant 0 : i32
    %dma_wait3A_387 = tpu.memref_slice %arg31[%dma_wait3A_385, %dma_wait3A_386] : memref<513x128xf32, #tpu.memory_space<vmem_shared>> -> memref<513x128xf32, #tpu.memory_space<vmem_shared>>
    tpu.wait_indirect_dma semaphore(%arg24 : memref<!tpu.dma_semaphore, #tpu.memory_space<semaphore_mem>>) src(%dma_wait3A_387 : memref<513x128xf32, #tpu.memory_space<vmem_shared>>) dst(%arg14 : memref<80x128xf32, #tpu.memory_space<vmem>>)
    %dma_wait3A_388 = arith.constant 3 : i32
    %dma_wait3A_389 = arith.constant 0 : i32
    %dma_wait3A_390 = tpu.memref_slice %arg10[%dma_wait3A_388, %dma_wait3A_389] : memref<4x80xi32, #tpu.memory_space<vmem>> -> memref<1x80xi32, #tpu.memory_space<vmem>>
    %dma_wait3A_391 = tpu.memref_squeeze %dma_wait3A_390 : memref<1x80xi32, #tpu.memory_space<vmem>> -> memref<80xi32, #tpu.memory_space<vmem>>
    %dma_wait3A_392 = arith.constant 0 : i32
    %dma_wait3A_393 = arith.constant 0 : i32
    %dma_wait3A_394 = tpu.memref_slice %arg32[%dma_wait3A_392, %dma_wait3A_393] : memref<4620x128xf32, #tpu.memory_space<vmem_shared>> -> memref<4620x128xf32, #tpu.memory_space<vmem_shared>>
    tpu.wait_indirect_dma semaphore(%arg26 : memref<!tpu.dma_semaphore, #tpu.memory_space<semaphore_mem>>) src(%dma_wait3A_394 : memref<4620x128xf32, #tpu.memory_space<vmem_shared>>) dst(%arg16 : memref<80x128xf32, #tpu.memory_space<vmem>>)
    %parallel_loop3A_395 = arith.constant 0 : i32
    %parallel_loop3A_396 = arith.constant 80 : i32
    %parallel_loop3A_397 = arith.constant 1 : i32
    scf.for %parallel_loop3A_451 = %parallel_loop3A_395 to %parallel_loop3A_396 step %parallel_loop3A_397  : i32 {
      %parallel_loop3A_452 = arith.index_cast %parallel_loop3A_451 : i32 to index
      %parallel_loop3A_453 = arith.constant 0 : index
      %parallel_loop3A_454 = tpu.vector_load %arg16[%parallel_loop3A_452, %parallel_loop3A_453] {strides = array<i32>} : memref<80x128xf32, #tpu.memory_space<vmem>>, vector<1x16xf32>,
      %parallel_loop3A_455 = vector.shape_cast %parallel_loop3A_454 : vector<1x16xf32> to vector<16xf32>
      %parallel_loop3A_456 = arith.index_cast %parallel_loop3A_451 : i32 to index
      %parallel_loop3A_457 = arith.constant 0 : index
      %parallel_loop3A_458 = tpu.vector_load %arg14[%parallel_loop3A_456, %parallel_loop3A_457] {strides = array<i32>} : memref<80x128xf32, #tpu.memory_space<vmem>>, vector<1x16xf32>,
      %parallel_loop3A_459 = vector.shape_cast %parallel_loop3A_458 : vector<1x16xf32> to vector<16xf32>
      %parallel_loop3A_460 = vector.shape_cast %parallel_loop3A_455 : vector<16xf32> to vector<1x16xf32>
      tpu.vector_store %arg14[%parallel_loop3A_456, %parallel_loop3A_457], %parallel_loop3A_460 {add = true, strides = array<i32>} : memref<80x128xf32, #tpu.memory_space<vmem>>, vector<1x16xf32>,
      %parallel_loop3A_461 = arith.index_cast %parallel_loop3A_451 : i32 to index
      %parallel_loop3A_462 = arith.constant 16 : index
      %parallel_loop3A_463 = tpu.vector_load %arg16[%parallel_loop3A_461, %parallel_loop3A_462] {strides = array<i32>} : memref<80x128xf32, #tpu.memory_space<vmem>>, vector<1x16xf32>,
      %parallel_loop3A_464 = vector.shape_cast %parallel_loop3A_463 : vector<1x16xf32> to vector<16xf32>
      %parallel_loop3A_465 = arith.index_cast %parallel_loop3A_451 : i32 to index
      %parallel_loop3A_466 = arith.constant 16 : index
      %parallel_loop3A_467 = tpu.vector_load %arg14[%parallel_loop3A_465, %parallel_loop3A_466] {strides = array<i32>} : memref<80x128xf32, #tpu.memory_space<vmem>>, vector<1x16xf32>,
      %parallel_loop3A_468 = vector.shape_cast %parallel_loop3A_467 : vector<1x16xf32> to vector<16xf32>
      %parallel_loop3A_469 = vector.shape_cast %parallel_loop3A_464 : vector<16xf32> to vector<1x16xf32>
      tpu.vector_store %arg14[%parallel_loop3A_465, %parallel_loop3A_466], %parallel_loop3A_469 {add = true, strides = array<i32>} : memref<80x128xf32, #tpu.memory_space<vmem>>, vector<1x16xf32>,
      %parallel_loop3A_470 = arith.index_cast %parallel_loop3A_451 : i32 to index
      %parallel_loop3A_471 = arith.constant 32 : index
      %parallel_loop3A_472 = tpu.vector_load %arg16[%parallel_loop3A_470, %parallel_loop3A_471] {strides = array<i32>} : memref<80x128xf32, #tpu.memory_space<vmem>>, vector<1x16xf32>,
      %parallel_loop3A_473 = vector.shape_cast %parallel_loop3A_472 : vector<1x16xf32> to vector<16xf32>
      %parallel_loop3A_474 = arith.index_cast %parallel_loop3A_451 : i32 to index
      %parallel_loop3A_475 = arith.constant 32 : index
      %parallel_loop3A_476 = tpu.vector_load %arg14[%parallel_loop3A_474, %parallel_loop3A_475] {strides = array<i32>} : memref<80x128xf32, #tpu.memory_space<vmem>>, vector<1x16xf32>,
      %parallel_loop3A_477 = vector.shape_cast %parallel_loop3A_476 : vector<1x16xf32> to vector<16xf32>
      %parallel_loop3A_478 = vector.shape_cast %parallel_loop3A_473 : vector<16xf32> to vector<1x16xf32>
      tpu.vector_store %arg14[%parallel_loop3A_474, %parallel_loop3A_475], %parallel_loop3A_478 {add = true, strides = array<i32>} : memref<80x128xf32, #tpu.memory_space<vmem>>, vector<1x16xf32>,
      %parallel_loop3A_479 = arith.index_cast %parallel_loop3A_451 : i32 to index
      %parallel_loop3A_480 = arith.constant 48 : index
      %parallel_loop3A_481 = tpu.vector_load %arg16[%parallel_loop3A_479, %parallel_loop3A_480] {strides = array<i32>} : memref<80x128xf32, #tpu.memory_space<vmem>>, vector<1x16xf32>,
      %parallel_loop3A_482 = vector.shape_cast %parallel_loop3A_481 : vector<1x16xf32> to vector<16xf32>
      %parallel_loop3A_483 = arith.index_cast %parallel_loop3A_451 : i32 to index
      %parallel_loop3A_484 = arith.constant 48 : index
      %parallel_loop3A_485 = tpu.vector_load %arg14[%parallel_loop3A_483, %parallel_loop3A_484] {strides = array<i32>} : memref<80x128xf32, #tpu.memory_space<vmem>>, vector<1x16xf32>,
      %parallel_loop3A_486 = vector.shape_cast %parallel_loop3A_485 : vector<1x16xf32> to vector<16xf32>
      %parallel_loop3A_487 = vector.shape_cast %parallel_loop3A_482 : vector<16xf32> to vector<1x16xf32>
      tpu.vector_store %arg14[%parallel_loop3A_483, %parallel_loop3A_484], %parallel_loop3A_487 {add = true, strides = array<i32>} : memref<80x128xf32, #tpu.memory_space<vmem>>, vector<1x16xf32>,
      %parallel_loop3A_488 = arith.index_cast %parallel_loop3A_451 : i32 to index
      %parallel_loop3A_489 = arith.constant 64 : index
      %parallel_loop3A_490 = tpu.vector_load %arg16[%parallel_loop3A_488, %parallel_loop3A_489] {strides = array<i32>} : memref<80x128xf32, #tpu.memory_space<vmem>>, vector<1x16xf32>,
      %parallel_loop3A_491 = vector.shape_cast %parallel_loop3A_490 : vector<1x16xf32> to vector<16xf32>
      %parallel_loop3A_492 = arith.index_cast %parallel_loop3A_451 : i32 to index
      %parallel_loop3A_493 = arith.constant 64 : index
      %parallel_loop3A_494 = tpu.vector_load %arg14[%parallel_loop3A_492, %parallel_loop3A_493] {strides = array<i32>} : memref<80x128xf32, #tpu.memory_space<vmem>>, vector<1x16xf32>,
      %parallel_loop3A_495 = vector.shape_cast %parallel_loop3A_494 : vector<1x16xf32> to vector<16xf32>
      %parallel_loop3A_496 = vector.shape_cast %parallel_loop3A_491 : vector<16xf32> to vector<1x16xf32>
      tpu.vector_store %arg14[%parallel_loop3A_492, %parallel_loop3A_493], %parallel_loop3A_496 {add = true, strides = array<i32>} : memref<80x128xf32, #tpu.memory_space<vmem>>, vector<1x16xf32>,
      %parallel_loop3A_497 = arith.index_cast %parallel_loop3A_451 : i32 to index
      %parallel_loop3A_498 = arith.constant 80 : index
      %parallel_loop3A_499 = tpu.vector_load %arg16[%parallel_loop3A_497, %parallel_loop3A_498] {strides = array<i32>} : memref<80x128xf32, #tpu.memory_space<vmem>>, vector<1x16xf32>,
      %parallel_loop3A_500 = vector.shape_cast %parallel_loop3A_499 : vector<1x16xf32> to vector<16xf32>
      %parallel_loop3A_501 = arith.index_cast %parallel_loop3A_451 : i32 to index
      %parallel_loop3A_502 = arith.constant 80 : index
      %parallel_loop3A_503 = tpu.vector_load %arg14[%parallel_loop3A_501, %parallel_loop3A_502] {strides = array<i32>} : memref<80x128xf32, #tpu.memory_space<vmem>>, vector<1x16xf32>,
      %parallel_loop3A_504 = vector.shape_cast %parallel_loop3A_503 : vector<1x16xf32> to vector<16xf32>
      %parallel_loop3A_505 = vector.shape_cast %parallel_loop3A_500 : vector<16xf32> to vector<1x16xf32>
      tpu.vector_store %arg14[%parallel_loop3A_501, %parallel_loop3A_502], %parallel_loop3A_505 {add = true, strides = array<i32>} : memref<80x128xf32, #tpu.memory_space<vmem>>, vector<1x16xf32>,
      %parallel_loop3A_506 = arith.index_cast %parallel_loop3A_451 : i32 to index
      %parallel_loop3A_507 = arith.constant 96 : index
      %parallel_loop3A_508 = tpu.vector_load %arg16[%parallel_loop3A_506, %parallel_loop3A_507] {strides = array<i32>} : memref<80x128xf32, #tpu.memory_space<vmem>>, vector<1x16xf32>,
      %parallel_loop3A_509 = vector.shape_cast %parallel_loop3A_508 : vector<1x16xf32> to vector<16xf32>
      %parallel_loop3A_510 = arith.index_cast %parallel_loop3A_451 : i32 to index
      %parallel_loop3A_511 = arith.constant 96 : index
      %parallel_loop3A_512 = tpu.vector_load %arg14[%parallel_loop3A_510, %parallel_loop3A_511] {strides = array<i32>} : memref<80x128xf32, #tpu.memory_space<vmem>>, vector<1x16xf32>,
      %parallel_loop3A_513 = vector.shape_cast %parallel_loop3A_512 : vector<1x16xf32> to vector<16xf32>
      %parallel_loop3A_514 = vector.shape_cast %parallel_loop3A_509 : vector<16xf32> to vector<1x16xf32>
      tpu.vector_store %arg14[%parallel_loop3A_510, %parallel_loop3A_511], %parallel_loop3A_514 {add = true, strides = array<i32>} : memref<80x128xf32, #tpu.memory_space<vmem>>, vector<1x16xf32>,
      %parallel_loop3A_515 = arith.index_cast %parallel_loop3A_451 : i32 to index
      %parallel_loop3A_516 = arith.constant 112 : index
      %parallel_loop3A_517 = tpu.vector_load %arg16[%parallel_loop3A_515, %parallel_loop3A_516] {strides = array<i32>} : memref<80x128xf32, #tpu.memory_space<vmem>>, vector<1x16xf32>,
      %parallel_loop3A_518 = vector.shape_cast %parallel_loop3A_517 : vector<1x16xf32> to vector<16xf32>
      %parallel_loop3A_519 = arith.index_cast %parallel_loop3A_451 : i32 to index
      %parallel_loop3A_520 = arith.constant 112 : index
      %parallel_loop3A_521 = tpu.vector_load %arg14[%parallel_loop3A_519, %parallel_loop3A_520] {strides = array<i32>} : memref<80x128xf32, #tpu.memory_space<vmem>>, vector<1x16xf32>,
      %parallel_loop3A_522 = vector.shape_cast %parallel_loop3A_521 : vector<1x16xf32> to vector<16xf32>
      %parallel_loop3A_523 = vector.shape_cast %parallel_loop3A_518 : vector<16xf32> to vector<1x16xf32>
      tpu.vector_store %arg14[%parallel_loop3A_519, %parallel_loop3A_520], %parallel_loop3A_523 {add = true, strides = array<i32>} : memref<80x128xf32, #tpu.memory_space<vmem>>, vector<1x16xf32>,
    } {sc.loop_unroll_factor = 4 : i64, sc.parallel_access}
    %add3A_398 = arith.constant 400 : i32
    %add3A_399 = arith.addi %mul3A_4, %add3A_398 : i32
    %dma_wait3A_400 = arith.constant 0 : i32
    %dma_wait3A_401 = tpu.memref_slice %arg6[%add3A_399, %dma_wait3A_400] : memref<819200x128xf32, #tpu.memory_space<hbm>> -> memref<80x128xf32, #tpu.memory_space<hbm>>
    %dma_wait3A_402 = arith.constant 0 : i32
    %dma_wait3A_403 = tpu.memref_slice %arg6[%add3A_399, %dma_wait3A_402] : memref<819200x128xf32, #tpu.memory_space<hbm>> -> memref<80x128xf32, #tpu.memory_space<hbm>>
    tpu.wait_dma2 semaphore(%arg28 : memref<!tpu.dma_semaphore, #tpu.memory_space<semaphore_mem>>) src(%arg12 : memref<80x128xf32, #tpu.memory_space<vmem>>) dst(%dma_wait3A_403 : memref<80x128xf32, #tpu.memory_space<hbm>>)
    %dma_start3A_404 = arith.constant 1 : i32
    %dma_start3A_405 = arith.constant 0 : i32
    %dma_start3A_406 = tpu.memref_slice %arg7[%dma_start3A_404, %dma_start3A_405] : memref<4x80xi32, #tpu.memory_space<vmem>> -> memref<1x80xi32, #tpu.memory_space<vmem>>
    %dma_start3A_407 = tpu.memref_squeeze %dma_start3A_406 : memref<1x80xi32, #tpu.memory_space<vmem>> -> memref<80xi32, #tpu.memory_space<vmem>>
    %dma_start3A_408 = arith.constant 0 : i32
    %dma_start3A_409 = arith.constant 0 : i32
    %dma_start3A_410 = tpu.memref_slice %arg31[%dma_start3A_408, %dma_start3A_409] : memref<513x128xf32, #tpu.memory_space<vmem_shared>> -> memref<513x128xf32, #tpu.memory_space<vmem_shared>>
    tpu.enqueue_indirect_dma source(%dma_start3A_410 : memref<513x128xf32, #tpu.memory_space<vmem_shared>>) target(%arg12 : memref<80x128xf32, #tpu.memory_space<vmem>>) offsets(%dma_start3A_407 : memref<80xi32, #tpu.memory_space<vmem>>) semaphore(%arg22 : memref<!tpu.dma_semaphore, #tpu.memory_space<semaphore_mem>>)
    %dma_start3A_411 = arith.constant 1 : i32
    %dma_start3A_412 = arith.constant 0 : i32
    %dma_start3A_413 = tpu.memref_slice %arg9[%dma_start3A_411, %dma_start3A_412] : memref<4x80xi32, #tpu.memory_space<vmem>> -> memref<1x80xi32, #tpu.memory_space<vmem>>
    %dma_start3A_414 = tpu.memref_squeeze %dma_start3A_413 : memref<1x80xi32, #tpu.memory_space<vmem>> -> memref<80xi32, #tpu.memory_space<vmem>>
    %dma_start3A_415 = arith.constant 0 : i32
    %dma_start3A_416 = arith.constant 0 : i32
    %dma_start3A_417 = tpu.memref_slice %arg32[%dma_start3A_415, %dma_start3A_416] : memref<4620x128xf32, #tpu.memory_space<vmem_shared>> -> memref<4620x128xf32, #tpu.memory_space<vmem_shared>>
    tpu.enqueue_indirect_dma source(%dma_start3A_417 : memref<4620x128xf32, #tpu.memory_space<vmem_shared>>) target(%arg16 : memref<80x128xf32, #tpu.memory_space<vmem>>) offsets(%dma_start3A_414 : memref<80xi32, #tpu.memory_space<vmem>>) semaphore(%arg26 : memref<!tpu.dma_semaphore, #tpu.memory_space<semaphore_mem>>)
    %add3A_418 = arith.constant 560 : i32
    %add3A_419 = arith.addi %mul3A_4, %add3A_418 : i32
    %dma_start3A_420 = arith.constant 0 : i32
    %dma_start3A_421 = tpu.memref_slice %arg6[%add3A_419, %dma_start3A_420] : memref<819200x128xf32, #tpu.memory_space<hbm>> -> memref<80x128xf32, #tpu.memory_space<hbm>>
    %dma_start3A_422 = arith.constant 0 : i32
    %dma_start3A_423 = tpu.memref_slice %arg6[%add3A_419, %dma_start3A_422] : memref<819200x128xf32, #tpu.memory_space<hbm>> -> memref<80x128xf32, #tpu.memory_space<hbm>>
    tpu.enqueue_dma source(%arg14 : memref<80x128xf32, #tpu.memory_space<vmem>>) target(%dma_start3A_423 : memref<80x128xf32, #tpu.memory_space<hbm>>) target_semaphore(%arg30 : memref<!tpu.dma_semaphore, #tpu.memory_space<semaphore_mem>>)
    %add3A_424 = arith.constant 12 : i32
    %add3A_425 = arith.addi %mul3A_2, %add3A_424 : i32
    %dma_start3A_426 = arith.constant 0 : i32
    %dma_start3A_427 = tpu.memref_slice %arg4[%add3A_425, %dma_start3A_426] : memref<10240x80xi32, #tpu.memory_space<hbm>> -> memref<4x80xi32, #tpu.memory_space<hbm>>
    %dma_start3A_428 = arith.constant 0 : i32
    %dma_start3A_429 = tpu.memref_slice %arg4[%add3A_425, %dma_start3A_428] : memref<10240x80xi32, #tpu.memory_space<hbm>> -> memref<4x80xi32, #tpu.memory_space<hbm>>
    tpu.enqueue_dma source(%dma_start3A_429 : memref<4x80xi32, #tpu.memory_space<hbm>>) target(%arg8 : memref<4x80xi32, #tpu.memory_space<vmem>>) target_semaphore(%arg18 : memref<!tpu.dma_semaphore, #tpu.memory_space<semaphore_mem>>)
    %dma_start3A_430 = arith.constant 0 : i32
    %dma_start3A_431 = tpu.memref_slice %arg5[%add3A_425, %dma_start3A_430] : memref<10240x80xi32, #tpu.memory_space<hbm>> -> memref<4x80xi32, #tpu.memory_space<hbm>>
    %dma_start3A_432 = arith.constant 0 : i32
    %dma_start3A_433 = tpu.memref_slice %arg5[%add3A_425, %dma_start3A_432] : memref<10240x80xi32, #tpu.memory_space<hbm>> -> memref<4x80xi32, #tpu.memory_space<hbm>>
    tpu.enqueue_dma source(%dma_start3A_433 : memref<4x80xi32, #tpu.memory_space<hbm>>) target(%arg10 : memref<4x80xi32, #tpu.memory_space<vmem>>) target_semaphore(%arg20 : memref<!tpu.dma_semaphore, #tpu.memory_space<semaphore_mem>>)
    %scan3A = arith.constant 0 : i32
    %scan3A_434 = arith.constant 1 : i32
    %scan3A_435 = arith.constant 39 : i32
    %scan3A_436 = arith.addi %scan3A_434, %scan3A_435 : i32
    %scan3A_437 = arith.constant 1 : i32
    scf.for %scan3A_451 = %scan3A_434 to %scan3A_436 step %scan3A_437  : i32 {
      %mul3A_452 = arith.constant 8 : i32
      %mul3A_453 = arith.muli %mul3A_452, %scan3A_451 : i32
      %add3A_454 = arith.constant 0 : i32
      %add3A_455 = arith.addi %mul3A_453, %add3A_454 : i32
      %add3A_456 = arith.constant 0 : i32
      %add3A_457 = arith.addi %add3A_455, %add3A_456 : i32
      %dma_wait3A_458 = arith.constant 0 : i32
      %dma_wait3A_459 = arith.constant 0 : i32
      %dma_wait3A_460 = tpu.memref_slice %arg7[%dma_wait3A_458, %dma_wait3A_459] : memref<4x80xi32, #tpu.memory_space<vmem>> -> memref<1x80xi32, #tpu.memory_space<vmem>>
      %dma_wait3A_461 = tpu.memref_squeeze %dma_wait3A_460 : memref<1x80xi32, #tpu.memory_space<vmem>> -> memref<80xi32, #tpu.memory_space<vmem>>
      %dma_wait3A_462 = arith.constant 0 : i32
      %dma_wait3A_463 = arith.constant 0 : i32
      %dma_wait3A_464 = tpu.memref_slice %arg31[%dma_wait3A_462, %dma_wait3A_463] : memref<513x128xf32, #tpu.memory_space<vmem_shared>> -> memref<513x128xf32, #tpu.memory_space<vmem_shared>>
      tpu.wait_indirect_dma semaphore(%arg21 : memref<!tpu.dma_semaphore, #tpu.memory_space<semaphore_mem>>) src(%dma_wait3A_464 : memref<513x128xf32, #tpu.memory_space<vmem_shared>>) dst(%arg11 : memref<80x128xf32, #tpu.memory_space<vmem>>)
      %dma_wait3A_465 = arith.constant 0 : i32
      %dma_wait3A_466 = arith.constant 0 : i32
      %dma_wait3A_467 = tpu.memref_slice %arg9[%dma_wait3A_465, %dma_wait3A_466] : memref<4x80xi32, #tpu.memory_space<vmem>> -> memref<1x80xi32, #tpu.memory_space<vmem>>
      %dma_wait3A_468 = tpu.memref_squeeze %dma_wait3A_467 : memref<1x80xi32, #tpu.memory_space<vmem>> -> memref<80xi32, #tpu.memory_space<vmem>>
      %dma_wait3A_469 = arith.constant 0 : i32
      %dma_wait3A_470 = arith.constant 0 : i32
      %dma_wait3A_471 = tpu.memref_slice %arg32[%dma_wait3A_469, %dma_wait3A_470] : memref<4620x128xf32, #tpu.memory_space<vmem_shared>> -> memref<4620x128xf32, #tpu.memory_space<vmem_shared>>
      tpu.wait_indirect_dma semaphore(%arg25 : memref<!tpu.dma_semaphore, #tpu.memory_space<semaphore_mem>>) src(%dma_wait3A_471 : memref<4620x128xf32, #tpu.memory_space<vmem_shared>>) dst(%arg15 : memref<80x128xf32, #tpu.memory_space<vmem>>)
      %parallel_loop3A_472 = arith.constant 0 : i32
      %parallel_loop3A_473 = arith.constant 80 : i32
      %parallel_loop3A_474 = arith.constant 1 : i32
      scf.for %parallel_loop3A_840 = %parallel_loop3A_472 to %parallel_loop3A_473 step %parallel_loop3A_474  : i32 {
        %parallel_loop3A_841 = arith.index_cast %parallel_loop3A_840 : i32 to index
        %parallel_loop3A_842 = arith.constant 0 : index
        %parallel_loop3A_843 = tpu.vector_load %arg15[%parallel_loop3A_841, %parallel_loop3A_842] {strides = array<i32>} : memref<80x128xf32, #tpu.memory_space<vmem>>, vector<1x16xf32>,
        %parallel_loop3A_844 = vector.shape_cast %parallel_loop3A_843 : vector<1x16xf32> to vector<16xf32>
        %parallel_loop3A_845 = arith.index_cast %parallel_loop3A_840 : i32 to index
        %parallel_loop3A_846 = arith.constant 0 : index
        %parallel_loop3A_847 = tpu.vector_load %arg11[%parallel_loop3A_845, %parallel_loop3A_846] {strides = array<i32>} : memref<80x128xf32, #tpu.memory_space<vmem>>, vector<1x16xf32>,
        %parallel_loop3A_848 = vector.shape_cast %parallel_loop3A_847 : vector<1x16xf32> to vector<16xf32>
        %parallel_loop3A_849 = vector.shape_cast %parallel_loop3A_844 : vector<16xf32> to vector<1x16xf32>
        tpu.vector_store %arg11[%parallel_loop3A_845, %parallel_loop3A_846], %parallel_loop3A_849 {add = true, strides = array<i32>} : memref<80x128xf32, #tpu.memory_space<vmem>>, vector<1x16xf32>,
        %parallel_loop3A_850 = arith.index_cast %parallel_loop3A_840 : i32 to index
        %parallel_loop3A_851 = arith.constant 16 : index
        %parallel_loop3A_852 = tpu.vector_load %arg15[%parallel_loop3A_850, %parallel_loop3A_851] {strides = array<i32>} : memref<80x128xf32, #tpu.memory_space<vmem>>, vector<1x16xf32>,
        %parallel_loop3A_853 = vector.shape_cast %parallel_loop3A_852 : vector<1x16xf32> to vector<16xf32>
        %parallel_loop3A_854 = arith.index_cast %parallel_loop3A_840 : i32 to index
        %parallel_loop3A_855 = arith.constant 16 : index
        %parallel_loop3A_856 = tpu.vector_load %arg11[%parallel_loop3A_854, %parallel_loop3A_855] {strides = array<i32>} : memref<80x128xf32, #tpu.memory_space<vmem>>, vector<1x16xf32>,
        %parallel_loop3A_857 = vector.shape_cast %parallel_loop3A_856 : vector<1x16xf32> to vector<16xf32>
        %parallel_loop3A_858 = vector.shape_cast %parallel_loop3A_853 : vector<16xf32> to vector<1x16xf32>
        tpu.vector_store %arg11[%parallel_loop3A_854, %parallel_loop3A_855], %parallel_loop3A_858 {add = true, strides = array<i32>} : memref<80x128xf32, #tpu.memory_space<vmem>>, vector<1x16xf32>,
        %parallel_loop3A_859 = arith.index_cast %parallel_loop3A_840 : i32 to index
        %parallel_loop3A_860 = arith.constant 32 : index
        %parallel_loop3A_861 = tpu.vector_load %arg15[%parallel_loop3A_859, %parallel_loop3A_860] {strides = array<i32>} : memref<80x128xf32, #tpu.memory_space<vmem>>, vector<1x16xf32>,
        %parallel_loop3A_862 = vector.shape_cast %parallel_loop3A_861 : vector<1x16xf32> to vector<16xf32>
        %parallel_loop3A_863 = arith.index_cast %parallel_loop3A_840 : i32 to index
        %parallel_loop3A_864 = arith.constant 32 : index
        %parallel_loop3A_865 = tpu.vector_load %arg11[%parallel_loop3A_863, %parallel_loop3A_864] {strides = array<i32>} : memref<80x128xf32, #tpu.memory_space<vmem>>, vector<1x16xf32>,
        %parallel_loop3A_866 = vector.shape_cast %parallel_loop3A_865 : vector<1x16xf32> to vector<16xf32>
        %parallel_loop3A_867 = vector.shape_cast %parallel_loop3A_862 : vector<16xf32> to vector<1x16xf32>
        tpu.vector_store %arg11[%parallel_loop3A_863, %parallel_loop3A_864], %parallel_loop3A_867 {add = true, strides = array<i32>} : memref<80x128xf32, #tpu.memory_space<vmem>>, vector<1x16xf32>,
        %parallel_loop3A_868 = arith.index_cast %parallel_loop3A_840 : i32 to index
        %parallel_loop3A_869 = arith.constant 48 : index
        %parallel_loop3A_870 = tpu.vector_load %arg15[%parallel_loop3A_868, %parallel_loop3A_869] {strides = array<i32>} : memref<80x128xf32, #tpu.memory_space<vmem>>, vector<1x16xf32>,
        %parallel_loop3A_871 = vector.shape_cast %parallel_loop3A_870 : vector<1x16xf32> to vector<16xf32>
        %parallel_loop3A_872 = arith.index_cast %parallel_loop3A_840 : i32 to index
        %parallel_loop3A_873 = arith.constant 48 : index
        %parallel_loop3A_874 = tpu.vector_load %arg11[%parallel_loop3A_872, %parallel_loop3A_873] {strides = array<i32>} : memref<80x128xf32, #tpu.memory_space<vmem>>, vector<1x16xf32>,
        %parallel_loop3A_875 = vector.shape_cast %parallel_loop3A_874 : vector<1x16xf32> to vector<16xf32>
        %parallel_loop3A_876 = vector.shape_cast %parallel_loop3A_871 : vector<16xf32> to vector<1x16xf32>
        tpu.vector_store %arg11[%parallel_loop3A_872, %parallel_loop3A_873], %parallel_loop3A_876 {add = true, strides = array<i32>} : memref<80x128xf32, #tpu.memory_space<vmem>>, vector<1x16xf32>,
        %parallel_loop3A_877 = arith.index_cast %parallel_loop3A_840 : i32 to index
        %parallel_loop3A_878 = arith.constant 64 : index
        %parallel_loop3A_879 = tpu.vector_load %arg15[%parallel_loop3A_877, %parallel_loop3A_878] {strides = array<i32>} : memref<80x128xf32, #tpu.memory_space<vmem>>, vector<1x16xf32>,
        %parallel_loop3A_880 = vector.shape_cast %parallel_loop3A_879 : vector<1x16xf32> to vector<16xf32>
        %parallel_loop3A_881 = arith.index_cast %parallel_loop3A_840 : i32 to index
        %parallel_loop3A_882 = arith.constant 64 : index
        %parallel_loop3A_883 = tpu.vector_load %arg11[%parallel_loop3A_881, %parallel_loop3A_882] {strides = array<i32>} : memref<80x128xf32, #tpu.memory_space<vmem>>, vector<1x16xf32>,
        %parallel_loop3A_884 = vector.shape_cast %parallel_loop3A_883 : vector<1x16xf32> to vector<16xf32>
        %parallel_loop3A_885 = vector.shape_cast %parallel_loop3A_880 : vector<16xf32> to vector<1x16xf32>
        tpu.vector_store %arg11[%parallel_loop3A_881, %parallel_loop3A_882], %parallel_loop3A_885 {add = true, strides = array<i32>} : memref<80x128xf32, #tpu.memory_space<vmem>>, vector<1x16xf32>,
        %parallel_loop3A_886 = arith.index_cast %parallel_loop3A_840 : i32 to index
        %parallel_loop3A_887 = arith.constant 80 : index
        %parallel_loop3A_888 = tpu.vector_load %arg15[%parallel_loop3A_886, %parallel_loop3A_887] {strides = array<i32>} : memref<80x128xf32, #tpu.memory_space<vmem>>, vector<1x16xf32>,
        %parallel_loop3A_889 = vector.shape_cast %parallel_loop3A_888 : vector<1x16xf32> to vector<16xf32>
        %parallel_loop3A_890 = arith.index_cast %parallel_loop3A_840 : i32 to index
        %parallel_loop3A_891 = arith.constant 80 : index
        %parallel_loop3A_892 = tpu.vector_load %arg11[%parallel_loop3A_890, %parallel_loop3A_891] {strides = array<i32>} : memref<80x128xf32, #tpu.memory_space<vmem>>, vector<1x16xf32>,
        %parallel_loop3A_893 = vector.shape_cast %parallel_loop3A_892 : vector<1x16xf32> to vector<16xf32>
        %parallel_loop3A_894 = vector.shape_cast %parallel_loop3A_889 : vector<16xf32> to vector<1x16xf32>
        tpu.vector_store %arg11[%parallel_loop3A_890, %parallel_loop3A_891], %parallel_loop3A_894 {add = true, strides = array<i32>} : memref<80x128xf32, #tpu.memory_space<vmem>>, vector<1x16xf32>,
        %parallel_loop3A_895 = arith.index_cast %parallel_loop3A_840 : i32 to index
        %parallel_loop3A_896 = arith.constant 96 : index
        %parallel_loop3A_897 = tpu.vector_load %arg15[%parallel_loop3A_895, %parallel_loop3A_896] {strides = array<i32>} : memref<80x128xf32, #tpu.memory_space<vmem>>, vector<1x16xf32>,
        %parallel_loop3A_898 = vector.shape_cast %parallel_loop3A_897 : vector<1x16xf32> to vector<16xf32>
        %parallel_loop3A_899 = arith.index_cast %parallel_loop3A_840 : i32 to index
        %parallel_loop3A_900 = arith.constant 96 : index
        %parallel_loop3A_901 = tpu.vector_load %arg11[%parallel_loop3A_899, %parallel_loop3A_900] {strides = array<i32>} : memref<80x128xf32, #tpu.memory_space<vmem>>, vector<1x16xf32>,
        %parallel_loop3A_902 = vector.shape_cast %parallel_loop3A_901 : vector<1x16xf32> to vector<16xf32>
        %parallel_loop3A_903 = vector.shape_cast %parallel_loop3A_898 : vector<16xf32> to vector<1x16xf32>
        tpu.vector_store %arg11[%parallel_loop3A_899, %parallel_loop3A_900], %parallel_loop3A_903 {add = true, strides = array<i32>} : memref<80x128xf32, #tpu.memory_space<vmem>>, vector<1x16xf32>,
        %parallel_loop3A_904 = arith.index_cast %parallel_loop3A_840 : i32 to index
        %parallel_loop3A_905 = arith.constant 112 : index
        %parallel_loop3A_906 = tpu.vector_load %arg15[%parallel_loop3A_904, %parallel_loop3A_905] {strides = array<i32>} : memref<80x128xf32, #tpu.memory_space<vmem>>, vector<1x16xf32>,
        %parallel_loop3A_907 = vector.shape_cast %parallel_loop3A_906 : vector<1x16xf32> to vector<16xf32>
        %parallel_loop3A_908 = arith.index_cast %parallel_loop3A_840 : i32 to index
        %parallel_loop3A_909 = arith.constant 112 : index
        %parallel_loop3A_910 = tpu.vector_load %arg11[%parallel_loop3A_908, %parallel_loop3A_909] {strides = array<i32>} : memref<80x128xf32, #tpu.memory_space<vmem>>, vector<1x16xf32>,
        %parallel_loop3A_911 = vector.shape_cast %parallel_loop3A_910 : vector<1x16xf32> to vector<16xf32>
        %parallel_loop3A_912 = vector.shape_cast %parallel_loop3A_907 : vector<16xf32> to vector<1x16xf32>
        tpu.vector_store %arg11[%parallel_loop3A_908, %parallel_loop3A_909], %parallel_loop3A_912 {add = true, strides = array<i32>} : memref<80x128xf32, #tpu.memory_space<vmem>>, vector<1x16xf32>,
      } {sc.loop_unroll_factor = 4 : i64, sc.parallel_access}
      %sub3A = arith.constant 2 : i32
      %sub3A_475 = arith.subi %add3A_457, %sub3A : i32
      %mul3A_476 = arith.constant 80 : i32
      %mul3A_477 = arith.muli %sub3A_475, %mul3A_476 : i32
      %add3A_478 = arith.addi %mul3A_4, %mul3A_477 : i32
      %dma_wait3A_479 = arith.constant 0 : i32
      %dma_wait3A_480 = tpu.memref_slice %arg6[%add3A_478, %dma_wait3A_479] : memref<819200x128xf32, #tpu.memory_space<hbm>> -> memref<80x128xf32, #tpu.memory_space<hbm>>
      %dma_wait3A_481 = arith.constant 0 : i32
      %dma_wait3A_482 = tpu.memref_slice %arg6[%add3A_478, %dma_wait3A_481] : memref<819200x128xf32, #tpu.memory_space<hbm>> -> memref<80x128xf32, #tpu.memory_space<hbm>>
      tpu.wait_dma2 semaphore(%arg29 : memref<!tpu.dma_semaphore, #tpu.memory_space<semaphore_mem>>) src(%arg13 : memref<80x128xf32, #tpu.memory_space<vmem>>) dst(%dma_wait3A_482 : memref<80x128xf32, #tpu.memory_space<hbm>>)
      %add3A_483 = arith.constant 2 : i32
      %add3A_484 = arith.addi %add3A_457, %add3A_483 : i32
      %lt3A = arith.constant 320 : i32
      %lt3A_485 = arith.cmpi slt, %add3A_484, %lt3A : i32
      %convert_element_type3A_486 = arith.extui %lt3A_485 : i1 to i32
      %cond3A_487 = arith.constant 0 : i32
      %cond3A_488 = arith.cmpi ne, %convert_element_type3A_486, %cond3A_487 : i32
      scf.if %cond3A_488 {
        %dma_start3A_840 = arith.constant 2 : i32
        %dma_start3A_841 = arith.constant 0 : i32
        %dma_start3A_842 = tpu.memref_slice %arg7[%dma_start3A_840, %dma_start3A_841] : memref<4x80xi32, #tpu.memory_space<vmem>> -> memref<1x80xi32, #tpu.memory_space<vmem>>
        %dma_start3A_843 = tpu.memref_squeeze %dma_start3A_842 : memref<1x80xi32, #tpu.memory_space<vmem>> -> memref<80xi32, #tpu.memory_space<vmem>>
        %dma_start3A_844 = arith.constant 0 : i32
        %dma_start3A_845 = arith.constant 0 : i32
        %dma_start3A_846 = tpu.memref_slice %arg31[%dma_start3A_844, %dma_start3A_845] : memref<513x128xf32, #tpu.memory_space<vmem_shared>> -> memref<513x128xf32, #tpu.memory_space<vmem_shared>>
        tpu.enqueue_indirect_dma source(%dma_start3A_846 : memref<513x128xf32, #tpu.memory_space<vmem_shared>>) target(%arg13 : memref<80x128xf32, #tpu.memory_space<vmem>>) offsets(%dma_start3A_843 : memref<80xi32, #tpu.memory_space<vmem>>) semaphore(%arg23 : memref<!tpu.dma_semaphore, #tpu.memory_space<semaphore_mem>>)
        %dma_start3A_847 = arith.constant 2 : i32
        %dma_start3A_848 = arith.constant 0 : i32
        %dma_start3A_849 = tpu.memref_slice %arg9[%dma_start3A_847, %dma_start3A_848] : memref<4x80xi32, #tpu.memory_space<vmem>> -> memref<1x80xi32, #tpu.memory_space<vmem>>
        %dma_start3A_850 = tpu.memref_squeeze %dma_start3A_849 : memref<1x80xi32, #tpu.memory_space<vmem>> -> memref<80xi32, #tpu.memory_space<vmem>>
        %dma_start3A_851 = arith.constant 0 : i32
        %dma_start3A_852 = arith.constant 0 : i32
        %dma_start3A_853 = tpu.memref_slice %arg32[%dma_start3A_851, %dma_start3A_852] : memref<4620x128xf32, #tpu.memory_space<vmem_shared>> -> memref<4620x128xf32, #tpu.memory_space<vmem_shared>>
        tpu.enqueue_indirect_dma source(%dma_start3A_853 : memref<4620x128xf32, #tpu.memory_space<vmem_shared>>) target(%arg15 : memref<80x128xf32, #tpu.memory_space<vmem>>) offsets(%dma_start3A_850 : memref<80xi32, #tpu.memory_space<vmem>>) semaphore(%arg25 : memref<!tpu.dma_semaphore, #tpu.memory_space<semaphore_mem>>)
      } else {
      }
      %mul3A_489 = arith.constant 80 : i32
      %mul3A_490 = arith.muli %add3A_457, %mul3A_489 : i32
      %add3A_491 = arith.addi %mul3A_4, %mul3A_490 : i32
      %dma_start3A_492 = arith.constant 0 : i32
      %dma_start3A_493 = tpu.memref_slice %arg6[%add3A_491, %dma_start3A_492] : memref<819200x128xf32, #tpu.memory_space<hbm>> -> memref<80x128xf32, #tpu.memory_space<hbm>>
      %dma_start3A_494 = arith.constant 0 : i32
      %dma_start3A_495 = tpu.memref_slice %arg6[%add3A_491, %dma_start3A_494] : memref<819200x128xf32, #tpu.memory_space<hbm>> -> memref<80x128xf32, #tpu.memory_space<hbm>>
      tpu.enqueue_dma source(%arg11 : memref<80x128xf32, #tpu.memory_space<vmem>>) target(%dma_start3A_495 : memref<80x128xf32, #tpu.memory_space<hbm>>) target_semaphore(%arg27 : memref<!tpu.dma_semaphore, #tpu.memory_space<semaphore_mem>>)
      %mul3A_496 = arith.constant 8 : i32
      %mul3A_497 = arith.muli %mul3A_496, %scan3A_451 : i32
      %add3A_498 = arith.constant 0 : i32
      %add3A_499 = arith.addi %mul3A_497, %add3A_498 : i32
      %add3A_500 = arith.constant 1 : i32
      %add3A_501 = arith.addi %add3A_499, %add3A_500 : i32
      %dma_wait3A_502 = arith.constant 1 : i32
      %dma_wait3A_503 = arith.constant 0 : i32
      %dma_wait3A_504 = tpu.memref_slice %arg7[%dma_wait3A_502, %dma_wait3A_503] : memref<4x80xi32, #tpu.memory_space<vmem>> -> memref<1x80xi32, #tpu.memory_space<vmem>>
      %dma_wait3A_505 = tpu.memref_squeeze %dma_wait3A_504 : memref<1x80xi32, #tpu.memory_space<vmem>> -> memref<80xi32, #tpu.memory_space<vmem>>
      %dma_wait3A_506 = arith.constant 0 : i32
      %dma_wait3A_507 = arith.constant 0 : i32
      %dma_wait3A_508 = tpu.memref_slice %arg31[%dma_wait3A_506, %dma_wait3A_507] : memref<513x128xf32, #tpu.memory_space<vmem_shared>> -> memref<513x128xf32, #tpu.memory_space<vmem_shared>>
      tpu.wait_indirect_dma semaphore(%arg22 : memref<!tpu.dma_semaphore, #tpu.memory_space<semaphore_mem>>) src(%dma_wait3A_508 : memref<513x128xf32, #tpu.memory_space<vmem_shared>>) dst(%arg12 : memref<80x128xf32, #tpu.memory_space<vmem>>)
      %dma_wait3A_509 = arith.constant 1 : i32
      %dma_wait3A_510 = arith.constant 0 : i32
      %dma_wait3A_511 = tpu.memref_slice %arg9[%dma_wait3A_509, %dma_wait3A_510] : memref<4x80xi32, #tpu.memory_space<vmem>> -> memref<1x80xi32, #tpu.memory_space<vmem>>
      %dma_wait3A_512 = tpu.memref_squeeze %dma_wait3A_511 : memref<1x80xi32, #tpu.memory_space<vmem>> -> memref<80xi32, #tpu.memory_space<vmem>>
      %dma_wait3A_513 = arith.constant 0 : i32
      %dma_wait3A_514 = arith.constant 0 : i32
      %dma_wait3A_515 = tpu.memref_slice %arg32[%dma_wait3A_513, %dma_wait3A_514] : memref<4620x128xf32, #tpu.memory_space<vmem_shared>> -> memref<4620x128xf32, #tpu.memory_space<vmem_shared>>
      tpu.wait_indirect_dma semaphore(%arg26 : memref<!tpu.dma_semaphore, #tpu.memory_space<semaphore_mem>>) src(%dma_wait3A_515 : memref<4620x128xf32, #tpu.memory_space<vmem_shared>>) dst(%arg16 : memref<80x128xf32, #tpu.memory_space<vmem>>)
      %parallel_loop3A_516 = arith.constant 0 : i32
      %parallel_loop3A_517 = arith.constant 80 : i32
      %parallel_loop3A_518 = arith.constant 1 : i32
      scf.for %parallel_loop3A_840 = %parallel_loop3A_516 to %parallel_loop3A_517 step %parallel_loop3A_518  : i32 {
        %parallel_loop3A_841 = arith.index_cast %parallel_loop3A_840 : i32 to index
        %parallel_loop3A_842 = arith.constant 0 : index
        %parallel_loop3A_843 = tpu.vector_load %arg16[%parallel_loop3A_841, %parallel_loop3A_842] {strides = array<i32>} : memref<80x128xf32, #tpu.memory_space<vmem>>, vector<1x16xf32>,
        %parallel_loop3A_844 = vector.shape_cast %parallel_loop3A_843 : vector<1x16xf32> to vector<16xf32>
        %parallel_loop3A_845 = arith.index_cast %parallel_loop3A_840 : i32 to index
        %parallel_loop3A_846 = arith.constant 0 : index
        %parallel_loop3A_847 = tpu.vector_load %arg12[%parallel_loop3A_845, %parallel_loop3A_846] {strides = array<i32>} : memref<80x128xf32, #tpu.memory_space<vmem>>, vector<1x16xf32>,
        %parallel_loop3A_848 = vector.shape_cast %parallel_loop3A_847 : vector<1x16xf32> to vector<16xf32>
        %parallel_loop3A_849 = vector.shape_cast %parallel_loop3A_844 : vector<16xf32> to vector<1x16xf32>
        tpu.vector_store %arg12[%parallel_loop3A_845, %parallel_loop3A_846], %parallel_loop3A_849 {add = true, strides = array<i32>} : memref<80x128xf32, #tpu.memory_space<vmem>>, vector<1x16xf32>,
        %parallel_loop3A_850 = arith.index_cast %parallel_loop3A_840 : i32 to index
        %parallel_loop3A_851 = arith.constant 16 : index
        %parallel_loop3A_852 = tpu.vector_load %arg16[%parallel_loop3A_850, %parallel_loop3A_851] {strides = array<i32>} : memref<80x128xf32, #tpu.memory_space<vmem>>, vector<1x16xf32>,
        %parallel_loop3A_853 = vector.shape_cast %parallel_loop3A_852 : vector<1x16xf32> to vector<16xf32>
        %parallel_loop3A_854 = arith.index_cast %parallel_loop3A_840 : i32 to index
        %parallel_loop3A_855 = arith.constant 16 : index
        %parallel_loop3A_856 = tpu.vector_load %arg12[%parallel_loop3A_854, %parallel_loop3A_855] {strides = array<i32>} : memref<80x128xf32, #tpu.memory_space<vmem>>, vector<1x16xf32>,
        %parallel_loop3A_857 = vector.shape_cast %parallel_loop3A_856 : vector<1x16xf32> to vector<16xf32>
        %parallel_loop3A_858 = vector.shape_cast %parallel_loop3A_853 : vector<16xf32> to vector<1x16xf32>
        tpu.vector_store %arg12[%parallel_loop3A_854, %parallel_loop3A_855], %parallel_loop3A_858 {add = true, strides = array<i32>} : memref<80x128xf32, #tpu.memory_space<vmem>>, vector<1x16xf32>,
        %parallel_loop3A_859 = arith.index_cast %parallel_loop3A_840 : i32 to index
        %parallel_loop3A_860 = arith.constant 32 : index
        %parallel_loop3A_861 = tpu.vector_load %arg16[%parallel_loop3A_859, %parallel_loop3A_860] {strides = array<i32>} : memref<80x128xf32, #tpu.memory_space<vmem>>, vector<1x16xf32>,
        %parallel_loop3A_862 = vector.shape_cast %parallel_loop3A_861 : vector<1x16xf32> to vector<16xf32>
        %parallel_loop3A_863 = arith.index_cast %parallel_loop3A_840 : i32 to index
        %parallel_loop3A_864 = arith.constant 32 : index
        %parallel_loop3A_865 = tpu.vector_load %arg12[%parallel_loop3A_863, %parallel_loop3A_864] {strides = array<i32>} : memref<80x128xf32, #tpu.memory_space<vmem>>, vector<1x16xf32>,
        %parallel_loop3A_866 = vector.shape_cast %parallel_loop3A_865 : vector<1x16xf32> to vector<16xf32>
        %parallel_loop3A_867 = vector.shape_cast %parallel_loop3A_862 : vector<16xf32> to vector<1x16xf32>
        tpu.vector_store %arg12[%parallel_loop3A_863, %parallel_loop3A_864], %parallel_loop3A_867 {add = true, strides = array<i32>} : memref<80x128xf32, #tpu.memory_space<vmem>>, vector<1x16xf32>,
        %parallel_loop3A_868 = arith.index_cast %parallel_loop3A_840 : i32 to index
        %parallel_loop3A_869 = arith.constant 48 : index
        %parallel_loop3A_870 = tpu.vector_load %arg16[%parallel_loop3A_868, %parallel_loop3A_869] {strides = array<i32>} : memref<80x128xf32, #tpu.memory_space<vmem>>, vector<1x16xf32>,
        %parallel_loop3A_871 = vector.shape_cast %parallel_loop3A_870 : vector<1x16xf32> to vector<16xf32>
        %parallel_loop3A_872 = arith.index_cast %parallel_loop3A_840 : i32 to index
        %parallel_loop3A_873 = arith.constant 48 : index
        %parallel_loop3A_874 = tpu.vector_load %arg12[%parallel_loop3A_872, %parallel_loop3A_873] {strides = array<i32>} : memref<80x128xf32, #tpu.memory_space<vmem>>, vector<1x16xf32>,
        %parallel_loop3A_875 = vector.shape_cast %parallel_loop3A_874 : vector<1x16xf32> to vector<16xf32>
        %parallel_loop3A_876 = vector.shape_cast %parallel_loop3A_871 : vector<16xf32> to vector<1x16xf32>
        tpu.vector_store %arg12[%parallel_loop3A_872, %parallel_loop3A_873], %parallel_loop3A_876 {add = true, strides = array<i32>} : memref<80x128xf32, #tpu.memory_space<vmem>>, vector<1x16xf32>,
        %parallel_loop3A_877 = arith.index_cast %parallel_loop3A_840 : i32 to index
        %parallel_loop3A_878 = arith.constant 64 : index
        %parallel_loop3A_879 = tpu.vector_load %arg16[%parallel_loop3A_877, %parallel_loop3A_878] {strides = array<i32>} : memref<80x128xf32, #tpu.memory_space<vmem>>, vector<1x16xf32>,
        %parallel_loop3A_880 = vector.shape_cast %parallel_loop3A_879 : vector<1x16xf32> to vector<16xf32>
        %parallel_loop3A_881 = arith.index_cast %parallel_loop3A_840 : i32 to index
        %parallel_loop3A_882 = arith.constant 64 : index
        %parallel_loop3A_883 = tpu.vector_load %arg12[%parallel_loop3A_881, %parallel_loop3A_882] {strides = array<i32>} : memref<80x128xf32, #tpu.memory_space<vmem>>, vector<1x16xf32>,
        %parallel_loop3A_884 = vector.shape_cast %parallel_loop3A_883 : vector<1x16xf32> to vector<16xf32>
        %parallel_loop3A_885 = vector.shape_cast %parallel_loop3A_880 : vector<16xf32> to vector<1x16xf32>
        tpu.vector_store %arg12[%parallel_loop3A_881, %parallel_loop3A_882], %parallel_loop3A_885 {add = true, strides = array<i32>} : memref<80x128xf32, #tpu.memory_space<vmem>>, vector<1x16xf32>,
        %parallel_loop3A_886 = arith.index_cast %parallel_loop3A_840 : i32 to index
        %parallel_loop3A_887 = arith.constant 80 : index
        %parallel_loop3A_888 = tpu.vector_load %arg16[%parallel_loop3A_886, %parallel_loop3A_887] {strides = array<i32>} : memref<80x128xf32, #tpu.memory_space<vmem>>, vector<1x16xf32>,
        %parallel_loop3A_889 = vector.shape_cast %parallel_loop3A_888 : vector<1x16xf32> to vector<16xf32>
        %parallel_loop3A_890 = arith.index_cast %parallel_loop3A_840 : i32 to index
        %parallel_loop3A_891 = arith.constant 80 : index
        %parallel_loop3A_892 = tpu.vector_load %arg12[%parallel_loop3A_890, %parallel_loop3A_891] {strides = array<i32>} : memref<80x128xf32, #tpu.memory_space<vmem>>, vector<1x16xf32>,
        %parallel_loop3A_893 = vector.shape_cast %parallel_loop3A_892 : vector<1x16xf32> to vector<16xf32>
        %parallel_loop3A_894 = vector.shape_cast %parallel_loop3A_889 : vector<16xf32> to vector<1x16xf32>
        tpu.vector_store %arg12[%parallel_loop3A_890, %parallel_loop3A_891], %parallel_loop3A_894 {add = true, strides = array<i32>} : memref<80x128xf32, #tpu.memory_space<vmem>>, vector<1x16xf32>,
        %parallel_loop3A_895 = arith.index_cast %parallel_loop3A_840 : i32 to index
        %parallel_loop3A_896 = arith.constant 96 : index
        %parallel_loop3A_897 = tpu.vector_load %arg16[%parallel_loop3A_895, %parallel_loop3A_896] {strides = array<i32>} : memref<80x128xf32, #tpu.memory_space<vmem>>, vector<1x16xf32>,
        %parallel_loop3A_898 = vector.shape_cast %parallel_loop3A_897 : vector<1x16xf32> to vector<16xf32>
        %parallel_loop3A_899 = arith.index_cast %parallel_loop3A_840 : i32 to index
        %parallel_loop3A_900 = arith.constant 96 : index
        %parallel_loop3A_901 = tpu.vector_load %arg12[%parallel_loop3A_899, %parallel_loop3A_900] {strides = array<i32>} : memref<80x128xf32, #tpu.memory_space<vmem>>, vector<1x16xf32>,
        %parallel_loop3A_902 = vector.shape_cast %parallel_loop3A_901 : vector<1x16xf32> to vector<16xf32>
        %parallel_loop3A_903 = vector.shape_cast %parallel_loop3A_898 : vector<16xf32> to vector<1x16xf32>
        tpu.vector_store %arg12[%parallel_loop3A_899, %parallel_loop3A_900], %parallel_loop3A_903 {add = true, strides = array<i32>} : memref<80x128xf32, #tpu.memory_space<vmem>>, vector<1x16xf32>,
        %parallel_loop3A_904 = arith.index_cast %parallel_loop3A_840 : i32 to index
        %parallel_loop3A_905 = arith.constant 112 : index
        %parallel_loop3A_906 = tpu.vector_load %arg16[%parallel_loop3A_904, %parallel_loop3A_905] {strides = array<i32>} : memref<80x128xf32, #tpu.memory_space<vmem>>, vector<1x16xf32>,
        %parallel_loop3A_907 = vector.shape_cast %parallel_loop3A_906 : vector<1x16xf32> to vector<16xf32>
        %parallel_loop3A_908 = arith.index_cast %parallel_loop3A_840 : i32 to index
        %parallel_loop3A_909 = arith.constant 112 : index
        %parallel_loop3A_910 = tpu.vector_load %arg12[%parallel_loop3A_908, %parallel_loop3A_909] {strides = array<i32>} : memref<80x128xf32, #tpu.memory_space<vmem>>, vector<1x16xf32>,
        %parallel_loop3A_911 = vector.shape_cast %parallel_loop3A_910 : vector<1x16xf32> to vector<16xf32>
        %parallel_loop3A_912 = vector.shape_cast %parallel_loop3A_907 : vector<16xf32> to vector<1x16xf32>
        tpu.vector_store %arg12[%parallel_loop3A_908, %parallel_loop3A_909], %parallel_loop3A_912 {add = true, strides = array<i32>} : memref<80x128xf32, #tpu.memory_space<vmem>>, vector<1x16xf32>,
      } {sc.loop_unroll_factor = 4 : i64, sc.parallel_access}
      %sub3A_519 = arith.constant 2 : i32
      %sub3A_520 = arith.subi %add3A_501, %sub3A_519 : i32
      %mul3A_521 = arith.constant 80 : i32
      %mul3A_522 = arith.muli %sub3A_520, %mul3A_521 : i32
      %add3A_523 = arith.addi %mul3A_4, %mul3A_522 : i32
      %dma_wait3A_524 = arith.constant 0 : i32
      %dma_wait3A_525 = tpu.memref_slice %arg6[%add3A_523, %dma_wait3A_524] : memref<819200x128xf32, #tpu.memory_space<hbm>> -> memref<80x128xf32, #tpu.memory_space<hbm>>
      %dma_wait3A_526 = arith.constant 0 : i32
      %dma_wait3A_527 = tpu.memref_slice %arg6[%add3A_523, %dma_wait3A_526] : memref<819200x128xf32, #tpu.memory_space<hbm>> -> memref<80x128xf32, #tpu.memory_space<hbm>>
      tpu.wait_dma2 semaphore(%arg30 : memref<!tpu.dma_semaphore, #tpu.memory_space<semaphore_mem>>) src(%arg14 : memref<80x128xf32, #tpu.memory_space<vmem>>) dst(%dma_wait3A_527 : memref<80x128xf32, #tpu.memory_space<hbm>>)
      %add3A_528 = arith.constant 2 : i32
      %add3A_529 = arith.addi %add3A_501, %add3A_528 : i32
      %lt3A_530 = arith.constant 320 : i32
      %lt3A_531 = arith.cmpi slt, %add3A_529, %lt3A_530 : i32
      %convert_element_type3A_532 = arith.extui %lt3A_531 : i1 to i32
      %cond3A_533 = arith.constant 0 : i32
      %cond3A_534 = arith.cmpi ne, %convert_element_type3A_532, %cond3A_533 : i32
      scf.if %cond3A_534 {
        %dma_start3A_840 = arith.constant 3 : i32
        %dma_start3A_841 = arith.constant 0 : i32
        %dma_start3A_842 = tpu.memref_slice %arg7[%dma_start3A_840, %dma_start3A_841] : memref<4x80xi32, #tpu.memory_space<vmem>> -> memref<1x80xi32, #tpu.memory_space<vmem>>
        %dma_start3A_843 = tpu.memref_squeeze %dma_start3A_842 : memref<1x80xi32, #tpu.memory_space<vmem>> -> memref<80xi32, #tpu.memory_space<vmem>>
        %dma_start3A_844 = arith.constant 0 : i32
        %dma_start3A_845 = arith.constant 0 : i32
        %dma_start3A_846 = tpu.memref_slice %arg31[%dma_start3A_844, %dma_start3A_845] : memref<513x128xf32, #tpu.memory_space<vmem_shared>> -> memref<513x128xf32, #tpu.memory_space<vmem_shared>>
        tpu.enqueue_indirect_dma source(%dma_start3A_846 : memref<513x128xf32, #tpu.memory_space<vmem_shared>>) target(%arg14 : memref<80x128xf32, #tpu.memory_space<vmem>>) offsets(%dma_start3A_843 : memref<80xi32, #tpu.memory_space<vmem>>) semaphore(%arg24 : memref<!tpu.dma_semaphore, #tpu.memory_space<semaphore_mem>>)
        %dma_start3A_847 = arith.constant 3 : i32
        %dma_start3A_848 = arith.constant 0 : i32
        %dma_start3A_849 = tpu.memref_slice %arg9[%dma_start3A_847, %dma_start3A_848] : memref<4x80xi32, #tpu.memory_space<vmem>> -> memref<1x80xi32, #tpu.memory_space<vmem>>
        %dma_start3A_850 = tpu.memref_squeeze %dma_start3A_849 : memref<1x80xi32, #tpu.memory_space<vmem>> -> memref<80xi32, #tpu.memory_space<vmem>>
        %dma_start3A_851 = arith.constant 0 : i32
        %dma_start3A_852 = arith.constant 0 : i32
        %dma_start3A_853 = tpu.memref_slice %arg32[%dma_start3A_851, %dma_start3A_852] : memref<4620x128xf32, #tpu.memory_space<vmem_shared>> -> memref<4620x128xf32, #tpu.memory_space<vmem_shared>>
        tpu.enqueue_indirect_dma source(%dma_start3A_853 : memref<4620x128xf32, #tpu.memory_space<vmem_shared>>) target(%arg16 : memref<80x128xf32, #tpu.memory_space<vmem>>) offsets(%dma_start3A_850 : memref<80xi32, #tpu.memory_space<vmem>>) semaphore(%arg26 : memref<!tpu.dma_semaphore, #tpu.memory_space<semaphore_mem>>)
      } else {
      }
      %mul3A_535 = arith.constant 80 : i32
      %mul3A_536 = arith.muli %add3A_501, %mul3A_535 : i32
      %add3A_537 = arith.addi %mul3A_4, %mul3A_536 : i32
      %dma_start3A_538 = arith.constant 0 : i32
      %dma_start3A_539 = tpu.memref_slice %arg6[%add3A_537, %dma_start3A_538] : memref<819200x128xf32, #tpu.memory_space<hbm>> -> memref<80x128xf32, #tpu.memory_space<hbm>>
      %dma_start3A_540 = arith.constant 0 : i32
      %dma_start3A_541 = tpu.memref_slice %arg6[%add3A_537, %dma_start3A_540] : memref<819200x128xf32, #tpu.memory_space<hbm>> -> memref<80x128xf32, #tpu.memory_space<hbm>>
      tpu.enqueue_dma source(%arg12 : memref<80x128xf32, #tpu.memory_space<vmem>>) target(%dma_start3A_541 : memref<80x128xf32, #tpu.memory_space<hbm>>) target_semaphore(%arg28 : memref<!tpu.dma_semaphore, #tpu.memory_space<semaphore_mem>>)
      %mul3A_542 = arith.constant 8 : i32
      %mul3A_543 = arith.muli %mul3A_542, %scan3A_451 : i32
      %add3A_544 = arith.constant 0 : i32
      %add3A_545 = arith.addi %mul3A_543, %add3A_544 : i32
      %add3A_546 = arith.constant 2 : i32
      %add3A_547 = arith.addi %add3A_545, %add3A_546 : i32
      %dma_wait3A_548 = arith.constant 2 : i32
      %dma_wait3A_549 = arith.constant 0 : i32
      %dma_wait3A_550 = tpu.memref_slice %arg7[%dma_wait3A_548, %dma_wait3A_549] : memref<4x80xi32, #tpu.memory_space<vmem>> -> memref<1x80xi32, #tpu.memory_space<vmem>>
      %dma_wait3A_551 = tpu.memref_squeeze %dma_wait3A_550 : memref<1x80xi32, #tpu.memory_space<vmem>> -> memref<80xi32, #tpu.memory_space<vmem>>
      %dma_wait3A_552 = arith.constant 0 : i32
      %dma_wait3A_553 = arith.constant 0 : i32
      %dma_wait3A_554 = tpu.memref_slice %arg31[%dma_wait3A_552, %dma_wait3A_553] : memref<513x128xf32, #tpu.memory_space<vmem_shared>> -> memref<513x128xf32, #tpu.memory_space<vmem_shared>>
      tpu.wait_indirect_dma semaphore(%arg23 : memref<!tpu.dma_semaphore, #tpu.memory_space<semaphore_mem>>) src(%dma_wait3A_554 : memref<513x128xf32, #tpu.memory_space<vmem_shared>>) dst(%arg13 : memref<80x128xf32, #tpu.memory_space<vmem>>)
      %dma_wait3A_555 = arith.constant 2 : i32
      %dma_wait3A_556 = arith.constant 0 : i32
      %dma_wait3A_557 = tpu.memref_slice %arg9[%dma_wait3A_555, %dma_wait3A_556] : memref<4x80xi32, #tpu.memory_space<vmem>> -> memref<1x80xi32, #tpu.memory_space<vmem>>
      %dma_wait3A_558 = tpu.memref_squeeze %dma_wait3A_557 : memref<1x80xi32, #tpu.memory_space<vmem>> -> memref<80xi32, #tpu.memory_space<vmem>>
      %dma_wait3A_559 = arith.constant 0 : i32
      %dma_wait3A_560 = arith.constant 0 : i32
      %dma_wait3A_561 = tpu.memref_slice %arg32[%dma_wait3A_559, %dma_wait3A_560] : memref<4620x128xf32, #tpu.memory_space<vmem_shared>> -> memref<4620x128xf32, #tpu.memory_space<vmem_shared>>
      tpu.wait_indirect_dma semaphore(%arg25 : memref<!tpu.dma_semaphore, #tpu.memory_space<semaphore_mem>>) src(%dma_wait3A_561 : memref<4620x128xf32, #tpu.memory_space<vmem_shared>>) dst(%arg15 : memref<80x128xf32, #tpu.memory_space<vmem>>)
      %parallel_loop3A_562 = arith.constant 0 : i32
      %parallel_loop3A_563 = arith.constant 80 : i32
      %parallel_loop3A_564 = arith.constant 1 : i32
      scf.for %parallel_loop3A_840 = %parallel_loop3A_562 to %parallel_loop3A_563 step %parallel_loop3A_564  : i32 {
        %parallel_loop3A_841 = arith.index_cast %parallel_loop3A_840 : i32 to index
        %parallel_loop3A_842 = arith.constant 0 : index
        %parallel_loop3A_843 = tpu.vector_load %arg15[%parallel_loop3A_841, %parallel_loop3A_842] {strides = array<i32>} : memref<80x128xf32, #tpu.memory_space<vmem>>, vector<1x16xf32>,
        %parallel_loop3A_844 = vector.shape_cast %parallel_loop3A_843 : vector<1x16xf32> to vector<16xf32>
        %parallel_loop3A_845 = arith.index_cast %parallel_loop3A_840 : i32 to index
        %parallel_loop3A_846 = arith.constant 0 : index
        %parallel_loop3A_847 = tpu.vector_load %arg13[%parallel_loop3A_845, %parallel_loop3A_846] {strides = array<i32>} : memref<80x128xf32, #tpu.memory_space<vmem>>, vector<1x16xf32>,
        %parallel_loop3A_848 = vector.shape_cast %parallel_loop3A_847 : vector<1x16xf32> to vector<16xf32>
        %parallel_loop3A_849 = vector.shape_cast %parallel_loop3A_844 : vector<16xf32> to vector<1x16xf32>
        tpu.vector_store %arg13[%parallel_loop3A_845, %parallel_loop3A_846], %parallel_loop3A_849 {add = true, strides = array<i32>} : memref<80x128xf32, #tpu.memory_space<vmem>>, vector<1x16xf32>,
        %parallel_loop3A_850 = arith.index_cast %parallel_loop3A_840 : i32 to index
        %parallel_loop3A_851 = arith.constant 16 : index
        %parallel_loop3A_852 = tpu.vector_load %arg15[%parallel_loop3A_850, %parallel_loop3A_851] {strides = array<i32>} : memref<80x128xf32, #tpu.memory_space<vmem>>, vector<1x16xf32>,
        %parallel_loop3A_853 = vector.shape_cast %parallel_loop3A_852 : vector<1x16xf32> to vector<16xf32>
        %parallel_loop3A_854 = arith.index_cast %parallel_loop3A_840 : i32 to index
        %parallel_loop3A_855 = arith.constant 16 : index
        %parallel_loop3A_856 = tpu.vector_load %arg13[%parallel_loop3A_854, %parallel_loop3A_855] {strides = array<i32>} : memref<80x128xf32, #tpu.memory_space<vmem>>, vector<1x16xf32>,
        %parallel_loop3A_857 = vector.shape_cast %parallel_loop3A_856 : vector<1x16xf32> to vector<16xf32>
        %parallel_loop3A_858 = vector.shape_cast %parallel_loop3A_853 : vector<16xf32> to vector<1x16xf32>
        tpu.vector_store %arg13[%parallel_loop3A_854, %parallel_loop3A_855], %parallel_loop3A_858 {add = true, strides = array<i32>} : memref<80x128xf32, #tpu.memory_space<vmem>>, vector<1x16xf32>,
        %parallel_loop3A_859 = arith.index_cast %parallel_loop3A_840 : i32 to index
        %parallel_loop3A_860 = arith.constant 32 : index
        %parallel_loop3A_861 = tpu.vector_load %arg15[%parallel_loop3A_859, %parallel_loop3A_860] {strides = array<i32>} : memref<80x128xf32, #tpu.memory_space<vmem>>, vector<1x16xf32>,
        %parallel_loop3A_862 = vector.shape_cast %parallel_loop3A_861 : vector<1x16xf32> to vector<16xf32>
        %parallel_loop3A_863 = arith.index_cast %parallel_loop3A_840 : i32 to index
        %parallel_loop3A_864 = arith.constant 32 : index
        %parallel_loop3A_865 = tpu.vector_load %arg13[%parallel_loop3A_863, %parallel_loop3A_864] {strides = array<i32>} : memref<80x128xf32, #tpu.memory_space<vmem>>, vector<1x16xf32>,
        %parallel_loop3A_866 = vector.shape_cast %parallel_loop3A_865 : vector<1x16xf32> to vector<16xf32>
        %parallel_loop3A_867 = vector.shape_cast %parallel_loop3A_862 : vector<16xf32> to vector<1x16xf32>
        tpu.vector_store %arg13[%parallel_loop3A_863, %parallel_loop3A_864], %parallel_loop3A_867 {add = true, strides = array<i32>} : memref<80x128xf32, #tpu.memory_space<vmem>>, vector<1x16xf32>,
        %parallel_loop3A_868 = arith.index_cast %parallel_loop3A_840 : i32 to index
        %parallel_loop3A_869 = arith.constant 48 : index
        %parallel_loop3A_870 = tpu.vector_load %arg15[%parallel_loop3A_868, %parallel_loop3A_869] {strides = array<i32>} : memref<80x128xf32, #tpu.memory_space<vmem>>, vector<1x16xf32>,
        %parallel_loop3A_871 = vector.shape_cast %parallel_loop3A_870 : vector<1x16xf32> to vector<16xf32>
        %parallel_loop3A_872 = arith.index_cast %parallel_loop3A_840 : i32 to index
        %parallel_loop3A_873 = arith.constant 48 : index
        %parallel_loop3A_874 = tpu.vector_load %arg13[%parallel_loop3A_872, %parallel_loop3A_873] {strides = array<i32>} : memref<80x128xf32, #tpu.memory_space<vmem>>, vector<1x16xf32>,
        %parallel_loop3A_875 = vector.shape_cast %parallel_loop3A_874 : vector<1x16xf32> to vector<16xf32>
        %parallel_loop3A_876 = vector.shape_cast %parallel_loop3A_871 : vector<16xf32> to vector<1x16xf32>
        tpu.vector_store %arg13[%parallel_loop3A_872, %parallel_loop3A_873], %parallel_loop3A_876 {add = true, strides = array<i32>} : memref<80x128xf32, #tpu.memory_space<vmem>>, vector<1x16xf32>,
        %parallel_loop3A_877 = arith.index_cast %parallel_loop3A_840 : i32 to index
        %parallel_loop3A_878 = arith.constant 64 : index
        %parallel_loop3A_879 = tpu.vector_load %arg15[%parallel_loop3A_877, %parallel_loop3A_878] {strides = array<i32>} : memref<80x128xf32, #tpu.memory_space<vmem>>, vector<1x16xf32>,
        %parallel_loop3A_880 = vector.shape_cast %parallel_loop3A_879 : vector<1x16xf32> to vector<16xf32>
        %parallel_loop3A_881 = arith.index_cast %parallel_loop3A_840 : i32 to index
        %parallel_loop3A_882 = arith.constant 64 : index
        %parallel_loop3A_883 = tpu.vector_load %arg13[%parallel_loop3A_881, %parallel_loop3A_882] {strides = array<i32>} : memref<80x128xf32, #tpu.memory_space<vmem>>, vector<1x16xf32>,
        %parallel_loop3A_884 = vector.shape_cast %parallel_loop3A_883 : vector<1x16xf32> to vector<16xf32>
        %parallel_loop3A_885 = vector.shape_cast %parallel_loop3A_880 : vector<16xf32> to vector<1x16xf32>
        tpu.vector_store %arg13[%parallel_loop3A_881, %parallel_loop3A_882], %parallel_loop3A_885 {add = true, strides = array<i32>} : memref<80x128xf32, #tpu.memory_space<vmem>>, vector<1x16xf32>,
        %parallel_loop3A_886 = arith.index_cast %parallel_loop3A_840 : i32 to index
        %parallel_loop3A_887 = arith.constant 80 : index
        %parallel_loop3A_888 = tpu.vector_load %arg15[%parallel_loop3A_886, %parallel_loop3A_887] {strides = array<i32>} : memref<80x128xf32, #tpu.memory_space<vmem>>, vector<1x16xf32>,
        %parallel_loop3A_889 = vector.shape_cast %parallel_loop3A_888 : vector<1x16xf32> to vector<16xf32>
        %parallel_loop3A_890 = arith.index_cast %parallel_loop3A_840 : i32 to index
        %parallel_loop3A_891 = arith.constant 80 : index
        %parallel_loop3A_892 = tpu.vector_load %arg13[%parallel_loop3A_890, %parallel_loop3A_891] {strides = array<i32>} : memref<80x128xf32, #tpu.memory_space<vmem>>, vector<1x16xf32>,
        %parallel_loop3A_893 = vector.shape_cast %parallel_loop3A_892 : vector<1x16xf32> to vector<16xf32>
        %parallel_loop3A_894 = vector.shape_cast %parallel_loop3A_889 : vector<16xf32> to vector<1x16xf32>
        tpu.vector_store %arg13[%parallel_loop3A_890, %parallel_loop3A_891], %parallel_loop3A_894 {add = true, strides = array<i32>} : memref<80x128xf32, #tpu.memory_space<vmem>>, vector<1x16xf32>,
        %parallel_loop3A_895 = arith.index_cast %parallel_loop3A_840 : i32 to index
        %parallel_loop3A_896 = arith.constant 96 : index
        %parallel_loop3A_897 = tpu.vector_load %arg15[%parallel_loop3A_895, %parallel_loop3A_896] {strides = array<i32>} : memref<80x128xf32, #tpu.memory_space<vmem>>, vector<1x16xf32>,
        %parallel_loop3A_898 = vector.shape_cast %parallel_loop3A_897 : vector<1x16xf32> to vector<16xf32>
        %parallel_loop3A_899 = arith.index_cast %parallel_loop3A_840 : i32 to index
        %parallel_loop3A_900 = arith.constant 96 : index
        %parallel_loop3A_901 = tpu.vector_load %arg13[%parallel_loop3A_899, %parallel_loop3A_900] {strides = array<i32>} : memref<80x128xf32, #tpu.memory_space<vmem>>, vector<1x16xf32>,
        %parallel_loop3A_902 = vector.shape_cast %parallel_loop3A_901 : vector<1x16xf32> to vector<16xf32>
        %parallel_loop3A_903 = vector.shape_cast %parallel_loop3A_898 : vector<16xf32> to vector<1x16xf32>
        tpu.vector_store %arg13[%parallel_loop3A_899, %parallel_loop3A_900], %parallel_loop3A_903 {add = true, strides = array<i32>} : memref<80x128xf32, #tpu.memory_space<vmem>>, vector<1x16xf32>,
        %parallel_loop3A_904 = arith.index_cast %parallel_loop3A_840 : i32 to index
        %parallel_loop3A_905 = arith.constant 112 : index
        %parallel_loop3A_906 = tpu.vector_load %arg15[%parallel_loop3A_904, %parallel_loop3A_905] {strides = array<i32>} : memref<80x128xf32, #tpu.memory_space<vmem>>, vector<1x16xf32>,
        %parallel_loop3A_907 = vector.shape_cast %parallel_loop3A_906 : vector<1x16xf32> to vector<16xf32>
        %parallel_loop3A_908 = arith.index_cast %parallel_loop3A_840 : i32 to index
        %parallel_loop3A_909 = arith.constant 112 : index
        %parallel_loop3A_910 = tpu.vector_load %arg13[%parallel_loop3A_908, %parallel_loop3A_909] {strides = array<i32>} : memref<80x128xf32, #tpu.memory_space<vmem>>, vector<1x16xf32>,
        %parallel_loop3A_911 = vector.shape_cast %parallel_loop3A_910 : vector<1x16xf32> to vector<16xf32>
        %parallel_loop3A_912 = vector.shape_cast %parallel_loop3A_907 : vector<16xf32> to vector<1x16xf32>
        tpu.vector_store %arg13[%parallel_loop3A_908, %parallel_loop3A_909], %parallel_loop3A_912 {add = true, strides = array<i32>} : memref<80x128xf32, #tpu.memory_space<vmem>>, vector<1x16xf32>,
      } {sc.loop_unroll_factor = 4 : i64, sc.parallel_access}
      %sub3A_565 = arith.constant 2 : i32
      %sub3A_566 = arith.subi %add3A_547, %sub3A_565 : i32
      %mul3A_567 = arith.constant 80 : i32
      %mul3A_568 = arith.muli %sub3A_566, %mul3A_567 : i32
      %add3A_569 = arith.addi %mul3A_4, %mul3A_568 : i32
      %dma_wait3A_570 = arith.constant 0 : i32
      %dma_wait3A_571 = tpu.memref_slice %arg6[%add3A_569, %dma_wait3A_570] : memref<819200x128xf32, #tpu.memory_space<hbm>> -> memref<80x128xf32, #tpu.memory_space<hbm>>
      %dma_wait3A_572 = arith.constant 0 : i32
      %dma_wait3A_573 = tpu.memref_slice %arg6[%add3A_569, %dma_wait3A_572] : memref<819200x128xf32, #tpu.memory_space<hbm>> -> memref<80x128xf32, #tpu.memory_space<hbm>>
      tpu.wait_dma2 semaphore(%arg27 : memref<!tpu.dma_semaphore, #tpu.memory_space<semaphore_mem>>) src(%arg11 : memref<80x128xf32, #tpu.memory_space<vmem>>) dst(%dma_wait3A_573 : memref<80x128xf32, #tpu.memory_space<hbm>>)
      %add3A_574 = arith.constant 2 : i32
      %add3A_575 = arith.addi %add3A_547, %add3A_574 : i32
      %lt3A_576 = arith.constant 320 : i32
      %lt3A_577 = arith.cmpi slt, %add3A_575, %lt3A_576 : i32
      %convert_element_type3A_578 = arith.extui %lt3A_577 : i1 to i32
      %cond3A_579 = arith.constant 0 : i32
      %cond3A_580 = arith.cmpi ne, %convert_element_type3A_578, %cond3A_579 : i32
      scf.if %cond3A_580 {
        %mul3A_840 = arith.constant 2 : i32
        %mul3A_841 = arith.muli %mul3A_840, %scan3A_451 : i32
        %add3A_842 = arith.constant 0 : i32
        %add3A_843 = arith.addi %mul3A_841, %add3A_842 : i32
        %add3A_844 = arith.constant 1 : i32
        %add3A_845 = arith.addi %add3A_843, %add3A_844 : i32
        %mul3A_846 = arith.constant 4 : i32
        %mul3A_847 = arith.muli %add3A_845, %mul3A_846 : i32
        %add3A_848 = arith.addi %mul3A_2, %mul3A_847 : i32
        %dma_wait3A_849 = arith.constant 0 : i32
        %dma_wait3A_850 = tpu.memref_slice %arg4[%add3A_848, %dma_wait3A_849] : memref<10240x80xi32, #tpu.memory_space<hbm>> -> memref<4x80xi32, #tpu.memory_space<hbm>>
        %dma_wait3A_851 = arith.constant 0 : i32
        %dma_wait3A_852 = tpu.memref_slice %arg4[%add3A_848, %dma_wait3A_851] : memref<10240x80xi32, #tpu.memory_space<hbm>> -> memref<4x80xi32, #tpu.memory_space<hbm>>
        tpu.wait_dma2 semaphore(%arg18 : memref<!tpu.dma_semaphore, #tpu.memory_space<semaphore_mem>>) src(%dma_wait3A_852 : memref<4x80xi32, #tpu.memory_space<hbm>>) dst(%arg8 : memref<4x80xi32, #tpu.memory_space<vmem>>)
        %dma_wait3A_853 = arith.constant 0 : i32
        %dma_wait3A_854 = tpu.memref_slice %arg5[%add3A_848, %dma_wait3A_853] : memref<10240x80xi32, #tpu.memory_space<hbm>> -> memref<4x80xi32, #tpu.memory_space<hbm>>
        %dma_wait3A_855 = arith.constant 0 : i32
        %dma_wait3A_856 = tpu.memref_slice %arg5[%add3A_848, %dma_wait3A_855] : memref<10240x80xi32, #tpu.memory_space<hbm>> -> memref<4x80xi32, #tpu.memory_space<hbm>>
        tpu.wait_dma2 semaphore(%arg20 : memref<!tpu.dma_semaphore, #tpu.memory_space<semaphore_mem>>) src(%dma_wait3A_856 : memref<4x80xi32, #tpu.memory_space<hbm>>) dst(%arg10 : memref<4x80xi32, #tpu.memory_space<vmem>>)
        %dma_start3A_857 = arith.constant 0 : i32
        %dma_start3A_858 = arith.constant 0 : i32
        %dma_start3A_859 = tpu.memref_slice %arg8[%dma_start3A_857, %dma_start3A_858] : memref<4x80xi32, #tpu.memory_space<vmem>> -> memref<1x80xi32, #tpu.memory_space<vmem>>
        %dma_start3A_860 = tpu.memref_squeeze %dma_start3A_859 : memref<1x80xi32, #tpu.memory_space<vmem>> -> memref<80xi32, #tpu.memory_space<vmem>>
        %dma_start3A_861 = arith.constant 0 : i32
        %dma_start3A_862 = arith.constant 0 : i32
        %dma_start3A_863 = tpu.memref_slice %arg31[%dma_start3A_861, %dma_start3A_862] : memref<513x128xf32, #tpu.memory_space<vmem_shared>> -> memref<513x128xf32, #tpu.memory_space<vmem_shared>>
        tpu.enqueue_indirect_dma source(%dma_start3A_863 : memref<513x128xf32, #tpu.memory_space<vmem_shared>>) target(%arg11 : memref<80x128xf32, #tpu.memory_space<vmem>>) offsets(%dma_start3A_860 : memref<80xi32, #tpu.memory_space<vmem>>) semaphore(%arg21 : memref<!tpu.dma_semaphore, #tpu.memory_space<semaphore_mem>>)
        %dma_start3A_864 = arith.constant 0 : i32
        %dma_start3A_865 = arith.constant 0 : i32
        %dma_start3A_866 = tpu.memref_slice %arg10[%dma_start3A_864, %dma_start3A_865] : memref<4x80xi32, #tpu.memory_space<vmem>> -> memref<1x80xi32, #tpu.memory_space<vmem>>
        %dma_start3A_867 = tpu.memref_squeeze %dma_start3A_866 : memref<1x80xi32, #tpu.memory_space<vmem>> -> memref<80xi32, #tpu.memory_space<vmem>>
        %dma_start3A_868 = arith.constant 0 : i32
        %dma_start3A_869 = arith.constant 0 : i32
        %dma_start3A_870 = tpu.memref_slice %arg32[%dma_start3A_868, %dma_start3A_869] : memref<4620x128xf32, #tpu.memory_space<vmem_shared>> -> memref<4620x128xf32, #tpu.memory_space<vmem_shared>>
        tpu.enqueue_indirect_dma source(%dma_start3A_870 : memref<4620x128xf32, #tpu.memory_space<vmem_shared>>) target(%arg15 : memref<80x128xf32, #tpu.memory_space<vmem>>) offsets(%dma_start3A_867 : memref<80xi32, #tpu.memory_space<vmem>>) semaphore(%arg25 : memref<!tpu.dma_semaphore, #tpu.memory_space<semaphore_mem>>)
      } else {
      }
      %mul3A_581 = arith.constant 80 : i32
      %mul3A_582 = arith.muli %add3A_547, %mul3A_581 : i32
      %add3A_583 = arith.addi %mul3A_4, %mul3A_582 : i32
      %dma_start3A_584 = arith.constant 0 : i32
      %dma_start3A_585 = tpu.memref_slice %arg6[%add3A_583, %dma_start3A_584] : memref<819200x128xf32, #tpu.memory_space<hbm>> -> memref<80x128xf32, #tpu.memory_space<hbm>>
      %dma_start3A_586 = arith.constant 0 : i32
      %dma_start3A_587 = tpu.memref_slice %arg6[%add3A_583, %dma_start3A_586] : memref<819200x128xf32, #tpu.memory_space<hbm>> -> memref<80x128xf32, #tpu.memory_space<hbm>>
      tpu.enqueue_dma source(%arg13 : memref<80x128xf32, #tpu.memory_space<vmem>>) target(%dma_start3A_587 : memref<80x128xf32, #tpu.memory_space<hbm>>) target_semaphore(%arg29 : memref<!tpu.dma_semaphore, #tpu.memory_space<semaphore_mem>>)
      %mul3A_588 = arith.constant 8 : i32
      %mul3A_589 = arith.muli %mul3A_588, %scan3A_451 : i32
      %add3A_590 = arith.constant 0 : i32
      %add3A_591 = arith.addi %mul3A_589, %add3A_590 : i32
      %add3A_592 = arith.constant 3 : i32
      %add3A_593 = arith.addi %add3A_591, %add3A_592 : i32
      %dma_wait3A_594 = arith.constant 3 : i32
      %dma_wait3A_595 = arith.constant 0 : i32
      %dma_wait3A_596 = tpu.memref_slice %arg7[%dma_wait3A_594, %dma_wait3A_595] : memref<4x80xi32, #tpu.memory_space<vmem>> -> memref<1x80xi32, #tpu.memory_space<vmem>>
      %dma_wait3A_597 = tpu.memref_squeeze %dma_wait3A_596 : memref<1x80xi32, #tpu.memory_space<vmem>> -> memref<80xi32, #tpu.memory_space<vmem>>
      %dma_wait3A_598 = arith.constant 0 : i32
      %dma_wait3A_599 = arith.constant 0 : i32
      %dma_wait3A_600 = tpu.memref_slice %arg31[%dma_wait3A_598, %dma_wait3A_599] : memref<513x128xf32, #tpu.memory_space<vmem_shared>> -> memref<513x128xf32, #tpu.memory_space<vmem_shared>>
      tpu.wait_indirect_dma semaphore(%arg24 : memref<!tpu.dma_semaphore, #tpu.memory_space<semaphore_mem>>) src(%dma_wait3A_600 : memref<513x128xf32, #tpu.memory_space<vmem_shared>>) dst(%arg14 : memref<80x128xf32, #tpu.memory_space<vmem>>)
      %dma_wait3A_601 = arith.constant 3 : i32
      %dma_wait3A_602 = arith.constant 0 : i32
      %dma_wait3A_603 = tpu.memref_slice %arg9[%dma_wait3A_601, %dma_wait3A_602] : memref<4x80xi32, #tpu.memory_space<vmem>> -> memref<1x80xi32, #tpu.memory_space<vmem>>
      %dma_wait3A_604 = tpu.memref_squeeze %dma_wait3A_603 : memref<1x80xi32, #tpu.memory_space<vmem>> -> memref<80xi32, #tpu.memory_space<vmem>>
      %dma_wait3A_605 = arith.constant 0 : i32
      %dma_wait3A_606 = arith.constant 0 : i32
      %dma_wait3A_607 = tpu.memref_slice %arg32[%dma_wait3A_605, %dma_wait3A_606] : memref<4620x128xf32, #tpu.memory_space<vmem_shared>> -> memref<4620x128xf32, #tpu.memory_space<vmem_shared>>
      tpu.wait_indirect_dma semaphore(%arg26 : memref<!tpu.dma_semaphore, #tpu.memory_space<semaphore_mem>>) src(%dma_wait3A_607 : memref<4620x128xf32, #tpu.memory_space<vmem_shared>>) dst(%arg16 : memref<80x128xf32, #tpu.memory_space<vmem>>)
      %parallel_loop3A_608 = arith.constant 0 : i32
      %parallel_loop3A_609 = arith.constant 80 : i32
      %parallel_loop3A_610 = arith.constant 1 : i32
      scf.for %parallel_loop3A_840 = %parallel_loop3A_608 to %parallel_loop3A_609 step %parallel_loop3A_610  : i32 {
        %parallel_loop3A_841 = arith.index_cast %parallel_loop3A_840 : i32 to index
        %parallel_loop3A_842 = arith.constant 0 : index
        %parallel_loop3A_843 = tpu.vector_load %arg16[%parallel_loop3A_841, %parallel_loop3A_842] {strides = array<i32>} : memref<80x128xf32, #tpu.memory_space<vmem>>, vector<1x16xf32>,
        %parallel_loop3A_844 = vector.shape_cast %parallel_loop3A_843 : vector<1x16xf32> to vector<16xf32>
        %parallel_loop3A_845 = arith.index_cast %parallel_loop3A_840 : i32 to index
        %parallel_loop3A_846 = arith.constant 0 : index
        %parallel_loop3A_847 = tpu.vector_load %arg14[%parallel_loop3A_845, %parallel_loop3A_846] {strides = array<i32>} : memref<80x128xf32, #tpu.memory_space<vmem>>, vector<1x16xf32>,
        %parallel_loop3A_848 = vector.shape_cast %parallel_loop3A_847 : vector<1x16xf32> to vector<16xf32>
        %parallel_loop3A_849 = vector.shape_cast %parallel_loop3A_844 : vector<16xf32> to vector<1x16xf32>
        tpu.vector_store %arg14[%parallel_loop3A_845, %parallel_loop3A_846], %parallel_loop3A_849 {add = true, strides = array<i32>} : memref<80x128xf32, #tpu.memory_space<vmem>>, vector<1x16xf32>,
        %parallel_loop3A_850 = arith.index_cast %parallel_loop3A_840 : i32 to index
        %parallel_loop3A_851 = arith.constant 16 : index
        %parallel_loop3A_852 = tpu.vector_load %arg16[%parallel_loop3A_850, %parallel_loop3A_851] {strides = array<i32>} : memref<80x128xf32, #tpu.memory_space<vmem>>, vector<1x16xf32>,
        %parallel_loop3A_853 = vector.shape_cast %parallel_loop3A_852 : vector<1x16xf32> to vector<16xf32>
        %parallel_loop3A_854 = arith.index_cast %parallel_loop3A_840 : i32 to index
        %parallel_loop3A_855 = arith.constant 16 : index
        %parallel_loop3A_856 = tpu.vector_load %arg14[%parallel_loop3A_854, %parallel_loop3A_855] {strides = array<i32>} : memref<80x128xf32, #tpu.memory_space<vmem>>, vector<1x16xf32>,
        %parallel_loop3A_857 = vector.shape_cast %parallel_loop3A_856 : vector<1x16xf32> to vector<16xf32>
        %parallel_loop3A_858 = vector.shape_cast %parallel_loop3A_853 : vector<16xf32> to vector<1x16xf32>
        tpu.vector_store %arg14[%parallel_loop3A_854, %parallel_loop3A_855], %parallel_loop3A_858 {add = true, strides = array<i32>} : memref<80x128xf32, #tpu.memory_space<vmem>>, vector<1x16xf32>,
        %parallel_loop3A_859 = arith.index_cast %parallel_loop3A_840 : i32 to index
        %parallel_loop3A_860 = arith.constant 32 : index
        %parallel_loop3A_861 = tpu.vector_load %arg16[%parallel_loop3A_859, %parallel_loop3A_860] {strides = array<i32>} : memref<80x128xf32, #tpu.memory_space<vmem>>, vector<1x16xf32>,
        %parallel_loop3A_862 = vector.shape_cast %parallel_loop3A_861 : vector<1x16xf32> to vector<16xf32>
        %parallel_loop3A_863 = arith.index_cast %parallel_loop3A_840 : i32 to index
        %parallel_loop3A_864 = arith.constant 32 : index
        %parallel_loop3A_865 = tpu.vector_load %arg14[%parallel_loop3A_863, %parallel_loop3A_864] {strides = array<i32>} : memref<80x128xf32, #tpu.memory_space<vmem>>, vector<1x16xf32>,
        %parallel_loop3A_866 = vector.shape_cast %parallel_loop3A_865 : vector<1x16xf32> to vector<16xf32>
        %parallel_loop3A_867 = vector.shape_cast %parallel_loop3A_862 : vector<16xf32> to vector<1x16xf32>
        tpu.vector_store %arg14[%parallel_loop3A_863, %parallel_loop3A_864], %parallel_loop3A_867 {add = true, strides = array<i32>} : memref<80x128xf32, #tpu.memory_space<vmem>>, vector<1x16xf32>,
        %parallel_loop3A_868 = arith.index_cast %parallel_loop3A_840 : i32 to index
        %parallel_loop3A_869 = arith.constant 48 : index
        %parallel_loop3A_870 = tpu.vector_load %arg16[%parallel_loop3A_868, %parallel_loop3A_869] {strides = array<i32>} : memref<80x128xf32, #tpu.memory_space<vmem>>, vector<1x16xf32>,
        %parallel_loop3A_871 = vector.shape_cast %parallel_loop3A_870 : vector<1x16xf32> to vector<16xf32>
        %parallel_loop3A_872 = arith.index_cast %parallel_loop3A_840 : i32 to index
        %parallel_loop3A_873 = arith.constant 48 : index
        %parallel_loop3A_874 = tpu.vector_load %arg14[%parallel_loop3A_872, %parallel_loop3A_873] {strides = array<i32>} : memref<80x128xf32, #tpu.memory_space<vmem>>, vector<1x16xf32>,
        %parallel_loop3A_875 = vector.shape_cast %parallel_loop3A_874 : vector<1x16xf32> to vector<16xf32>
        %parallel_loop3A_876 = vector.shape_cast %parallel_loop3A_871 : vector<16xf32> to vector<1x16xf32>
        tpu.vector_store %arg14[%parallel_loop3A_872, %parallel_loop3A_873], %parallel_loop3A_876 {add = true, strides = array<i32>} : memref<80x128xf32, #tpu.memory_space<vmem>>, vector<1x16xf32>,
        %parallel_loop3A_877 = arith.index_cast %parallel_loop3A_840 : i32 to index
        %parallel_loop3A_878 = arith.constant 64 : index
        %parallel_loop3A_879 = tpu.vector_load %arg16[%parallel_loop3A_877, %parallel_loop3A_878] {strides = array<i32>} : memref<80x128xf32, #tpu.memory_space<vmem>>, vector<1x16xf32>,
        %parallel_loop3A_880 = vector.shape_cast %parallel_loop3A_879 : vector<1x16xf32> to vector<16xf32>
        %parallel_loop3A_881 = arith.index_cast %parallel_loop3A_840 : i32 to index
        %parallel_loop3A_882 = arith.constant 64 : index
        %parallel_loop3A_883 = tpu.vector_load %arg14[%parallel_loop3A_881, %parallel_loop3A_882] {strides = array<i32>} : memref<80x128xf32, #tpu.memory_space<vmem>>, vector<1x16xf32>,
        %parallel_loop3A_884 = vector.shape_cast %parallel_loop3A_883 : vector<1x16xf32> to vector<16xf32>
        %parallel_loop3A_885 = vector.shape_cast %parallel_loop3A_880 : vector<16xf32> to vector<1x16xf32>
        tpu.vector_store %arg14[%parallel_loop3A_881, %parallel_loop3A_882], %parallel_loop3A_885 {add = true, strides = array<i32>} : memref<80x128xf32, #tpu.memory_space<vmem>>, vector<1x16xf32>,
        %parallel_loop3A_886 = arith.index_cast %parallel_loop3A_840 : i32 to index
        %parallel_loop3A_887 = arith.constant 80 : index
        %parallel_loop3A_888 = tpu.vector_load %arg16[%parallel_loop3A_886, %parallel_loop3A_887] {strides = array<i32>} : memref<80x128xf32, #tpu.memory_space<vmem>>, vector<1x16xf32>,
        %parallel_loop3A_889 = vector.shape_cast %parallel_loop3A_888 : vector<1x16xf32> to vector<16xf32>
        %parallel_loop3A_890 = arith.index_cast %parallel_loop3A_840 : i32 to index
        %parallel_loop3A_891 = arith.constant 80 : index
        %parallel_loop3A_892 = tpu.vector_load %arg14[%parallel_loop3A_890, %parallel_loop3A_891] {strides = array<i32>} : memref<80x128xf32, #tpu.memory_space<vmem>>, vector<1x16xf32>,
        %parallel_loop3A_893 = vector.shape_cast %parallel_loop3A_892 : vector<1x16xf32> to vector<16xf32>
        %parallel_loop3A_894 = vector.shape_cast %parallel_loop3A_889 : vector<16xf32> to vector<1x16xf32>
        tpu.vector_store %arg14[%parallel_loop3A_890, %parallel_loop3A_891], %parallel_loop3A_894 {add = true, strides = array<i32>} : memref<80x128xf32, #tpu.memory_space<vmem>>, vector<1x16xf32>,
        %parallel_loop3A_895 = arith.index_cast %parallel_loop3A_840 : i32 to index
        %parallel_loop3A_896 = arith.constant 96 : index
        %parallel_loop3A_897 = tpu.vector_load %arg16[%parallel_loop3A_895, %parallel_loop3A_896] {strides = array<i32>} : memref<80x128xf32, #tpu.memory_space<vmem>>, vector<1x16xf32>,
        %parallel_loop3A_898 = vector.shape_cast %parallel_loop3A_897 : vector<1x16xf32> to vector<16xf32>
        %parallel_loop3A_899 = arith.index_cast %parallel_loop3A_840 : i32 to index
        %parallel_loop3A_900 = arith.constant 96 : index
        %parallel_loop3A_901 = tpu.vector_load %arg14[%parallel_loop3A_899, %parallel_loop3A_900] {strides = array<i32>} : memref<80x128xf32, #tpu.memory_space<vmem>>, vector<1x16xf32>,
        %parallel_loop3A_902 = vector.shape_cast %parallel_loop3A_901 : vector<1x16xf32> to vector<16xf32>
        %parallel_loop3A_903 = vector.shape_cast %parallel_loop3A_898 : vector<16xf32> to vector<1x16xf32>
        tpu.vector_store %arg14[%parallel_loop3A_899, %parallel_loop3A_900], %parallel_loop3A_903 {add = true, strides = array<i32>} : memref<80x128xf32, #tpu.memory_space<vmem>>, vector<1x16xf32>,
        %parallel_loop3A_904 = arith.index_cast %parallel_loop3A_840 : i32 to index
        %parallel_loop3A_905 = arith.constant 112 : index
        %parallel_loop3A_906 = tpu.vector_load %arg16[%parallel_loop3A_904, %parallel_loop3A_905] {strides = array<i32>} : memref<80x128xf32, #tpu.memory_space<vmem>>, vector<1x16xf32>,
        %parallel_loop3A_907 = vector.shape_cast %parallel_loop3A_906 : vector<1x16xf32> to vector<16xf32>
        %parallel_loop3A_908 = arith.index_cast %parallel_loop3A_840 : i32 to index
        %parallel_loop3A_909 = arith.constant 112 : index
        %parallel_loop3A_910 = tpu.vector_load %arg14[%parallel_loop3A_908, %parallel_loop3A_909] {strides = array<i32>} : memref<80x128xf32, #tpu.memory_space<vmem>>, vector<1x16xf32>,
        %parallel_loop3A_911 = vector.shape_cast %parallel_loop3A_910 : vector<1x16xf32> to vector<16xf32>
        %parallel_loop3A_912 = vector.shape_cast %parallel_loop3A_907 : vector<16xf32> to vector<1x16xf32>
        tpu.vector_store %arg14[%parallel_loop3A_908, %parallel_loop3A_909], %parallel_loop3A_912 {add = true, strides = array<i32>} : memref<80x128xf32, #tpu.memory_space<vmem>>, vector<1x16xf32>,
      } {sc.loop_unroll_factor = 4 : i64, sc.parallel_access}
      %sub3A_611 = arith.constant 2 : i32
      %sub3A_612 = arith.subi %add3A_593, %sub3A_611 : i32
      %mul3A_613 = arith.constant 80 : i32
      %mul3A_614 = arith.muli %sub3A_612, %mul3A_613 : i32
      %add3A_615 = arith.addi %mul3A_4, %mul3A_614 : i32
      %dma_wait3A_616 = arith.constant 0 : i32
      %dma_wait3A_617 = tpu.memref_slice %arg6[%add3A_615, %dma_wait3A_616] : memref<819200x128xf32, #tpu.memory_space<hbm>> -> memref<80x128xf32, #tpu.memory_space<hbm>>
      %dma_wait3A_618 = arith.constant 0 : i32
      %dma_wait3A_619 = tpu.memref_slice %arg6[%add3A_615, %dma_wait3A_618] : memref<819200x128xf32, #tpu.memory_space<hbm>> -> memref<80x128xf32, #tpu.memory_space<hbm>>
      tpu.wait_dma2 semaphore(%arg28 : memref<!tpu.dma_semaphore, #tpu.memory_space<semaphore_mem>>) src(%arg12 : memref<80x128xf32, #tpu.memory_space<vmem>>) dst(%dma_wait3A_619 : memref<80x128xf32, #tpu.memory_space<hbm>>)
      %add3A_620 = arith.constant 2 : i32
      %add3A_621 = arith.addi %add3A_593, %add3A_620 : i32
      %lt3A_622 = arith.constant 320 : i32
      %lt3A_623 = arith.cmpi slt, %add3A_621, %lt3A_622 : i32
      %convert_element_type3A_624 = arith.extui %lt3A_623 : i1 to i32
      %cond3A_625 = arith.constant 0 : i32
      %cond3A_626 = arith.cmpi ne, %convert_element_type3A_624, %cond3A_625 : i32
      scf.if %cond3A_626 {
        %dma_start3A_840 = arith.constant 1 : i32
        %dma_start3A_841 = arith.constant 0 : i32
        %dma_start3A_842 = tpu.memref_slice %arg8[%dma_start3A_840, %dma_start3A_841] : memref<4x80xi32, #tpu.memory_space<vmem>> -> memref<1x80xi32, #tpu.memory_space<vmem>>
        %dma_start3A_843 = tpu.memref_squeeze %dma_start3A_842 : memref<1x80xi32, #tpu.memory_space<vmem>> -> memref<80xi32, #tpu.memory_space<vmem>>
        %dma_start3A_844 = arith.constant 0 : i32
        %dma_start3A_845 = arith.constant 0 : i32
        %dma_start3A_846 = tpu.memref_slice %arg31[%dma_start3A_844, %dma_start3A_845] : memref<513x128xf32, #tpu.memory_space<vmem_shared>> -> memref<513x128xf32, #tpu.memory_space<vmem_shared>>
        tpu.enqueue_indirect_dma source(%dma_start3A_846 : memref<513x128xf32, #tpu.memory_space<vmem_shared>>) target(%arg12 : memref<80x128xf32, #tpu.memory_space<vmem>>) offsets(%dma_start3A_843 : memref<80xi32, #tpu.memory_space<vmem>>) semaphore(%arg22 : memref<!tpu.dma_semaphore, #tpu.memory_space<semaphore_mem>>)
        %dma_start3A_847 = arith.constant 1 : i32
        %dma_start3A_848 = arith.constant 0 : i32
        %dma_start3A_849 = tpu.memref_slice %arg10[%dma_start3A_847, %dma_start3A_848] : memref<4x80xi32, #tpu.memory_space<vmem>> -> memref<1x80xi32, #tpu.memory_space<vmem>>
        %dma_start3A_850 = tpu.memref_squeeze %dma_start3A_849 : memref<1x80xi32, #tpu.memory_space<vmem>> -> memref<80xi32, #tpu.memory_space<vmem>>
        %dma_start3A_851 = arith.constant 0 : i32
        %dma_start3A_852 = arith.constant 0 : i32
        %dma_start3A_853 = tpu.memref_slice %arg32[%dma_start3A_851, %dma_start3A_852] : memref<4620x128xf32, #tpu.memory_space<vmem_shared>> -> memref<4620x128xf32, #tpu.memory_space<vmem_shared>>
        tpu.enqueue_indirect_dma source(%dma_start3A_853 : memref<4620x128xf32, #tpu.memory_space<vmem_shared>>) target(%arg16 : memref<80x128xf32, #tpu.memory_space<vmem>>) offsets(%dma_start3A_850 : memref<80xi32, #tpu.memory_space<vmem>>) semaphore(%arg26 : memref<!tpu.dma_semaphore, #tpu.memory_space<semaphore_mem>>)
      } else {
      }
      %mul3A_627 = arith.constant 80 : i32
      %mul3A_628 = arith.muli %add3A_593, %mul3A_627 : i32
      %add3A_629 = arith.addi %mul3A_4, %mul3A_628 : i32
      %dma_start3A_630 = arith.constant 0 : i32
      %dma_start3A_631 = tpu.memref_slice %arg6[%add3A_629, %dma_start3A_630] : memref<819200x128xf32, #tpu.memory_space<hbm>> -> memref<80x128xf32, #tpu.memory_space<hbm>>
      %dma_start3A_632 = arith.constant 0 : i32
      %dma_start3A_633 = tpu.memref_slice %arg6[%add3A_629, %dma_start3A_632] : memref<819200x128xf32, #tpu.memory_space<hbm>> -> memref<80x128xf32, #tpu.memory_space<hbm>>
      tpu.enqueue_dma source(%arg14 : memref<80x128xf32, #tpu.memory_space<vmem>>) target(%dma_start3A_633 : memref<80x128xf32, #tpu.memory_space<hbm>>) target_semaphore(%arg30 : memref<!tpu.dma_semaphore, #tpu.memory_space<semaphore_mem>>)
      %mul3A_634 = arith.constant 2 : i32
      %mul3A_635 = arith.muli %mul3A_634, %scan3A_451 : i32
      %add3A_636 = arith.constant 0 : i32
      %add3A_637 = arith.addi %mul3A_635, %add3A_636 : i32
      %add3A_638 = arith.constant 2 : i32
      %add3A_639 = arith.addi %add3A_637, %add3A_638 : i32
      %lt3A_640 = arith.constant 80 : i32
      %lt3A_641 = arith.cmpi slt, %add3A_639, %lt3A_640 : i32
      %convert_element_type3A_642 = arith.extui %lt3A_641 : i1 to i32
      %cond3A_643 = arith.constant 0 : i32
      %cond3A_644 = arith.cmpi ne, %convert_element_type3A_642, %cond3A_643 : i32
      scf.if %cond3A_644 {
        %mul3A_840 = arith.constant 2 : i32
        %mul3A_841 = arith.muli %mul3A_840, %scan3A_451 : i32
        %add3A_842 = arith.constant 0 : i32
        %add3A_843 = arith.addi %mul3A_841, %add3A_842 : i32
        %add3A_844 = arith.constant 2 : i32
        %add3A_845 = arith.addi %add3A_843, %add3A_844 : i32
        %mul3A_846 = arith.constant 4 : i32
        %mul3A_847 = arith.muli %add3A_845, %mul3A_846 : i32
        %add3A_848 = arith.addi %mul3A_2, %mul3A_847 : i32
        %dma_start3A_849 = arith.constant 0 : i32
        %dma_start3A_850 = tpu.memref_slice %arg4[%add3A_848, %dma_start3A_849] : memref<10240x80xi32, #tpu.memory_space<hbm>> -> memref<4x80xi32, #tpu.memory_space<hbm>>
        %dma_start3A_851 = arith.constant 0 : i32
        %dma_start3A_852 = tpu.memref_slice %arg4[%add3A_848, %dma_start3A_851] : memref<10240x80xi32, #tpu.memory_space<hbm>> -> memref<4x80xi32, #tpu.memory_space<hbm>>
        tpu.enqueue_dma source(%dma_start3A_852 : memref<4x80xi32, #tpu.memory_space<hbm>>) target(%arg7 : memref<4x80xi32, #tpu.memory_space<vmem>>) target_semaphore(%arg17 : memref<!tpu.dma_semaphore, #tpu.memory_space<semaphore_mem>>)
        %dma_start3A_853 = arith.constant 0 : i32
        %dma_start3A_854 = tpu.memref_slice %arg5[%add3A_848, %dma_start3A_853] : memref<10240x80xi32, #tpu.memory_space<hbm>> -> memref<4x80xi32, #tpu.memory_space<hbm>>
        %dma_start3A_855 = arith.constant 0 : i32
        %dma_start3A_856 = tpu.memref_slice %arg5[%add3A_848, %dma_start3A_855] : memref<10240x80xi32, #tpu.memory_space<hbm>> -> memref<4x80xi32, #tpu.memory_space<hbm>>
        tpu.enqueue_dma source(%dma_start3A_856 : memref<4x80xi32, #tpu.memory_space<hbm>>) target(%arg9 : memref<4x80xi32, #tpu.memory_space<vmem>>) target_semaphore(%arg19 : memref<!tpu.dma_semaphore, #tpu.memory_space<semaphore_mem>>)
      } else {
      }
      %mul3A_645 = arith.constant 8 : i32
      %mul3A_646 = arith.muli %mul3A_645, %scan3A_451 : i32
      %add3A_647 = arith.constant 4 : i32
      %add3A_648 = arith.addi %mul3A_646, %add3A_647 : i32
      %add3A_649 = arith.constant 0 : i32
      %add3A_650 = arith.addi %add3A_648, %add3A_649 : i32
      %dma_wait3A_651 = arith.constant 0 : i32
      %dma_wait3A_652 = arith.constant 0 : i32
      %dma_wait3A_653 = tpu.memref_slice %arg8[%dma_wait3A_651, %dma_wait3A_652] : memref<4x80xi32, #tpu.memory_space<vmem>> -> memref<1x80xi32, #tpu.memory_space<vmem>>
      %dma_wait3A_654 = tpu.memref_squeeze %dma_wait3A_653 : memref<1x80xi32, #tpu.memory_space<vmem>> -> memref<80xi32, #tpu.memory_space<vmem>>
      %dma_wait3A_655 = arith.constant 0 : i32
      %dma_wait3A_656 = arith.constant 0 : i32
      %dma_wait3A_657 = tpu.memref_slice %arg31[%dma_wait3A_655, %dma_wait3A_656] : memref<513x128xf32, #tpu.memory_space<vmem_shared>> -> memref<513x128xf32, #tpu.memory_space<vmem_shared>>
      tpu.wait_indirect_dma semaphore(%arg21 : memref<!tpu.dma_semaphore, #tpu.memory_space<semaphore_mem>>) src(%dma_wait3A_657 : memref<513x128xf32, #tpu.memory_space<vmem_shared>>) dst(%arg11 : memref<80x128xf32, #tpu.memory_space<vmem>>)
      %dma_wait3A_658 = arith.constant 0 : i32
      %dma_wait3A_659 = arith.constant 0 : i32
      %dma_wait3A_660 = tpu.memref_slice %arg10[%dma_wait3A_658, %dma_wait3A_659] : memref<4x80xi32, #tpu.memory_space<vmem>> -> memref<1x80xi32, #tpu.memory_space<vmem>>
      %dma_wait3A_661 = tpu.memref_squeeze %dma_wait3A_660 : memref<1x80xi32, #tpu.memory_space<vmem>> -> memref<80xi32, #tpu.memory_space<vmem>>
      %dma_wait3A_662 = arith.constant 0 : i32
      %dma_wait3A_663 = arith.constant 0 : i32
      %dma_wait3A_664 = tpu.memref_slice %arg32[%dma_wait3A_662, %dma_wait3A_663] : memref<4620x128xf32, #tpu.memory_space<vmem_shared>> -> memref<4620x128xf32, #tpu.memory_space<vmem_shared>>
      tpu.wait_indirect_dma semaphore(%arg25 : memref<!tpu.dma_semaphore, #tpu.memory_space<semaphore_mem>>) src(%dma_wait3A_664 : memref<4620x128xf32, #tpu.memory_space<vmem_shared>>) dst(%arg15 : memref<80x128xf32, #tpu.memory_space<vmem>>)
      %parallel_loop3A_665 = arith.constant 0 : i32
      %parallel_loop3A_666 = arith.constant 80 : i32
      %parallel_loop3A_667 = arith.constant 1 : i32
      scf.for %parallel_loop3A_840 = %parallel_loop3A_665 to %parallel_loop3A_666 step %parallel_loop3A_667  : i32 {
        %parallel_loop3A_841 = arith.index_cast %parallel_loop3A_840 : i32 to index
        %parallel_loop3A_842 = arith.constant 0 : index
        %parallel_loop3A_843 = tpu.vector_load %arg15[%parallel_loop3A_841, %parallel_loop3A_842] {strides = array<i32>} : memref<80x128xf32, #tpu.memory_space<vmem>>, vector<1x16xf32>,
        %parallel_loop3A_844 = vector.shape_cast %parallel_loop3A_843 : vector<1x16xf32> to vector<16xf32>
        %parallel_loop3A_845 = arith.index_cast %parallel_loop3A_840 : i32 to index
        %parallel_loop3A_846 = arith.constant 0 : index
        %parallel_loop3A_847 = tpu.vector_load %arg11[%parallel_loop3A_845, %parallel_loop3A_846] {strides = array<i32>} : memref<80x128xf32, #tpu.memory_space<vmem>>, vector<1x16xf32>,
        %parallel_loop3A_848 = vector.shape_cast %parallel_loop3A_847 : vector<1x16xf32> to vector<16xf32>
        %parallel_loop3A_849 = vector.shape_cast %parallel_loop3A_844 : vector<16xf32> to vector<1x16xf32>
        tpu.vector_store %arg11[%parallel_loop3A_845, %parallel_loop3A_846], %parallel_loop3A_849 {add = true, strides = array<i32>} : memref<80x128xf32, #tpu.memory_space<vmem>>, vector<1x16xf32>,
        %parallel_loop3A_850 = arith.index_cast %parallel_loop3A_840 : i32 to index
        %parallel_loop3A_851 = arith.constant 16 : index
        %parallel_loop3A_852 = tpu.vector_load %arg15[%parallel_loop3A_850, %parallel_loop3A_851] {strides = array<i32>} : memref<80x128xf32, #tpu.memory_space<vmem>>, vector<1x16xf32>,
        %parallel_loop3A_853 = vector.shape_cast %parallel_loop3A_852 : vector<1x16xf32> to vector<16xf32>
        %parallel_loop3A_854 = arith.index_cast %parallel_loop3A_840 : i32 to index
        %parallel_loop3A_855 = arith.constant 16 : index
        %parallel_loop3A_856 = tpu.vector_load %arg11[%parallel_loop3A_854, %parallel_loop3A_855] {strides = array<i32>} : memref<80x128xf32, #tpu.memory_space<vmem>>, vector<1x16xf32>,
        %parallel_loop3A_857 = vector.shape_cast %parallel_loop3A_856 : vector<1x16xf32> to vector<16xf32>
        %parallel_loop3A_858 = vector.shape_cast %parallel_loop3A_853 : vector<16xf32> to vector<1x16xf32>
        tpu.vector_store %arg11[%parallel_loop3A_854, %parallel_loop3A_855], %parallel_loop3A_858 {add = true, strides = array<i32>} : memref<80x128xf32, #tpu.memory_space<vmem>>, vector<1x16xf32>,
        %parallel_loop3A_859 = arith.index_cast %parallel_loop3A_840 : i32 to index
        %parallel_loop3A_860 = arith.constant 32 : index
        %parallel_loop3A_861 = tpu.vector_load %arg15[%parallel_loop3A_859, %parallel_loop3A_860] {strides = array<i32>} : memref<80x128xf32, #tpu.memory_space<vmem>>, vector<1x16xf32>,
        %parallel_loop3A_862 = vector.shape_cast %parallel_loop3A_861 : vector<1x16xf32> to vector<16xf32>
        %parallel_loop3A_863 = arith.index_cast %parallel_loop3A_840 : i32 to index
        %parallel_loop3A_864 = arith.constant 32 : index
        %parallel_loop3A_865 = tpu.vector_load %arg11[%parallel_loop3A_863, %parallel_loop3A_864] {strides = array<i32>} : memref<80x128xf32, #tpu.memory_space<vmem>>, vector<1x16xf32>,
        %parallel_loop3A_866 = vector.shape_cast %parallel_loop3A_865 : vector<1x16xf32> to vector<16xf32>
        %parallel_loop3A_867 = vector.shape_cast %parallel_loop3A_862 : vector<16xf32> to vector<1x16xf32>
        tpu.vector_store %arg11[%parallel_loop3A_863, %parallel_loop3A_864], %parallel_loop3A_867 {add = true, strides = array<i32>} : memref<80x128xf32, #tpu.memory_space<vmem>>, vector<1x16xf32>,
        %parallel_loop3A_868 = arith.index_cast %parallel_loop3A_840 : i32 to index
        %parallel_loop3A_869 = arith.constant 48 : index
        %parallel_loop3A_870 = tpu.vector_load %arg15[%parallel_loop3A_868, %parallel_loop3A_869] {strides = array<i32>} : memref<80x128xf32, #tpu.memory_space<vmem>>, vector<1x16xf32>,
        %parallel_loop3A_871 = vector.shape_cast %parallel_loop3A_870 : vector<1x16xf32> to vector<16xf32>
        %parallel_loop3A_872 = arith.index_cast %parallel_loop3A_840 : i32 to index
        %parallel_loop3A_873 = arith.constant 48 : index
        %parallel_loop3A_874 = tpu.vector_load %arg11[%parallel_loop3A_872, %parallel_loop3A_873] {strides = array<i32>} : memref<80x128xf32, #tpu.memory_space<vmem>>, vector<1x16xf32>,
        %parallel_loop3A_875 = vector.shape_cast %parallel_loop3A_874 : vector<1x16xf32> to vector<16xf32>
        %parallel_loop3A_876 = vector.shape_cast %parallel_loop3A_871 : vector<16xf32> to vector<1x16xf32>
        tpu.vector_store %arg11[%parallel_loop3A_872, %parallel_loop3A_873], %parallel_loop3A_876 {add = true, strides = array<i32>} : memref<80x128xf32, #tpu.memory_space<vmem>>, vector<1x16xf32>,
        %parallel_loop3A_877 = arith.index_cast %parallel_loop3A_840 : i32 to index
        %parallel_loop3A_878 = arith.constant 64 : index
        %parallel_loop3A_879 = tpu.vector_load %arg15[%parallel_loop3A_877, %parallel_loop3A_878] {strides = array<i32>} : memref<80x128xf32, #tpu.memory_space<vmem>>, vector<1x16xf32>,
        %parallel_loop3A_880 = vector.shape_cast %parallel_loop3A_879 : vector<1x16xf32> to vector<16xf32>
        %parallel_loop3A_881 = arith.index_cast %parallel_loop3A_840 : i32 to index
        %parallel_loop3A_882 = arith.constant 64 : index
        %parallel_loop3A_883 = tpu.vector_load %arg11[%parallel_loop3A_881, %parallel_loop3A_882] {strides = array<i32>} : memref<80x128xf32, #tpu.memory_space<vmem>>, vector<1x16xf32>,
        %parallel_loop3A_884 = vector.shape_cast %parallel_loop3A_883 : vector<1x16xf32> to vector<16xf32>
        %parallel_loop3A_885 = vector.shape_cast %parallel_loop3A_880 : vector<16xf32> to vector<1x16xf32>
        tpu.vector_store %arg11[%parallel_loop3A_881, %parallel_loop3A_882], %parallel_loop3A_885 {add = true, strides = array<i32>} : memref<80x128xf32, #tpu.memory_space<vmem>>, vector<1x16xf32>,
        %parallel_loop3A_886 = arith.index_cast %parallel_loop3A_840 : i32 to index
        %parallel_loop3A_887 = arith.constant 80 : index
        %parallel_loop3A_888 = tpu.vector_load %arg15[%parallel_loop3A_886, %parallel_loop3A_887] {strides = array<i32>} : memref<80x128xf32, #tpu.memory_space<vmem>>, vector<1x16xf32>,
        %parallel_loop3A_889 = vector.shape_cast %parallel_loop3A_888 : vector<1x16xf32> to vector<16xf32>
        %parallel_loop3A_890 = arith.index_cast %parallel_loop3A_840 : i32 to index
        %parallel_loop3A_891 = arith.constant 80 : index
        %parallel_loop3A_892 = tpu.vector_load %arg11[%parallel_loop3A_890, %parallel_loop3A_891] {strides = array<i32>} : memref<80x128xf32, #tpu.memory_space<vmem>>, vector<1x16xf32>,
        %parallel_loop3A_893 = vector.shape_cast %parallel_loop3A_892 : vector<1x16xf32> to vector<16xf32>
        %parallel_loop3A_894 = vector.shape_cast %parallel_loop3A_889 : vector<16xf32> to vector<1x16xf32>
        tpu.vector_store %arg11[%parallel_loop3A_890, %parallel_loop3A_891], %parallel_loop3A_894 {add = true, strides = array<i32>} : memref<80x128xf32, #tpu.memory_space<vmem>>, vector<1x16xf32>,
        %parallel_loop3A_895 = arith.index_cast %parallel_loop3A_840 : i32 to index
        %parallel_loop3A_896 = arith.constant 96 : index
        %parallel_loop3A_897 = tpu.vector_load %arg15[%parallel_loop3A_895, %parallel_loop3A_896] {strides = array<i32>} : memref<80x128xf32, #tpu.memory_space<vmem>>, vector<1x16xf32>,
        %parallel_loop3A_898 = vector.shape_cast %parallel_loop3A_897 : vector<1x16xf32> to vector<16xf32>
        %parallel_loop3A_899 = arith.index_cast %parallel_loop3A_840 : i32 to index
        %parallel_loop3A_900 = arith.constant 96 : index
        %parallel_loop3A_901 = tpu.vector_load %arg11[%parallel_loop3A_899, %parallel_loop3A_900] {strides = array<i32>} : memref<80x128xf32, #tpu.memory_space<vmem>>, vector<1x16xf32>,
        %parallel_loop3A_902 = vector.shape_cast %parallel_loop3A_901 : vector<1x16xf32> to vector<16xf32>
        %parallel_loop3A_903 = vector.shape_cast %parallel_loop3A_898 : vector<16xf32> to vector<1x16xf32>
        tpu.vector_store %arg11[%parallel_loop3A_899, %parallel_loop3A_900], %parallel_loop3A_903 {add = true, strides = array<i32>} : memref<80x128xf32, #tpu.memory_space<vmem>>, vector<1x16xf32>,
        %parallel_loop3A_904 = arith.index_cast %parallel_loop3A_840 : i32 to index
        %parallel_loop3A_905 = arith.constant 112 : index
        %parallel_loop3A_906 = tpu.vector_load %arg15[%parallel_loop3A_904, %parallel_loop3A_905] {strides = array<i32>} : memref<80x128xf32, #tpu.memory_space<vmem>>, vector<1x16xf32>,
        %parallel_loop3A_907 = vector.shape_cast %parallel_loop3A_906 : vector<1x16xf32> to vector<16xf32>
        %parallel_loop3A_908 = arith.index_cast %parallel_loop3A_840 : i32 to index
        %parallel_loop3A_909 = arith.constant 112 : index
        %parallel_loop3A_910 = tpu.vector_load %arg11[%parallel_loop3A_908, %parallel_loop3A_909] {strides = array<i32>} : memref<80x128xf32, #tpu.memory_space<vmem>>, vector<1x16xf32>,
        %parallel_loop3A_911 = vector.shape_cast %parallel_loop3A_910 : vector<1x16xf32> to vector<16xf32>
        %parallel_loop3A_912 = vector.shape_cast %parallel_loop3A_907 : vector<16xf32> to vector<1x16xf32>
        tpu.vector_store %arg11[%parallel_loop3A_908, %parallel_loop3A_909], %parallel_loop3A_912 {add = true, strides = array<i32>} : memref<80x128xf32, #tpu.memory_space<vmem>>, vector<1x16xf32>,
      } {sc.loop_unroll_factor = 4 : i64, sc.parallel_access}
      %sub3A_668 = arith.constant 2 : i32
      %sub3A_669 = arith.subi %add3A_650, %sub3A_668 : i32
      %mul3A_670 = arith.constant 80 : i32
      %mul3A_671 = arith.muli %sub3A_669, %mul3A_670 : i32
      %add3A_672 = arith.addi %mul3A_4, %mul3A_671 : i32
      %dma_wait3A_673 = arith.constant 0 : i32
      %dma_wait3A_674 = tpu.memref_slice %arg6[%add3A_672, %dma_wait3A_673] : memref<819200x128xf32, #tpu.memory_space<hbm>> -> memref<80x128xf32, #tpu.memory_space<hbm>>
      %dma_wait3A_675 = arith.constant 0 : i32
      %dma_wait3A_676 = tpu.memref_slice %arg6[%add3A_672, %dma_wait3A_675] : memref<819200x128xf32, #tpu.memory_space<hbm>> -> memref<80x128xf32, #tpu.memory_space<hbm>>
      tpu.wait_dma2 semaphore(%arg29 : memref<!tpu.dma_semaphore, #tpu.memory_space<semaphore_mem>>) src(%arg13 : memref<80x128xf32, #tpu.memory_space<vmem>>) dst(%dma_wait3A_676 : memref<80x128xf32, #tpu.memory_space<hbm>>)
      %add3A_677 = arith.constant 2 : i32
      %add3A_678 = arith.addi %add3A_650, %add3A_677 : i32
      %lt3A_679 = arith.constant 320 : i32
      %lt3A_680 = arith.cmpi slt, %add3A_678, %lt3A_679 : i32
      %convert_element_type3A_681 = arith.extui %lt3A_680 : i1 to i32
      %cond3A_682 = arith.constant 0 : i32
      %cond3A_683 = arith.cmpi ne, %convert_element_type3A_681, %cond3A_682 : i32
      scf.if %cond3A_683 {
        %dma_start3A_840 = arith.constant 2 : i32
        %dma_start3A_841 = arith.constant 0 : i32
        %dma_start3A_842 = tpu.memref_slice %arg8[%dma_start3A_840, %dma_start3A_841] : memref<4x80xi32, #tpu.memory_space<vmem>> -> memref<1x80xi32, #tpu.memory_space<vmem>>
        %dma_start3A_843 = tpu.memref_squeeze %dma_start3A_842 : memref<1x80xi32, #tpu.memory_space<vmem>> -> memref<80xi32, #tpu.memory_space<vmem>>
        %dma_start3A_844 = arith.constant 0 : i32
        %dma_start3A_845 = arith.constant 0 : i32
        %dma_start3A_846 = tpu.memref_slice %arg31[%dma_start3A_844, %dma_start3A_845] : memref<513x128xf32, #tpu.memory_space<vmem_shared>> -> memref<513x128xf32, #tpu.memory_space<vmem_shared>>
        tpu.enqueue_indirect_dma source(%dma_start3A_846 : memref<513x128xf32, #tpu.memory_space<vmem_shared>>) target(%arg13 : memref<80x128xf32, #tpu.memory_space<vmem>>) offsets(%dma_start3A_843 : memref<80xi32, #tpu.memory_space<vmem>>) semaphore(%arg23 : memref<!tpu.dma_semaphore, #tpu.memory_space<semaphore_mem>>)
        %dma_start3A_847 = arith.constant 2 : i32
        %dma_start3A_848 = arith.constant 0 : i32
        %dma_start3A_849 = tpu.memref_slice %arg10[%dma_start3A_847, %dma_start3A_848] : memref<4x80xi32, #tpu.memory_space<vmem>> -> memref<1x80xi32, #tpu.memory_space<vmem>>
        %dma_start3A_850 = tpu.memref_squeeze %dma_start3A_849 : memref<1x80xi32, #tpu.memory_space<vmem>> -> memref<80xi32, #tpu.memory_space<vmem>>
        %dma_start3A_851 = arith.constant 0 : i32
        %dma_start3A_852 = arith.constant 0 : i32
        %dma_start3A_853 = tpu.memref_slice %arg32[%dma_start3A_851, %dma_start3A_852] : memref<4620x128xf32, #tpu.memory_space<vmem_shared>> -> memref<4620x128xf32, #tpu.memory_space<vmem_shared>>
        tpu.enqueue_indirect_dma source(%dma_start3A_853 : memref<4620x128xf32, #tpu.memory_space<vmem_shared>>) target(%arg15 : memref<80x128xf32, #tpu.memory_space<vmem>>) offsets(%dma_start3A_850 : memref<80xi32, #tpu.memory_space<vmem>>) semaphore(%arg25 : memref<!tpu.dma_semaphore, #tpu.memory_space<semaphore_mem>>)
      } else {
      }
      %mul3A_684 = arith.constant 80 : i32
      %mul3A_685 = arith.muli %add3A_650, %mul3A_684 : i32
      %add3A_686 = arith.addi %mul3A_4, %mul3A_685 : i32
      %dma_start3A_687 = arith.constant 0 : i32
      %dma_start3A_688 = tpu.memref_slice %arg6[%add3A_686, %dma_start3A_687] : memref<819200x128xf32, #tpu.memory_space<hbm>> -> memref<80x128xf32, #tpu.memory_space<hbm>>
      %dma_start3A_689 = arith.constant 0 : i32
      %dma_start3A_690 = tpu.memref_slice %arg6[%add3A_686, %dma_start3A_689] : memref<819200x128xf32, #tpu.memory_space<hbm>> -> memref<80x128xf32, #tpu.memory_space<hbm>>
      tpu.enqueue_dma source(%arg11 : memref<80x128xf32, #tpu.memory_space<vmem>>) target(%dma_start3A_690 : memref<80x128xf32, #tpu.memory_space<hbm>>) target_semaphore(%arg27 : memref<!tpu.dma_semaphore, #tpu.memory_space<semaphore_mem>>)
      %mul3A_691 = arith.constant 8 : i32
      %mul3A_692 = arith.muli %mul3A_691, %scan3A_451 : i32
      %add3A_693 = arith.constant 4 : i32
      %add3A_694 = arith.addi %mul3A_692, %add3A_693 : i32
      %add3A_695 = arith.constant 1 : i32
      %add3A_696 = arith.addi %add3A_694, %add3A_695 : i32
      %dma_wait3A_697 = arith.constant 1 : i32
      %dma_wait3A_698 = arith.constant 0 : i32
      %dma_wait3A_699 = tpu.memref_slice %arg8[%dma_wait3A_697, %dma_wait3A_698] : memref<4x80xi32, #tpu.memory_space<vmem>> -> memref<1x80xi32, #tpu.memory_space<vmem>>
      %dma_wait3A_700 = tpu.memref_squeeze %dma_wait3A_699 : memref<1x80xi32, #tpu.memory_space<vmem>> -> memref<80xi32, #tpu.memory_space<vmem>>
      %dma_wait3A_701 = arith.constant 0 : i32
      %dma_wait3A_702 = arith.constant 0 : i32
      %dma_wait3A_703 = tpu.memref_slice %arg31[%dma_wait3A_701, %dma_wait3A_702] : memref<513x128xf32, #tpu.memory_space<vmem_shared>> -> memref<513x128xf32, #tpu.memory_space<vmem_shared>>
      tpu.wait_indirect_dma semaphore(%arg22 : memref<!tpu.dma_semaphore, #tpu.memory_space<semaphore_mem>>) src(%dma_wait3A_703 : memref<513x128xf32, #tpu.memory_space<vmem_shared>>) dst(%arg12 : memref<80x128xf32, #tpu.memory_space<vmem>>)
      %dma_wait3A_704 = arith.constant 1 : i32
      %dma_wait3A_705 = arith.constant 0 : i32
      %dma_wait3A_706 = tpu.memref_slice %arg10[%dma_wait3A_704, %dma_wait3A_705] : memref<4x80xi32, #tpu.memory_space<vmem>> -> memref<1x80xi32, #tpu.memory_space<vmem>>
      %dma_wait3A_707 = tpu.memref_squeeze %dma_wait3A_706 : memref<1x80xi32, #tpu.memory_space<vmem>> -> memref<80xi32, #tpu.memory_space<vmem>>
      %dma_wait3A_708 = arith.constant 0 : i32
      %dma_wait3A_709 = arith.constant 0 : i32
      %dma_wait3A_710 = tpu.memref_slice %arg32[%dma_wait3A_708, %dma_wait3A_709] : memref<4620x128xf32, #tpu.memory_space<vmem_shared>> -> memref<4620x128xf32, #tpu.memory_space<vmem_shared>>
      tpu.wait_indirect_dma semaphore(%arg26 : memref<!tpu.dma_semaphore, #tpu.memory_space<semaphore_mem>>) src(%dma_wait3A_710 : memref<4620x128xf32, #tpu.memory_space<vmem_shared>>) dst(%arg16 : memref<80x128xf32, #tpu.memory_space<vmem>>)
      %parallel_loop3A_711 = arith.constant 0 : i32
      %parallel_loop3A_712 = arith.constant 80 : i32
      %parallel_loop3A_713 = arith.constant 1 : i32
      scf.for %parallel_loop3A_840 = %parallel_loop3A_711 to %parallel_loop3A_712 step %parallel_loop3A_713  : i32 {
        %parallel_loop3A_841 = arith.index_cast %parallel_loop3A_840 : i32 to index
        %parallel_loop3A_842 = arith.constant 0 : index
        %parallel_loop3A_843 = tpu.vector_load %arg16[%parallel_loop3A_841, %parallel_loop3A_842] {strides = array<i32>} : memref<80x128xf32, #tpu.memory_space<vmem>>, vector<1x16xf32>,
        %parallel_loop3A_844 = vector.shape_cast %parallel_loop3A_843 : vector<1x16xf32> to vector<16xf32>
        %parallel_loop3A_845 = arith.index_cast %parallel_loop3A_840 : i32 to index
        %parallel_loop3A_846 = arith.constant 0 : index
        %parallel_loop3A_847 = tpu.vector_load %arg12[%parallel_loop3A_845, %parallel_loop3A_846] {strides = array<i32>} : memref<80x128xf32, #tpu.memory_space<vmem>>, vector<1x16xf32>,
        %parallel_loop3A_848 = vector.shape_cast %parallel_loop3A_847 : vector<1x16xf32> to vector<16xf32>
        %parallel_loop3A_849 = vector.shape_cast %parallel_loop3A_844 : vector<16xf32> to vector<1x16xf32>
        tpu.vector_store %arg12[%parallel_loop3A_845, %parallel_loop3A_846], %parallel_loop3A_849 {add = true, strides = array<i32>} : memref<80x128xf32, #tpu.memory_space<vmem>>, vector<1x16xf32>,
        %parallel_loop3A_850 = arith.index_cast %parallel_loop3A_840 : i32 to index
        %parallel_loop3A_851 = arith.constant 16 : index
        %parallel_loop3A_852 = tpu.vector_load %arg16[%parallel_loop3A_850, %parallel_loop3A_851] {strides = array<i32>} : memref<80x128xf32, #tpu.memory_space<vmem>>, vector<1x16xf32>,
        %parallel_loop3A_853 = vector.shape_cast %parallel_loop3A_852 : vector<1x16xf32> to vector<16xf32>
        %parallel_loop3A_854 = arith.index_cast %parallel_loop3A_840 : i32 to index
        %parallel_loop3A_855 = arith.constant 16 : index
        %parallel_loop3A_856 = tpu.vector_load %arg12[%parallel_loop3A_854, %parallel_loop3A_855] {strides = array<i32>} : memref<80x128xf32, #tpu.memory_space<vmem>>, vector<1x16xf32>,
        %parallel_loop3A_857 = vector.shape_cast %parallel_loop3A_856 : vector<1x16xf32> to vector<16xf32>
        %parallel_loop3A_858 = vector.shape_cast %parallel_loop3A_853 : vector<16xf32> to vector<1x16xf32>
        tpu.vector_store %arg12[%parallel_loop3A_854, %parallel_loop3A_855], %parallel_loop3A_858 {add = true, strides = array<i32>} : memref<80x128xf32, #tpu.memory_space<vmem>>, vector<1x16xf32>,
        %parallel_loop3A_859 = arith.index_cast %parallel_loop3A_840 : i32 to index
        %parallel_loop3A_860 = arith.constant 32 : index
        %parallel_loop3A_861 = tpu.vector_load %arg16[%parallel_loop3A_859, %parallel_loop3A_860] {strides = array<i32>} : memref<80x128xf32, #tpu.memory_space<vmem>>, vector<1x16xf32>,
        %parallel_loop3A_862 = vector.shape_cast %parallel_loop3A_861 : vector<1x16xf32> to vector<16xf32>
        %parallel_loop3A_863 = arith.index_cast %parallel_loop3A_840 : i32 to index
        %parallel_loop3A_864 = arith.constant 32 : index
        %parallel_loop3A_865 = tpu.vector_load %arg12[%parallel_loop3A_863, %parallel_loop3A_864] {strides = array<i32>} : memref<80x128xf32, #tpu.memory_space<vmem>>, vector<1x16xf32>,
        %parallel_loop3A_866 = vector.shape_cast %parallel_loop3A_865 : vector<1x16xf32> to vector<16xf32>
        %parallel_loop3A_867 = vector.shape_cast %parallel_loop3A_862 : vector<16xf32> to vector<1x16xf32>
        tpu.vector_store %arg12[%parallel_loop3A_863, %parallel_loop3A_864], %parallel_loop3A_867 {add = true, strides = array<i32>} : memref<80x128xf32, #tpu.memory_space<vmem>>, vector<1x16xf32>,
        %parallel_loop3A_868 = arith.index_cast %parallel_loop3A_840 : i32 to index
        %parallel_loop3A_869 = arith.constant 48 : index
        %parallel_loop3A_870 = tpu.vector_load %arg16[%parallel_loop3A_868, %parallel_loop3A_869] {strides = array<i32>} : memref<80x128xf32, #tpu.memory_space<vmem>>, vector<1x16xf32>,
        %parallel_loop3A_871 = vector.shape_cast %parallel_loop3A_870 : vector<1x16xf32> to vector<16xf32>
        %parallel_loop3A_872 = arith.index_cast %parallel_loop3A_840 : i32 to index
        %parallel_loop3A_873 = arith.constant 48 : index
        %parallel_loop3A_874 = tpu.vector_load %arg12[%parallel_loop3A_872, %parallel_loop3A_873] {strides = array<i32>} : memref<80x128xf32, #tpu.memory_space<vmem>>, vector<1x16xf32>,
        %parallel_loop3A_875 = vector.shape_cast %parallel_loop3A_874 : vector<1x16xf32> to vector<16xf32>
        %parallel_loop3A_876 = vector.shape_cast %parallel_loop3A_871 : vector<16xf32> to vector<1x16xf32>
        tpu.vector_store %arg12[%parallel_loop3A_872, %parallel_loop3A_873], %parallel_loop3A_876 {add = true, strides = array<i32>} : memref<80x128xf32, #tpu.memory_space<vmem>>, vector<1x16xf32>,
        %parallel_loop3A_877 = arith.index_cast %parallel_loop3A_840 : i32 to index
        %parallel_loop3A_878 = arith.constant 64 : index
        %parallel_loop3A_879 = tpu.vector_load %arg16[%parallel_loop3A_877, %parallel_loop3A_878] {strides = array<i32>} : memref<80x128xf32, #tpu.memory_space<vmem>>, vector<1x16xf32>,
        %parallel_loop3A_880 = vector.shape_cast %parallel_loop3A_879 : vector<1x16xf32> to vector<16xf32>
        %parallel_loop3A_881 = arith.index_cast %parallel_loop3A_840 : i32 to index
        %parallel_loop3A_882 = arith.constant 64 : index
        %parallel_loop3A_883 = tpu.vector_load %arg12[%parallel_loop3A_881, %parallel_loop3A_882] {strides = array<i32>} : memref<80x128xf32, #tpu.memory_space<vmem>>, vector<1x16xf32>,
        %parallel_loop3A_884 = vector.shape_cast %parallel_loop3A_883 : vector<1x16xf32> to vector<16xf32>
        %parallel_loop3A_885 = vector.shape_cast %parallel_loop3A_880 : vector<16xf32> to vector<1x16xf32>
        tpu.vector_store %arg12[%parallel_loop3A_881, %parallel_loop3A_882], %parallel_loop3A_885 {add = true, strides = array<i32>} : memref<80x128xf32, #tpu.memory_space<vmem>>, vector<1x16xf32>,
        %parallel_loop3A_886 = arith.index_cast %parallel_loop3A_840 : i32 to index
        %parallel_loop3A_887 = arith.constant 80 : index
        %parallel_loop3A_888 = tpu.vector_load %arg16[%parallel_loop3A_886, %parallel_loop3A_887] {strides = array<i32>} : memref<80x128xf32, #tpu.memory_space<vmem>>, vector<1x16xf32>,
        %parallel_loop3A_889 = vector.shape_cast %parallel_loop3A_888 : vector<1x16xf32> to vector<16xf32>
        %parallel_loop3A_890 = arith.index_cast %parallel_loop3A_840 : i32 to index
        %parallel_loop3A_891 = arith.constant 80 : index
        %parallel_loop3A_892 = tpu.vector_load %arg12[%parallel_loop3A_890, %parallel_loop3A_891] {strides = array<i32>} : memref<80x128xf32, #tpu.memory_space<vmem>>, vector<1x16xf32>,
        %parallel_loop3A_893 = vector.shape_cast %parallel_loop3A_892 : vector<1x16xf32> to vector<16xf32>
        %parallel_loop3A_894 = vector.shape_cast %parallel_loop3A_889 : vector<16xf32> to vector<1x16xf32>
        tpu.vector_store %arg12[%parallel_loop3A_890, %parallel_loop3A_891], %parallel_loop3A_894 {add = true, strides = array<i32>} : memref<80x128xf32, #tpu.memory_space<vmem>>, vector<1x16xf32>,
        %parallel_loop3A_895 = arith.index_cast %parallel_loop3A_840 : i32 to index
        %parallel_loop3A_896 = arith.constant 96 : index
        %parallel_loop3A_897 = tpu.vector_load %arg16[%parallel_loop3A_895, %parallel_loop3A_896] {strides = array<i32>} : memref<80x128xf32, #tpu.memory_space<vmem>>, vector<1x16xf32>,
        %parallel_loop3A_898 = vector.shape_cast %parallel_loop3A_897 : vector<1x16xf32> to vector<16xf32>
        %parallel_loop3A_899 = arith.index_cast %parallel_loop3A_840 : i32 to index
        %parallel_loop3A_900 = arith.constant 96 : index
        %parallel_loop3A_901 = tpu.vector_load %arg12[%parallel_loop3A_899, %parallel_loop3A_900] {strides = array<i32>} : memref<80x128xf32, #tpu.memory_space<vmem>>, vector<1x16xf32>,
        %parallel_loop3A_902 = vector.shape_cast %parallel_loop3A_901 : vector<1x16xf32> to vector<16xf32>
        %parallel_loop3A_903 = vector.shape_cast %parallel_loop3A_898 : vector<16xf32> to vector<1x16xf32>
        tpu.vector_store %arg12[%parallel_loop3A_899, %parallel_loop3A_900], %parallel_loop3A_903 {add = true, strides = array<i32>} : memref<80x128xf32, #tpu.memory_space<vmem>>, vector<1x16xf32>,
        %parallel_loop3A_904 = arith.index_cast %parallel_loop3A_840 : i32 to index
        %parallel_loop3A_905 = arith.constant 112 : index
        %parallel_loop3A_906 = tpu.vector_load %arg16[%parallel_loop3A_904, %parallel_loop3A_905] {strides = array<i32>} : memref<80x128xf32, #tpu.memory_space<vmem>>, vector<1x16xf32>,
        %parallel_loop3A_907 = vector.shape_cast %parallel_loop3A_906 : vector<1x16xf32> to vector<16xf32>
        %parallel_loop3A_908 = arith.index_cast %parallel_loop3A_840 : i32 to index
        %parallel_loop3A_909 = arith.constant 112 : index
        %parallel_loop3A_910 = tpu.vector_load %arg12[%parallel_loop3A_908, %parallel_loop3A_909] {strides = array<i32>} : memref<80x128xf32, #tpu.memory_space<vmem>>, vector<1x16xf32>,
        %parallel_loop3A_911 = vector.shape_cast %parallel_loop3A_910 : vector<1x16xf32> to vector<16xf32>
        %parallel_loop3A_912 = vector.shape_cast %parallel_loop3A_907 : vector<16xf32> to vector<1x16xf32>
        tpu.vector_store %arg12[%parallel_loop3A_908, %parallel_loop3A_909], %parallel_loop3A_912 {add = true, strides = array<i32>} : memref<80x128xf32, #tpu.memory_space<vmem>>, vector<1x16xf32>,
      } {sc.loop_unroll_factor = 4 : i64, sc.parallel_access}
      %sub3A_714 = arith.constant 2 : i32
      %sub3A_715 = arith.subi %add3A_696, %sub3A_714 : i32
      %mul3A_716 = arith.constant 80 : i32
      %mul3A_717 = arith.muli %sub3A_715, %mul3A_716 : i32
      %add3A_718 = arith.addi %mul3A_4, %mul3A_717 : i32
      %dma_wait3A_719 = arith.constant 0 : i32
      %dma_wait3A_720 = tpu.memref_slice %arg6[%add3A_718, %dma_wait3A_719] : memref<819200x128xf32, #tpu.memory_space<hbm>> -> memref<80x128xf32, #tpu.memory_space<hbm>>
      %dma_wait3A_721 = arith.constant 0 : i32
      %dma_wait3A_722 = tpu.memref_slice %arg6[%add3A_718, %dma_wait3A_721] : memref<819200x128xf32, #tpu.memory_space<hbm>> -> memref<80x128xf32, #tpu.memory_space<hbm>>
      tpu.wait_dma2 semaphore(%arg30 : memref<!tpu.dma_semaphore, #tpu.memory_space<semaphore_mem>>) src(%arg14 : memref<80x128xf32, #tpu.memory_space<vmem>>) dst(%dma_wait3A_722 : memref<80x128xf32, #tpu.memory_space<hbm>>)
      %add3A_723 = arith.constant 2 : i32
      %add3A_724 = arith.addi %add3A_696, %add3A_723 : i32
      %lt3A_725 = arith.constant 320 : i32
      %lt3A_726 = arith.cmpi slt, %add3A_724, %lt3A_725 : i32
      %convert_element_type3A_727 = arith.extui %lt3A_726 : i1 to i32
      %cond3A_728 = arith.constant 0 : i32
      %cond3A_729 = arith.cmpi ne, %convert_element_type3A_727, %cond3A_728 : i32
      scf.if %cond3A_729 {
        %dma_start3A_840 = arith.constant 3 : i32
        %dma_start3A_841 = arith.constant 0 : i32
        %dma_start3A_842 = tpu.memref_slice %arg8[%dma_start3A_840, %dma_start3A_841] : memref<4x80xi32, #tpu.memory_space<vmem>> -> memref<1x80xi32, #tpu.memory_space<vmem>>
        %dma_start3A_843 = tpu.memref_squeeze %dma_start3A_842 : memref<1x80xi32, #tpu.memory_space<vmem>> -> memref<80xi32, #tpu.memory_space<vmem>>
        %dma_start3A_844 = arith.constant 0 : i32
        %dma_start3A_845 = arith.constant 0 : i32
        %dma_start3A_846 = tpu.memref_slice %arg31[%dma_start3A_844, %dma_start3A_845] : memref<513x128xf32, #tpu.memory_space<vmem_shared>> -> memref<513x128xf32, #tpu.memory_space<vmem_shared>>
        tpu.enqueue_indirect_dma source(%dma_start3A_846 : memref<513x128xf32, #tpu.memory_space<vmem_shared>>) target(%arg14 : memref<80x128xf32, #tpu.memory_space<vmem>>) offsets(%dma_start3A_843 : memref<80xi32, #tpu.memory_space<vmem>>) semaphore(%arg24 : memref<!tpu.dma_semaphore, #tpu.memory_space<semaphore_mem>>)
        %dma_start3A_847 = arith.constant 3 : i32
        %dma_start3A_848 = arith.constant 0 : i32
        %dma_start3A_849 = tpu.memref_slice %arg10[%dma_start3A_847, %dma_start3A_848] : memref<4x80xi32, #tpu.memory_space<vmem>> -> memref<1x80xi32, #tpu.memory_space<vmem>>
        %dma_start3A_850 = tpu.memref_squeeze %dma_start3A_849 : memref<1x80xi32, #tpu.memory_space<vmem>> -> memref<80xi32, #tpu.memory_space<vmem>>
        %dma_start3A_851 = arith.constant 0 : i32
        %dma_start3A_852 = arith.constant 0 : i32
        %dma_start3A_853 = tpu.memref_slice %arg32[%dma_start3A_851, %dma_start3A_852] : memref<4620x128xf32, #tpu.memory_space<vmem_shared>> -> memref<4620x128xf32, #tpu.memory_space<vmem_shared>>
        tpu.enqueue_indirect_dma source(%dma_start3A_853 : memref<4620x128xf32, #tpu.memory_space<vmem_shared>>) target(%arg16 : memref<80x128xf32, #tpu.memory_space<vmem>>) offsets(%dma_start3A_850 : memref<80xi32, #tpu.memory_space<vmem>>) semaphore(%arg26 : memref<!tpu.dma_semaphore, #tpu.memory_space<semaphore_mem>>)
      } else {
      }
      %mul3A_730 = arith.constant 80 : i32
      %mul3A_731 = arith.muli %add3A_696, %mul3A_730 : i32
      %add3A_732 = arith.addi %mul3A_4, %mul3A_731 : i32
      %dma_start3A_733 = arith.constant 0 : i32
      %dma_start3A_734 = tpu.memref_slice %arg6[%add3A_732, %dma_start3A_733] : memref<819200x128xf32, #tpu.memory_space<hbm>> -> memref<80x128xf32, #tpu.memory_space<hbm>>
      %dma_start3A_735 = arith.constant 0 : i32
      %dma_start3A_736 = tpu.memref_slice %arg6[%add3A_732, %dma_start3A_735] : memref<819200x128xf32, #tpu.memory_space<hbm>> -> memref<80x128xf32, #tpu.memory_space<hbm>>
      tpu.enqueue_dma source(%arg12 : memref<80x128xf32, #tpu.memory_space<vmem>>) target(%dma_start3A_736 : memref<80x128xf32, #tpu.memory_space<hbm>>) target_semaphore(%arg28 : memref<!tpu.dma_semaphore, #tpu.memory_space<semaphore_mem>>)
      %mul3A_737 = arith.constant 8 : i32
      %mul3A_738 = arith.muli %mul3A_737, %scan3A_451 : i32
      %add3A_739 = arith.constant 4 : i32
      %add3A_740 = arith.addi %mul3A_738, %add3A_739 : i32
      %add3A_741 = arith.constant 2 : i32
      %add3A_742 = arith.addi %add3A_740, %add3A_741 : i32
      %dma_wait3A_743 = arith.constant 2 : i32
      %dma_wait3A_744 = arith.constant 0 : i32
      %dma_wait3A_745 = tpu.memref_slice %arg8[%dma_wait3A_743, %dma_wait3A_744] : memref<4x80xi32, #tpu.memory_space<vmem>> -> memref<1x80xi32, #tpu.memory_space<vmem>>
      %dma_wait3A_746 = tpu.memref_squeeze %dma_wait3A_745 : memref<1x80xi32, #tpu.memory_space<vmem>> -> memref<80xi32, #tpu.memory_space<vmem>>
      %dma_wait3A_747 = arith.constant 0 : i32
      %dma_wait3A_748 = arith.constant 0 : i32
      %dma_wait3A_749 = tpu.memref_slice %arg31[%dma_wait3A_747, %dma_wait3A_748] : memref<513x128xf32, #tpu.memory_space<vmem_shared>> -> memref<513x128xf32, #tpu.memory_space<vmem_shared>>
      tpu.wait_indirect_dma semaphore(%arg23 : memref<!tpu.dma_semaphore, #tpu.memory_space<semaphore_mem>>) src(%dma_wait3A_749 : memref<513x128xf32, #tpu.memory_space<vmem_shared>>) dst(%arg13 : memref<80x128xf32, #tpu.memory_space<vmem>>)
      %dma_wait3A_750 = arith.constant 2 : i32
      %dma_wait3A_751 = arith.constant 0 : i32
      %dma_wait3A_752 = tpu.memref_slice %arg10[%dma_wait3A_750, %dma_wait3A_751] : memref<4x80xi32, #tpu.memory_space<vmem>> -> memref<1x80xi32, #tpu.memory_space<vmem>>
      %dma_wait3A_753 = tpu.memref_squeeze %dma_wait3A_752 : memref<1x80xi32, #tpu.memory_space<vmem>> -> memref<80xi32, #tpu.memory_space<vmem>>
      %dma_wait3A_754 = arith.constant 0 : i32
      %dma_wait3A_755 = arith.constant 0 : i32
      %dma_wait3A_756 = tpu.memref_slice %arg32[%dma_wait3A_754, %dma_wait3A_755] : memref<4620x128xf32, #tpu.memory_space<vmem_shared>> -> memref<4620x128xf32, #tpu.memory_space<vmem_shared>>
      tpu.wait_indirect_dma semaphore(%arg25 : memref<!tpu.dma_semaphore, #tpu.memory_space<semaphore_mem>>) src(%dma_wait3A_756 : memref<4620x128xf32, #tpu.memory_space<vmem_shared>>) dst(%arg15 : memref<80x128xf32, #tpu.memory_space<vmem>>)
      %parallel_loop3A_757 = arith.constant 0 : i32
      %parallel_loop3A_758 = arith.constant 80 : i32
      %parallel_loop3A_759 = arith.constant 1 : i32
      scf.for %parallel_loop3A_840 = %parallel_loop3A_757 to %parallel_loop3A_758 step %parallel_loop3A_759  : i32 {
        %parallel_loop3A_841 = arith.index_cast %parallel_loop3A_840 : i32 to index
        %parallel_loop3A_842 = arith.constant 0 : index
        %parallel_loop3A_843 = tpu.vector_load %arg15[%parallel_loop3A_841, %parallel_loop3A_842] {strides = array<i32>} : memref<80x128xf32, #tpu.memory_space<vmem>>, vector<1x16xf32>,
        %parallel_loop3A_844 = vector.shape_cast %parallel_loop3A_843 : vector<1x16xf32> to vector<16xf32>
        %parallel_loop3A_845 = arith.index_cast %parallel_loop3A_840 : i32 to index
        %parallel_loop3A_846 = arith.constant 0 : index
        %parallel_loop3A_847 = tpu.vector_load %arg13[%parallel_loop3A_845, %parallel_loop3A_846] {strides = array<i32>} : memref<80x128xf32, #tpu.memory_space<vmem>>, vector<1x16xf32>,
        %parallel_loop3A_848 = vector.shape_cast %parallel_loop3A_847 : vector<1x16xf32> to vector<16xf32>
        %parallel_loop3A_849 = vector.shape_cast %parallel_loop3A_844 : vector<16xf32> to vector<1x16xf32>
        tpu.vector_store %arg13[%parallel_loop3A_845, %parallel_loop3A_846], %parallel_loop3A_849 {add = true, strides = array<i32>} : memref<80x128xf32, #tpu.memory_space<vmem>>, vector<1x16xf32>,
        %parallel_loop3A_850 = arith.index_cast %parallel_loop3A_840 : i32 to index
        %parallel_loop3A_851 = arith.constant 16 : index
        %parallel_loop3A_852 = tpu.vector_load %arg15[%parallel_loop3A_850, %parallel_loop3A_851] {strides = array<i32>} : memref<80x128xf32, #tpu.memory_space<vmem>>, vector<1x16xf32>,
        %parallel_loop3A_853 = vector.shape_cast %parallel_loop3A_852 : vector<1x16xf32> to vector<16xf32>
        %parallel_loop3A_854 = arith.index_cast %parallel_loop3A_840 : i32 to index
        %parallel_loop3A_855 = arith.constant 16 : index
        %parallel_loop3A_856 = tpu.vector_load %arg13[%parallel_loop3A_854, %parallel_loop3A_855] {strides = array<i32>} : memref<80x128xf32, #tpu.memory_space<vmem>>, vector<1x16xf32>,
        %parallel_loop3A_857 = vector.shape_cast %parallel_loop3A_856 : vector<1x16xf32> to vector<16xf32>
        %parallel_loop3A_858 = vector.shape_cast %parallel_loop3A_853 : vector<16xf32> to vector<1x16xf32>
        tpu.vector_store %arg13[%parallel_loop3A_854, %parallel_loop3A_855], %parallel_loop3A_858 {add = true, strides = array<i32>} : memref<80x128xf32, #tpu.memory_space<vmem>>, vector<1x16xf32>,
        %parallel_loop3A_859 = arith.index_cast %parallel_loop3A_840 : i32 to index
        %parallel_loop3A_860 = arith.constant 32 : index
        %parallel_loop3A_861 = tpu.vector_load %arg15[%parallel_loop3A_859, %parallel_loop3A_860] {strides = array<i32>} : memref<80x128xf32, #tpu.memory_space<vmem>>, vector<1x16xf32>,
        %parallel_loop3A_862 = vector.shape_cast %parallel_loop3A_861 : vector<1x16xf32> to vector<16xf32>
        %parallel_loop3A_863 = arith.index_cast %parallel_loop3A_840 : i32 to index
        %parallel_loop3A_864 = arith.constant 32 : index
        %parallel_loop3A_865 = tpu.vector_load %arg13[%parallel_loop3A_863, %parallel_loop3A_864] {strides = array<i32>} : memref<80x128xf32, #tpu.memory_space<vmem>>, vector<1x16xf32>,
        %parallel_loop3A_866 = vector.shape_cast %parallel_loop3A_865 : vector<1x16xf32> to vector<16xf32>
        %parallel_loop3A_867 = vector.shape_cast %parallel_loop3A_862 : vector<16xf32> to vector<1x16xf32>
        tpu.vector_store %arg13[%parallel_loop3A_863, %parallel_loop3A_864], %parallel_loop3A_867 {add = true, strides = array<i32>} : memref<80x128xf32, #tpu.memory_space<vmem>>, vector<1x16xf32>,
        %parallel_loop3A_868 = arith.index_cast %parallel_loop3A_840 : i32 to index
        %parallel_loop3A_869 = arith.constant 48 : index
        %parallel_loop3A_870 = tpu.vector_load %arg15[%parallel_loop3A_868, %parallel_loop3A_869] {strides = array<i32>} : memref<80x128xf32, #tpu.memory_space<vmem>>, vector<1x16xf32>,
        %parallel_loop3A_871 = vector.shape_cast %parallel_loop3A_870 : vector<1x16xf32> to vector<16xf32>
        %parallel_loop3A_872 = arith.index_cast %parallel_loop3A_840 : i32 to index
        %parallel_loop3A_873 = arith.constant 48 : index
        %parallel_loop3A_874 = tpu.vector_load %arg13[%parallel_loop3A_872, %parallel_loop3A_873] {strides = array<i32>} : memref<80x128xf32, #tpu.memory_space<vmem>>, vector<1x16xf32>,
        %parallel_loop3A_875 = vector.shape_cast %parallel_loop3A_874 : vector<1x16xf32> to vector<16xf32>
        %parallel_loop3A_876 = vector.shape_cast %parallel_loop3A_871 : vector<16xf32> to vector<1x16xf32>
        tpu.vector_store %arg13[%parallel_loop3A_872, %parallel_loop3A_873], %parallel_loop3A_876 {add = true, strides = array<i32>} : memref<80x128xf32, #tpu.memory_space<vmem>>, vector<1x16xf32>,
        %parallel_loop3A_877 = arith.index_cast %parallel_loop3A_840 : i32 to index
        %parallel_loop3A_878 = arith.constant 64 : index
        %parallel_loop3A_879 = tpu.vector_load %arg15[%parallel_loop3A_877, %parallel_loop3A_878] {strides = array<i32>} : memref<80x128xf32, #tpu.memory_space<vmem>>, vector<1x16xf32>,
        %parallel_loop3A_880 = vector.shape_cast %parallel_loop3A_879 : vector<1x16xf32> to vector<16xf32>
        %parallel_loop3A_881 = arith.index_cast %parallel_loop3A_840 : i32 to index
        %parallel_loop3A_882 = arith.constant 64 : index
        %parallel_loop3A_883 = tpu.vector_load %arg13[%parallel_loop3A_881, %parallel_loop3A_882] {strides = array<i32>} : memref<80x128xf32, #tpu.memory_space<vmem>>, vector<1x16xf32>,
        %parallel_loop3A_884 = vector.shape_cast %parallel_loop3A_883 : vector<1x16xf32> to vector<16xf32>
        %parallel_loop3A_885 = vector.shape_cast %parallel_loop3A_880 : vector<16xf32> to vector<1x16xf32>
        tpu.vector_store %arg13[%parallel_loop3A_881, %parallel_loop3A_882], %parallel_loop3A_885 {add = true, strides = array<i32>} : memref<80x128xf32, #tpu.memory_space<vmem>>, vector<1x16xf32>,
        %parallel_loop3A_886 = arith.index_cast %parallel_loop3A_840 : i32 to index
        %parallel_loop3A_887 = arith.constant 80 : index
        %parallel_loop3A_888 = tpu.vector_load %arg15[%parallel_loop3A_886, %parallel_loop3A_887] {strides = array<i32>} : memref<80x128xf32, #tpu.memory_space<vmem>>, vector<1x16xf32>,
        %parallel_loop3A_889 = vector.shape_cast %parallel_loop3A_888 : vector<1x16xf32> to vector<16xf32>
        %parallel_loop3A_890 = arith.index_cast %parallel_loop3A_840 : i32 to index
        %parallel_loop3A_891 = arith.constant 80 : index
        %parallel_loop3A_892 = tpu.vector_load %arg13[%parallel_loop3A_890, %parallel_loop3A_891] {strides = array<i32>} : memref<80x128xf32, #tpu.memory_space<vmem>>, vector<1x16xf32>,
        %parallel_loop3A_893 = vector.shape_cast %parallel_loop3A_892 : vector<1x16xf32> to vector<16xf32>
        %parallel_loop3A_894 = vector.shape_cast %parallel_loop3A_889 : vector<16xf32> to vector<1x16xf32>
        tpu.vector_store %arg13[%parallel_loop3A_890, %parallel_loop3A_891], %parallel_loop3A_894 {add = true, strides = array<i32>} : memref<80x128xf32, #tpu.memory_space<vmem>>, vector<1x16xf32>,
        %parallel_loop3A_895 = arith.index_cast %parallel_loop3A_840 : i32 to index
        %parallel_loop3A_896 = arith.constant 96 : index
        %parallel_loop3A_897 = tpu.vector_load %arg15[%parallel_loop3A_895, %parallel_loop3A_896] {strides = array<i32>} : memref<80x128xf32, #tpu.memory_space<vmem>>, vector<1x16xf32>,
        %parallel_loop3A_898 = vector.shape_cast %parallel_loop3A_897 : vector<1x16xf32> to vector<16xf32>
        %parallel_loop3A_899 = arith.index_cast %parallel_loop3A_840 : i32 to index
        %parallel_loop3A_900 = arith.constant 96 : index
        %parallel_loop3A_901 = tpu.vector_load %arg13[%parallel_loop3A_899, %parallel_loop3A_900] {strides = array<i32>} : memref<80x128xf32, #tpu.memory_space<vmem>>, vector<1x16xf32>,
        %parallel_loop3A_902 = vector.shape_cast %parallel_loop3A_901 : vector<1x16xf32> to vector<16xf32>
        %parallel_loop3A_903 = vector.shape_cast %parallel_loop3A_898 : vector<16xf32> to vector<1x16xf32>
        tpu.vector_store %arg13[%parallel_loop3A_899, %parallel_loop3A_900], %parallel_loop3A_903 {add = true, strides = array<i32>} : memref<80x128xf32, #tpu.memory_space<vmem>>, vector<1x16xf32>,
        %parallel_loop3A_904 = arith.index_cast %parallel_loop3A_840 : i32 to index
        %parallel_loop3A_905 = arith.constant 112 : index
        %parallel_loop3A_906 = tpu.vector_load %arg15[%parallel_loop3A_904, %parallel_loop3A_905] {strides = array<i32>} : memref<80x128xf32, #tpu.memory_space<vmem>>, vector<1x16xf32>,
        %parallel_loop3A_907 = vector.shape_cast %parallel_loop3A_906 : vector<1x16xf32> to vector<16xf32>
        %parallel_loop3A_908 = arith.index_cast %parallel_loop3A_840 : i32 to index
        %parallel_loop3A_909 = arith.constant 112 : index
        %parallel_loop3A_910 = tpu.vector_load %arg13[%parallel_loop3A_908, %parallel_loop3A_909] {strides = array<i32>} : memref<80x128xf32, #tpu.memory_space<vmem>>, vector<1x16xf32>,
        %parallel_loop3A_911 = vector.shape_cast %parallel_loop3A_910 : vector<1x16xf32> to vector<16xf32>
        %parallel_loop3A_912 = vector.shape_cast %parallel_loop3A_907 : vector<16xf32> to vector<1x16xf32>
        tpu.vector_store %arg13[%parallel_loop3A_908, %parallel_loop3A_909], %parallel_loop3A_912 {add = true, strides = array<i32>} : memref<80x128xf32, #tpu.memory_space<vmem>>, vector<1x16xf32>,
      } {sc.loop_unroll_factor = 4 : i64, sc.parallel_access}
      %sub3A_760 = arith.constant 2 : i32
      %sub3A_761 = arith.subi %add3A_742, %sub3A_760 : i32
      %mul3A_762 = arith.constant 80 : i32
      %mul3A_763 = arith.muli %sub3A_761, %mul3A_762 : i32
      %add3A_764 = arith.addi %mul3A_4, %mul3A_763 : i32
      %dma_wait3A_765 = arith.constant 0 : i32
      %dma_wait3A_766 = tpu.memref_slice %arg6[%add3A_764, %dma_wait3A_765] : memref<819200x128xf32, #tpu.memory_space<hbm>> -> memref<80x128xf32, #tpu.memory_space<hbm>>
      %dma_wait3A_767 = arith.constant 0 : i32
      %dma_wait3A_768 = tpu.memref_slice %arg6[%add3A_764, %dma_wait3A_767] : memref<819200x128xf32, #tpu.memory_space<hbm>> -> memref<80x128xf32, #tpu.memory_space<hbm>>
      tpu.wait_dma2 semaphore(%arg27 : memref<!tpu.dma_semaphore, #tpu.memory_space<semaphore_mem>>) src(%arg11 : memref<80x128xf32, #tpu.memory_space<vmem>>) dst(%dma_wait3A_768 : memref<80x128xf32, #tpu.memory_space<hbm>>)
      %add3A_769 = arith.constant 2 : i32
      %add3A_770 = arith.addi %add3A_742, %add3A_769 : i32
      %lt3A_771 = arith.constant 320 : i32
      %lt3A_772 = arith.cmpi slt, %add3A_770, %lt3A_771 : i32
      %convert_element_type3A_773 = arith.extui %lt3A_772 : i1 to i32
      %cond3A_774 = arith.constant 0 : i32
      %cond3A_775 = arith.cmpi ne, %convert_element_type3A_773, %cond3A_774 : i32
      scf.if %cond3A_775 {
        %mul3A_840 = arith.constant 2 : i32
        %mul3A_841 = arith.muli %mul3A_840, %scan3A_451 : i32
        %add3A_842 = arith.constant 1 : i32
        %add3A_843 = arith.addi %mul3A_841, %add3A_842 : i32
        %add3A_844 = arith.constant 1 : i32
        %add3A_845 = arith.addi %add3A_843, %add3A_844 : i32
        %mul3A_846 = arith.constant 4 : i32
        %mul3A_847 = arith.muli %add3A_845, %mul3A_846 : i32
        %add3A_848 = arith.addi %mul3A_2, %mul3A_847 : i32
        %dma_wait3A_849 = arith.constant 0 : i32
        %dma_wait3A_850 = tpu.memref_slice %arg4[%add3A_848, %dma_wait3A_849] : memref<10240x80xi32, #tpu.memory_space<hbm>> -> memref<4x80xi32, #tpu.memory_space<hbm>>
        %dma_wait3A_851 = arith.constant 0 : i32
        %dma_wait3A_852 = tpu.memref_slice %arg4[%add3A_848, %dma_wait3A_851] : memref<10240x80xi32, #tpu.memory_space<hbm>> -> memref<4x80xi32, #tpu.memory_space<hbm>>
        tpu.wait_dma2 semaphore(%arg17 : memref<!tpu.dma_semaphore, #tpu.memory_space<semaphore_mem>>) src(%dma_wait3A_852 : memref<4x80xi32, #tpu.memory_space<hbm>>) dst(%arg7 : memref<4x80xi32, #tpu.memory_space<vmem>>)
        %dma_wait3A_853 = arith.constant 0 : i32
        %dma_wait3A_854 = tpu.memref_slice %arg5[%add3A_848, %dma_wait3A_853] : memref<10240x80xi32, #tpu.memory_space<hbm>> -> memref<4x80xi32, #tpu.memory_space<hbm>>
        %dma_wait3A_855 = arith.constant 0 : i32
        %dma_wait3A_856 = tpu.memref_slice %arg5[%add3A_848, %dma_wait3A_855] : memref<10240x80xi32, #tpu.memory_space<hbm>> -> memref<4x80xi32, #tpu.memory_space<hbm>>
        tpu.wait_dma2 semaphore(%arg19 : memref<!tpu.dma_semaphore, #tpu.memory_space<semaphore_mem>>) src(%dma_wait3A_856 : memref<4x80xi32, #tpu.memory_space<hbm>>) dst(%arg9 : memref<4x80xi32, #tpu.memory_space<vmem>>)
        %dma_start3A_857 = arith.constant 0 : i32
        %dma_start3A_858 = arith.constant 0 : i32
        %dma_start3A_859 = tpu.memref_slice %arg7[%dma_start3A_857, %dma_start3A_858] : memref<4x80xi32, #tpu.memory_space<vmem>> -> memref<1x80xi32, #tpu.memory_space<vmem>>
        %dma_start3A_860 = tpu.memref_squeeze %dma_start3A_859 : memref<1x80xi32, #tpu.memory_space<vmem>> -> memref<80xi32, #tpu.memory_space<vmem>>
        %dma_start3A_861 = arith.constant 0 : i32
        %dma_start3A_862 = arith.constant 0 : i32
        %dma_start3A_863 = tpu.memref_slice %arg31[%dma_start3A_861, %dma_start3A_862] : memref<513x128xf32, #tpu.memory_space<vmem_shared>> -> memref<513x128xf32, #tpu.memory_space<vmem_shared>>
        tpu.enqueue_indirect_dma source(%dma_start3A_863 : memref<513x128xf32, #tpu.memory_space<vmem_shared>>) target(%arg11 : memref<80x128xf32, #tpu.memory_space<vmem>>) offsets(%dma_start3A_860 : memref<80xi32, #tpu.memory_space<vmem>>) semaphore(%arg21 : memref<!tpu.dma_semaphore, #tpu.memory_space<semaphore_mem>>)
        %dma_start3A_864 = arith.constant 0 : i32
        %dma_start3A_865 = arith.constant 0 : i32
        %dma_start3A_866 = tpu.memref_slice %arg9[%dma_start3A_864, %dma_start3A_865] : memref<4x80xi32, #tpu.memory_space<vmem>> -> memref<1x80xi32, #tpu.memory_space<vmem>>
        %dma_start3A_867 = tpu.memref_squeeze %dma_start3A_866 : memref<1x80xi32, #tpu.memory_space<vmem>> -> memref<80xi32, #tpu.memory_space<vmem>>
        %dma_start3A_868 = arith.constant 0 : i32
        %dma_start3A_869 = arith.constant 0 : i32
        %dma_start3A_870 = tpu.memref_slice %arg32[%dma_start3A_868, %dma_start3A_869] : memref<4620x128xf32, #tpu.memory_space<vmem_shared>> -> memref<4620x128xf32, #tpu.memory_space<vmem_shared>>
        tpu.enqueue_indirect_dma source(%dma_start3A_870 : memref<4620x128xf32, #tpu.memory_space<vmem_shared>>) target(%arg15 : memref<80x128xf32, #tpu.memory_space<vmem>>) offsets(%dma_start3A_867 : memref<80xi32, #tpu.memory_space<vmem>>) semaphore(%arg25 : memref<!tpu.dma_semaphore, #tpu.memory_space<semaphore_mem>>)
      } else {
      }
      %mul3A_776 = arith.constant 80 : i32
      %mul3A_777 = arith.muli %add3A_742, %mul3A_776 : i32
      %add3A_778 = arith.addi %mul3A_4, %mul3A_777 : i32
      %dma_start3A_779 = arith.constant 0 : i32
      %dma_start3A_780 = tpu.memref_slice %arg6[%add3A_778, %dma_start3A_779] : memref<819200x128xf32, #tpu.memory_space<hbm>> -> memref<80x128xf32, #tpu.memory_space<hbm>>
      %dma_start3A_781 = arith.constant 0 : i32
      %dma_start3A_782 = tpu.memref_slice %arg6[%add3A_778, %dma_start3A_781] : memref<819200x128xf32, #tpu.memory_space<hbm>> -> memref<80x128xf32, #tpu.memory_space<hbm>>
      tpu.enqueue_dma source(%arg13 : memref<80x128xf32, #tpu.memory_space<vmem>>) target(%dma_start3A_782 : memref<80x128xf32, #tpu.memory_space<hbm>>) target_semaphore(%arg29 : memref<!tpu.dma_semaphore, #tpu.memory_space<semaphore_mem>>)
      %mul3A_783 = arith.constant 8 : i32
      %mul3A_784 = arith.muli %mul3A_783, %scan3A_451 : i32
      %add3A_785 = arith.constant 4 : i32
      %add3A_786 = arith.addi %mul3A_784, %add3A_785 : i32
      %add3A_787 = arith.constant 3 : i32
      %add3A_788 = arith.addi %add3A_786, %add3A_787 : i32
      %dma_wait3A_789 = arith.constant 3 : i32
      %dma_wait3A_790 = arith.constant 0 : i32
      %dma_wait3A_791 = tpu.memref_slice %arg8[%dma_wait3A_789, %dma_wait3A_790] : memref<4x80xi32, #tpu.memory_space<vmem>> -> memref<1x80xi32, #tpu.memory_space<vmem>>
      %dma_wait3A_792 = tpu.memref_squeeze %dma_wait3A_791 : memref<1x80xi32, #tpu.memory_space<vmem>> -> memref<80xi32, #tpu.memory_space<vmem>>
      %dma_wait3A_793 = arith.constant 0 : i32
      %dma_wait3A_794 = arith.constant 0 : i32
      %dma_wait3A_795 = tpu.memref_slice %arg31[%dma_wait3A_793, %dma_wait3A_794] : memref<513x128xf32, #tpu.memory_space<vmem_shared>> -> memref<513x128xf32, #tpu.memory_space<vmem_shared>>
      tpu.wait_indirect_dma semaphore(%arg24 : memref<!tpu.dma_semaphore, #tpu.memory_space<semaphore_mem>>) src(%dma_wait3A_795 : memref<513x128xf32, #tpu.memory_space<vmem_shared>>) dst(%arg14 : memref<80x128xf32, #tpu.memory_space<vmem>>)
      %dma_wait3A_796 = arith.constant 3 : i32
      %dma_wait3A_797 = arith.constant 0 : i32
      %dma_wait3A_798 = tpu.memref_slice %arg10[%dma_wait3A_796, %dma_wait3A_797] : memref<4x80xi32, #tpu.memory_space<vmem>> -> memref<1x80xi32, #tpu.memory_space<vmem>>
      %dma_wait3A_799 = tpu.memref_squeeze %dma_wait3A_798 : memref<1x80xi32, #tpu.memory_space<vmem>> -> memref<80xi32, #tpu.memory_space<vmem>>
      %dma_wait3A_800 = arith.constant 0 : i32
      %dma_wait3A_801 = arith.constant 0 : i32
      %dma_wait3A_802 = tpu.memref_slice %arg32[%dma_wait3A_800, %dma_wait3A_801] : memref<4620x128xf32, #tpu.memory_space<vmem_shared>> -> memref<4620x128xf32, #tpu.memory_space<vmem_shared>>
      tpu.wait_indirect_dma semaphore(%arg26 : memref<!tpu.dma_semaphore, #tpu.memory_space<semaphore_mem>>) src(%dma_wait3A_802 : memref<4620x128xf32, #tpu.memory_space<vmem_shared>>) dst(%arg16 : memref<80x128xf32, #tpu.memory_space<vmem>>)
      %parallel_loop3A_803 = arith.constant 0 : i32
      %parallel_loop3A_804 = arith.constant 80 : i32
      %parallel_loop3A_805 = arith.constant 1 : i32
      scf.for %parallel_loop3A_840 = %parallel_loop3A_803 to %parallel_loop3A_804 step %parallel_loop3A_805  : i32 {
        %parallel_loop3A_841 = arith.index_cast %parallel_loop3A_840 : i32 to index
        %parallel_loop3A_842 = arith.constant 0 : index
        %parallel_loop3A_843 = tpu.vector_load %arg16[%parallel_loop3A_841, %parallel_loop3A_842] {strides = array<i32>} : memref<80x128xf32, #tpu.memory_space<vmem>>, vector<1x16xf32>,
        %parallel_loop3A_844 = vector.shape_cast %parallel_loop3A_843 : vector<1x16xf32> to vector<16xf32>
        %parallel_loop3A_845 = arith.index_cast %parallel_loop3A_840 : i32 to index
        %parallel_loop3A_846 = arith.constant 0 : index
        %parallel_loop3A_847 = tpu.vector_load %arg14[%parallel_loop3A_845, %parallel_loop3A_846] {strides = array<i32>} : memref<80x128xf32, #tpu.memory_space<vmem>>, vector<1x16xf32>,
        %parallel_loop3A_848 = vector.shape_cast %parallel_loop3A_847 : vector<1x16xf32> to vector<16xf32>
        %parallel_loop3A_849 = vector.shape_cast %parallel_loop3A_844 : vector<16xf32> to vector<1x16xf32>
        tpu.vector_store %arg14[%parallel_loop3A_845, %parallel_loop3A_846], %parallel_loop3A_849 {add = true, strides = array<i32>} : memref<80x128xf32, #tpu.memory_space<vmem>>, vector<1x16xf32>,
        %parallel_loop3A_850 = arith.index_cast %parallel_loop3A_840 : i32 to index
        %parallel_loop3A_851 = arith.constant 16 : index
        %parallel_loop3A_852 = tpu.vector_load %arg16[%parallel_loop3A_850, %parallel_loop3A_851] {strides = array<i32>} : memref<80x128xf32, #tpu.memory_space<vmem>>, vector<1x16xf32>,
        %parallel_loop3A_853 = vector.shape_cast %parallel_loop3A_852 : vector<1x16xf32> to vector<16xf32>
        %parallel_loop3A_854 = arith.index_cast %parallel_loop3A_840 : i32 to index
        %parallel_loop3A_855 = arith.constant 16 : index
        %parallel_loop3A_856 = tpu.vector_load %arg14[%parallel_loop3A_854, %parallel_loop3A_855] {strides = array<i32>} : memref<80x128xf32, #tpu.memory_space<vmem>>, vector<1x16xf32>,
        %parallel_loop3A_857 = vector.shape_cast %parallel_loop3A_856 : vector<1x16xf32> to vector<16xf32>
        %parallel_loop3A_858 = vector.shape_cast %parallel_loop3A_853 : vector<16xf32> to vector<1x16xf32>
        tpu.vector_store %arg14[%parallel_loop3A_854, %parallel_loop3A_855], %parallel_loop3A_858 {add = true, strides = array<i32>} : memref<80x128xf32, #tpu.memory_space<vmem>>, vector<1x16xf32>,
        %parallel_loop3A_859 = arith.index_cast %parallel_loop3A_840 : i32 to index
        %parallel_loop3A_860 = arith.constant 32 : index
        %parallel_loop3A_861 = tpu.vector_load %arg16[%parallel_loop3A_859, %parallel_loop3A_860] {strides = array<i32>} : memref<80x128xf32, #tpu.memory_space<vmem>>, vector<1x16xf32>,
        %parallel_loop3A_862 = vector.shape_cast %parallel_loop3A_861 : vector<1x16xf32> to vector<16xf32>
        %parallel_loop3A_863 = arith.index_cast %parallel_loop3A_840 : i32 to index
        %parallel_loop3A_864 = arith.constant 32 : index
        %parallel_loop3A_865 = tpu.vector_load %arg14[%parallel_loop3A_863, %parallel_loop3A_864] {strides = array<i32>} : memref<80x128xf32, #tpu.memory_space<vmem>>, vector<1x16xf32>,
        %parallel_loop3A_866 = vector.shape_cast %parallel_loop3A_865 : vector<1x16xf32> to vector<16xf32>
        %parallel_loop3A_867 = vector.shape_cast %parallel_loop3A_862 : vector<16xf32> to vector<1x16xf32>
        tpu.vector_store %arg14[%parallel_loop3A_863, %parallel_loop3A_864], %parallel_loop3A_867 {add = true, strides = array<i32>} : memref<80x128xf32, #tpu.memory_space<vmem>>, vector<1x16xf32>,
        %parallel_loop3A_868 = arith.index_cast %parallel_loop3A_840 : i32 to index
        %parallel_loop3A_869 = arith.constant 48 : index
        %parallel_loop3A_870 = tpu.vector_load %arg16[%parallel_loop3A_868, %parallel_loop3A_869] {strides = array<i32>} : memref<80x128xf32, #tpu.memory_space<vmem>>, vector<1x16xf32>,
        %parallel_loop3A_871 = vector.shape_cast %parallel_loop3A_870 : vector<1x16xf32> to vector<16xf32>
        %parallel_loop3A_872 = arith.index_cast %parallel_loop3A_840 : i32 to index
        %parallel_loop3A_873 = arith.constant 48 : index
        %parallel_loop3A_874 = tpu.vector_load %arg14[%parallel_loop3A_872, %parallel_loop3A_873] {strides = array<i32>} : memref<80x128xf32, #tpu.memory_space<vmem>>, vector<1x16xf32>,
        %parallel_loop3A_875 = vector.shape_cast %parallel_loop3A_874 : vector<1x16xf32> to vector<16xf32>
        %parallel_loop3A_876 = vector.shape_cast %parallel_loop3A_871 : vector<16xf32> to vector<1x16xf32>
        tpu.vector_store %arg14[%parallel_loop3A_872, %parallel_loop3A_873], %parallel_loop3A_876 {add = true, strides = array<i32>} : memref<80x128xf32, #tpu.memory_space<vmem>>, vector<1x16xf32>,
        %parallel_loop3A_877 = arith.index_cast %parallel_loop3A_840 : i32 to index
        %parallel_loop3A_878 = arith.constant 64 : index
        %parallel_loop3A_879 = tpu.vector_load %arg16[%parallel_loop3A_877, %parallel_loop3A_878] {strides = array<i32>} : memref<80x128xf32, #tpu.memory_space<vmem>>, vector<1x16xf32>,
        %parallel_loop3A_880 = vector.shape_cast %parallel_loop3A_879 : vector<1x16xf32> to vector<16xf32>
        %parallel_loop3A_881 = arith.index_cast %parallel_loop3A_840 : i32 to index
        %parallel_loop3A_882 = arith.constant 64 : index
        %parallel_loop3A_883 = tpu.vector_load %arg14[%parallel_loop3A_881, %parallel_loop3A_882] {strides = array<i32>} : memref<80x128xf32, #tpu.memory_space<vmem>>, vector<1x16xf32>,
        %parallel_loop3A_884 = vector.shape_cast %parallel_loop3A_883 : vector<1x16xf32> to vector<16xf32>
        %parallel_loop3A_885 = vector.shape_cast %parallel_loop3A_880 : vector<16xf32> to vector<1x16xf32>
        tpu.vector_store %arg14[%parallel_loop3A_881, %parallel_loop3A_882], %parallel_loop3A_885 {add = true, strides = array<i32>} : memref<80x128xf32, #tpu.memory_space<vmem>>, vector<1x16xf32>,
        %parallel_loop3A_886 = arith.index_cast %parallel_loop3A_840 : i32 to index
        %parallel_loop3A_887 = arith.constant 80 : index
        %parallel_loop3A_888 = tpu.vector_load %arg16[%parallel_loop3A_886, %parallel_loop3A_887] {strides = array<i32>} : memref<80x128xf32, #tpu.memory_space<vmem>>, vector<1x16xf32>,
        %parallel_loop3A_889 = vector.shape_cast %parallel_loop3A_888 : vector<1x16xf32> to vector<16xf32>
        %parallel_loop3A_890 = arith.index_cast %parallel_loop3A_840 : i32 to index
        %parallel_loop3A_891 = arith.constant 80 : index
        %parallel_loop3A_892 = tpu.vector_load %arg14[%parallel_loop3A_890, %parallel_loop3A_891] {strides = array<i32>} : memref<80x128xf32, #tpu.memory_space<vmem>>, vector<1x16xf32>,
        %parallel_loop3A_893 = vector.shape_cast %parallel_loop3A_892 : vector<1x16xf32> to vector<16xf32>
        %parallel_loop3A_894 = vector.shape_cast %parallel_loop3A_889 : vector<16xf32> to vector<1x16xf32>
        tpu.vector_store %arg14[%parallel_loop3A_890, %parallel_loop3A_891], %parallel_loop3A_894 {add = true, strides = array<i32>} : memref<80x128xf32, #tpu.memory_space<vmem>>, vector<1x16xf32>,
        %parallel_loop3A_895 = arith.index_cast %parallel_loop3A_840 : i32 to index
        %parallel_loop3A_896 = arith.constant 96 : index
        %parallel_loop3A_897 = tpu.vector_load %arg16[%parallel_loop3A_895, %parallel_loop3A_896] {strides = array<i32>} : memref<80x128xf32, #tpu.memory_space<vmem>>, vector<1x16xf32>,
        %parallel_loop3A_898 = vector.shape_cast %parallel_loop3A_897 : vector<1x16xf32> to vector<16xf32>
        %parallel_loop3A_899 = arith.index_cast %parallel_loop3A_840 : i32 to index
        %parallel_loop3A_900 = arith.constant 96 : index
        %parallel_loop3A_901 = tpu.vector_load %arg14[%parallel_loop3A_899, %parallel_loop3A_900] {strides = array<i32>} : memref<80x128xf32, #tpu.memory_space<vmem>>, vector<1x16xf32>,
        %parallel_loop3A_902 = vector.shape_cast %parallel_loop3A_901 : vector<1x16xf32> to vector<16xf32>
        %parallel_loop3A_903 = vector.shape_cast %parallel_loop3A_898 : vector<16xf32> to vector<1x16xf32>
        tpu.vector_store %arg14[%parallel_loop3A_899, %parallel_loop3A_900], %parallel_loop3A_903 {add = true, strides = array<i32>} : memref<80x128xf32, #tpu.memory_space<vmem>>, vector<1x16xf32>,
        %parallel_loop3A_904 = arith.index_cast %parallel_loop3A_840 : i32 to index
        %parallel_loop3A_905 = arith.constant 112 : index
        %parallel_loop3A_906 = tpu.vector_load %arg16[%parallel_loop3A_904, %parallel_loop3A_905] {strides = array<i32>} : memref<80x128xf32, #tpu.memory_space<vmem>>, vector<1x16xf32>,
        %parallel_loop3A_907 = vector.shape_cast %parallel_loop3A_906 : vector<1x16xf32> to vector<16xf32>
        %parallel_loop3A_908 = arith.index_cast %parallel_loop3A_840 : i32 to index
        %parallel_loop3A_909 = arith.constant 112 : index
        %parallel_loop3A_910 = tpu.vector_load %arg14[%parallel_loop3A_908, %parallel_loop3A_909] {strides = array<i32>} : memref<80x128xf32, #tpu.memory_space<vmem>>, vector<1x16xf32>,
        %parallel_loop3A_911 = vector.shape_cast %parallel_loop3A_910 : vector<1x16xf32> to vector<16xf32>
        %parallel_loop3A_912 = vector.shape_cast %parallel_loop3A_907 : vector<16xf32> to vector<1x16xf32>
        tpu.vector_store %arg14[%parallel_loop3A_908, %parallel_loop3A_909], %parallel_loop3A_912 {add = true, strides = array<i32>} : memref<80x128xf32, #tpu.memory_space<vmem>>, vector<1x16xf32>,
      } {sc.loop_unroll_factor = 4 : i64, sc.parallel_access}
      %sub3A_806 = arith.constant 2 : i32
      %sub3A_807 = arith.subi %add3A_788, %sub3A_806 : i32
      %mul3A_808 = arith.constant 80 : i32
      %mul3A_809 = arith.muli %sub3A_807, %mul3A_808 : i32
      %add3A_810 = arith.addi %mul3A_4, %mul3A_809 : i32
      %dma_wait3A_811 = arith.constant 0 : i32
      %dma_wait3A_812 = tpu.memref_slice %arg6[%add3A_810, %dma_wait3A_811] : memref<819200x128xf32, #tpu.memory_space<hbm>> -> memref<80x128xf32, #tpu.memory_space<hbm>>
      %dma_wait3A_813 = arith.constant 0 : i32
      %dma_wait3A_814 = tpu.memref_slice %arg6[%add3A_810, %dma_wait3A_813] : memref<819200x128xf32, #tpu.memory_space<hbm>> -> memref<80x128xf32, #tpu.memory_space<hbm>>
      tpu.wait_dma2 semaphore(%arg28 : memref<!tpu.dma_semaphore, #tpu.memory_space<semaphore_mem>>) src(%arg12 : memref<80x128xf32, #tpu.memory_space<vmem>>) dst(%dma_wait3A_814 : memref<80x128xf32, #tpu.memory_space<hbm>>)
      %add3A_815 = arith.constant 2 : i32
      %add3A_816 = arith.addi %add3A_788, %add3A_815 : i32
      %lt3A_817 = arith.constant 320 : i32
      %lt3A_818 = arith.cmpi slt, %add3A_816, %lt3A_817 : i32
      %convert_element_type3A_819 = arith.extui %lt3A_818 : i1 to i32
      %cond3A_820 = arith.constant 0 : i32
      %cond3A_821 = arith.cmpi ne, %convert_element_type3A_819, %cond3A_820 : i32
      scf.if %cond3A_821 {
        %dma_start3A_840 = arith.constant 1 : i32
        %dma_start3A_841 = arith.constant 0 : i32
        %dma_start3A_842 = tpu.memref_slice %arg7[%dma_start3A_840, %dma_start3A_841] : memref<4x80xi32, #tpu.memory_space<vmem>> -> memref<1x80xi32, #tpu.memory_space<vmem>>
        %dma_start3A_843 = tpu.memref_squeeze %dma_start3A_842 : memref<1x80xi32, #tpu.memory_space<vmem>> -> memref<80xi32, #tpu.memory_space<vmem>>
        %dma_start3A_844 = arith.constant 0 : i32
        %dma_start3A_845 = arith.constant 0 : i32
        %dma_start3A_846 = tpu.memref_slice %arg31[%dma_start3A_844, %dma_start3A_845] : memref<513x128xf32, #tpu.memory_space<vmem_shared>> -> memref<513x128xf32, #tpu.memory_space<vmem_shared>>
        tpu.enqueue_indirect_dma source(%dma_start3A_846 : memref<513x128xf32, #tpu.memory_space<vmem_shared>>) target(%arg12 : memref<80x128xf32, #tpu.memory_space<vmem>>) offsets(%dma_start3A_843 : memref<80xi32, #tpu.memory_space<vmem>>) semaphore(%arg22 : memref<!tpu.dma_semaphore, #tpu.memory_space<semaphore_mem>>)
        %dma_start3A_847 = arith.constant 1 : i32
        %dma_start3A_848 = arith.constant 0 : i32
        %dma_start3A_849 = tpu.memref_slice %arg9[%dma_start3A_847, %dma_start3A_848] : memref<4x80xi32, #tpu.memory_space<vmem>> -> memref<1x80xi32, #tpu.memory_space<vmem>>
        %dma_start3A_850 = tpu.memref_squeeze %dma_start3A_849 : memref<1x80xi32, #tpu.memory_space<vmem>> -> memref<80xi32, #tpu.memory_space<vmem>>
        %dma_start3A_851 = arith.constant 0 : i32
        %dma_start3A_852 = arith.constant 0 : i32
        %dma_start3A_853 = tpu.memref_slice %arg32[%dma_start3A_851, %dma_start3A_852] : memref<4620x128xf32, #tpu.memory_space<vmem_shared>> -> memref<4620x128xf32, #tpu.memory_space<vmem_shared>>
        tpu.enqueue_indirect_dma source(%dma_start3A_853 : memref<4620x128xf32, #tpu.memory_space<vmem_shared>>) target(%arg16 : memref<80x128xf32, #tpu.memory_space<vmem>>) offsets(%dma_start3A_850 : memref<80xi32, #tpu.memory_space<vmem>>) semaphore(%arg26 : memref<!tpu.dma_semaphore, #tpu.memory_space<semaphore_mem>>)
      } else {
      }
      %mul3A_822 = arith.constant 80 : i32
      %mul3A_823 = arith.muli %add3A_788, %mul3A_822 : i32
      %add3A_824 = arith.addi %mul3A_4, %mul3A_823 : i32
      %dma_start3A_825 = arith.constant 0 : i32
      %dma_start3A_826 = tpu.memref_slice %arg6[%add3A_824, %dma_start3A_825] : memref<819200x128xf32, #tpu.memory_space<hbm>> -> memref<80x128xf32, #tpu.memory_space<hbm>>
      %dma_start3A_827 = arith.constant 0 : i32
      %dma_start3A_828 = tpu.memref_slice %arg6[%add3A_824, %dma_start3A_827] : memref<819200x128xf32, #tpu.memory_space<hbm>> -> memref<80x128xf32, #tpu.memory_space<hbm>>
      tpu.enqueue_dma source(%arg14 : memref<80x128xf32, #tpu.memory_space<vmem>>) target(%dma_start3A_828 : memref<80x128xf32, #tpu.memory_space<hbm>>) target_semaphore(%arg30 : memref<!tpu.dma_semaphore, #tpu.memory_space<semaphore_mem>>)
      %mul3A_829 = arith.constant 2 : i32
      %mul3A_830 = arith.muli %mul3A_829, %scan3A_451 : i32
      %add3A_831 = arith.constant 1 : i32
      %add3A_832 = arith.addi %mul3A_830, %add3A_831 : i32
      %add3A_833 = arith.constant 2 : i32
      %add3A_834 = arith.addi %add3A_832, %add3A_833 : i32
      %lt3A_835 = arith.constant 80 : i32
      %lt3A_836 = arith.cmpi slt, %add3A_834, %lt3A_835 : i32
      %convert_element_type3A_837 = arith.extui %lt3A_836 : i1 to i32
      %cond3A_838 = arith.constant 0 : i32
      %cond3A_839 = arith.cmpi ne, %convert_element_type3A_837, %cond3A_838 : i32
      scf.if %cond3A_839 {
        %mul3A_840 = arith.constant 2 : i32
        %mul3A_841 = arith.muli %mul3A_840, %scan3A_451 : i32
        %add3A_842 = arith.constant 1 : i32
        %add3A_843 = arith.addi %mul3A_841, %add3A_842 : i32
        %add3A_844 = arith.constant 2 : i32
        %add3A_845 = arith.addi %add3A_843, %add3A_844 : i32
        %mul3A_846 = arith.constant 4 : i32
        %mul3A_847 = arith.muli %add3A_845, %mul3A_846 : i32
        %add3A_848 = arith.addi %mul3A_2, %mul3A_847 : i32
        %dma_start3A_849 = arith.constant 0 : i32
        %dma_start3A_850 = tpu.memref_slice %arg4[%add3A_848, %dma_start3A_849] : memref<10240x80xi32, #tpu.memory_space<hbm>> -> memref<4x80xi32, #tpu.memory_space<hbm>>
        %dma_start3A_851 = arith.constant 0 : i32
        %dma_start3A_852 = tpu.memref_slice %arg4[%add3A_848, %dma_start3A_851] : memref<10240x80xi32, #tpu.memory_space<hbm>> -> memref<4x80xi32, #tpu.memory_space<hbm>>
        tpu.enqueue_dma source(%dma_start3A_852 : memref<4x80xi32, #tpu.memory_space<hbm>>) target(%arg8 : memref<4x80xi32, #tpu.memory_space<vmem>>) target_semaphore(%arg18 : memref<!tpu.dma_semaphore, #tpu.memory_space<semaphore_mem>>)
        %dma_start3A_853 = arith.constant 0 : i32
        %dma_start3A_854 = tpu.memref_slice %arg5[%add3A_848, %dma_start3A_853] : memref<10240x80xi32, #tpu.memory_space<hbm>> -> memref<4x80xi32, #tpu.memory_space<hbm>>
        %dma_start3A_855 = arith.constant 0 : i32
        %dma_start3A_856 = tpu.memref_slice %arg5[%add3A_848, %dma_start3A_855] : memref<10240x80xi32, #tpu.memory_space<hbm>> -> memref<4x80xi32, #tpu.memory_space<hbm>>
        tpu.enqueue_dma source(%dma_start3A_856 : memref<4x80xi32, #tpu.memory_space<hbm>>) target(%arg10 : memref<4x80xi32, #tpu.memory_space<vmem>>) target_semaphore(%arg20 : memref<!tpu.dma_semaphore, #tpu.memory_space<semaphore_mem>>)
      } else {
      }
    }
    %scan3A_438 = arith.constant 39 : i32
    %add3A_439 = arith.constant 25440 : i32
    %add3A_440 = arith.addi %mul3A_4, %add3A_439 : i32
    %dma_wait3A_441 = arith.constant 0 : i32
    %dma_wait3A_442 = tpu.memref_slice %arg6[%add3A_440, %dma_wait3A_441] : memref<819200x128xf32, #tpu.memory_space<hbm>> -> memref<80x128xf32, #tpu.memory_space<hbm>>
    %dma_wait3A_443 = arith.constant 0 : i32
    %dma_wait3A_444 = tpu.memref_slice %arg6[%add3A_440, %dma_wait3A_443] : memref<819200x128xf32, #tpu.memory_space<hbm>> -> memref<80x128xf32, #tpu.memory_space<hbm>>
    tpu.wait_dma2 semaphore(%arg29 : memref<!tpu.dma_semaphore, #tpu.memory_space<semaphore_mem>>) src(%arg13 : memref<80x128xf32, #tpu.memory_space<vmem>>) dst(%dma_wait3A_444 : memref<80x128xf32, #tpu.memory_space<hbm>>)
    %add3A_445 = arith.constant 25520 : i32
    %add3A_446 = arith.addi %mul3A_4, %add3A_445 : i32
    %dma_wait3A_447 = arith.constant 0 : i32
    %dma_wait3A_448 = tpu.memref_slice %arg6[%add3A_446, %dma_wait3A_447] : memref<819200x128xf32, #tpu.memory_space<hbm>> -> memref<80x128xf32, #tpu.memory_space<hbm>>
    %dma_wait3A_449 = arith.constant 0 : i32
    %dma_wait3A_450 = tpu.memref_slice %arg6[%add3A_446, %dma_wait3A_449] : memref<819200x128xf32, #tpu.memory_space<hbm>> -> memref<80x128xf32, #tpu.memory_space<hbm>>
    tpu.wait_dma2 semaphore(%arg30 : memref<!tpu.dma_semaphore, #tpu.memory_space<semaphore_mem>>) src(%arg14 : memref<80x128xf32, #tpu.memory_space<vmem>>) dst(%dma_wait3A_450 : memref<80x128xf32, #tpu.memory_space<hbm>>)
    return
  }
}

module attributes {stable_mosaic.version = 14 : i64} {
  func.func @_prep_body(%arg0: memref<513x64xf32, #tpu.memory_space<vmem>>, %arg1: memref<11x8xf32, #tpu.memory_space<vmem>>, %arg2: memref<5x8xf32, #tpu.memory_space<vmem>>, %arg3: memref<4x8xf32, #tpu.memory_space<vmem>>, %arg4: memref<21x8xf32, #tpu.memory_space<vmem>>, %arg5: memref<96x128xf32, #tpu.memory_space<vmem>>, %arg6: memref<1x128xf32, #tpu.memory_space<vmem>>, %arg7: memref<4096x200xi32, #tpu.memory_space<vmem>>, %arg8: memref<4096x200xi32, #tpu.memory_space<vmem>>, %arg9: memref<4096x200xi32, #tpu.memory_space<vmem>>, %arg10: memref<4096x200xi32, #tpu.memory_space<vmem>>, %arg11: memref<513x128xf32, #tpu.memory_space<vmem>>, %arg12: memref<4620x128xf32, #tpu.memory_space<vmem>>, %arg13: memref<4096x200xi32, #tpu.memory_space<vmem>>) attributes {dimension_semantics = [], scalar_prefetch = 0 : i64, scratch_operands = 0 : i64, tpu.core_type = #tpu.core_type<tc>} {
    %get3A = arith.constant 0 : index
    %get3A_0 = arith.constant 0 : index
    %get3A_1 = vector.load %arg5[%get3A, %get3A_0] : memref<96x128xf32, #tpu.memory_space<vmem>>, vector<96x128xf32>
    %get3A_2 = arith.constant 0 : index
    %get3A_3 = arith.constant 0 : index
    %get3A_4 = vector.load %arg0[%get3A_2, %get3A_3] : memref<513x64xf32, #tpu.memory_space<vmem>>, vector<513x64xf32>
    %slice3A = vector.extract_strided_slice %get3A_1 {offsets = [0, 0], sizes = [64, 128], strides = [1, 1]} : vector<96x128xf32> to vector<64x128xf32>
    %dot_general3A = arith.constant dense<0.000000e+00> : vector<513x128xf32>
    %dot_general3A_5 = tpu.matmul %get3A_4, %slice3A, %dot_general3A {dimension_numbers = #tpu.dot_dimension_numbers<[1], [0], [0], [1], [0, 0, 1, 1], [], []>, transpose_lhs_hint = false} : vector<513x64xf32>, vector<64x128xf32>, vector<513x128xf32> -> vector<513x128xf32>
    %swap3A = arith.constant 0 : index
    %swap3A_6 = arith.constant 0 : index
    %swap3A_7 = vector.load %arg11[%swap3A, %swap3A_6] : memref<513x128xf32, #tpu.memory_space<vmem>>, vector<513x128xf32>
    tpu.vector_store %arg11[%swap3A, %swap3A_6], %dot_general3A_5 {strides = array<i32>} : memref<513x128xf32, #tpu.memory_space<vmem>>, vector<513x128xf32>,
    %get3A_8 = arith.constant 0 : index
    %get3A_9 = arith.constant 0 : index
    %get3A_10 = vector.load %arg1[%get3A_8, %get3A_9] : memref<11x8xf32, #tpu.memory_space<vmem>>, vector<11x8xf32>
    %slice3A_11 = vector.extract_strided_slice %get3A_1 {offsets = [64, 0], sizes = [8, 128], strides = [1, 1]} : vector<96x128xf32> to vector<8x128xf32>
    %dot_general3A_12 = arith.constant dense<0.000000e+00> : vector<11x128xf32>
    %dot_general3A_13 = tpu.matmul %get3A_10, %slice3A_11, %dot_general3A_12 {dimension_numbers = #tpu.dot_dimension_numbers<[1], [0], [0], [1], [0, 0, 1, 1], [], []>, transpose_lhs_hint = false} : vector<11x8xf32>, vector<8x128xf32>, vector<11x128xf32> -> vector<11x128xf32>
    %get3A_14 = arith.constant 0 : index
    %get3A_15 = arith.constant 0 : index
    %get3A_16 = vector.load %arg2[%get3A_14, %get3A_15] : memref<5x8xf32, #tpu.memory_space<vmem>>, vector<5x8xf32>
    %slice3A_17 = vector.extract_strided_slice %get3A_1 {offsets = [72, 0], sizes = [8, 128], strides = [1, 1]} : vector<96x128xf32> to vector<8x128xf32>
    %dot_general3A_18 = arith.constant dense<0.000000e+00> : vector<5x128xf32>
    %dot_general3A_19 = tpu.matmul %get3A_16, %slice3A_17, %dot_general3A_18 {dimension_numbers = #tpu.dot_dimension_numbers<[1], [0], [0], [1], [0, 0, 1, 1], [], []>, transpose_lhs_hint = false} : vector<5x8xf32>, vector<8x128xf32>, vector<5x128xf32> -> vector<5x128xf32>
    %get3A_20 = arith.constant 0 : index
    %get3A_21 = arith.constant 0 : index
    %get3A_22 = vector.load %arg3[%get3A_20, %get3A_21] : memref<4x8xf32, #tpu.memory_space<vmem>>, vector<4x8xf32>
    %slice3A_23 = vector.extract_strided_slice %get3A_1 {offsets = [80, 0], sizes = [8, 128], strides = [1, 1]} : vector<96x128xf32> to vector<8x128xf32>
    %dot_general3A_24 = arith.constant dense<0.000000e+00> : vector<4x128xf32>
    %dot_general3A_25 = tpu.matmul %get3A_22, %slice3A_23, %dot_general3A_24 {dimension_numbers = #tpu.dot_dimension_numbers<[1], [0], [0], [1], [0, 0, 1, 1], [], []>, transpose_lhs_hint = false} : vector<4x8xf32>, vector<8x128xf32>, vector<4x128xf32> -> vector<4x128xf32>
    %get3A_26 = arith.constant 0 : index
    %get3A_27 = arith.constant 0 : index
    %get3A_28 = vector.load %arg4[%get3A_26, %get3A_27] : memref<21x8xf32, #tpu.memory_space<vmem>>, vector<21x8xf32>
    %slice3A_29 = vector.extract_strided_slice %get3A_1 {offsets = [88, 0], sizes = [8, 128], strides = [1, 1]} : vector<96x128xf32> to vector<8x128xf32>
    %dot_general3A_30 = arith.constant dense<0.000000e+00> : vector<21x128xf32>
    %dot_general3A_31 = tpu.matmul %get3A_28, %slice3A_29, %dot_general3A_30 {dimension_numbers = #tpu.dot_dimension_numbers<[1], [0], [0], [1], [0, 0, 1, 1], [], []>, transpose_lhs_hint = false} : vector<21x8xf32>, vector<8x128xf32>, vector<21x128xf32> -> vector<21x128xf32>
    %broadcast_in_dim3A = vector.shape_cast %dot_general3A_25 : vector<4x128xf32> to vector<4x1x128xf32>
    %broadcast_in_dim3A_32 = vector.shape_cast %dot_general3A_31 : vector<21x128xf32> to vector<1x21x128xf32>
    %add3A = vector.broadcast %broadcast_in_dim3A : vector<4x1x128xf32> to vector<4x21x128xf32>
    %add3A_33 = vector.broadcast %broadcast_in_dim3A_32 : vector<1x21x128xf32> to vector<4x21x128xf32>
    %add3A_34 = arith.addf %add3A, %add3A_33 : vector<4x21x128xf32>
    %reshape3A = vector.shape_cast %add3A_34 : vector<4x21x128xf32> to vector<84x128xf32>
    %broadcast_in_dim3A_35 = vector.shape_cast %dot_general3A_19 : vector<5x128xf32> to vector<5x1x128xf32>
    %broadcast_in_dim3A_36 = vector.shape_cast %reshape3A : vector<84x128xf32> to vector<1x84x128xf32>
    %add3A_37 = vector.broadcast %broadcast_in_dim3A_35 : vector<5x1x128xf32> to vector<5x84x128xf32>
    %add3A_38 = vector.broadcast %broadcast_in_dim3A_36 : vector<1x84x128xf32> to vector<5x84x128xf32>
    %add3A_39 = arith.addf %add3A_37, %add3A_38 : vector<5x84x128xf32>
    %reshape3A_40 = vector.shape_cast %add3A_39 : vector<5x84x128xf32> to vector<420x128xf32>
    %broadcast_in_dim3A_41 = vector.shape_cast %dot_general3A_13 : vector<11x128xf32> to vector<11x1x128xf32>
    %broadcast_in_dim3A_42 = vector.shape_cast %reshape3A_40 : vector<420x128xf32> to vector<1x420x128xf32>
    %add3A_43 = vector.broadcast %broadcast_in_dim3A_41 : vector<11x1x128xf32> to vector<11x420x128xf32>
    %add3A_44 = vector.broadcast %broadcast_in_dim3A_42 : vector<1x420x128xf32> to vector<11x420x128xf32>
    %add3A_45 = arith.addf %add3A_43, %add3A_44 : vector<11x420x128xf32>
    %reshape3A_46 = vector.shape_cast %add3A_45 : vector<11x420x128xf32> to vector<4620x128xf32>
    %get3A_47 = arith.constant 0 : index
    %get3A_48 = arith.constant 0 : index
    %get3A_49 = vector.load %arg6[%get3A_47, %get3A_48] : memref<1x128xf32, #tpu.memory_space<vmem>>, vector<1x128xf32>
    %add3A_50 = vector.broadcast %get3A_49 : vector<1x128xf32> to vector<4620x128xf32>
    %add3A_51 = arith.addf %reshape3A_46, %add3A_50 : vector<4620x128xf32>
    %swap3A_52 = arith.constant 0 : index
    %swap3A_53 = arith.constant 0 : index
    %swap3A_54 = vector.load %arg12[%swap3A_52, %swap3A_53] : memref<4620x128xf32, #tpu.memory_space<vmem>>, vector<4620x128xf32>
    tpu.vector_store %arg12[%swap3A_52, %swap3A_53], %add3A_51 {strides = array<i32>} : memref<4620x128xf32, #tpu.memory_space<vmem>>, vector<4620x128xf32>,
    %get3A_55 = arith.constant 0 : index
    %get3A_56 = arith.constant 0 : index
    %get3A_57 = vector.load %arg7[%get3A_55, %get3A_56] : memref<4096x200xi32, #tpu.memory_space<vmem>>, vector<4096x200xi32>
    %mul3A = arith.constant 5 : i32
    %mul3A_58 = vector.broadcast %mul3A : i32 to vector<4096x200xi32>
    %mul3A_59 = arith.muli %get3A_57, %mul3A_58 : vector<4096x200xi32>
    %get3A_60 = arith.constant 0 : index
    %get3A_61 = arith.constant 0 : index
    %get3A_62 = vector.load %arg8[%get3A_60, %get3A_61] : memref<4096x200xi32, #tpu.memory_space<vmem>>, vector<4096x200xi32>
    %add3A_63 = arith.addi %mul3A_59, %get3A_62 : vector<4096x200xi32>
    %mul3A_64 = arith.constant 4 : i32
    %mul3A_65 = vector.broadcast %mul3A_64 : i32 to vector<4096x200xi32>
    %mul3A_66 = arith.muli %add3A_63, %mul3A_65 : vector<4096x200xi32>
    %get3A_67 = arith.constant 0 : index
    %get3A_68 = arith.constant 0 : index
    %get3A_69 = vector.load %arg9[%get3A_67, %get3A_68] : memref<4096x200xi32, #tpu.memory_space<vmem>>, vector<4096x200xi32>
    %add3A_70 = arith.addi %mul3A_66, %get3A_69 : vector<4096x200xi32>
    %mul3A_71 = arith.constant 21 : i32
    %mul3A_72 = vector.broadcast %mul3A_71 : i32 to vector<4096x200xi32>
    %mul3A_73 = arith.muli %add3A_70, %mul3A_72 : vector<4096x200xi32>
    %get3A_74 = arith.constant 0 : index
    %get3A_75 = arith.constant 0 : index
    %get3A_76 = vector.load %arg10[%get3A_74, %get3A_75] : memref<4096x200xi32, #tpu.memory_space<vmem>>, vector<4096x200xi32>
    %add3A_77 = arith.addi %mul3A_73, %get3A_76 : vector<4096x200xi32>
    %swap3A_78 = arith.constant 0 : index
    %swap3A_79 = arith.constant 0 : index
    %swap3A_80 = vector.load %arg13[%swap3A_78, %swap3A_79] : memref<4096x200xi32, #tpu.memory_space<vmem>>, vector<4096x200xi32>
    tpu.vector_store %arg13[%swap3A_78, %swap3A_79], %add3A_77 {strides = array<i32>} : memref<4096x200xi32, #tpu.memory_space<vmem>>, vector<4096x200xi32>,
    return
  }
}

</mosaic_0001>

<sc_bundles>
// kernel: kernel.4.cloned.1.call-start
scs
__scs_entry_jumppad:
0x0: {  	(pc) =	sbr.rel $0x88, $3  }
0x1: {  	(tag) =	ssettag $0x0;
	lr =	simm.s32 $0x1  }
0x2: {  	[smem:$0x3F95] =	sst lr;
	_ =	strace $0xD0000000  }
0x3: {  	_ = 	snop  }
0x4: {  	_ = 	snop  }
0x5: {  	_ = 	snop  }
0x6: {  	_ = 	snop  }
0x7: {  	_ = 	snop  }
__scs_overlays_trampoline_lowered:
0x8: {  	[smem:$0x3FA4] =	sst s0  }
0x9: {  	[smem:$0x3FA5] =	sst s1  }
0xa: {  	[smem:$0x3FA6] =	sst s2  }
0xb: {  	[smem:$0x3FA7] =	sst s3  }
0xc: {  	[smem:$0x3FA8] =	sst s4  }
0xd: {  	[smem:$0x3FA9] =	sst s5  }
0xe: {  	[smem:$0x3FAA] =	sst s6  }
0xf: {  	[smem:$0x3FAB] =	sst s7  }
0x10: {  	[smem:$0x3FAC] =	sst s8  }
0x11: {  	[smem:$0x3FAD] =	sst s9;
	s0 =	simm.s32 @!p0 $0x0  }
0x12: {  	s1 =	sld [smem:$0x3F93];
	s0 =	simm.s32 @p0 $0x1  }
0x13: {  	[smem:$0x3FAE] =	sst s0;
	s0 =	simm.s32 @!p1 $0x0  }
0x14: {  	s2 =	sld [smem:$0x3F92];
	s0 =	simm.s32 @p1 $0x1  }
0x15: {  	[smem:$0x3FAF] =	sst s0;
	s0 =	simm.s32 @!p2 $0x0  }
0x16: {  	s3 =	sld [smem:$0x3FDB];
	s0 =	simm.s32 @p2 $0x1  }
0x17: {  	s4 =	simm.s32 $0x1BF5;
	[smem:$0x3FB1] =	sst s0  }
0x18: {  	s0 =	sld [smem:$0x3F94];
	_ =	swait.ge [sflag:s4], $0x0  }
0x19: {  	s7 =	sld [smem:$0x3F95]  }
0x1a: {  	s8 =	sadd.s32 $0xFFFFE003, lr  }
0x1b: {  	s9 =	sadd.s32 $0xFFFFFEF7, lr;
	s5 =	simm.s32 $0xFFFFFFFF;
	p2 =	slt.u32 s8, $0xFFFFF086  }
0x1c: {  	p1 =	slt.u32 s9, $0xF7A;
	s5 =	simm.s32 @!p2 $0x0  }
0x1d: {  	s5 =	simm.s32 @p1 $0x1;
	p0 =	seq.s32 s7, s2  }
0x1e: {  	s7 =	smul.u32 @!p0 $0xF7A, s2;
	p2 =	seq.s32 @!p0 s5, $0x0  }
0x1f: {  	s9 =	smul.u32 $0xF7A, s1;
	s8 =	simm.s32 @!p0 $0x1BF5;
	p2 =	por !p2, p0  }
0x20: {  	[sflag:s8] =	ssyncset.s32 @!p0 $0xFFFFF086;
	s6 =	sadd.s32 @!p0 s3, s7;
	s7 =	simm.s32 @!p0 $0x108  }
0x21: {  	s3 =	sadd.s32 s3, s9;
	s6 =	sadd.s32 @!p0 $0x88, s6;
	s7 =	simm.s32 @p2 $0x1082  }
0x22: {  	[simem:s7], [sflag:s8] =	dma.local @!p0 [hbm:s6], $0xF7A  }
0x23: {  	s9 =	sor.u32 $0xD0000000, s2;
	s6 =	simm.s32 $0x108;
	_ =	swait.ge @!p0 [sflag:s8], $0x0  }
0x24: {  	s3 =	sadd.s32 $0x88, s3;
	s6 =	simm.s32 @!p1 $0x1082;
	[sflag:s4] =	ssyncset.s32 $0xFFFFF086  }
0x25: {  	[simem:s6], [sflag:s4] =	dma.local [hbm:s3], $0xF7A  }
0x26: {  	[smem:$0x3F95] =	sst s1;
	(tag) =	ssettag s2;
	_ =	strace s9  }
0x27: {  	s1 =	sld [smem:$0x3FA5]  }
0x28: {  	s2 =	sld [smem:$0x3FA6]  }
0x29: {  	s4 =	sld [smem:$0x3FA8]  }
0x2a: {  	p0 =	seq.s32 s5, $0x0;
	s5 =	sld [smem:$0x3FA9]  }
0x2b: {  	s6 =	sld [smem:$0x3FAA]  }
0x2c: {  	s7 =	sld [smem:$0x3FAB]  }
0x2d: {  	s3 =	simm.s32 $0x108;
	s8 =	sld [smem:$0x3FAC]  }
0x2e: {  	s3 =	simm.s32 @!p0 $0x1082;
	s9 =	sld [smem:$0x3FAD]  }
0x2f: {  	lr =	sadd.s32 s0, s3;
	s0 =	sld [smem:$0x3FA4]  }
0x30: {  	s3 =	sld [smem:$0x3FA7]  }
0x31: {  	[smem:$0x3FB0] =	sst s10  }
0x32: {  	s10 =	sld [smem:$0x3FAE];
	_ =	sdelay $0x3  }
0x33: {  	p0 =	seq.s32 s10, $0x1;
	s10 =	sld [smem:$0x3FB0];
	_ =	sdelay $0x3  }
0x34: {  	[smem:$0x3FB0] =	sst s10  }
0x35: {  	s10 =	sld [smem:$0x3FAF];
	_ =	sdelay $0x3  }
0x36: {  	p1 =	seq.s32 s10, $0x1;
	s10 =	sld [smem:$0x3FB0];
	_ =	sdelay $0x3  }
0x37: {  	[smem:$0x3FB0] =	sst s10  }
0x38: {  	s10 =	sld [smem:$0x3FB1]  }
0x39: {  	_ = 	snop;
	(pc) =	sbr.ind lr, $3  }
0x3a: {  	_ = 	snop  }
0x3b: {  	_ = 	snop  }
0x3c: {  	p2 =	seq.s32 s10, $0x1;
	s10 =	sld [smem:$0x3FB0]  }
0x3d: {  	_ =	shalt  }
0x3e: {  	_ =	shalt  }
0x3f: {  	_ =	shalt  }
0x40: {  	_ =	shalt  }
0x41: {  	_ =	shalt  }
0x42: {  	_ =	shalt  }
0x43: {  	_ =	shalt  }
0x44: {  	_ =	shalt  }
0x45: {  	_ =	shalt  }
0x46: {  	_ =	shalt  }
0x47: {  	_ =	shalt  }
0x48: {  	_ =	shalt  }
0x49: {  	_ =	shalt  }
0x4a: {  	_ =	shalt  }
0x4b: {  	_ =	shalt  }
0x4c: {  	_ =	shalt  }
0x4d: {  	_ =	shalt  }
0x4e: {  	_ =	shalt  }
0x4f: {  	_ =	shalt  }
0x50: {  	_ =	shalt  }
0x51: {  	_ =	shalt  }
0x52: {  	_ =	shalt  }
0x53: {  	_ =	shalt  }
0x54: {  	_ =	shalt  }
0x55: {  	_ =	shalt  }
0x56: {  	_ =	shalt  }
0x57: {  	_ =	shalt  }
0x58: {  	_ =	shalt  }
0x59: {  	_ =	shalt  }
0x5a: {  	_ =	shalt  }
0x5b: {  	_ =	shalt  }
0x5c: {  	_ =	shalt  }
0x5d: {  	_ =	shalt  }
0x5e: {  	_ =	shalt  }
0x5f: {  	_ =	shalt  }
0x60: {  	_ =	shalt  }
0x61: {  	_ =	shalt  }
0x62: {  	_ =	shalt  }
0x63: {  	_ =	shalt  }
0x64: {  	_ =	shalt  }
0x65: {  	_ =	shalt  }
0x66: {  	_ =	shalt  }
0x67: {  	_ =	shalt  }
0x68: {  	_ =	shalt  }
0x69: {  	_ =	shalt  }
0x6a: {  	_ =	shalt  }
0x6b: {  	_ =	shalt  }
0x6c: {  	_ =	shalt  }
0x6d: {  	_ =	shalt  }
0x6e: {  	_ =	shalt  }
0x6f: {  	_ =	shalt  }
0x70: {  	_ =	shalt  }
0x71: {  	_ =	shalt  }
0x72: {  	_ =	shalt  }
0x73: {  	_ =	shalt  }
0x74: {  	_ =	shalt  }
0x75: {  	_ =	shalt  }
0x76: {  	_ =	shalt  }
0x77: {  	_ =	shalt  }
0x78: {  	_ =	shalt  }
0x79: {  	_ =	shalt  }
0x7a: {  	_ =	shalt  }
0x7b: {  	_ =	shalt  }
0x7c: {  	_ =	shalt  }
0x7d: {  	_ =	shalt  }
0x7e: {  	_ =	shalt  }
0x7f: {  	_ =	shalt  }
0x80: {  	_ =	shalt  }
0x81: {  	_ =	shalt  }
0x82: {  	_ =	shalt  }
0x83: {  	_ =	shalt  }
0x84: {  	_ =	shalt  }
0x85: {  	_ =	shalt  }
0x86: {  	_ =	shalt  }
0x87: {  	_ =	shalt  }
.Lfunc_end0:
.L_simem_size_0:
called_computation_lowered:
.L_overlay_start_0:
0x88: {  	s2 =	sld [smem:$0x3FD9]  }
0x89: {  	s3 =	sld [smem:$0x3FFE];
	_ =	sdelay $0x1  }
0x8a: {  	s1 =	srdreg.scid  }
0x8b: {  	s0 =	sand.u32 $0x1, s1  }
0x8c: {  	s17 =	sshll.u32 s0, $0xA;
	s2 =	sadd.s32 s3, s2  }
0x8d: {  	s2 =	sadd.s32 s2, s17  }
0x8e: {  	[smem:$0x3FBC] =	sst s2  }
0x8f: {  	_ = 	snop  }
0x90: {  	s2 =	sld [smem:$0x3FD0];
	(tm) =	ssettm $0x1  }
0x91: {  	s18 =	sld [smem:$0x3FFB];
	_ =	sdelay $0x3  }
0x92: {  	_ =	strace s18  }
0x93: {  	s3 =	sld [smem:$0x3FFC];
	_ =	sdelay $0x3  }
0x94: {  	_ =	strace s3  }
0x95: {  	s3 =	sld [smem:$0x3FFD];
	_ =	sdelay $0x3  }
0x96: {  	_ =	strace s3  }
0x97: {  	_ =	strace $0x8FFFFFFF  }
0x98: {  	s19 =	sld [smem:$0x3FDB];
	_ =	sdelay $0x1  }
0x99: {  	s4 =	simm.s32 $_scs_section_size  }
0x9a: {  	s5 =	simm.s32 $_size__tile_overlayer_lowered;
	s6 =	simm.s32 $_tile_overlayer_lowered  }
0x9b: {  	s22 =	simm.s32 $0x1BFF;
	s21 =	sshll.u32 s6, $0x1;
	s3 =	sadd.s32 s4, s19  }
0x9c: {  	s7 =	simm.s32 $0x0;
	s20 =	sshll.u32 s5, $0x1;
	s5 =	sadd.s32 s21, s3  }
0x9d: {  	[timem:s7], [sflag:s22] =	dma.local [hbm:s5], s20  }
0x9e: {  	_ =	swait.ge [sflag:s22], s20  }
0x9f: {  	s4 =	ssub.s32 $0x0, s20;
	[sflag:s22] =	ssyncset.done $0x0  }
0xa0: {  	[sflag:s22] =	ssyncadd.s32 s4;
	_ =	sdelay $0x1  }
0xa1: {  	s23 =	simm.s32 $0x1B8B  }
0xa2: {  	_ =	swait.ge [sflag:s23], $0x1  }
0xa3: {  	[sflag:s23] =	ssyncset.done $0x0  }
0xa4: {  	s25 =	simm.s32 $0x1B8E;
	s24 =	sld [smem:$0x3FFE];
	[sflag:s23] =	ssyncadd.s32 $0xFFFFFFFF  }
0xa5: {  	s26 =	simm.s32 $execute0_lowered;
	[smem:$0x3FD2] =	sst s25  }
0xa6: {  	s5 =	sshll.u32 s26, $0x1;
	_ =	strace $0x80000046;
	[dreg:$0x1] =	wrdreg $0xFFFFFFFF  }
0xa7: {  	s28 =	simm.s32 $_size_execute0_lowered;
	s3 =	sadd.s32 s3, s5;
	[dreg:$0x0] =	wrdreg $0x0  }
0xa8: {  	s5 =	sshll.u32 s28, $0x1;
	[dreg:$0x2] =	wrdreg s3  }
0xa9: {  	[dreg:$0x3] =	wrdreg s5  }
0xaa: {  	[dreg:$0x4] =	wrdreg $0xC0  }
0xab: {  	_ =	task [dreg:s7], $0x5FFFF  }
0xac: {  	[dreg:$0x1] =	wrdreg $0xFFFFFFFF  }
0xad: {  	[dreg:$0x0] =	wrdreg $0x60  }
0xae: {  	[dreg:$0x2] =	wrdreg s24  }
0xaf: {  	[dreg:$0x3] =	wrdreg s2  }
0xb0: {  	[dreg:$0x4] =	wrdreg $0xF8000  }
0xb1: {  	[dreg:$0x5] =	wrdreg $0x108080  }
0xb2: {  	[dreg:$0x6] =	wrdreg $0x9  }
0xb3: {  	_ =	task.clear_ibuf [dreg:s7], $0x7FFFF;
	_ =	strace $0x90000046  }
0xb4: {  	s29 =	simm.s32 $0x9;
	_ =	strace $0x80000048  }
0xb5: {  	_ =	swait.ge [sflag:s29], $0x1  }
0xb6: {  	[sflag:s29] =	ssyncadd.s32 $0xFFFFFFFF  }
0xb7: {  	_ =	strace $0x90000048  }
0xb8: {  	_ =	sfence  }
0xb9: {  	s30 =	sld [smem:$0x0];
	_ =	sdelay $0x2  }
0xba: {  	s31 =	sshll.u32 s1, $0xD;
	s1 =	sshrl.u32 s1, $0x2  }
0xbb: {  	s3 =	sand.u32 $0x4000, s31;
	s1 =	sadd.s32 s1, s30  }
0xbc: {  	s0 =	sor.u32 s3, s0;
	s1 =	sshll.u32 s1, $0x11  }
0xbd: {  	s0 =	sor.u32 s1, s0  }
0xbe: {  	s0 =	sadd.s32 $0x8F2B, s0  }
0xbf: {  	[sflag:s0] =	ssyncadd.remote.s32 $0x1  }
0xc0: {  	_ =	sfence.sel $0xFFFF  }
0xc1: {  	[dreg:$0x0] =	wrdreg $0xFFFFFFFF;
	(pc) =	sbr.abs _section_cstart, $3  }
0xc2: {  	[dreg:$0x1] =	wrdreg $0xFFFFFFFF  }
0xc3: {  	_ =	task.clear_ibuf [dreg:s7], $0x2FFFF;
	_ =	strace $0x9FFFFFFF  }
0xc4: {  	(tm) =	ssettm $0x7FFFFFFF  }
0xc5: {  	_ =	shalt  }
tec
execute0_lowered:
.L_overlay_start_1:
0x0: {  	(tag) =	ssettag $0x1  }
0x1: {  	s0 =	rddreg [dreg:$0x0]  }
0x2: {  	s1 =	rddreg [dreg:$0x1]  }
0x3: {  	s2 =	rddreg [dreg:$0x2]  }
0x4: {  	s3 =	rddreg [dreg:$0x3]  }
0x5: {  	s5 =	srdreg.scid;
	s6 =	stileid.u32  }
0x6: {  	s4 =	simm.s32 $0x0;
	s5 =	sand.u32 $0x1, s5;
	s7 =	sshll.u32 s6, $0x1  }
0x7: {  	[smem:$0x7FF] =	sst s4;
	s8 =	sadd.s32 $0x3BC00, s0;
	s7 =	sor.u32 s5, s7  }
0x8: {  	s16 =	sadd.s32 $0x29A00, s0;
	s9 =	sadd.s32 $0x3DE00, s0;
	s12 =	smul.u32 $0x6400, s7  }
0x9: {  	_ =	strace $0x80000047;
	[dreg:$0x5] =	wrdreg s8;
	s11 =	smul.u32 $0x1400, s7  }
0xa: {  	[dreg:$0x6] =	wrdreg s16;
	s8 =	sadd.s32 $0x1A00, s0;
	s18 =	smul.u32 $0x64000, s7  }
0xb: {  	s7 =	smul.u32 $0xA000, s7;
	s19 =	sadd.s32 s8, s11;
	[dreg:$0x7] =	wrdreg s12  }
0xc: {  	s5 =	ssub.s32 $0x2, s5;
	s20 =	sadd.s32 s9, s11;
	[dreg:$0x8] =	wrdreg s19  }
0xd: {  	s10 =	sshrl.u32 s5, $0x1;
	s14 =	sor.u32 $0x400, s7;
	[dreg:$0x9] =	wrdreg s20  }
0xe: {  	s17 =	ssub.s32 s5, s10;
	s15 =	sor.u32 $0x600, s7;
	[dreg:$0x15] =	wrdreg s14  }
0xf: {  	s21 =	sor.u32 $0x40, s11;
	s0 =	smax.u32 s17, $0x1;
	[dreg:$0x16] =	wrdreg s15  }
0x10: {  	s13 =	sadd.s32 s8, s21;
	[dreg:$0x17] =	wrdreg s0  }
0x11: {  	s23 =	sor.u32 $0x80, s11;
	s10 =	sadd.s32 s9, s21;
	[dreg:$0xa] =	wrdreg s13  }
0x12: {  	s25 =	sadd.s32 s8, s23;
	[dreg:$0xb] =	wrdreg s10  }
0x13: {  	s28 =	simm.s32 $0xD000;
	s19 =	sor.u32 $0x50, s12;
	[dreg:$0x10] =	wrdreg s25  }
0x14: {  	s29 =	simm.s32 $0x5;
	s20 =	sor.u32 $0xA0, s12;
	[dreg:$0x1b] =	wrdreg s19  }
0x15: {  	s30 =	simm.s32 $0xD;
	s21 =	sor.u32 $0xF0, s12;
	[dreg:$0x1c] =	wrdreg s20  }
0x16: {  	s31 =	simm.s32 $0xE;
	[dreg:$0x1d] =	wrdreg s21;
	s25 =	sor.u32 $0x230, s12  }
0x17: {  	p0 =	sne.s32 s6, $0x0;
	s10 =	sadd.s32 s1, s18;
	[smem:$0x7FC] =	sst s25  }
0x18: {  	s7 =	simm.s32 $0x8;
	s5 =	sadd.s32 $0x500, s10;
	[dreg:$0xc] =	wrdreg s10  }
0x19: {  	s14 =	simm.s32 $0x8000;
	s22 =	sadd.s32 $0xA00, s10;
	[dreg:$0xd] =	wrdreg s5  }
0x1a: {  	s15 =	simm.s32 $0xB;
	s24 =	sadd.s32 $0xF00, s10;
	[dreg:$0xe] =	wrdreg s22  }
0x1b: {  	s13 =	sor.u32 $0xC0, s11;
	s26 =	sadd.s32 $0x1400, s10;
	[dreg:$0xf] =	wrdreg s24  }
0x1c: {  	s19 =	simm.s32 $0x50;
	s11 =	sadd.s32 s8, s13;
	[dreg:$0x12] =	wrdreg s26  }
0x1d: {  	s20 =	simm.s32 $0x800;
	s16 =	sadd.s32 $0x1900, s10;
	[dreg:$0x13] =	wrdreg s11  }
0x1e: {  	s21 =	simm.s32 $0xA800;
	s17 =	sadd.s32 $0x1E00, s10;
	[dreg:$0x18] =	wrdreg s16  }
0x1f: {  	s18 =	sadd.s32 $0x2300, s10;
	s25 =	simm.s32 $0x3000;
	[dreg:$0x19] =	wrdreg s17  }
0x20: {  	s5 =	sadd.s32 s9, s23;
	[dreg:$0x1a] =	wrdreg s18;
	s22 =	sor.u32 $0x140, s12  }
0x21: {  	s23 =	sor.u32 $0x190, s12;
	s24 =	sor.u32 $0x1E0, s12;
	[dreg:$0x11] =	wrdreg s5  }
0x22: {  	s26 =	sadd.s32 $0x63B00, s10;
	s18 =	simm.s32 $0x200;
	[dreg:$0x1e] =	wrdreg s22  }
.Ltmp0:
0x23: {  	s12 =	simm.s32 $0x9;
	[dreg:$0x1f] =	wrdreg s23;
	(pc) =	sbr.rel .LBB2_1-.Ltmp0, $4  }
0x24: {  	s16 =	simm.s32 $0x6;
	s11 =	simm.s32 $0x4;
	[smem:$0x7FB] =	sst s24  }
0x25: {  	s5 =	sadd.s32 s9, s13;
	[smem:$0x7FD] =	sst s26;
	s13 =	simm.s32 $0x5800  }
0x26: {  	s22 =	simm.s32 $0xA;
	s26 =	simm.s32 $0x7;
	s24 =	simm.s32 $0x2  }
0x27: {  	s23 =	simm.s32 $0xC;
	[dreg:$0x14] =	wrdreg s5;
	s5 =	simm.s32 $0x0  }
.LBB2_36:
0x28: {  	s0 =	sld [smem:$0x7FD];
	_ =	sdelay $0x2  }
0x29: {  	[hbm4b:s0+s4] =	stream.linear.scatter [tilespmem:s14], [sflag:$0xE], $0x2800, $0x38;
	[tilespmem:$0x19868] =	vst v63  }
0x2a: {  	_ =	swait.ge [sflag:s30], $0x2800  }
0x2b: {  	[sflag:s30] =	ssyncset.done $0x0  }
0x2c: {  	[sflag:s30] =	ssyncadd.s32 $0xFFFFD800  }
0x2d: {  	_ =	swait.ge [sflag:s31], $0x2800  }
0x2e: {  	s5 =	sld [smem:$0x7FA];
	_ =	sdelay $0x2  }
0x2f: {  	s18 =	rddreg [dreg:$0x17];
	s5 =	sadd.s32 $0x1, s5  }
0x30: {  	p1 =	sne.s32 s5, s18  }
.Ltmp1:
0x31: {  	_ = 	snop;
	(pc) =	sbr.rel @!p1 .LBB2_37-.Ltmp1, $3  }
0x32: {  	_ =	sdelay $0x1  }
0x33: {  	[sflag:s31] =	ssyncset.done $0x0  }
0x34: {  	[sflag:s31] =	ssyncadd.s32 $0xFFFFD800;
	s18 =	simm.s32 $0x200  }
.LBB2_1:
0x35: {  	[smem:$0x7FA] =	sst s5  }
0x36: {  	s0 =	sshrl.u32 @!p0 s2, $0x3;
	s5 =	simm.s32 @!p0 $0x1C0F;
	s6 =	rddreg [dreg:$0x5]  }
0x37: {  	[spmem:s0], [sflag:s5] =	dma.local @!p0 [hbm:s6], $0x2010  }
0x38: {  	s0 =	simm.s32 @!p0 $0xF  }
0x39: {  	_ =	swait.ge @!p0 [sflag:s0], $0x2010  }
0x3a: {  	[sflag:s0] =	ssyncset.done @!p0 $0x0  }
0x3b: {  	s6 =	sshrl.u32 @!p0 s3, $0x3;
	s10 =	rddreg [dreg:$0x6];
	[sflag:s0] =	ssyncadd.s32 @!p0 $0xFFFFDFF0  }
0x3c: {  	[spmem:s6], [sflag:s5] =	dma.local @!p0 [hbm:s10], $0x120C0  }
0x3d: {  	_ =	swait.ge @!p0 [sflag:s0], $0x120C0  }
0x3e: {  	[sflag:s0] =	ssyncset.done @!p0 $0x0  }
0x3f: {  	[sflag:s0] =	ssyncadd.s32 @!p0 $0xFFFEDF40  }
0x40: {  	[bflag:$0x0] =	sbarrier.arrive $0xFFFF  }
0x41: {  	s17 =	rddreg [dreg:$0x8]  }
0x42: {  	[tilespmem:s4], [sflag:$0x1] =	stream.linear.gather [hbm4b:s17+s4], $0x200, $0x38;
	[tilespmem:$0x19868] =	vst v63  }
0x43: {  	s10 =	simm.s32 $0x400;
	s6 =	simm.s32 $0x1;
	s5 =	rddreg [dreg:$0x9]  }
0x44: {  	[tilespmem:s10], [sflag:$0x3] =	stream.linear.gather [hbm4b:s5+s4], $0x200, $0x38;
	[tilespmem:$0x19868] =	vst v63  }
0x45: {  	_ =	swait.ge [sflag:s6], $0x200  }
0x46: {  	[sflag:s6] =	ssyncset.done $0x0  }
0x47: {  	s17 =	simm.s32 $0x3;
	[sflag:s6] =	ssyncadd.s32 $0xFFFFFE00  }
0x48: {  	_ =	swait.ge [sflag:s17], $0x200  }
0x49: {  	[sflag:s17] =	ssyncset.done $0x0  }
0x4a: {  	s5 =	rddreg [dreg:$0xa];
	[sflag:s17] =	ssyncadd.s32 $0xFFFFFE00  }
0x4b: {  	[tilespmem:s18], [sflag:$0x2] =	stream.linear.gather [hbm4b:s5+s4], $0x200, $0x38;
	[tilespmem:$0x19868] =	vst v63  }
0x4c: {  	s6 =	rddreg [dreg:$0xb];
	s17 =	simm.s32 $0x600  }
0x4d: {  	[tilespmem:s17], [sflag:$0x4] =	stream.linear.gather [hbm4b:s6+s4], $0x200, $0x38;
	[tilespmem:$0x19868] =	vst v63  }
0x4e: {  	_ = 	snop  }
0x4f: {  	[tilespmem:s20], [sflag:$0x5] =	stream.indirect.gather [spmem:s2], $0x80, s4, s19, $0xb8;
	[tilespmem:$0x19868] =	vst v63  }
0x50: {  	_ = 	snop  }
0x51: {  	[tilespmem:s21], [sflag:$0x9] =	stream.indirect.gather [spmem:s3], $0x80, s10, s19, $0xb8;
	[tilespmem:$0x19868] =	vst v63  }
0x52: {  	s6 =	simm.s32 $0x80  }
0x53: {  	[tilespmem:s25], [sflag:$0x6] =	stream.indirect.gather [spmem:s2], $0x80, s6, s19, $0xb8;
	[tilespmem:$0x19868] =	vst v63  }
0x54: {  	s17 =	simm.s32 $0x480  }
0x55: {  	[tilespmem:s28], [sflag:$0xA] =	stream.indirect.gather [spmem:s3], $0x80, s17, s19, $0xb8;
	[tilespmem:$0x19868] =	vst v63  }
0x56: {  	_ =	swait.ge [sflag:s29], $0x2800  }
0x57: {  	[sflag:s29] =	ssyncset.done $0x0  }
0x58: {  	[sflag:s29] =	ssyncadd.s32 $0xFFFFD800  }
0x59: {  	_ =	swait.ge [sflag:s12], $0x2800  }
0x5a: {  	[sflag:s12] =	ssyncset.done $0x0  }
0x5b: {  	s0 =	simm.s32 $0x0;
	[sflag:s12] =	ssyncadd.s32 $0xFFFFD800  }
0x5c: {  	v0 =	vld [tilespmem:s0+$0xA9F0]  }
0x5d: {  	v1 =	vld [tilespmem:s0+$0xA800]  }
0x5e: {  	v2 =	vld [tilespmem:s0+$0xA810]  }
0x5f: {  	v3 =	vld [tilespmem:s0+$0xA820]  }
0x60: {  	v4 =	vld [tilespmem:s0+$0xA830]  }
0x61: {  	v5 =	vld [tilespmem:s0+$0xA840]  }
0x62: {  	v6 =	vld [tilespmem:s0+$0xA850]  }
0x63: {  	v7 =	vld [tilespmem:s0+$0xA860]  }
0x64: {  	v8 =	vld [tilespmem:s0+$0xA870]  }
0x65: {  	v9 =	vld [tilespmem:s0+$0xA880]  }
0x66: {  	v10 =	vld [tilespmem:s0+$0xA890]  }
0x67: {  	v11 =	vld [tilespmem:s0+$0xA8A0]  }
0x68: {  	v12 =	vld [tilespmem:s0+$0xA8B0]  }
0x69: {  	v13 =	vld [tilespmem:s0+$0xA8C0]  }
0x6a: {  	v14 =	vld [tilespmem:s0+$0xA8D0]  }
0x6b: {  	v15 =	vld [tilespmem:s0+$0xA8E0]  }
0x6c: {  	v16 =	vld [tilespmem:s0+$0xA8F0]  }
0x6d: {  	v17 =	vld [tilespmem:s0+$0xA900]  }
0x6e: {  	v18 =	vld [tilespmem:s0+$0xA910]  }
0x6f: {  	v19 =	vld [tilespmem:s0+$0xA920]  }
0x70: {  	v20 =	vld [tilespmem:s0+$0xA930]  }
0x71: {  	v21 =	vld [tilespmem:s0+$0xA940]  }
0x72: {  	v22 =	vld [tilespmem:s0+$0xA950]  }
0x73: {  	v23 =	vld [tilespmem:s0+$0xA960]  }
0x74: {  	v24 =	vld [tilespmem:s0+$0xA970]  }
0x75: {  	v25 =	vld [tilespmem:s0+$0xA980]  }
0x76: {  	v26 =	vld [tilespmem:s0+$0xA990]  }
0x77: {  	v27 =	vld [tilespmem:s0+$0xA9A0]  }
0x78: {  	v28 =	vld [tilespmem:s0+$0xA9B0]  }
0x79: {  	v29 =	vld [tilespmem:s0+$0xA9C0]  }
0x7a: {  	v30 =	vld [tilespmem:s0+$0xA9D0]  }
0x7b: {  	[tilespmem:s0+$0x9F0] =	vst.add.f32.msk $0xffff, v0  }
0x7c: {  	v0 =	vld [tilespmem:s0+$0xA9E0]  }
0x7d: {  	[tilespmem:s0+$0x800] =	vst.add.f32.msk $0xffff, v1  }
0x7e: {  	[tilespmem:s0+$0x810] =	vst.add.f32.msk $0xffff, v2  }
0x7f: {  	[tilespmem:s0+$0x820] =	vst.add.f32.msk $0xffff, v3  }
0x80: {  	[tilespmem:s0+$0x830] =	vst.add.f32.msk $0xffff, v4  }
0x81: {  	[tilespmem:s0+$0x840] =	vst.add.f32.msk $0xffff, v5  }
0x82: {  	[tilespmem:s0+$0x850] =	vst.add.f32.msk $0xffff, v6  }
0x83: {  	[tilespmem:s0+$0x860] =	vst.add.f32.msk $0xffff, v7  }
0x84: {  	[tilespmem:s0+$0x870] =	vst.add.f32.msk $0xffff, v8  }
0x85: {  	[tilespmem:s0+$0x880] =	vst.add.f32.msk $0xffff, v9  }
0x86: {  	[tilespmem:s0+$0x890] =	vst.add.f32.msk $0xffff, v10  }
0x87: {  	[tilespmem:s0+$0x8A0] =	vst.add.f32.msk $0xffff, v11  }
0x88: {  	[tilespmem:s0+$0x8B0] =	vst.add.f32.msk $0xffff, v12  }
0x89: {  	[tilespmem:s0+$0x8C0] =	vst.add.f32.msk $0xffff, v13  }
0x8a: {  	[tilespmem:s0+$0x8D0] =	vst.add.f32.msk $0xffff, v14  }
0x8b: {  	[tilespmem:s0+$0x8E0] =	vst.add.f32.msk $0xffff, v15  }
0x8c: {  	[tilespmem:s0+$0x8F0] =	vst.add.f32.msk $0xffff, v16  }
0x8d: {  	[tilespmem:s0+$0x900] =	vst.add.f32.msk $0xffff, v17  }
0x8e: {  	[tilespmem:s0+$0x910] =	vst.add.f32.msk $0xffff, v18  }
0x8f: {  	[tilespmem:s0+$0x920] =	vst.add.f32.msk $0xffff, v19  }
0x90: {  	[tilespmem:s0+$0x930] =	vst.add.f32.msk $0xffff, v20  }
0x91: {  	[tilespmem:s0+$0x940] =	vst.add.f32.msk $0xffff, v21  }
0x92: {  	[tilespmem:s0+$0x950] =	vst.add.f32.msk $0xffff, v22  }
0x93: {  	[tilespmem:s0+$0x960] =	vst.add.f32.msk $0xffff, v23  }
0x94: {  	[tilespmem:s0+$0x970] =	vst.add.f32.msk $0xffff, v24  }
0x95: {  	[tilespmem:s0+$0x980] =	vst.add.f32.msk $0xffff, v25  }
0x96: {  	[tilespmem:s0+$0x990] =	vst.add.f32.msk $0xffff, v26  }
0x97: {  	[tilespmem:s0+$0x9A0] =	vst.add.f32.msk $0xffff, v27  }
0x98: {  	[tilespmem:s0+$0x9B0] =	vst.add.f32.msk $0xffff, v28  }
0x99: {  	[tilespmem:s0+$0x9C0] =	vst.add.f32.msk $0xffff, v29  }
0x9a: {  	s5 =	simm.s32 $0x0;
	s6 =	simm.s32 $0x800;
	[tilespmem:s0+$0x9D0] =	vst.add.f32.msk $0xffff, v30  }
.LBB2_2:
0x9b: {  	s5 =	sadd.s32 $0x4, s5;
	[tilespmem:s0+$0x9E0] =	vst.add.f32.msk $0xffff, v0;
	s0 =	sshra.s32 s6, $0x2  }
0x9c: {  	v0 =	vld [tilespmem:s0+$0xA9F0];
	p1 =	slt.u32 s5, $0x4C  }
0x9d: {  	v1 =	vld [tilespmem:s0+$0xA800]  }
0x9e: {  	v2 =	vld [tilespmem:s0+$0xA810]  }
0x9f: {  	v3 =	vld [tilespmem:s0+$0xA820]  }
0xa0: {  	v4 =	vld [tilespmem:s0+$0xA830]  }
0xa1: {  	[tilespmem:s0+$0x9F0] =	vst.add.f32.msk $0xffff, v0  }
0xa2: {  	v5 =	vld [tilespmem:s0+$0xA840]  }
0xa3: {  	v6 =	vld [tilespmem:s0+$0xA850]  }
0xa4: {  	v7 =	vld [tilespmem:s0+$0xA860]  }
0xa5: {  	v8 =	vld [tilespmem:s0+$0xA870]  }
0xa6: {  	v9 =	vld [tilespmem:s0+$0xA880]  }
0xa7: {  	v10 =	vld [tilespmem:s0+$0xA890]  }
0xa8: {  	v11 =	vld [tilespmem:s0+$0xA8A0]  }
0xa9: {  	v12 =	vld [tilespmem:s0+$0xA8B0]  }
0xaa: {  	v13 =	vld [tilespmem:s0+$0xA8C0]  }
0xab: {  	v14 =	vld [tilespmem:s0+$0xA8D0]  }
0xac: {  	v15 =	vld [tilespmem:s0+$0xA8E0]  }
0xad: {  	v16 =	vld [tilespmem:s0+$0xA8F0]  }
0xae: {  	v17 =	vld [tilespmem:s0+$0xA900]  }
0xaf: {  	v18 =	vld [tilespmem:s0+$0xA910]  }
0xb0: {  	v19 =	vld [tilespmem:s0+$0xA920]  }
0xb1: {  	v20 =	vld [tilespmem:s0+$0xA930]  }
0xb2: {  	v21 =	vld [tilespmem:s0+$0xA940]  }
0xb3: {  	v22 =	vld [tilespmem:s0+$0xA950]  }
0xb4: {  	v23 =	vld [tilespmem:s0+$0xA960]  }
0xb5: {  	v24 =	vld [tilespmem:s0+$0xA970]  }
0xb6: {  	v25 =	vld [tilespmem:s0+$0xA980]  }
0xb7: {  	v26 =	vld [tilespmem:s0+$0xA990]  }
0xb8: {  	v27 =	vld [tilespmem:s0+$0xA9A0]  }
0xb9: {  	v28 =	vld [tilespmem:s0+$0xA9B0]  }
0xba: {  	v29 =	vld [tilespmem:s0+$0xA9C0]  }
0xbb: {  	v30 =	vld [tilespmem:s0+$0xA9D0]  }
0xbc: {  	v0 =	vld [tilespmem:s0+$0xA9E0]  }
0xbd: {  	[tilespmem:s0+$0x800] =	vst.add.f32.msk $0xffff, v1  }
0xbe: {  	[tilespmem:s0+$0x810] =	vst.add.f32.msk $0xffff, v2  }
0xbf: {  	[tilespmem:s0+$0x820] =	vst.add.f32.msk $0xffff, v3  }
0xc0: {  	[tilespmem:s0+$0x830] =	vst.add.f32.msk $0xffff, v4  }
0xc1: {  	[tilespmem:s0+$0x840] =	vst.add.f32.msk $0xffff, v5  }
0xc2: {  	[tilespmem:s0+$0x850] =	vst.add.f32.msk $0xffff, v6  }
0xc3: {  	[tilespmem:s0+$0x860] =	vst.add.f32.msk $0xffff, v7  }
0xc4: {  	[tilespmem:s0+$0x870] =	vst.add.f32.msk $0xffff, v8  }
0xc5: {  	[tilespmem:s0+$0x880] =	vst.add.f32.msk $0xffff, v9  }
0xc6: {  	[tilespmem:s0+$0x890] =	vst.add.f32.msk $0xffff, v10  }
0xc7: {  	[tilespmem:s0+$0x8A0] =	vst.add.f32.msk $0xffff, v11  }
0xc8: {  	[tilespmem:s0+$0x8B0] =	vst.add.f32.msk $0xffff, v12  }
0xc9: {  	[tilespmem:s0+$0x8C0] =	vst.add.f32.msk $0xffff, v13  }
0xca: {  	[tilespmem:s0+$0x8D0] =	vst.add.f32.msk $0xffff, v14  }
0xcb: {  	[tilespmem:s0+$0x8E0] =	vst.add.f32.msk $0xffff, v15  }
0xcc: {  	[tilespmem:s0+$0x8F0] =	vst.add.f32.msk $0xffff, v16  }
0xcd: {  	[tilespmem:s0+$0x900] =	vst.add.f32.msk $0xffff, v17  }
0xce: {  	[tilespmem:s0+$0x910] =	vst.add.f32.msk $0xffff, v18  }
0xcf: {  	[tilespmem:s0+$0x920] =	vst.add.f32.msk $0xffff, v19  }
0xd0: {  	[tilespmem:s0+$0x930] =	vst.add.f32.msk $0xffff, v20  }
0xd1: {  	[tilespmem:s0+$0x940] =	vst.add.f32.msk $0xffff, v21  }
0xd2: {  	[tilespmem:s0+$0x950] =	vst.add.f32.msk $0xffff, v22  }
0xd3: {  	[tilespmem:s0+$0x960] =	vst.add.f32.msk $0xffff, v23  }
0xd4: {  	[tilespmem:s0+$0x970] =	vst.add.f32.msk $0xffff, v24  }
0xd5: {  	[tilespmem:s0+$0x980] =	vst.add.f32.msk $0xffff, v25  }
.Ltmp2:
0xd6: {  	[tilespmem:s0+$0x990] =	vst.add.f32.msk $0xffff, v26;
	(pc) =	sbr.rel @p1 .LBB2_2-.Ltmp2, $4  }
0xd7: {  	[tilespmem:s0+$0x9A0] =	vst.add.f32.msk $0xffff, v27  }
0xd8: {  	[tilespmem:s0+$0x9B0] =	vst.add.f32.msk $0xffff, v28  }
0xd9: {  	[tilespmem:s0+$0x9C0] =	vst.add.f32.msk $0xffff, v29  }
0xda: {  	s6 =	sadd.s32 $0x800, s6;
	[tilespmem:s0+$0x9D0] =	vst.add.f32.msk $0xffff, v30  }
0xdb: {  	[tilespmem:s0+$0x9E0] =	vst.add.f32.msk $0xffff, v0;
	s5 =	simm.s32 $0x100  }
0xdc: {  	[tilespmem:s13], [sflag:$0x7] =	stream.indirect.gather [spmem:s2], $0x80, s5, s19, $0xb8;
	[tilespmem:$0x19868] =	vst v63  }
0xdd: {  	s6 =	simm.s32 $0x500  }
0xde: {  	[tilespmem:s21], [sflag:$0x9] =	stream.indirect.gather [spmem:s3], $0x80, s6, s19, $0xb8;
	[tilespmem:$0x19868] =	vst v63  }
0xdf: {  	s17 =	simm.s32 $0x0;
	s5 =	rddreg [dreg:$0xc]  }
0xe0: {  	[hbm4b:s5+s17] =	stream.linear.scatter [tilespmem:s20], [sflag:$0xB], $0x2800, $0x38;
	[tilespmem:$0x19868] =	vst v63  }
0xe1: {  	_ =	swait.ge [sflag:s16], $0x2800  }
0xe2: {  	[sflag:s16] =	ssyncset.done $0x0  }
0xe3: {  	[sflag:s16] =	ssyncadd.s32 $0xFFFFD800  }
0xe4: {  	_ =	swait.ge [sflag:s22], $0x2800  }
0xe5: {  	[sflag:s22] =	ssyncset.done $0x0  }
0xe6: {  	s0 =	simm.s32 $0x0;
	[sflag:s22] =	ssyncadd.s32 $0xFFFFD800  }
0xe7: {  	v0 =	vld [tilespmem:s0+$0xD1F0]  }
0xe8: {  	v1 =	vld [tilespmem:s0+$0xD000]  }
0xe9: {  	v2 =	vld [tilespmem:s0+$0xD010]  }
0xea: {  	v3 =	vld [tilespmem:s0+$0xD020]  }
0xeb: {  	v4 =	vld [tilespmem:s0+$0xD030]  }
0xec: {  	v5 =	vld [tilespmem:s0+$0xD040]  }
0xed: {  	v6 =	vld [tilespmem:s0+$0xD050]  }
0xee: {  	v7 =	vld [tilespmem:s0+$0xD060]  }
0xef: {  	v8 =	vld [tilespmem:s0+$0xD070]  }
0xf0: {  	v9 =	vld [tilespmem:s0+$0xD080]  }
0xf1: {  	v10 =	vld [tilespmem:s0+$0xD090]  }
0xf2: {  	v11 =	vld [tilespmem:s0+$0xD0A0]  }
0xf3: {  	v12 =	vld [tilespmem:s0+$0xD0B0]  }
0xf4: {  	v13 =	vld [tilespmem:s0+$0xD0C0]  }
0xf5: {  	v14 =	vld [tilespmem:s0+$0xD0D0]  }
0xf6: {  	v15 =	vld [tilespmem:s0+$0xD0E0]  }
0xf7: {  	v16 =	vld [tilespmem:s0+$0xD0F0]  }
0xf8: {  	v17 =	vld [tilespmem:s0+$0xD100]  }
0xf9: {  	v18 =	vld [tilespmem:s0+$0xD110]  }
0xfa: {  	v19 =	vld [tilespmem:s0+$0xD120]  }
0xfb: {  	v20 =	vld [tilespmem:s0+$0xD130]  }
0xfc: {  	v21 =	vld [tilespmem:s0+$0xD140]  }
0xfd: {  	v22 =	vld [tilespmem:s0+$0xD150]  }
0xfe: {  	v23 =	vld [tilespmem:s0+$0xD160]  }
0xff: {  	v24 =	vld [tilespmem:s0+$0xD170]  }
0x100: {  	v25 =	vld [tilespmem:s0+$0xD180]  }
0x101: {  	v26 =	vld [tilespmem:s0+$0xD190]  }
0x102: {  	v27 =	vld [tilespmem:s0+$0xD1A0]  }
0x103: {  	v28 =	vld [tilespmem:s0+$0xD1B0]  }
0x104: {  	v29 =	vld [tilespmem:s0+$0xD1C0]  }
0x105: {  	v30 =	vld [tilespmem:s0+$0xD1D0]  }
0x106: {  	[tilespmem:s0+$0x31F0] =	vst.add.f32.msk $0xffff, v0  }
0x107: {  	v0 =	vld [tilespmem:s0+$0xD1E0]  }
0x108: {  	[tilespmem:s0+$0x3000] =	vst.add.f32.msk $0xffff, v1  }
0x109: {  	[tilespmem:s0+$0x3010] =	vst.add.f32.msk $0xffff, v2  }
0x10a: {  	[tilespmem:s0+$0x3020] =	vst.add.f32.msk $0xffff, v3  }
0x10b: {  	[tilespmem:s0+$0x3030] =	vst.add.f32.msk $0xffff, v4  }
0x10c: {  	[tilespmem:s0+$0x3040] =	vst.add.f32.msk $0xffff, v5  }
0x10d: {  	[tilespmem:s0+$0x3050] =	vst.add.f32.msk $0xffff, v6  }
0x10e: {  	[tilespmem:s0+$0x3060] =	vst.add.f32.msk $0xffff, v7  }
0x10f: {  	[tilespmem:s0+$0x3070] =	vst.add.f32.msk $0xffff, v8  }
0x110: {  	[tilespmem:s0+$0x3080] =	vst.add.f32.msk $0xffff, v9  }
0x111: {  	[tilespmem:s0+$0x3090] =	vst.add.f32.msk $0xffff, v10  }
0x112: {  	[tilespmem:s0+$0x30A0] =	vst.add.f32.msk $0xffff, v11  }
0x113: {  	[tilespmem:s0+$0x30B0] =	vst.add.f32.msk $0xffff, v12  }
0x114: {  	[tilespmem:s0+$0x30C0] =	vst.add.f32.msk $0xffff, v13  }
0x115: {  	[tilespmem:s0+$0x30D0] =	vst.add.f32.msk $0xffff, v14  }
0x116: {  	[tilespmem:s0+$0x30E0] =	vst.add.f32.msk $0xffff, v15  }
0x117: {  	[tilespmem:s0+$0x30F0] =	vst.add.f32.msk $0xffff, v16  }
0x118: {  	[tilespmem:s0+$0x3100] =	vst.add.f32.msk $0xffff, v17  }
0x119: {  	[tilespmem:s0+$0x3110] =	vst.add.f32.msk $0xffff, v18  }
0x11a: {  	[tilespmem:s0+$0x3120] =	vst.add.f32.msk $0xffff, v19  }
0x11b: {  	[tilespmem:s0+$0x3130] =	vst.add.f32.msk $0xffff, v20  }
0x11c: {  	[tilespmem:s0+$0x3140] =	vst.add.f32.msk $0xffff, v21  }
0x11d: {  	[tilespmem:s0+$0x3150] =	vst.add.f32.msk $0xffff, v22  }
0x11e: {  	[tilespmem:s0+$0x3160] =	vst.add.f32.msk $0xffff, v23  }
0x11f: {  	[tilespmem:s0+$0x3170] =	vst.add.f32.msk $0xffff, v24  }
0x120: {  	[tilespmem:s0+$0x3180] =	vst.add.f32.msk $0xffff, v25  }
0x121: {  	[tilespmem:s0+$0x3190] =	vst.add.f32.msk $0xffff, v26  }
0x122: {  	[tilespmem:s0+$0x31A0] =	vst.add.f32.msk $0xffff, v27  }
0x123: {  	[tilespmem:s0+$0x31B0] =	vst.add.f32.msk $0xffff, v28  }
0x124: {  	[tilespmem:s0+$0x31C0] =	vst.add.f32.msk $0xffff, v29  }
0x125: {  	s6 =	simm.s32 $0x800;
	s5 =	simm.s32 $0x0;
	[tilespmem:s0+$0x31D0] =	vst.add.f32.msk $0xffff, v30  }
.LBB2_4:
0x126: {  	s5 =	sadd.s32 $0x4, s5;
	[tilespmem:s0+$0x31E0] =	vst.add.f32.msk $0xffff, v0;
	s0 =	sshra.s32 s6, $0x2  }
0x127: {  	v0 =	vld [tilespmem:s0+$0xD1F0];
	p1 =	slt.u32 s5, $0x4C  }
0x128: {  	v1 =	vld [tilespmem:s0+$0xD000]  }
0x129: {  	v2 =	vld [tilespmem:s0+$0xD010]  }
0x12a: {  	v3 =	vld [tilespmem:s0+$0xD020]  }
0x12b: {  	v4 =	vld [tilespmem:s0+$0xD030]  }
0x12c: {  	[tilespmem:s0+$0x31F0] =	vst.add.f32.msk $0xffff, v0  }
0x12d: {  	v5 =	vld [tilespmem:s0+$0xD040]  }
0x12e: {  	v6 =	vld [tilespmem:s0+$0xD050]  }
0x12f: {  	v7 =	vld [tilespmem:s0+$0xD060]  }
0x130: {  	v8 =	vld [tilespmem:s0+$0xD070]  }
0x131: {  	v9 =	vld [tilespmem:s0+$0xD080]  }
0x132: {  	v10 =	vld [tilespmem:s0+$0xD090]  }
0x133: {  	v11 =	vld [tilespmem:s0+$0xD0A0]  }
0x134: {  	v12 =	vld [tilespmem:s0+$0xD0B0]  }
0x135: {  	v13 =	vld [tilespmem:s0+$0xD0C0]  }
0x136: {  	v14 =	vld [tilespmem:s0+$0xD0D0]  }
0x137: {  	v15 =	vld [tilespmem:s0+$0xD0E0]  }
0x138: {  	v16 =	vld [tilespmem:s0+$0xD0F0]  }
0x139: {  	v17 =	vld [tilespmem:s0+$0xD100]  }
0x13a: {  	v18 =	vld [tilespmem:s0+$0xD110]  }
0x13b: {  	v19 =	vld [tilespmem:s0+$0xD120]  }
0x13c: {  	v20 =	vld [tilespmem:s0+$0xD130]  }
0x13d: {  	v21 =	vld [tilespmem:s0+$0xD140]  }
0x13e: {  	v22 =	vld [tilespmem:s0+$0xD150]  }
0x13f: {  	v23 =	vld [tilespmem:s0+$0xD160]  }
0x140: {  	v24 =	vld [tilespmem:s0+$0xD170]  }
0x141: {  	v25 =	vld [tilespmem:s0+$0xD180]  }
0x142: {  	v26 =	vld [tilespmem:s0+$0xD190]  }
0x143: {  	v27 =	vld [tilespmem:s0+$0xD1A0]  }
0x144: {  	v28 =	vld [tilespmem:s0+$0xD1B0]  }
0x145: {  	v29 =	vld [tilespmem:s0+$0xD1C0]  }
0x146: {  	v30 =	vld [tilespmem:s0+$0xD1D0]  }
0x147: {  	v0 =	vld [tilespmem:s0+$0xD1E0]  }
0x148: {  	[tilespmem:s0+$0x3000] =	vst.add.f32.msk $0xffff, v1  }
0x149: {  	[tilespmem:s0+$0x3010] =	vst.add.f32.msk $0xffff, v2  }
0x14a: {  	[tilespmem:s0+$0x3020] =	vst.add.f32.msk $0xffff, v3  }
0x14b: {  	[tilespmem:s0+$0x3030] =	vst.add.f32.msk $0xffff, v4  }
0x14c: {  	[tilespmem:s0+$0x3040] =	vst.add.f32.msk $0xffff, v5  }
0x14d: {  	[tilespmem:s0+$0x3050] =	vst.add.f32.msk $0xffff, v6  }
0x14e: {  	[tilespmem:s0+$0x3060] =	vst.add.f32.msk $0xffff, v7  }
0x14f: {  	[tilespmem:s0+$0x3070] =	vst.add.f32.msk $0xffff, v8  }
0x150: {  	[tilespmem:s0+$0x3080] =	vst.add.f32.msk $0xffff, v9  }
0x151: {  	[tilespmem:s0+$0x3090] =	vst.add.f32.msk $0xffff, v10  }
0x152: {  	[tilespmem:s0+$0x30A0] =	vst.add.f32.msk $0xffff, v11  }
0x153: {  	[tilespmem:s0+$0x30B0] =	vst.add.f32.msk $0xffff, v12  }
0x154: {  	[tilespmem:s0+$0x30C0] =	vst.add.f32.msk $0xffff, v13  }
0x155: {  	[tilespmem:s0+$0x30D0] =	vst.add.f32.msk $0xffff, v14  }
0x156: {  	[tilespmem:s0+$0x30E0] =	vst.add.f32.msk $0xffff, v15  }
0x157: {  	[tilespmem:s0+$0x30F0] =	vst.add.f32.msk $0xffff, v16  }
0x158: {  	[tilespmem:s0+$0x3100] =	vst.add.f32.msk $0xffff, v17  }
0x159: {  	[tilespmem:s0+$0x3110] =	vst.add.f32.msk $0xffff, v18  }
0x15a: {  	[tilespmem:s0+$0x3120] =	vst.add.f32.msk $0xffff, v19  }
0x15b: {  	[tilespmem:s0+$0x3130] =	vst.add.f32.msk $0xffff, v20  }
0x15c: {  	[tilespmem:s0+$0x3140] =	vst.add.f32.msk $0xffff, v21  }
0x15d: {  	[tilespmem:s0+$0x3150] =	vst.add.f32.msk $0xffff, v22  }
0x15e: {  	[tilespmem:s0+$0x3160] =	vst.add.f32.msk $0xffff, v23  }
0x15f: {  	[tilespmem:s0+$0x3170] =	vst.add.f32.msk $0xffff, v24  }
0x160: {  	[tilespmem:s0+$0x3180] =	vst.add.f32.msk $0xffff, v25  }
.Ltmp3:
0x161: {  	[tilespmem:s0+$0x3190] =	vst.add.f32.msk $0xffff, v26;
	(pc) =	sbr.rel @p1 .LBB2_4-.Ltmp3, $4  }
0x162: {  	[tilespmem:s0+$0x31A0] =	vst.add.f32.msk $0xffff, v27  }
0x163: {  	[tilespmem:s0+$0x31B0] =	vst.add.f32.msk $0xffff, v28  }
0x164: {  	[tilespmem:s0+$0x31C0] =	vst.add.f32.msk $0xffff, v29  }
0x165: {  	s6 =	sadd.s32 $0x800, s6;
	[tilespmem:s0+$0x31D0] =	vst.add.f32.msk $0xffff, v30  }
0x166: {  	[tilespmem:s0+$0x31E0] =	vst.add.f32.msk $0xffff, v0;
	s5 =	simm.s32 $0x180  }
0x167: {  	[tilespmem:s14], [sflag:$0x8] =	stream.indirect.gather [spmem:s2], $0x80, s5, s19, $0xb8;
	[tilespmem:$0x19868] =	vst v63  }
0x168: {  	s6 =	simm.s32 $0x580  }
0x169: {  	[tilespmem:s28], [sflag:$0xA] =	stream.indirect.gather [spmem:s3], $0x80, s6, s19, $0xb8;
	[tilespmem:$0x19868] =	vst v63  }
0x16a: {  	s17 =	simm.s32 $0x0;
	s5 =	rddreg [dreg:$0xd]  }
0x16b: {  	[hbm4b:s5+s17] =	stream.linear.scatter [tilespmem:s25], [sflag:$0xC], $0x2800, $0x38;
	[tilespmem:$0x19868] =	vst v63  }
0x16c: {  	_ =	swait.ge [sflag:s26], $0x2800  }
0x16d: {  	[sflag:s26] =	ssyncset.done $0x0  }
0x16e: {  	[sflag:s26] =	ssyncadd.s32 $0xFFFFD800  }
0x16f: {  	_ =	swait.ge [sflag:s12], $0x2800  }
0x170: {  	[sflag:s12] =	ssyncset.done $0x0  }
0x171: {  	s0 =	simm.s32 $0x0;
	[sflag:s12] =	ssyncadd.s32 $0xFFFFD800  }
0x172: {  	v0 =	vld [tilespmem:s0+$0xA9F0]  }
0x173: {  	v1 =	vld [tilespmem:s0+$0xA800]  }
0x174: {  	v2 =	vld [tilespmem:s0+$0xA810]  }
0x175: {  	v3 =	vld [tilespmem:s0+$0xA820]  }
0x176: {  	v4 =	vld [tilespmem:s0+$0xA830]  }
0x177: {  	v5 =	vld [tilespmem:s0+$0xA840]  }
0x178: {  	v6 =	vld [tilespmem:s0+$0xA850]  }
0x179: {  	v7 =	vld [tilespmem:s0+$0xA860]  }
0x17a: {  	v8 =	vld [tilespmem:s0+$0xA870]  }
0x17b: {  	v9 =	vld [tilespmem:s0+$0xA880]  }
0x17c: {  	v10 =	vld [tilespmem:s0+$0xA890]  }
0x17d: {  	v11 =	vld [tilespmem:s0+$0xA8A0]  }
0x17e: {  	v12 =	vld [tilespmem:s0+$0xA8B0]  }
0x17f: {  	v13 =	vld [tilespmem:s0+$0xA8C0]  }
0x180: {  	v14 =	vld [tilespmem:s0+$0xA8D0]  }
0x181: {  	v15 =	vld [tilespmem:s0+$0xA8E0]  }
0x182: {  	v16 =	vld [tilespmem:s0+$0xA8F0]  }
0x183: {  	v17 =	vld [tilespmem:s0+$0xA900]  }
0x184: {  	v18 =	vld [tilespmem:s0+$0xA910]  }
0x185: {  	v19 =	vld [tilespmem:s0+$0xA920]  }
0x186: {  	v20 =	vld [tilespmem:s0+$0xA930]  }
0x187: {  	v21 =	vld [tilespmem:s0+$0xA940]  }
0x188: {  	v22 =	vld [tilespmem:s0+$0xA950]  }
0x189: {  	v23 =	vld [tilespmem:s0+$0xA960]  }
0x18a: {  	v24 =	vld [tilespmem:s0+$0xA970]  }
0x18b: {  	v25 =	vld [tilespmem:s0+$0xA980]  }
0x18c: {  	v26 =	vld [tilespmem:s0+$0xA990]  }
0x18d: {  	v27 =	vld [tilespmem:s0+$0xA9A0]  }
0x18e: {  	v28 =	vld [tilespmem:s0+$0xA9B0]  }
0x18f: {  	v29 =	vld [tilespmem:s0+$0xA9C0]  }
0x190: {  	v30 =	vld [tilespmem:s0+$0xA9D0]  }
0x191: {  	[tilespmem:s0+$0x59F0] =	vst.add.f32.msk $0xffff, v0  }
0x192: {  	v0 =	vld [tilespmem:s0+$0xA9E0]  }
0x193: {  	[tilespmem:s0+$0x5800] =	vst.add.f32.msk $0xffff, v1  }
0x194: {  	[tilespmem:s0+$0x5810] =	vst.add.f32.msk $0xffff, v2  }
0x195: {  	[tilespmem:s0+$0x5820] =	vst.add.f32.msk $0xffff, v3  }
0x196: {  	[tilespmem:s0+$0x5830] =	vst.add.f32.msk $0xffff, v4  }
0x197: {  	[tilespmem:s0+$0x5840] =	vst.add.f32.msk $0xffff, v5  }
0x198: {  	[tilespmem:s0+$0x5850] =	vst.add.f32.msk $0xffff, v6  }
0x199: {  	[tilespmem:s0+$0x5860] =	vst.add.f32.msk $0xffff, v7  }
0x19a: {  	[tilespmem:s0+$0x5870] =	vst.add.f32.msk $0xffff, v8  }
0x19b: {  	[tilespmem:s0+$0x5880] =	vst.add.f32.msk $0xffff, v9  }
0x19c: {  	[tilespmem:s0+$0x5890] =	vst.add.f32.msk $0xffff, v10  }
0x19d: {  	[tilespmem:s0+$0x58A0] =	vst.add.f32.msk $0xffff, v11  }
0x19e: {  	[tilespmem:s0+$0x58B0] =	vst.add.f32.msk $0xffff, v12  }
0x19f: {  	[tilespmem:s0+$0x58C0] =	vst.add.f32.msk $0xffff, v13  }
0x1a0: {  	[tilespmem:s0+$0x58D0] =	vst.add.f32.msk $0xffff, v14  }
0x1a1: {  	[tilespmem:s0+$0x58E0] =	vst.add.f32.msk $0xffff, v15  }
0x1a2: {  	[tilespmem:s0+$0x58F0] =	vst.add.f32.msk $0xffff, v16  }
0x1a3: {  	[tilespmem:s0+$0x5900] =	vst.add.f32.msk $0xffff, v17  }
0x1a4: {  	[tilespmem:s0+$0x5910] =	vst.add.f32.msk $0xffff, v18  }
0x1a5: {  	[tilespmem:s0+$0x5920] =	vst.add.f32.msk $0xffff, v19  }
0x1a6: {  	[tilespmem:s0+$0x5930] =	vst.add.f32.msk $0xffff, v20  }
0x1a7: {  	[tilespmem:s0+$0x5940] =	vst.add.f32.msk $0xffff, v21  }
0x1a8: {  	[tilespmem:s0+$0x5950] =	vst.add.f32.msk $0xffff, v22  }
0x1a9: {  	[tilespmem:s0+$0x5960] =	vst.add.f32.msk $0xffff, v23  }
0x1aa: {  	[tilespmem:s0+$0x5970] =	vst.add.f32.msk $0xffff, v24  }
0x1ab: {  	[tilespmem:s0+$0x5980] =	vst.add.f32.msk $0xffff, v25  }
0x1ac: {  	[tilespmem:s0+$0x5990] =	vst.add.f32.msk $0xffff, v26  }
0x1ad: {  	[tilespmem:s0+$0x59A0] =	vst.add.f32.msk $0xffff, v27  }
0x1ae: {  	[tilespmem:s0+$0x59B0] =	vst.add.f32.msk $0xffff, v28  }
0x1af: {  	[tilespmem:s0+$0x59C0] =	vst.add.f32.msk $0xffff, v29  }
0x1b0: {  	s6 =	simm.s32 $0x800;
	s5 =	simm.s32 $0x0;
	[tilespmem:s0+$0x59D0] =	vst.add.f32.msk $0xffff, v30  }
.LBB2_6:
0x1b1: {  	s5 =	sadd.s32 $0x4, s5;
	[tilespmem:s0+$0x59E0] =	vst.add.f32.msk $0xffff, v0;
	s0 =	sshra.s32 s6, $0x2  }
0x1b2: {  	v0 =	vld [tilespmem:s0+$0xA9F0];
	p1 =	slt.u32 s5, $0x4C  }
0x1b3: {  	v1 =	vld [tilespmem:s0+$0xA800]  }
0x1b4: {  	v2 =	vld [tilespmem:s0+$0xA810]  }
0x1b5: {  	v3 =	vld [tilespmem:s0+$0xA820]  }
0x1b6: {  	v4 =	vld [tilespmem:s0+$0xA830]  }
0x1b7: {  	[tilespmem:s0+$0x59F0] =	vst.add.f32.msk $0xffff, v0  }
0x1b8: {  	v5 =	vld [tilespmem:s0+$0xA840]  }
0x1b9: {  	v6 =	vld [tilespmem:s0+$0xA850]  }
0x1ba: {  	v7 =	vld [tilespmem:s0+$0xA860]  }
0x1bb: {  	v8 =	vld [tilespmem:s0+$0xA870]  }
0x1bc: {  	v9 =	vld [tilespmem:s0+$0xA880]  }
0x1bd: {  	v10 =	vld [tilespmem:s0+$0xA890]  }
0x1be: {  	v11 =	vld [tilespmem:s0+$0xA8A0]  }
0x1bf: {  	v12 =	vld [tilespmem:s0+$0xA8B0]  }
0x1c0: {  	v13 =	vld [tilespmem:s0+$0xA8C0]  }
0x1c1: {  	v14 =	vld [tilespmem:s0+$0xA8D0]  }
0x1c2: {  	v15 =	vld [tilespmem:s0+$0xA8E0]  }
0x1c3: {  	v16 =	vld [tilespmem:s0+$0xA8F0]  }
0x1c4: {  	v17 =	vld [tilespmem:s0+$0xA900]  }
0x1c5: {  	v18 =	vld [tilespmem:s0+$0xA910]  }
0x1c6: {  	v19 =	vld [tilespmem:s0+$0xA920]  }
0x1c7: {  	v20 =	vld [tilespmem:s0+$0xA930]  }
0x1c8: {  	v21 =	vld [tilespmem:s0+$0xA940]  }
0x1c9: {  	v22 =	vld [tilespmem:s0+$0xA950]  }
0x1ca: {  	v23 =	vld [tilespmem:s0+$0xA960]  }
0x1cb: {  	v24 =	vld [tilespmem:s0+$0xA970]  }
0x1cc: {  	v25 =	vld [tilespmem:s0+$0xA980]  }
0x1cd: {  	v26 =	vld [tilespmem:s0+$0xA990]  }
0x1ce: {  	v27 =	vld [tilespmem:s0+$0xA9A0]  }
0x1cf: {  	v28 =	vld [tilespmem:s0+$0xA9B0]  }
0x1d0: {  	v29 =	vld [tilespmem:s0+$0xA9C0]  }
0x1d1: {  	v30 =	vld [tilespmem:s0+$0xA9D0]  }
0x1d2: {  	v0 =	vld [tilespmem:s0+$0xA9E0]  }
0x1d3: {  	[tilespmem:s0+$0x5800] =	vst.add.f32.msk $0xffff, v1  }
0x1d4: {  	[tilespmem:s0+$0x5810] =	vst.add.f32.msk $0xffff, v2  }
0x1d5: {  	[tilespmem:s0+$0x5820] =	vst.add.f32.msk $0xffff, v3  }
0x1d6: {  	[tilespmem:s0+$0x5830] =	vst.add.f32.msk $0xffff, v4  }
0x1d7: {  	[tilespmem:s0+$0x5840] =	vst.add.f32.msk $0xffff, v5  }
0x1d8: {  	[tilespmem:s0+$0x5850] =	vst.add.f32.msk $0xffff, v6  }
0x1d9: {  	[tilespmem:s0+$0x5860] =	vst.add.f32.msk $0xffff, v7  }
0x1da: {  	[tilespmem:s0+$0x5870] =	vst.add.f32.msk $0xffff, v8  }
0x1db: {  	[tilespmem:s0+$0x5880] =	vst.add.f32.msk $0xffff, v9  }
0x1dc: {  	[tilespmem:s0+$0x5890] =	vst.add.f32.msk $0xffff, v10  }
0x1dd: {  	[tilespmem:s0+$0x58A0] =	vst.add.f32.msk $0xffff, v11  }
0x1de: {  	[tilespmem:s0+$0x58B0] =	vst.add.f32.msk $0xffff, v12  }
0x1df: {  	[tilespmem:s0+$0x58C0] =	vst.add.f32.msk $0xffff, v13  }
0x1e0: {  	[tilespmem:s0+$0x58D0] =	vst.add.f32.msk $0xffff, v14  }
0x1e1: {  	[tilespmem:s0+$0x58E0] =	vst.add.f32.msk $0xffff, v15  }
0x1e2: {  	[tilespmem:s0+$0x58F0] =	vst.add.f32.msk $0xffff, v16  }
0x1e3: {  	[tilespmem:s0+$0x5900] =	vst.add.f32.msk $0xffff, v17  }
0x1e4: {  	[tilespmem:s0+$0x5910] =	vst.add.f32.msk $0xffff, v18  }
0x1e5: {  	[tilespmem:s0+$0x5920] =	vst.add.f32.msk $0xffff, v19  }
0x1e6: {  	[tilespmem:s0+$0x5930] =	vst.add.f32.msk $0xffff, v20  }
0x1e7: {  	[tilespmem:s0+$0x5940] =	vst.add.f32.msk $0xffff, v21  }
0x1e8: {  	[tilespmem:s0+$0x5950] =	vst.add.f32.msk $0xffff, v22  }
0x1e9: {  	[tilespmem:s0+$0x5960] =	vst.add.f32.msk $0xffff, v23  }
0x1ea: {  	[tilespmem:s0+$0x5970] =	vst.add.f32.msk $0xffff, v24  }
0x1eb: {  	[tilespmem:s0+$0x5980] =	vst.add.f32.msk $0xffff, v25  }
.Ltmp4:
0x1ec: {  	[tilespmem:s0+$0x5990] =	vst.add.f32.msk $0xffff, v26;
	(pc) =	sbr.rel @p1 .LBB2_6-.Ltmp4, $4  }
0x1ed: {  	[tilespmem:s0+$0x59A0] =	vst.add.f32.msk $0xffff, v27  }
0x1ee: {  	[tilespmem:s0+$0x59B0] =	vst.add.f32.msk $0xffff, v28  }
0x1ef: {  	[tilespmem:s0+$0x59C0] =	vst.add.f32.msk $0xffff, v29  }
0x1f0: {  	s6 =	sadd.s32 $0x800, s6;
	[tilespmem:s0+$0x59D0] =	vst.add.f32.msk $0xffff, v30  }
0x1f1: {  	[tilespmem:s0+$0x59E0] =	vst.add.f32.msk $0xffff, v0  }
0x1f2: {  	_ =	swait.ge [sflag:s15], $0x2800  }
0x1f3: {  	[sflag:s15] =	ssyncset.done $0x0  }
0x1f4: {  	[sflag:s15] =	ssyncadd.s32 $0xFFFFD800  }
0x1f5: {  	_ =	swait.ge [sflag:s24], $0x200  }
0x1f6: {  	[sflag:s24] =	ssyncset.done $0x0  }
0x1f7: {  	[sflag:s24] =	ssyncadd.s32 $0xFFFFFE00  }
0x1f8: {  	_ =	swait.ge [sflag:s11], $0x200  }
0x1f9: {  	[sflag:s11] =	ssyncset.done $0x0  }
0x1fa: {  	[sflag:s11] =	ssyncadd.s32 $0xFFFFFE00  }
0x1fb: {  	[tilespmem:s20], [sflag:$0x5] =	stream.indirect.gather [spmem:s2], $0x80, s18, s19, $0xb8;
	[tilespmem:$0x19868] =	vst v63  }
0x1fc: {  	s6 =	simm.s32 $0x600  }
0x1fd: {  	[tilespmem:s21], [sflag:$0x9] =	stream.indirect.gather [spmem:s3], $0x80, s6, s19, $0xb8;
	[tilespmem:$0x19868] =	vst v63  }
0x1fe: {  	s17 =	simm.s32 $0x0;
	s5 =	rddreg [dreg:$0xe]  }
0x1ff: {  	[hbm4b:s5+s17] =	stream.linear.scatter [tilespmem:s13], [sflag:$0xD], $0x2800, $0x38;
	[tilespmem:$0x19868] =	vst v63  }
0x200: {  	_ =	swait.ge [sflag:s7], $0x2800  }
0x201: {  	[sflag:s7] =	ssyncset.done $0x0  }
0x202: {  	[sflag:s7] =	ssyncadd.s32 $0xFFFFD800  }
0x203: {  	_ =	swait.ge [sflag:s22], $0x2800  }
0x204: {  	[sflag:s22] =	ssyncset.done $0x0  }
0x205: {  	s0 =	simm.s32 $0x0;
	[sflag:s22] =	ssyncadd.s32 $0xFFFFD800  }
0x206: {  	v0 =	vld [tilespmem:s0+$0xD1F0]  }
0x207: {  	v1 =	vld [tilespmem:s0+$0xD000]  }
0x208: {  	v2 =	vld [tilespmem:s0+$0xD010]  }
0x209: {  	v3 =	vld [tilespmem:s0+$0xD020]  }
0x20a: {  	v4 =	vld [tilespmem:s0+$0xD030]  }
0x20b: {  	v5 =	vld [tilespmem:s0+$0xD040]  }
0x20c: {  	v6 =	vld [tilespmem:s0+$0xD050]  }
0x20d: {  	v7 =	vld [tilespmem:s0+$0xD060]  }
0x20e: {  	v8 =	vld [tilespmem:s0+$0xD070]  }
0x20f: {  	v9 =	vld [tilespmem:s0+$0xD080]  }
0x210: {  	v10 =	vld [tilespmem:s0+$0xD090]  }
0x211: {  	v11 =	vld [tilespmem:s0+$0xD0A0]  }
0x212: {  	v12 =	vld [tilespmem:s0+$0xD0B0]  }
0x213: {  	v13 =	vld [tilespmem:s0+$0xD0C0]  }
0x214: {  	v14 =	vld [tilespmem:s0+$0xD0D0]  }
0x215: {  	v15 =	vld [tilespmem:s0+$0xD0E0]  }
0x216: {  	v16 =	vld [tilespmem:s0+$0xD0F0]  }
0x217: {  	v17 =	vld [tilespmem:s0+$0xD100]  }
0x218: {  	v18 =	vld [tilespmem:s0+$0xD110]  }
0x219: {  	v19 =	vld [tilespmem:s0+$0xD120]  }
0x21a: {  	v20 =	vld [tilespmem:s0+$0xD130]  }
0x21b: {  	v21 =	vld [tilespmem:s0+$0xD140]  }
0x21c: {  	v22 =	vld [tilespmem:s0+$0xD150]  }
0x21d: {  	v23 =	vld [tilespmem:s0+$0xD160]  }
0x21e: {  	v24 =	vld [tilespmem:s0+$0xD170]  }
0x21f: {  	v25 =	vld [tilespmem:s0+$0xD180]  }
0x220: {  	v26 =	vld [tilespmem:s0+$0xD190]  }
0x221: {  	v27 =	vld [tilespmem:s0+$0xD1A0]  }
0x222: {  	v28 =	vld [tilespmem:s0+$0xD1B0]  }
0x223: {  	v29 =	vld [tilespmem:s0+$0xD1C0]  }
0x224: {  	v30 =	vld [tilespmem:s0+$0xD1D0]  }
0x225: {  	[tilespmem:s0+$0x81F0] =	vst.add.f32.msk $0xffff, v0  }
0x226: {  	v0 =	vld [tilespmem:s0+$0xD1E0]  }
0x227: {  	[tilespmem:s0+$0x8000] =	vst.add.f32.msk $0xffff, v1  }
0x228: {  	[tilespmem:s0+$0x8010] =	vst.add.f32.msk $0xffff, v2  }
0x229: {  	[tilespmem:s0+$0x8020] =	vst.add.f32.msk $0xffff, v3  }
0x22a: {  	[tilespmem:s0+$0x8030] =	vst.add.f32.msk $0xffff, v4  }
0x22b: {  	[tilespmem:s0+$0x8040] =	vst.add.f32.msk $0xffff, v5  }
0x22c: {  	[tilespmem:s0+$0x8050] =	vst.add.f32.msk $0xffff, v6  }
0x22d: {  	[tilespmem:s0+$0x8060] =	vst.add.f32.msk $0xffff, v7  }
0x22e: {  	[tilespmem:s0+$0x8070] =	vst.add.f32.msk $0xffff, v8  }
0x22f: {  	[tilespmem:s0+$0x8080] =	vst.add.f32.msk $0xffff, v9  }
0x230: {  	[tilespmem:s0+$0x8090] =	vst.add.f32.msk $0xffff, v10  }
0x231: {  	[tilespmem:s0+$0x80A0] =	vst.add.f32.msk $0xffff, v11  }
0x232: {  	[tilespmem:s0+$0x80B0] =	vst.add.f32.msk $0xffff, v12  }
0x233: {  	[tilespmem:s0+$0x80C0] =	vst.add.f32.msk $0xffff, v13  }
0x234: {  	[tilespmem:s0+$0x80D0] =	vst.add.f32.msk $0xffff, v14  }
0x235: {  	[tilespmem:s0+$0x80E0] =	vst.add.f32.msk $0xffff, v15  }
0x236: {  	[tilespmem:s0+$0x80F0] =	vst.add.f32.msk $0xffff, v16  }
0x237: {  	[tilespmem:s0+$0x8100] =	vst.add.f32.msk $0xffff, v17  }
0x238: {  	[tilespmem:s0+$0x8110] =	vst.add.f32.msk $0xffff, v18  }
0x239: {  	[tilespmem:s0+$0x8120] =	vst.add.f32.msk $0xffff, v19  }
0x23a: {  	[tilespmem:s0+$0x8130] =	vst.add.f32.msk $0xffff, v20  }
0x23b: {  	[tilespmem:s0+$0x8140] =	vst.add.f32.msk $0xffff, v21  }
0x23c: {  	[tilespmem:s0+$0x8150] =	vst.add.f32.msk $0xffff, v22  }
0x23d: {  	[tilespmem:s0+$0x8160] =	vst.add.f32.msk $0xffff, v23  }
0x23e: {  	[tilespmem:s0+$0x8170] =	vst.add.f32.msk $0xffff, v24  }
0x23f: {  	[tilespmem:s0+$0x8180] =	vst.add.f32.msk $0xffff, v25  }
0x240: {  	[tilespmem:s0+$0x8190] =	vst.add.f32.msk $0xffff, v26  }
0x241: {  	[tilespmem:s0+$0x81A0] =	vst.add.f32.msk $0xffff, v27  }
0x242: {  	[tilespmem:s0+$0x81B0] =	vst.add.f32.msk $0xffff, v28  }
0x243: {  	[tilespmem:s0+$0x81C0] =	vst.add.f32.msk $0xffff, v29  }
0x244: {  	s6 =	simm.s32 $0x800;
	s5 =	simm.s32 $0x0;
	[tilespmem:s0+$0x81D0] =	vst.add.f32.msk $0xffff, v30  }
.LBB2_8:
0x245: {  	s5 =	sadd.s32 $0x4, s5;
	[tilespmem:s0+$0x81E0] =	vst.add.f32.msk $0xffff, v0;
	s0 =	sshra.s32 s6, $0x2  }
0x246: {  	v0 =	vld [tilespmem:s0+$0xD1F0];
	p1 =	slt.u32 s5, $0x4C  }
0x247: {  	v1 =	vld [tilespmem:s0+$0xD000]  }
0x248: {  	v2 =	vld [tilespmem:s0+$0xD010]  }
0x249: {  	v3 =	vld [tilespmem:s0+$0xD020]  }
0x24a: {  	v4 =	vld [tilespmem:s0+$0xD030]  }
0x24b: {  	[tilespmem:s0+$0x81F0] =	vst.add.f32.msk $0xffff, v0  }
0x24c: {  	v5 =	vld [tilespmem:s0+$0xD040]  }
0x24d: {  	v6 =	vld [tilespmem:s0+$0xD050]  }
0x24e: {  	v7 =	vld [tilespmem:s0+$0xD060]  }
0x24f: {  	v8 =	vld [tilespmem:s0+$0xD070]  }
0x250: {  	v9 =	vld [tilespmem:s0+$0xD080]  }
0x251: {  	v10 =	vld [tilespmem:s0+$0xD090]  }
0x252: {  	v11 =	vld [tilespmem:s0+$0xD0A0]  }
0x253: {  	v12 =	vld [tilespmem:s0+$0xD0B0]  }
0x254: {  	v13 =	vld [tilespmem:s0+$0xD0C0]  }
0x255: {  	v14 =	vld [tilespmem:s0+$0xD0D0]  }
0x256: {  	v15 =	vld [tilespmem:s0+$0xD0E0]  }
0x257: {  	v16 =	vld [tilespmem:s0+$0xD0F0]  }
0x258: {  	v17 =	vld [tilespmem:s0+$0xD100]  }
0x259: {  	v18 =	vld [tilespmem:s0+$0xD110]  }
0x25a: {  	v19 =	vld [tilespmem:s0+$0xD120]  }
0x25b: {  	v20 =	vld [tilespmem:s0+$0xD130]  }
0x25c: {  	v21 =	vld [tilespmem:s0+$0xD140]  }
0x25d: {  	v22 =	vld [tilespmem:s0+$0xD150]  }
0x25e: {  	v23 =	vld [tilespmem:s0+$0xD160]  }
0x25f: {  	v24 =	vld [tilespmem:s0+$0xD170]  }
0x260: {  	v25 =	vld [tilespmem:s0+$0xD180]  }
0x261: {  	v26 =	vld [tilespmem:s0+$0xD190]  }
0x262: {  	v27 =	vld [tilespmem:s0+$0xD1A0]  }
0x263: {  	v28 =	vld [tilespmem:s0+$0xD1B0]  }
0x264: {  	v29 =	vld [tilespmem:s0+$0xD1C0]  }
0x265: {  	v30 =	vld [tilespmem:s0+$0xD1D0]  }
0x266: {  	v0 =	vld [tilespmem:s0+$0xD1E0]  }
0x267: {  	[tilespmem:s0+$0x8000] =	vst.add.f32.msk $0xffff, v1  }
0x268: {  	[tilespmem:s0+$0x8010] =	vst.add.f32.msk $0xffff, v2  }
0x269: {  	[tilespmem:s0+$0x8020] =	vst.add.f32.msk $0xffff, v3  }
0x26a: {  	[tilespmem:s0+$0x8030] =	vst.add.f32.msk $0xffff, v4  }
0x26b: {  	[tilespmem:s0+$0x8040] =	vst.add.f32.msk $0xffff, v5  }
0x26c: {  	[tilespmem:s0+$0x8050] =	vst.add.f32.msk $0xffff, v6  }
0x26d: {  	[tilespmem:s0+$0x8060] =	vst.add.f32.msk $0xffff, v7  }
0x26e: {  	[tilespmem:s0+$0x8070] =	vst.add.f32.msk $0xffff, v8  }
0x26f: {  	[tilespmem:s0+$0x8080] =	vst.add.f32.msk $0xffff, v9  }
0x270: {  	[tilespmem:s0+$0x8090] =	vst.add.f32.msk $0xffff, v10  }
0x271: {  	[tilespmem:s0+$0x80A0] =	vst.add.f32.msk $0xffff, v11  }
0x272: {  	[tilespmem:s0+$0x80B0] =	vst.add.f32.msk $0xffff, v12  }
0x273: {  	[tilespmem:s0+$0x80C0] =	vst.add.f32.msk $0xffff, v13  }
0x274: {  	[tilespmem:s0+$0x80D0] =	vst.add.f32.msk $0xffff, v14  }
0x275: {  	[tilespmem:s0+$0x80E0] =	vst.add.f32.msk $0xffff, v15  }
0x276: {  	[tilespmem:s0+$0x80F0] =	vst.add.f32.msk $0xffff, v16  }
0x277: {  	[tilespmem:s0+$0x8100] =	vst.add.f32.msk $0xffff, v17  }
0x278: {  	[tilespmem:s0+$0x8110] =	vst.add.f32.msk $0xffff, v18  }
0x279: {  	[tilespmem:s0+$0x8120] =	vst.add.f32.msk $0xffff, v19  }
0x27a: {  	[tilespmem:s0+$0x8130] =	vst.add.f32.msk $0xffff, v20  }
0x27b: {  	[tilespmem:s0+$0x8140] =	vst.add.f32.msk $0xffff, v21  }
0x27c: {  	[tilespmem:s0+$0x8150] =	vst.add.f32.msk $0xffff, v22  }
0x27d: {  	[tilespmem:s0+$0x8160] =	vst.add.f32.msk $0xffff, v23  }
0x27e: {  	[tilespmem:s0+$0x8170] =	vst.add.f32.msk $0xffff, v24  }
0x27f: {  	[tilespmem:s0+$0x8180] =	vst.add.f32.msk $0xffff, v25  }
.Ltmp5:
0x280: {  	[tilespmem:s0+$0x8190] =	vst.add.f32.msk $0xffff, v26;
	(pc) =	sbr.rel @p1 .LBB2_8-.Ltmp5, $4  }
0x281: {  	[tilespmem:s0+$0x81A0] =	vst.add.f32.msk $0xffff, v27  }
0x282: {  	[tilespmem:s0+$0x81B0] =	vst.add.f32.msk $0xffff, v28  }
0x283: {  	[tilespmem:s0+$0x81C0] =	vst.add.f32.msk $0xffff, v29  }
0x284: {  	s6 =	sadd.s32 $0x800, s6;
	[tilespmem:s0+$0x81D0] =	vst.add.f32.msk $0xffff, v30  }
0x285: {  	[tilespmem:s0+$0x81E0] =	vst.add.f32.msk $0xffff, v0  }
0x286: {  	_ =	swait.ge [sflag:s23], $0x2800  }
0x287: {  	[sflag:s23] =	ssyncset.done $0x0  }
0x288: {  	s17 =	simm.s32 $0x280;
	[sflag:s23] =	ssyncadd.s32 $0xFFFFD800  }
0x289: {  	[tilespmem:s25], [sflag:$0x6] =	stream.indirect.gather [spmem:s2], $0x80, s17, s19, $0xb8;
	[tilespmem:$0x19868] =	vst v63  }
0x28a: {  	s5 =	simm.s32 $0x680  }
0x28b: {  	[tilespmem:s28], [sflag:$0xA] =	stream.indirect.gather [spmem:s3], $0x80, s5, s19, $0xb8;
	[tilespmem:$0x19868] =	vst v63  }
0x28c: {  	s0 =	simm.s32 $0x0;
	s5 =	rddreg [dreg:$0xf]  }
0x28d: {  	[hbm4b:s5+s0] =	stream.linear.scatter [tilespmem:s14], [sflag:$0xE], $0x2800, $0x38;
	[tilespmem:$0x19868] =	vst v63  }
0x28e: {  	s6 =	rddreg [dreg:$0x10]  }
0x28f: {  	[tilespmem:s0], [sflag:$0x1] =	stream.linear.gather [hbm4b:s6+s0], $0x200, $0x38;
	[tilespmem:$0x19868] =	vst v63  }
0x290: {  	s17 =	rddreg [dreg:$0x11]  }
0x291: {  	[tilespmem:s10], [sflag:$0x3] =	stream.linear.gather [hbm4b:s17+s0], $0x200, $0x38;
	[tilespmem:$0x19868] =	vst v63  }
0x292: {  	_ =	swait.ge [sflag:s29], $0x2800  }
0x293: {  	[sflag:s29] =	ssyncset.done $0x0  }
0x294: {  	[sflag:s29] =	ssyncadd.s32 $0xFFFFD800  }
0x295: {  	_ =	swait.ge [sflag:s12], $0x2800  }
0x296: {  	[sflag:s12] =	ssyncset.done $0x0  }
0x297: {  	s0 =	simm.s32 $0x0;
	[sflag:s12] =	ssyncadd.s32 $0xFFFFD800  }
0x298: {  	v0 =	vld [tilespmem:s0+$0xA9F0]  }
0x299: {  	v1 =	vld [tilespmem:s0+$0xA800]  }
0x29a: {  	v2 =	vld [tilespmem:s0+$0xA810]  }
0x29b: {  	v3 =	vld [tilespmem:s0+$0xA820]  }
0x29c: {  	v4 =	vld [tilespmem:s0+$0xA830]  }
0x29d: {  	v5 =	vld [tilespmem:s0+$0xA840]  }
0x29e: {  	v6 =	vld [tilespmem:s0+$0xA850]  }
0x29f: {  	v7 =	vld [tilespmem:s0+$0xA860]  }
0x2a0: {  	v8 =	vld [tilespmem:s0+$0xA870]  }
0x2a1: {  	v9 =	vld [tilespmem:s0+$0xA880]  }
0x2a2: {  	v10 =	vld [tilespmem:s0+$0xA890]  }
0x2a3: {  	v11 =	vld [tilespmem:s0+$0xA8A0]  }
0x2a4: {  	v12 =	vld [tilespmem:s0+$0xA8B0]  }
0x2a5: {  	v13 =	vld [tilespmem:s0+$0xA8C0]  }
0x2a6: {  	v14 =	vld [tilespmem:s0+$0xA8D0]  }
0x2a7: {  	v15 =	vld [tilespmem:s0+$0xA8E0]  }
0x2a8: {  	v16 =	vld [tilespmem:s0+$0xA8F0]  }
0x2a9: {  	v17 =	vld [tilespmem:s0+$0xA900]  }
0x2aa: {  	v18 =	vld [tilespmem:s0+$0xA910]  }
0x2ab: {  	v19 =	vld [tilespmem:s0+$0xA920]  }
0x2ac: {  	v20 =	vld [tilespmem:s0+$0xA930]  }
0x2ad: {  	v21 =	vld [tilespmem:s0+$0xA940]  }
0x2ae: {  	v22 =	vld [tilespmem:s0+$0xA950]  }
0x2af: {  	v23 =	vld [tilespmem:s0+$0xA960]  }
0x2b0: {  	v24 =	vld [tilespmem:s0+$0xA970]  }
0x2b1: {  	v25 =	vld [tilespmem:s0+$0xA980]  }
0x2b2: {  	v26 =	vld [tilespmem:s0+$0xA990]  }
0x2b3: {  	v27 =	vld [tilespmem:s0+$0xA9A0]  }
0x2b4: {  	v28 =	vld [tilespmem:s0+$0xA9B0]  }
0x2b5: {  	v29 =	vld [tilespmem:s0+$0xA9C0]  }
0x2b6: {  	v30 =	vld [tilespmem:s0+$0xA9D0]  }
0x2b7: {  	[tilespmem:s0+$0x9F0] =	vst.add.f32.msk $0xffff, v0  }
0x2b8: {  	v0 =	vld [tilespmem:s0+$0xA9E0]  }
0x2b9: {  	[tilespmem:s0+$0x800] =	vst.add.f32.msk $0xffff, v1  }
0x2ba: {  	[tilespmem:s0+$0x810] =	vst.add.f32.msk $0xffff, v2  }
0x2bb: {  	[tilespmem:s0+$0x820] =	vst.add.f32.msk $0xffff, v3  }
0x2bc: {  	[tilespmem:s0+$0x830] =	vst.add.f32.msk $0xffff, v4  }
0x2bd: {  	[tilespmem:s0+$0x840] =	vst.add.f32.msk $0xffff, v5  }
0x2be: {  	[tilespmem:s0+$0x850] =	vst.add.f32.msk $0xffff, v6  }
0x2bf: {  	[tilespmem:s0+$0x860] =	vst.add.f32.msk $0xffff, v7  }
0x2c0: {  	[tilespmem:s0+$0x870] =	vst.add.f32.msk $0xffff, v8  }
0x2c1: {  	[tilespmem:s0+$0x880] =	vst.add.f32.msk $0xffff, v9  }
0x2c2: {  	[tilespmem:s0+$0x890] =	vst.add.f32.msk $0xffff, v10  }
0x2c3: {  	[tilespmem:s0+$0x8A0] =	vst.add.f32.msk $0xffff, v11  }
0x2c4: {  	[tilespmem:s0+$0x8B0] =	vst.add.f32.msk $0xffff, v12  }
0x2c5: {  	[tilespmem:s0+$0x8C0] =	vst.add.f32.msk $0xffff, v13  }
0x2c6: {  	[tilespmem:s0+$0x8D0] =	vst.add.f32.msk $0xffff, v14  }
0x2c7: {  	[tilespmem:s0+$0x8E0] =	vst.add.f32.msk $0xffff, v15  }
0x2c8: {  	[tilespmem:s0+$0x8F0] =	vst.add.f32.msk $0xffff, v16  }
0x2c9: {  	[tilespmem:s0+$0x900] =	vst.add.f32.msk $0xffff, v17  }
0x2ca: {  	[tilespmem:s0+$0x910] =	vst.add.f32.msk $0xffff, v18  }
0x2cb: {  	[tilespmem:s0+$0x920] =	vst.add.f32.msk $0xffff, v19  }
0x2cc: {  	[tilespmem:s0+$0x930] =	vst.add.f32.msk $0xffff, v20  }
0x2cd: {  	[tilespmem:s0+$0x940] =	vst.add.f32.msk $0xffff, v21  }
0x2ce: {  	[tilespmem:s0+$0x950] =	vst.add.f32.msk $0xffff, v22  }
0x2cf: {  	[tilespmem:s0+$0x960] =	vst.add.f32.msk $0xffff, v23  }
0x2d0: {  	[tilespmem:s0+$0x970] =	vst.add.f32.msk $0xffff, v24  }
0x2d1: {  	[tilespmem:s0+$0x980] =	vst.add.f32.msk $0xffff, v25  }
0x2d2: {  	[tilespmem:s0+$0x990] =	vst.add.f32.msk $0xffff, v26  }
0x2d3: {  	[tilespmem:s0+$0x9A0] =	vst.add.f32.msk $0xffff, v27  }
0x2d4: {  	[tilespmem:s0+$0x9B0] =	vst.add.f32.msk $0xffff, v28  }
0x2d5: {  	[tilespmem:s0+$0x9C0] =	vst.add.f32.msk $0xffff, v29  }
0x2d6: {  	s5 =	simm.s32 $0x0;
	s6 =	simm.s32 $0x800;
	[tilespmem:s0+$0x9D0] =	vst.add.f32.msk $0xffff, v30  }
.LBB2_10:
0x2d7: {  	s5 =	sadd.s32 $0x4, s5;
	[tilespmem:s0+$0x9E0] =	vst.add.f32.msk $0xffff, v0;
	s0 =	sshra.s32 s6, $0x2  }
0x2d8: {  	v0 =	vld [tilespmem:s0+$0xA9F0];
	p1 =	slt.u32 s5, $0x4C  }
0x2d9: {  	v1 =	vld [tilespmem:s0+$0xA800]  }
0x2da: {  	v2 =	vld [tilespmem:s0+$0xA810]  }
0x2db: {  	v3 =	vld [tilespmem:s0+$0xA820]  }
0x2dc: {  	v4 =	vld [tilespmem:s0+$0xA830]  }
0x2dd: {  	[tilespmem:s0+$0x9F0] =	vst.add.f32.msk $0xffff, v0  }
0x2de: {  	v5 =	vld [tilespmem:s0+$0xA840]  }
0x2df: {  	v6 =	vld [tilespmem:s0+$0xA850]  }
0x2e0: {  	v7 =	vld [tilespmem:s0+$0xA860]  }
0x2e1: {  	v8 =	vld [tilespmem:s0+$0xA870]  }
0x2e2: {  	v9 =	vld [tilespmem:s0+$0xA880]  }
0x2e3: {  	v10 =	vld [tilespmem:s0+$0xA890]  }
0x2e4: {  	v11 =	vld [tilespmem:s0+$0xA8A0]  }
0x2e5: {  	v12 =	vld [tilespmem:s0+$0xA8B0]  }
0x2e6: {  	v13 =	vld [tilespmem:s0+$0xA8C0]  }
0x2e7: {  	v14 =	vld [tilespmem:s0+$0xA8D0]  }
0x2e8: {  	v15 =	vld [tilespmem:s0+$0xA8E0]  }
0x2e9: {  	v16 =	vld [tilespmem:s0+$0xA8F0]  }
0x2ea: {  	v17 =	vld [tilespmem:s0+$0xA900]  }
0x2eb: {  	v18 =	vld [tilespmem:s0+$0xA910]  }
0x2ec: {  	v19 =	vld [tilespmem:s0+$0xA920]  }
0x2ed: {  	v20 =	vld [tilespmem:s0+$0xA930]  }
0x2ee: {  	v21 =	vld [tilespmem:s0+$0xA940]  }
0x2ef: {  	v22 =	vld [tilespmem:s0+$0xA950]  }
0x2f0: {  	v23 =	vld [tilespmem:s0+$0xA960]  }
0x2f1: {  	v24 =	vld [tilespmem:s0+$0xA970]  }
0x2f2: {  	v25 =	vld [tilespmem:s0+$0xA980]  }
0x2f3: {  	v26 =	vld [tilespmem:s0+$0xA990]  }
0x2f4: {  	v27 =	vld [tilespmem:s0+$0xA9A0]  }
0x2f5: {  	v28 =	vld [tilespmem:s0+$0xA9B0]  }
0x2f6: {  	v29 =	vld [tilespmem:s0+$0xA9C0]  }
0x2f7: {  	v30 =	vld [tilespmem:s0+$0xA9D0]  }
0x2f8: {  	v0 =	vld [tilespmem:s0+$0xA9E0]  }
0x2f9: {  	[tilespmem:s0+$0x800] =	vst.add.f32.msk $0xffff, v1  }
0x2fa: {  	[tilespmem:s0+$0x810] =	vst.add.f32.msk $0xffff, v2  }
0x2fb: {  	[tilespmem:s0+$0x820] =	vst.add.f32.msk $0xffff, v3  }
0x2fc: {  	[tilespmem:s0+$0x830] =	vst.add.f32.msk $0xffff, v4  }
0x2fd: {  	[tilespmem:s0+$0x840] =	vst.add.f32.msk $0xffff, v5  }
0x2fe: {  	[tilespmem:s0+$0x850] =	vst.add.f32.msk $0xffff, v6  }
0x2ff: {  	[tilespmem:s0+$0x860] =	vst.add.f32.msk $0xffff, v7  }
0x300: {  	[tilespmem:s0+$0x870] =	vst.add.f32.msk $0xffff, v8  }
0x301: {  	[tilespmem:s0+$0x880] =	vst.add.f32.msk $0xffff, v9  }
0x302: {  	[tilespmem:s0+$0x890] =	vst.add.f32.msk $0xffff, v10  }
0x303: {  	[tilespmem:s0+$0x8A0] =	vst.add.f32.msk $0xffff, v11  }
0x304: {  	[tilespmem:s0+$0x8B0] =	vst.add.f32.msk $0xffff, v12  }
0x305: {  	[tilespmem:s0+$0x8C0] =	vst.add.f32.msk $0xffff, v13  }
0x306: {  	[tilespmem:s0+$0x8D0] =	vst.add.f32.msk $0xffff, v14  }
0x307: {  	[tilespmem:s0+$0x8E0] =	vst.add.f32.msk $0xffff, v15  }
0x308: {  	[tilespmem:s0+$0x8F0] =	vst.add.f32.msk $0xffff, v16  }
0x309: {  	[tilespmem:s0+$0x900] =	vst.add.f32.msk $0xffff, v17  }
0x30a: {  	[tilespmem:s0+$0x910] =	vst.add.f32.msk $0xffff, v18  }
0x30b: {  	[tilespmem:s0+$0x920] =	vst.add.f32.msk $0xffff, v19  }
0x30c: {  	[tilespmem:s0+$0x930] =	vst.add.f32.msk $0xffff, v20  }
0x30d: {  	[tilespmem:s0+$0x940] =	vst.add.f32.msk $0xffff, v21  }
0x30e: {  	[tilespmem:s0+$0x950] =	vst.add.f32.msk $0xffff, v22  }
0x30f: {  	[tilespmem:s0+$0x960] =	vst.add.f32.msk $0xffff, v23  }
0x310: {  	[tilespmem:s0+$0x970] =	vst.add.f32.msk $0xffff, v24  }
0x311: {  	[tilespmem:s0+$0x980] =	vst.add.f32.msk $0xffff, v25  }
.Ltmp6:
0x312: {  	[tilespmem:s0+$0x990] =	vst.add.f32.msk $0xffff, v26;
	(pc) =	sbr.rel @p1 .LBB2_10-.Ltmp6, $4  }
0x313: {  	[tilespmem:s0+$0x9A0] =	vst.add.f32.msk $0xffff, v27  }
0x314: {  	[tilespmem:s0+$0x9B0] =	vst.add.f32.msk $0xffff, v28  }
0x315: {  	[tilespmem:s0+$0x9C0] =	vst.add.f32.msk $0xffff, v29  }
0x316: {  	s6 =	sadd.s32 $0x800, s6;
	[tilespmem:s0+$0x9D0] =	vst.add.f32.msk $0xffff, v30  }
0x317: {  	[tilespmem:s0+$0x9E0] =	vst.add.f32.msk $0xffff, v0  }
0x318: {  	_ =	swait.ge [sflag:s30], $0x2800  }
0x319: {  	[sflag:s30] =	ssyncset.done $0x0  }
0x31a: {  	s5 =	simm.s32 $0x300;
	[sflag:s30] =	ssyncadd.s32 $0xFFFFD800  }
0x31b: {  	[tilespmem:s13], [sflag:$0x7] =	stream.indirect.gather [spmem:s2], $0x80, s5, s19, $0xb8;
	[tilespmem:$0x19868] =	vst v63  }
0x31c: {  	s6 =	simm.s32 $0x700  }
0x31d: {  	[tilespmem:s21], [sflag:$0x9] =	stream.indirect.gather [spmem:s3], $0x80, s6, s19, $0xb8;
	[tilespmem:$0x19868] =	vst v63  }
0x31e: {  	s17 =	simm.s32 $0x0;
	s5 =	rddreg [dreg:$0x12]  }
0x31f: {  	[hbm4b:s5+s17] =	stream.linear.scatter [tilespmem:s20], [sflag:$0xB], $0x2800, $0x38;
	[tilespmem:$0x19868] =	vst v63  }
0x320: {  	_ =	swait.ge [sflag:s16], $0x2800  }
0x321: {  	[sflag:s16] =	ssyncset.done $0x0  }
0x322: {  	[sflag:s16] =	ssyncadd.s32 $0xFFFFD800  }
0x323: {  	_ =	swait.ge [sflag:s22], $0x2800  }
0x324: {  	[sflag:s22] =	ssyncset.done $0x0  }
0x325: {  	s0 =	simm.s32 $0x0;
	[sflag:s22] =	ssyncadd.s32 $0xFFFFD800  }
0x326: {  	v0 =	vld [tilespmem:s0+$0xD1F0]  }
0x327: {  	v1 =	vld [tilespmem:s0+$0xD000]  }
0x328: {  	v2 =	vld [tilespmem:s0+$0xD010]  }
0x329: {  	v3 =	vld [tilespmem:s0+$0xD020]  }
0x32a: {  	v4 =	vld [tilespmem:s0+$0xD030]  }
0x32b: {  	v5 =	vld [tilespmem:s0+$0xD040]  }
0x32c: {  	v6 =	vld [tilespmem:s0+$0xD050]  }
0x32d: {  	v7 =	vld [tilespmem:s0+$0xD060]  }
0x32e: {  	v8 =	vld [tilespmem:s0+$0xD070]  }
0x32f: {  	v9 =	vld [tilespmem:s0+$0xD080]  }
0x330: {  	v10 =	vld [tilespmem:s0+$0xD090]  }
0x331: {  	v11 =	vld [tilespmem:s0+$0xD0A0]  }
0x332: {  	v12 =	vld [tilespmem:s0+$0xD0B0]  }
0x333: {  	v13 =	vld [tilespmem:s0+$0xD0C0]  }
0x334: {  	v14 =	vld [tilespmem:s0+$0xD0D0]  }
0x335: {  	v15 =	vld [tilespmem:s0+$0xD0E0]  }
0x336: {  	v16 =	vld [tilespmem:s0+$0xD0F0]  }
0x337: {  	v17 =	vld [tilespmem:s0+$0xD100]  }
0x338: {  	v18 =	vld [tilespmem:s0+$0xD110]  }
0x339: {  	v19 =	vld [tilespmem:s0+$0xD120]  }
0x33a: {  	v20 =	vld [tilespmem:s0+$0xD130]  }
0x33b: {  	v21 =	vld [tilespmem:s0+$0xD140]  }
0x33c: {  	v22 =	vld [tilespmem:s0+$0xD150]  }
0x33d: {  	v23 =	vld [tilespmem:s0+$0xD160]  }
0x33e: {  	v24 =	vld [tilespmem:s0+$0xD170]  }
0x33f: {  	v25 =	vld [tilespmem:s0+$0xD180]  }
0x340: {  	v26 =	vld [tilespmem:s0+$0xD190]  }
0x341: {  	v27 =	vld [tilespmem:s0+$0xD1A0]  }
0x342: {  	v28 =	vld [tilespmem:s0+$0xD1B0]  }
0x343: {  	v29 =	vld [tilespmem:s0+$0xD1C0]  }
0x344: {  	v30 =	vld [tilespmem:s0+$0xD1D0]  }
0x345: {  	[tilespmem:s0+$0x31F0] =	vst.add.f32.msk $0xffff, v0  }
0x346: {  	v0 =	vld [tilespmem:s0+$0xD1E0]  }
0x347: {  	[tilespmem:s0+$0x3000] =	vst.add.f32.msk $0xffff, v1  }
0x348: {  	[tilespmem:s0+$0x3010] =	vst.add.f32.msk $0xffff, v2  }
0x349: {  	[tilespmem:s0+$0x3020] =	vst.add.f32.msk $0xffff, v3  }
0x34a: {  	[tilespmem:s0+$0x3030] =	vst.add.f32.msk $0xffff, v4  }
0x34b: {  	[tilespmem:s0+$0x3040] =	vst.add.f32.msk $0xffff, v5  }
0x34c: {  	[tilespmem:s0+$0x3050] =	vst.add.f32.msk $0xffff, v6  }
0x34d: {  	[tilespmem:s0+$0x3060] =	vst.add.f32.msk $0xffff, v7  }
0x34e: {  	[tilespmem:s0+$0x3070] =	vst.add.f32.msk $0xffff, v8  }
0x34f: {  	[tilespmem:s0+$0x3080] =	vst.add.f32.msk $0xffff, v9  }
0x350: {  	[tilespmem:s0+$0x3090] =	vst.add.f32.msk $0xffff, v10  }
0x351: {  	[tilespmem:s0+$0x30A0] =	vst.add.f32.msk $0xffff, v11  }
0x352: {  	[tilespmem:s0+$0x30B0] =	vst.add.f32.msk $0xffff, v12  }
0x353: {  	[tilespmem:s0+$0x30C0] =	vst.add.f32.msk $0xffff, v13  }
0x354: {  	[tilespmem:s0+$0x30D0] =	vst.add.f32.msk $0xffff, v14  }
0x355: {  	[tilespmem:s0+$0x30E0] =	vst.add.f32.msk $0xffff, v15  }
0x356: {  	[tilespmem:s0+$0x30F0] =	vst.add.f32.msk $0xffff, v16  }
0x357: {  	[tilespmem:s0+$0x3100] =	vst.add.f32.msk $0xffff, v17  }
0x358: {  	[tilespmem:s0+$0x3110] =	vst.add.f32.msk $0xffff, v18  }
0x359: {  	[tilespmem:s0+$0x3120] =	vst.add.f32.msk $0xffff, v19  }
0x35a: {  	[tilespmem:s0+$0x3130] =	vst.add.f32.msk $0xffff, v20  }
0x35b: {  	[tilespmem:s0+$0x3140] =	vst.add.f32.msk $0xffff, v21  }
0x35c: {  	[tilespmem:s0+$0x3150] =	vst.add.f32.msk $0xffff, v22  }
0x35d: {  	[tilespmem:s0+$0x3160] =	vst.add.f32.msk $0xffff, v23  }
0x35e: {  	[tilespmem:s0+$0x3170] =	vst.add.f32.msk $0xffff, v24  }
0x35f: {  	[tilespmem:s0+$0x3180] =	vst.add.f32.msk $0xffff, v25  }
0x360: {  	[tilespmem:s0+$0x3190] =	vst.add.f32.msk $0xffff, v26  }
0x361: {  	[tilespmem:s0+$0x31A0] =	vst.add.f32.msk $0xffff, v27  }
0x362: {  	[tilespmem:s0+$0x31B0] =	vst.add.f32.msk $0xffff, v28  }
0x363: {  	[tilespmem:s0+$0x31C0] =	vst.add.f32.msk $0xffff, v29  }
0x364: {  	s6 =	simm.s32 $0x800;
	s5 =	simm.s32 $0x0;
	[tilespmem:s0+$0x31D0] =	vst.add.f32.msk $0xffff, v30  }
.LBB2_12:
0x365: {  	s5 =	sadd.s32 $0x4, s5;
	[tilespmem:s0+$0x31E0] =	vst.add.f32.msk $0xffff, v0;
	s0 =	sshra.s32 s6, $0x2  }
0x366: {  	v0 =	vld [tilespmem:s0+$0xD1F0];
	p1 =	slt.u32 s5, $0x4C  }
0x367: {  	v1 =	vld [tilespmem:s0+$0xD000]  }
0x368: {  	v2 =	vld [tilespmem:s0+$0xD010]  }
0x369: {  	v3 =	vld [tilespmem:s0+$0xD020]  }
0x36a: {  	v4 =	vld [tilespmem:s0+$0xD030]  }
0x36b: {  	[tilespmem:s0+$0x31F0] =	vst.add.f32.msk $0xffff, v0  }
0x36c: {  	v5 =	vld [tilespmem:s0+$0xD040]  }
0x36d: {  	v6 =	vld [tilespmem:s0+$0xD050]  }
0x36e: {  	v7 =	vld [tilespmem:s0+$0xD060]  }
0x36f: {  	v8 =	vld [tilespmem:s0+$0xD070]  }
0x370: {  	v9 =	vld [tilespmem:s0+$0xD080]  }
0x371: {  	v10 =	vld [tilespmem:s0+$0xD090]  }
0x372: {  	v11 =	vld [tilespmem:s0+$0xD0A0]  }
0x373: {  	v12 =	vld [tilespmem:s0+$0xD0B0]  }
0x374: {  	v13 =	vld [tilespmem:s0+$0xD0C0]  }
0x375: {  	v14 =	vld [tilespmem:s0+$0xD0D0]  }
0x376: {  	v15 =	vld [tilespmem:s0+$0xD0E0]  }
0x377: {  	v16 =	vld [tilespmem:s0+$0xD0F0]  }
0x378: {  	v17 =	vld [tilespmem:s0+$0xD100]  }
0x379: {  	v18 =	vld [tilespmem:s0+$0xD110]  }
0x37a: {  	v19 =	vld [tilespmem:s0+$0xD120]  }
0x37b: {  	v20 =	vld [tilespmem:s0+$0xD130]  }
0x37c: {  	v21 =	vld [tilespmem:s0+$0xD140]  }
0x37d: {  	v22 =	vld [tilespmem:s0+$0xD150]  }
0x37e: {  	v23 =	vld [tilespmem:s0+$0xD160]  }
0x37f: {  	v24 =	vld [tilespmem:s0+$0xD170]  }
0x380: {  	v25 =	vld [tilespmem:s0+$0xD180]  }
0x381: {  	v26 =	vld [tilespmem:s0+$0xD190]  }
0x382: {  	v27 =	vld [tilespmem:s0+$0xD1A0]  }
0x383: {  	v28 =	vld [tilespmem:s0+$0xD1B0]  }
0x384: {  	v29 =	vld [tilespmem:s0+$0xD1C0]  }
0x385: {  	v30 =	vld [tilespmem:s0+$0xD1D0]  }
0x386: {  	v0 =	vld [tilespmem:s0+$0xD1E0]  }
0x387: {  	[tilespmem:s0+$0x3000] =	vst.add.f32.msk $0xffff, v1  }
0x388: {  	[tilespmem:s0+$0x3010] =	vst.add.f32.msk $0xffff, v2  }
0x389: {  	[tilespmem:s0+$0x3020] =	vst.add.f32.msk $0xffff, v3  }
0x38a: {  	[tilespmem:s0+$0x3030] =	vst.add.f32.msk $0xffff, v4  }
0x38b: {  	[tilespmem:s0+$0x3040] =	vst.add.f32.msk $0xffff, v5  }
0x38c: {  	[tilespmem:s0+$0x3050] =	vst.add.f32.msk $0xffff, v6  }
0x38d: {  	[tilespmem:s0+$0x3060] =	vst.add.f32.msk $0xffff, v7  }
0x38e: {  	[tilespmem:s0+$0x3070] =	vst.add.f32.msk $0xffff, v8  }
0x38f: {  	[tilespmem:s0+$0x3080] =	vst.add.f32.msk $0xffff, v9  }
0x390: {  	[tilespmem:s0+$0x3090] =	vst.add.f32.msk $0xffff, v10  }
0x391: {  	[tilespmem:s0+$0x30A0] =	vst.add.f32.msk $0xffff, v11  }
0x392: {  	[tilespmem:s0+$0x30B0] =	vst.add.f32.msk $0xffff, v12  }
0x393: {  	[tilespmem:s0+$0x30C0] =	vst.add.f32.msk $0xffff, v13  }
0x394: {  	[tilespmem:s0+$0x30D0] =	vst.add.f32.msk $0xffff, v14  }
0x395: {  	[tilespmem:s0+$0x30E0] =	vst.add.f32.msk $0xffff, v15  }
0x396: {  	[tilespmem:s0+$0x30F0] =	vst.add.f32.msk $0xffff, v16  }
0x397: {  	[tilespmem:s0+$0x3100] =	vst.add.f32.msk $0xffff, v17  }
0x398: {  	[tilespmem:s0+$0x3110] =	vst.add.f32.msk $0xffff, v18  }
0x399: {  	[tilespmem:s0+$0x3120] =	vst.add.f32.msk $0xffff, v19  }
0x39a: {  	[tilespmem:s0+$0x3130] =	vst.add.f32.msk $0xffff, v20  }
0x39b: {  	[tilespmem:s0+$0x3140] =	vst.add.f32.msk $0xffff, v21  }
0x39c: {  	[tilespmem:s0+$0x3150] =	vst.add.f32.msk $0xffff, v22  }
0x39d: {  	[tilespmem:s0+$0x3160] =	vst.add.f32.msk $0xffff, v23  }
0x39e: {  	[tilespmem:s0+$0x3170] =	vst.add.f32.msk $0xffff, v24  }
0x39f: {  	[tilespmem:s0+$0x3180] =	vst.add.f32.msk $0xffff, v25  }
.Ltmp7:
0x3a0: {  	[tilespmem:s0+$0x3190] =	vst.add.f32.msk $0xffff, v26;
	(pc) =	sbr.rel @p1 .LBB2_12-.Ltmp7, $4  }
0x3a1: {  	[tilespmem:s0+$0x31A0] =	vst.add.f32.msk $0xffff, v27  }
0x3a2: {  	[tilespmem:s0+$0x31B0] =	vst.add.f32.msk $0xffff, v28  }
0x3a3: {  	[tilespmem:s0+$0x31C0] =	vst.add.f32.msk $0xffff, v29  }
0x3a4: {  	s6 =	sadd.s32 $0x800, s6;
	[tilespmem:s0+$0x31D0] =	vst.add.f32.msk $0xffff, v30  }
0x3a5: {  	[tilespmem:s0+$0x31E0] =	vst.add.f32.msk $0xffff, v0  }
0x3a6: {  	_ =	swait.ge [sflag:s31], $0x2800  }
0x3a7: {  	[sflag:s31] =	ssyncset.done $0x0  }
0x3a8: {  	s5 =	simm.s32 $0x380;
	[sflag:s31] =	ssyncadd.s32 $0xFFFFD800  }
0x3a9: {  	[tilespmem:s14], [sflag:$0x8] =	stream.indirect.gather [spmem:s2], $0x80, s5, s19, $0xb8;
	[tilespmem:$0x19868] =	vst v63  }
0x3aa: {  	s6 =	simm.s32 $0x780  }
0x3ab: {  	[tilespmem:s28], [sflag:$0xA] =	stream.indirect.gather [spmem:s3], $0x80, s6, s19, $0xb8;
	[tilespmem:$0x19868] =	vst v63  }
0x3ac: {  	s17 =	simm.s32 $0x0;
	s5 =	rddreg [dreg:$0x18]  }
0x3ad: {  	[hbm4b:s5+s17] =	stream.linear.scatter [tilespmem:s25], [sflag:$0xC], $0x2800, $0x38;
	[tilespmem:$0x19868] =	vst v63  }
0x3ae: {  	_ =	swait.ge [sflag:s26], $0x2800  }
0x3af: {  	[sflag:s26] =	ssyncset.done $0x0  }
0x3b0: {  	[sflag:s26] =	ssyncadd.s32 $0xFFFFD800  }
0x3b1: {  	_ =	swait.ge [sflag:s12], $0x2800  }
0x3b2: {  	[sflag:s12] =	ssyncset.done $0x0  }
0x3b3: {  	s0 =	simm.s32 $0x0;
	[sflag:s12] =	ssyncadd.s32 $0xFFFFD800  }
0x3b4: {  	v0 =	vld [tilespmem:s0+$0xA9F0]  }
0x3b5: {  	v1 =	vld [tilespmem:s0+$0xA800]  }
0x3b6: {  	v2 =	vld [tilespmem:s0+$0xA810]  }
0x3b7: {  	v3 =	vld [tilespmem:s0+$0xA820]  }
0x3b8: {  	v4 =	vld [tilespmem:s0+$0xA830]  }
0x3b9: {  	v5 =	vld [tilespmem:s0+$0xA840]  }
0x3ba: {  	v6 =	vld [tilespmem:s0+$0xA850]  }
0x3bb: {  	v7 =	vld [tilespmem:s0+$0xA860]  }
0x3bc: {  	v8 =	vld [tilespmem:s0+$0xA870]  }
0x3bd: {  	v9 =	vld [tilespmem:s0+$0xA880]  }
0x3be: {  	v10 =	vld [tilespmem:s0+$0xA890]  }
0x3bf: {  	v11 =	vld [tilespmem:s0+$0xA8A0]  }
0x3c0: {  	v12 =	vld [tilespmem:s0+$0xA8B0]  }
0x3c1: {  	v13 =	vld [tilespmem:s0+$0xA8C0]  }
0x3c2: {  	v14 =	vld [tilespmem:s0+$0xA8D0]  }
0x3c3: {  	v15 =	vld [tilespmem:s0+$0xA8E0]  }
0x3c4: {  	v16 =	vld [tilespmem:s0+$0xA8F0]  }
0x3c5: {  	v17 =	vld [tilespmem:s0+$0xA900]  }
0x3c6: {  	v18 =	vld [tilespmem:s0+$0xA910]  }
0x3c7: {  	v19 =	vld [tilespmem:s0+$0xA920]  }
0x3c8: {  	v20 =	vld [tilespmem:s0+$0xA930]  }
0x3c9: {  	v21 =	vld [tilespmem:s0+$0xA940]  }
0x3ca: {  	v22 =	vld [tilespmem:s0+$0xA950]  }
0x3cb: {  	v23 =	vld [tilespmem:s0+$0xA960]  }
0x3cc: {  	v24 =	vld [tilespmem:s0+$0xA970]  }
0x3cd: {  	v25 =	vld [tilespmem:s0+$0xA980]  }
0x3ce: {  	v26 =	vld [tilespmem:s0+$0xA990]  }
0x3cf: {  	v27 =	vld [tilespmem:s0+$0xA9A0]  }
0x3d0: {  	v28 =	vld [tilespmem:s0+$0xA9B0]  }
0x3d1: {  	v29 =	vld [tilespmem:s0+$0xA9C0]  }
0x3d2: {  	v30 =	vld [tilespmem:s0+$0xA9D0]  }
0x3d3: {  	[tilespmem:s0+$0x59F0] =	vst.add.f32.msk $0xffff, v0  }
0x3d4: {  	v0 =	vld [tilespmem:s0+$0xA9E0]  }
0x3d5: {  	[tilespmem:s0+$0x5800] =	vst.add.f32.msk $0xffff, v1  }
0x3d6: {  	[tilespmem:s0+$0x5810] =	vst.add.f32.msk $0xffff, v2  }
0x3d7: {  	[tilespmem:s0+$0x5820] =	vst.add.f32.msk $0xffff, v3  }
0x3d8: {  	[tilespmem:s0+$0x5830] =	vst.add.f32.msk $0xffff, v4  }
0x3d9: {  	[tilespmem:s0+$0x5840] =	vst.add.f32.msk $0xffff, v5  }
0x3da: {  	[tilespmem:s0+$0x5850] =	vst.add.f32.msk $0xffff, v6  }
0x3db: {  	[tilespmem:s0+$0x5860] =	vst.add.f32.msk $0xffff, v7  }
0x3dc: {  	[tilespmem:s0+$0x5870] =	vst.add.f32.msk $0xffff, v8  }
0x3dd: {  	[tilespmem:s0+$0x5880] =	vst.add.f32.msk $0xffff, v9  }
0x3de: {  	[tilespmem:s0+$0x5890] =	vst.add.f32.msk $0xffff, v10  }
0x3df: {  	[tilespmem:s0+$0x58A0] =	vst.add.f32.msk $0xffff, v11  }
0x3e0: {  	[tilespmem:s0+$0x58B0] =	vst.add.f32.msk $0xffff, v12  }
0x3e1: {  	[tilespmem:s0+$0x58C0] =	vst.add.f32.msk $0xffff, v13  }
0x3e2: {  	[tilespmem:s0+$0x58D0] =	vst.add.f32.msk $0xffff, v14  }
0x3e3: {  	[tilespmem:s0+$0x58E0] =	vst.add.f32.msk $0xffff, v15  }
0x3e4: {  	[tilespmem:s0+$0x58F0] =	vst.add.f32.msk $0xffff, v16  }
0x3e5: {  	[tilespmem:s0+$0x5900] =	vst.add.f32.msk $0xffff, v17  }
0x3e6: {  	[tilespmem:s0+$0x5910] =	vst.add.f32.msk $0xffff, v18  }
0x3e7: {  	[tilespmem:s0+$0x5920] =	vst.add.f32.msk $0xffff, v19  }
0x3e8: {  	[tilespmem:s0+$0x5930] =	vst.add.f32.msk $0xffff, v20  }
0x3e9: {  	[tilespmem:s0+$0x5940] =	vst.add.f32.msk $0xffff, v21  }
0x3ea: {  	[tilespmem:s0+$0x5950] =	vst.add.f32.msk $0xffff, v22  }
0x3eb: {  	[tilespmem:s0+$0x5960] =	vst.add.f32.msk $0xffff, v23  }
0x3ec: {  	[tilespmem:s0+$0x5970] =	vst.add.f32.msk $0xffff, v24  }
0x3ed: {  	[tilespmem:s0+$0x5980] =	vst.add.f32.msk $0xffff, v25  }
0x3ee: {  	[tilespmem:s0+$0x5990] =	vst.add.f32.msk $0xffff, v26  }
0x3ef: {  	[tilespmem:s0+$0x59A0] =	vst.add.f32.msk $0xffff, v27  }
0x3f0: {  	[tilespmem:s0+$0x59B0] =	vst.add.f32.msk $0xffff, v28  }
0x3f1: {  	[tilespmem:s0+$0x59C0] =	vst.add.f32.msk $0xffff, v29  }
0x3f2: {  	s6 =	simm.s32 $0x800;
	s5 =	simm.s32 $0x0;
	[tilespmem:s0+$0x59D0] =	vst.add.f32.msk $0xffff, v30  }
.LBB2_14:
0x3f3: {  	s5 =	sadd.s32 $0x4, s5;
	[tilespmem:s0+$0x59E0] =	vst.add.f32.msk $0xffff, v0;
	s0 =	sshra.s32 s6, $0x2  }
0x3f4: {  	v0 =	vld [tilespmem:s0+$0xA9F0];
	p1 =	slt.u32 s5, $0x4C  }
0x3f5: {  	v1 =	vld [tilespmem:s0+$0xA800]  }
0x3f6: {  	v2 =	vld [tilespmem:s0+$0xA810]  }
0x3f7: {  	v3 =	vld [tilespmem:s0+$0xA820]  }
0x3f8: {  	v4 =	vld [tilespmem:s0+$0xA830]  }
0x3f9: {  	[tilespmem:s0+$0x59F0] =	vst.add.f32.msk $0xffff, v0  }
0x3fa: {  	v5 =	vld [tilespmem:s0+$0xA840]  }
0x3fb: {  	v6 =	vld [tilespmem:s0+$0xA850]  }
0x3fc: {  	v7 =	vld [tilespmem:s0+$0xA860]  }
0x3fd: {  	v8 =	vld [tilespmem:s0+$0xA870]  }
0x3fe: {  	v9 =	vld [tilespmem:s0+$0xA880]  }
0x3ff: {  	v10 =	vld [tilespmem:s0+$0xA890]  }
0x400: {  	v11 =	vld [tilespmem:s0+$0xA8A0]  }
0x401: {  	v12 =	vld [tilespmem:s0+$0xA8B0]  }
0x402: {  	v13 =	vld [tilespmem:s0+$0xA8C0]  }
0x403: {  	v14 =	vld [tilespmem:s0+$0xA8D0]  }
0x404: {  	v15 =	vld [tilespmem:s0+$0xA8E0]  }
0x405: {  	v16 =	vld [tilespmem:s0+$0xA8F0]  }
0x406: {  	v17 =	vld [tilespmem:s0+$0xA900]  }
0x407: {  	v18 =	vld [tilespmem:s0+$0xA910]  }
0x408: {  	v19 =	vld [tilespmem:s0+$0xA920]  }
0x409: {  	v20 =	vld [tilespmem:s0+$0xA930]  }
0x40a: {  	v21 =	vld [tilespmem:s0+$0xA940]  }
0x40b: {  	v22 =	vld [tilespmem:s0+$0xA950]  }
0x40c: {  	v23 =	vld [tilespmem:s0+$0xA960]  }
0x40d: {  	v24 =	vld [tilespmem:s0+$0xA970]  }
0x40e: {  	v25 =	vld [tilespmem:s0+$0xA980]  }
0x40f: {  	v26 =	vld [tilespmem:s0+$0xA990]  }
0x410: {  	v27 =	vld [tilespmem:s0+$0xA9A0]  }
0x411: {  	v28 =	vld [tilespmem:s0+$0xA9B0]  }
0x412: {  	v29 =	vld [tilespmem:s0+$0xA9C0]  }
0x413: {  	v30 =	vld [tilespmem:s0+$0xA9D0]  }
0x414: {  	v0 =	vld [tilespmem:s0+$0xA9E0]  }
0x415: {  	[tilespmem:s0+$0x5800] =	vst.add.f32.msk $0xffff, v1  }
0x416: {  	[tilespmem:s0+$0x5810] =	vst.add.f32.msk $0xffff, v2  }
0x417: {  	[tilespmem:s0+$0x5820] =	vst.add.f32.msk $0xffff, v3  }
0x418: {  	[tilespmem:s0+$0x5830] =	vst.add.f32.msk $0xffff, v4  }
0x419: {  	[tilespmem:s0+$0x5840] =	vst.add.f32.msk $0xffff, v5  }
0x41a: {  	[tilespmem:s0+$0x5850] =	vst.add.f32.msk $0xffff, v6  }
0x41b: {  	[tilespmem:s0+$0x5860] =	vst.add.f32.msk $0xffff, v7  }
0x41c: {  	[tilespmem:s0+$0x5870] =	vst.add.f32.msk $0xffff, v8  }
0x41d: {  	[tilespmem:s0+$0x5880] =	vst.add.f32.msk $0xffff, v9  }
0x41e: {  	[tilespmem:s0+$0x5890] =	vst.add.f32.msk $0xffff, v10  }
0x41f: {  	[tilespmem:s0+$0x58A0] =	vst.add.f32.msk $0xffff, v11  }
0x420: {  	[tilespmem:s0+$0x58B0] =	vst.add.f32.msk $0xffff, v12  }
0x421: {  	[tilespmem:s0+$0x58C0] =	vst.add.f32.msk $0xffff, v13  }
0x422: {  	[tilespmem:s0+$0x58D0] =	vst.add.f32.msk $0xffff, v14  }
0x423: {  	[tilespmem:s0+$0x58E0] =	vst.add.f32.msk $0xffff, v15  }
0x424: {  	[tilespmem:s0+$0x58F0] =	vst.add.f32.msk $0xffff, v16  }
0x425: {  	[tilespmem:s0+$0x5900] =	vst.add.f32.msk $0xffff, v17  }
0x426: {  	[tilespmem:s0+$0x5910] =	vst.add.f32.msk $0xffff, v18  }
0x427: {  	[tilespmem:s0+$0x5920] =	vst.add.f32.msk $0xffff, v19  }
0x428: {  	[tilespmem:s0+$0x5930] =	vst.add.f32.msk $0xffff, v20  }
0x429: {  	[tilespmem:s0+$0x5940] =	vst.add.f32.msk $0xffff, v21  }
0x42a: {  	[tilespmem:s0+$0x5950] =	vst.add.f32.msk $0xffff, v22  }
0x42b: {  	[tilespmem:s0+$0x5960] =	vst.add.f32.msk $0xffff, v23  }
0x42c: {  	[tilespmem:s0+$0x5970] =	vst.add.f32.msk $0xffff, v24  }
0x42d: {  	[tilespmem:s0+$0x5980] =	vst.add.f32.msk $0xffff, v25  }
.Ltmp8:
0x42e: {  	[tilespmem:s0+$0x5990] =	vst.add.f32.msk $0xffff, v26;
	(pc) =	sbr.rel @p1 .LBB2_14-.Ltmp8, $4  }
0x42f: {  	[tilespmem:s0+$0x59A0] =	vst.add.f32.msk $0xffff, v27  }
0x430: {  	[tilespmem:s0+$0x59B0] =	vst.add.f32.msk $0xffff, v28  }
0x431: {  	[tilespmem:s0+$0x59C0] =	vst.add.f32.msk $0xffff, v29  }
0x432: {  	s6 =	sadd.s32 $0x800, s6;
	[tilespmem:s0+$0x59D0] =	vst.add.f32.msk $0xffff, v30  }
0x433: {  	[tilespmem:s0+$0x59E0] =	vst.add.f32.msk $0xffff, v0  }
0x434: {  	_ =	swait.ge [sflag:s15], $0x2800  }
0x435: {  	[sflag:s15] =	ssyncset.done $0x0  }
0x436: {  	s5 =	simm.s32 $0x1;
	[sflag:s15] =	ssyncadd.s32 $0xFFFFD800  }
0x437: {  	_ =	swait.ge [sflag:s5], $0x200  }
0x438: {  	[sflag:s5] =	ssyncset.done $0x0  }
0x439: {  	s6 =	simm.s32 $0x3;
	[sflag:s5] =	ssyncadd.s32 $0xFFFFFE00  }
0x43a: {  	_ =	swait.ge [sflag:s6], $0x200  }
0x43b: {  	[sflag:s6] =	ssyncset.done $0x0  }
0x43c: {  	s17 =	simm.s32 $0x0;
	[sflag:s6] =	ssyncadd.s32 $0xFFFFFE00  }
0x43d: {  	[tilespmem:s20], [sflag:$0x5] =	stream.indirect.gather [spmem:s2], $0x80, s17, s19, $0xb8;
	[tilespmem:$0x19868] =	vst v63  }
0x43e: {  	_ = 	snop  }
0x43f: {  	[tilespmem:s21], [sflag:$0x9] =	stream.indirect.gather [spmem:s3], $0x80, s10, s19, $0xb8;
	[tilespmem:$0x19868] =	vst v63  }
0x440: {  	s5 =	rddreg [dreg:$0x19]  }
0x441: {  	[hbm4b:s5+s17] =	stream.linear.scatter [tilespmem:s13], [sflag:$0xD], $0x2800, $0x38;
	[tilespmem:$0x19868] =	vst v63  }
0x442: {  	_ =	swait.ge [sflag:s7], $0x2800  }
0x443: {  	[sflag:s7] =	ssyncset.done $0x0  }
0x444: {  	[sflag:s7] =	ssyncadd.s32 $0xFFFFD800  }
0x445: {  	_ =	swait.ge [sflag:s22], $0x2800  }
0x446: {  	[sflag:s22] =	ssyncset.done $0x0  }
0x447: {  	s0 =	simm.s32 $0x0;
	[sflag:s22] =	ssyncadd.s32 $0xFFFFD800  }
0x448: {  	v0 =	vld [tilespmem:s0+$0xD1F0]  }
0x449: {  	v1 =	vld [tilespmem:s0+$0xD000]  }
0x44a: {  	v2 =	vld [tilespmem:s0+$0xD010]  }
0x44b: {  	v3 =	vld [tilespmem:s0+$0xD020]  }
0x44c: {  	v4 =	vld [tilespmem:s0+$0xD030]  }
0x44d: {  	v5 =	vld [tilespmem:s0+$0xD040]  }
0x44e: {  	v6 =	vld [tilespmem:s0+$0xD050]  }
0x44f: {  	v7 =	vld [tilespmem:s0+$0xD060]  }
0x450: {  	v8 =	vld [tilespmem:s0+$0xD070]  }
0x451: {  	v9 =	vld [tilespmem:s0+$0xD080]  }
0x452: {  	v10 =	vld [tilespmem:s0+$0xD090]  }
0x453: {  	v11 =	vld [tilespmem:s0+$0xD0A0]  }
0x454: {  	v12 =	vld [tilespmem:s0+$0xD0B0]  }
0x455: {  	v13 =	vld [tilespmem:s0+$0xD0C0]  }
0x456: {  	v14 =	vld [tilespmem:s0+$0xD0D0]  }
0x457: {  	v15 =	vld [tilespmem:s0+$0xD0E0]  }
0x458: {  	v16 =	vld [tilespmem:s0+$0xD0F0]  }
0x459: {  	v17 =	vld [tilespmem:s0+$0xD100]  }
0x45a: {  	v18 =	vld [tilespmem:s0+$0xD110]  }
0x45b: {  	v19 =	vld [tilespmem:s0+$0xD120]  }
0x45c: {  	v20 =	vld [tilespmem:s0+$0xD130]  }
0x45d: {  	v21 =	vld [tilespmem:s0+$0xD140]  }
0x45e: {  	v22 =	vld [tilespmem:s0+$0xD150]  }
0x45f: {  	v23 =	vld [tilespmem:s0+$0xD160]  }
0x460: {  	v24 =	vld [tilespmem:s0+$0xD170]  }
0x461: {  	v25 =	vld [tilespmem:s0+$0xD180]  }
0x462: {  	v26 =	vld [tilespmem:s0+$0xD190]  }
0x463: {  	v27 =	vld [tilespmem:s0+$0xD1A0]  }
0x464: {  	v28 =	vld [tilespmem:s0+$0xD1B0]  }
0x465: {  	v29 =	vld [tilespmem:s0+$0xD1C0]  }
0x466: {  	v30 =	vld [tilespmem:s0+$0xD1D0]  }
0x467: {  	[tilespmem:s0+$0x81F0] =	vst.add.f32.msk $0xffff, v0  }
0x468: {  	v0 =	vld [tilespmem:s0+$0xD1E0]  }
0x469: {  	[tilespmem:s0+$0x8000] =	vst.add.f32.msk $0xffff, v1  }
0x46a: {  	[tilespmem:s0+$0x8010] =	vst.add.f32.msk $0xffff, v2  }
0x46b: {  	[tilespmem:s0+$0x8020] =	vst.add.f32.msk $0xffff, v3  }
0x46c: {  	[tilespmem:s0+$0x8030] =	vst.add.f32.msk $0xffff, v4  }
0x46d: {  	[tilespmem:s0+$0x8040] =	vst.add.f32.msk $0xffff, v5  }
0x46e: {  	[tilespmem:s0+$0x8050] =	vst.add.f32.msk $0xffff, v6  }
0x46f: {  	[tilespmem:s0+$0x8060] =	vst.add.f32.msk $0xffff, v7  }
0x470: {  	[tilespmem:s0+$0x8070] =	vst.add.f32.msk $0xffff, v8  }
0x471: {  	[tilespmem:s0+$0x8080] =	vst.add.f32.msk $0xffff, v9  }
0x472: {  	[tilespmem:s0+$0x8090] =	vst.add.f32.msk $0xffff, v10  }
0x473: {  	[tilespmem:s0+$0x80A0] =	vst.add.f32.msk $0xffff, v11  }
0x474: {  	[tilespmem:s0+$0x80B0] =	vst.add.f32.msk $0xffff, v12  }
0x475: {  	[tilespmem:s0+$0x80C0] =	vst.add.f32.msk $0xffff, v13  }
0x476: {  	[tilespmem:s0+$0x80D0] =	vst.add.f32.msk $0xffff, v14  }
0x477: {  	[tilespmem:s0+$0x80E0] =	vst.add.f32.msk $0xffff, v15  }
0x478: {  	[tilespmem:s0+$0x80F0] =	vst.add.f32.msk $0xffff, v16  }
0x479: {  	[tilespmem:s0+$0x8100] =	vst.add.f32.msk $0xffff, v17  }
0x47a: {  	[tilespmem:s0+$0x8110] =	vst.add.f32.msk $0xffff, v18  }
0x47b: {  	[tilespmem:s0+$0x8120] =	vst.add.f32.msk $0xffff, v19  }
0x47c: {  	[tilespmem:s0+$0x8130] =	vst.add.f32.msk $0xffff, v20  }
0x47d: {  	[tilespmem:s0+$0x8140] =	vst.add.f32.msk $0xffff, v21  }
0x47e: {  	[tilespmem:s0+$0x8150] =	vst.add.f32.msk $0xffff, v22  }
0x47f: {  	[tilespmem:s0+$0x8160] =	vst.add.f32.msk $0xffff, v23  }
0x480: {  	[tilespmem:s0+$0x8170] =	vst.add.f32.msk $0xffff, v24  }
0x481: {  	[tilespmem:s0+$0x8180] =	vst.add.f32.msk $0xffff, v25  }
0x482: {  	[tilespmem:s0+$0x8190] =	vst.add.f32.msk $0xffff, v26  }
0x483: {  	[tilespmem:s0+$0x81A0] =	vst.add.f32.msk $0xffff, v27  }
0x484: {  	[tilespmem:s0+$0x81B0] =	vst.add.f32.msk $0xffff, v28  }
0x485: {  	[tilespmem:s0+$0x81C0] =	vst.add.f32.msk $0xffff, v29  }
0x486: {  	s6 =	simm.s32 $0x800;
	s5 =	simm.s32 $0x0;
	[tilespmem:s0+$0x81D0] =	vst.add.f32.msk $0xffff, v30  }
.LBB2_16:
0x487: {  	s5 =	sadd.s32 $0x4, s5;
	[tilespmem:s0+$0x81E0] =	vst.add.f32.msk $0xffff, v0;
	s0 =	sshra.s32 s6, $0x2  }
0x488: {  	v0 =	vld [tilespmem:s0+$0xD1F0];
	p1 =	slt.u32 s5, $0x4C  }
0x489: {  	v1 =	vld [tilespmem:s0+$0xD000]  }
0x48a: {  	v2 =	vld [tilespmem:s0+$0xD010]  }
0x48b: {  	v3 =	vld [tilespmem:s0+$0xD020]  }
0x48c: {  	v4 =	vld [tilespmem:s0+$0xD030]  }
0x48d: {  	[tilespmem:s0+$0x81F0] =	vst.add.f32.msk $0xffff, v0  }
0x48e: {  	v5 =	vld [tilespmem:s0+$0xD040]  }
0x48f: {  	v6 =	vld [tilespmem:s0+$0xD050]  }
0x490: {  	v7 =	vld [tilespmem:s0+$0xD060]  }
0x491: {  	v8 =	vld [tilespmem:s0+$0xD070]  }
0x492: {  	v9 =	vld [tilespmem:s0+$0xD080]  }
0x493: {  	v10 =	vld [tilespmem:s0+$0xD090]  }
0x494: {  	v11 =	vld [tilespmem:s0+$0xD0A0]  }
0x495: {  	v12 =	vld [tilespmem:s0+$0xD0B0]  }
0x496: {  	v13 =	vld [tilespmem:s0+$0xD0C0]  }
0x497: {  	v14 =	vld [tilespmem:s0+$0xD0D0]  }
0x498: {  	v15 =	vld [tilespmem:s0+$0xD0E0]  }
0x499: {  	v16 =	vld [tilespmem:s0+$0xD0F0]  }
0x49a: {  	v17 =	vld [tilespmem:s0+$0xD100]  }
0x49b: {  	v18 =	vld [tilespmem:s0+$0xD110]  }
0x49c: {  	v19 =	vld [tilespmem:s0+$0xD120]  }
0x49d: {  	v20 =	vld [tilespmem:s0+$0xD130]  }
0x49e: {  	v21 =	vld [tilespmem:s0+$0xD140]  }
0x49f: {  	v22 =	vld [tilespmem:s0+$0xD150]  }
0x4a0: {  	v23 =	vld [tilespmem:s0+$0xD160]  }
0x4a1: {  	v24 =	vld [tilespmem:s0+$0xD170]  }
0x4a2: {  	v25 =	vld [tilespmem:s0+$0xD180]  }
0x4a3: {  	v26 =	vld [tilespmem:s0+$0xD190]  }
0x4a4: {  	v27 =	vld [tilespmem:s0+$0xD1A0]  }
0x4a5: {  	v28 =	vld [tilespmem:s0+$0xD1B0]  }
0x4a6: {  	v29 =	vld [tilespmem:s0+$0xD1C0]  }
0x4a7: {  	v30 =	vld [tilespmem:s0+$0xD1D0]  }
0x4a8: {  	v0 =	vld [tilespmem:s0+$0xD1E0]  }
0x4a9: {  	[tilespmem:s0+$0x8000] =	vst.add.f32.msk $0xffff, v1  }
0x4aa: {  	[tilespmem:s0+$0x8010] =	vst.add.f32.msk $0xffff, v2  }
0x4ab: {  	[tilespmem:s0+$0x8020] =	vst.add.f32.msk $0xffff, v3  }
0x4ac: {  	[tilespmem:s0+$0x8030] =	vst.add.f32.msk $0xffff, v4  }
0x4ad: {  	[tilespmem:s0+$0x8040] =	vst.add.f32.msk $0xffff, v5  }
0x4ae: {  	[tilespmem:s0+$0x8050] =	vst.add.f32.msk $0xffff, v6  }
0x4af: {  	[tilespmem:s0+$0x8060] =	vst.add.f32.msk $0xffff, v7  }
0x4b0: {  	[tilespmem:s0+$0x8070] =	vst.add.f32.msk $0xffff, v8  }
0x4b1: {  	[tilespmem:s0+$0x8080] =	vst.add.f32.msk $0xffff, v9  }
0x4b2: {  	[tilespmem:s0+$0x8090] =	vst.add.f32.msk $0xffff, v10  }
0x4b3: {  	[tilespmem:s0+$0x80A0] =	vst.add.f32.msk $0xffff, v11  }
0x4b4: {  	[tilespmem:s0+$0x80B0] =	vst.add.f32.msk $0xffff, v12  }
0x4b5: {  	[tilespmem:s0+$0x80C0] =	vst.add.f32.msk $0xffff, v13  }
0x4b6: {  	[tilespmem:s0+$0x80D0] =	vst.add.f32.msk $0xffff, v14  }
0x4b7: {  	[tilespmem:s0+$0x80E0] =	vst.add.f32.msk $0xffff, v15  }
0x4b8: {  	[tilespmem:s0+$0x80F0] =	vst.add.f32.msk $0xffff, v16  }
0x4b9: {  	[tilespmem:s0+$0x8100] =	vst.add.f32.msk $0xffff, v17  }
0x4ba: {  	[tilespmem:s0+$0x8110] =	vst.add.f32.msk $0xffff, v18  }
0x4bb: {  	[tilespmem:s0+$0x8120] =	vst.add.f32.msk $0xffff, v19  }
0x4bc: {  	[tilespmem:s0+$0x8130] =	vst.add.f32.msk $0xffff, v20  }
0x4bd: {  	[tilespmem:s0+$0x8140] =	vst.add.f32.msk $0xffff, v21  }
0x4be: {  	[tilespmem:s0+$0x8150] =	vst.add.f32.msk $0xffff, v22  }
0x4bf: {  	[tilespmem:s0+$0x8160] =	vst.add.f32.msk $0xffff, v23  }
0x4c0: {  	[tilespmem:s0+$0x8170] =	vst.add.f32.msk $0xffff, v24  }
0x4c1: {  	[tilespmem:s0+$0x8180] =	vst.add.f32.msk $0xffff, v25  }
.Ltmp9:
0x4c2: {  	[tilespmem:s0+$0x8190] =	vst.add.f32.msk $0xffff, v26;
	(pc) =	sbr.rel @p1 .LBB2_16-.Ltmp9, $4  }
0x4c3: {  	[tilespmem:s0+$0x81A0] =	vst.add.f32.msk $0xffff, v27  }
0x4c4: {  	[tilespmem:s0+$0x81B0] =	vst.add.f32.msk $0xffff, v28  }
0x4c5: {  	[tilespmem:s0+$0x81C0] =	vst.add.f32.msk $0xffff, v29  }
0x4c6: {  	s6 =	sadd.s32 $0x800, s6;
	[tilespmem:s0+$0x81D0] =	vst.add.f32.msk $0xffff, v30  }
0x4c7: {  	[tilespmem:s0+$0x81E0] =	vst.add.f32.msk $0xffff, v0  }
0x4c8: {  	_ =	swait.ge [sflag:s23], $0x2800  }
0x4c9: {  	[sflag:s23] =	ssyncset.done $0x0  }
0x4ca: {  	s17 =	simm.s32 $0x80;
	[sflag:s23] =	ssyncadd.s32 $0xFFFFD800  }
0x4cb: {  	[tilespmem:s25], [sflag:$0x6] =	stream.indirect.gather [spmem:s2], $0x80, s17, s19, $0xb8;
	[tilespmem:$0x19868] =	vst v63  }
0x4cc: {  	s5 =	simm.s32 $0x480  }
0x4cd: {  	[tilespmem:s28], [sflag:$0xA] =	stream.indirect.gather [spmem:s3], $0x80, s5, s19, $0xb8;
	[tilespmem:$0x19868] =	vst v63  }
0x4ce: {  	s6 =	rddreg [dreg:$0x1a]  }
0x4cf: {  	[hbm4b:s6+s4] =	stream.linear.scatter [tilespmem:s14], [sflag:$0xE], $0x2800, $0x38;
	[tilespmem:$0x19868] =	vst v63  }
0x4d0: {  	s10 =	rddreg [dreg:$0x13]  }
0x4d1: {  	[tilespmem:s18], [sflag:$0x2] =	stream.linear.gather [hbm4b:s10+s4], $0x200, $0x38;
	[tilespmem:$0x19868] =	vst v63  }
0x4d2: {  	s0 =	simm.s32 $0x1;
	s17 =	rddreg [dreg:$0x14];
	s5 =	simm.s32 $0x600  }
0x4d3: {  	[tilespmem:s5], [sflag:$0x4] =	stream.linear.gather [hbm4b:s17+s4], $0x200, $0x38;
	[tilespmem:$0x19868] =	vst v63  }
.LBB2_18:
0x4d4: {  	_ =	swait.ge [sflag:s29], $0x2800  }
0x4d5: {  	[sflag:s29] =	ssyncset.done $0x0  }
0x4d6: {  	[sflag:s29] =	ssyncadd.s32 $0xFFFFD800  }
0x4d7: {  	_ =	swait.ge [sflag:s12], $0x2800  }
0x4d8: {  	[sflag:s12] =	ssyncset.done $0x0  }
0x4d9: {  	s5 =	simm.s32 $0x0;
	[sflag:s12] =	ssyncadd.s32 $0xFFFFD800  }
0x4da: {  	v0 =	vld [tilespmem:s5+$0xA9F0]  }
0x4db: {  	v1 =	vld [tilespmem:s5+$0xA800]  }
0x4dc: {  	v2 =	vld [tilespmem:s5+$0xA810]  }
0x4dd: {  	v3 =	vld [tilespmem:s5+$0xA820]  }
0x4de: {  	v4 =	vld [tilespmem:s5+$0xA830]  }
0x4df: {  	v5 =	vld [tilespmem:s5+$0xA840]  }
0x4e0: {  	v6 =	vld [tilespmem:s5+$0xA850]  }
0x4e1: {  	v7 =	vld [tilespmem:s5+$0xA860]  }
0x4e2: {  	v8 =	vld [tilespmem:s5+$0xA870]  }
0x4e3: {  	v9 =	vld [tilespmem:s5+$0xA880]  }
0x4e4: {  	v10 =	vld [tilespmem:s5+$0xA890]  }
0x4e5: {  	v11 =	vld [tilespmem:s5+$0xA8A0]  }
0x4e6: {  	v12 =	vld [tilespmem:s5+$0xA8B0]  }
0x4e7: {  	v13 =	vld [tilespmem:s5+$0xA8C0]  }
0x4e8: {  	v14 =	vld [tilespmem:s5+$0xA8D0]  }
0x4e9: {  	v15 =	vld [tilespmem:s5+$0xA8E0]  }
0x4ea: {  	v16 =	vld [tilespmem:s5+$0xA8F0]  }
0x4eb: {  	v17 =	vld [tilespmem:s5+$0xA900]  }
0x4ec: {  	v18 =	vld [tilespmem:s5+$0xA910]  }
0x4ed: {  	v19 =	vld [tilespmem:s5+$0xA920]  }
0x4ee: {  	v20 =	vld [tilespmem:s5+$0xA930]  }
0x4ef: {  	v21 =	vld [tilespmem:s5+$0xA940]  }
0x4f0: {  	v22 =	vld [tilespmem:s5+$0xA950]  }
0x4f1: {  	v23 =	vld [tilespmem:s5+$0xA960]  }
0x4f2: {  	v24 =	vld [tilespmem:s5+$0xA970]  }
0x4f3: {  	v25 =	vld [tilespmem:s5+$0xA980]  }
0x4f4: {  	v26 =	vld [tilespmem:s5+$0xA990]  }
0x4f5: {  	v27 =	vld [tilespmem:s5+$0xA9A0]  }
0x4f6: {  	v28 =	vld [tilespmem:s5+$0xA9B0]  }
0x4f7: {  	v29 =	vld [tilespmem:s5+$0xA9C0]  }
0x4f8: {  	v30 =	vld [tilespmem:s5+$0xA9D0]  }
0x4f9: {  	[tilespmem:s5+$0x9F0] =	vst.add.f32.msk $0xffff, v0  }
0x4fa: {  	v0 =	vld [tilespmem:s5+$0xA9E0]  }
0x4fb: {  	[tilespmem:s5+$0x800] =	vst.add.f32.msk $0xffff, v1  }
0x4fc: {  	[tilespmem:s5+$0x810] =	vst.add.f32.msk $0xffff, v2  }
0x4fd: {  	[tilespmem:s5+$0x820] =	vst.add.f32.msk $0xffff, v3  }
0x4fe: {  	[tilespmem:s5+$0x830] =	vst.add.f32.msk $0xffff, v4  }
0x4ff: {  	[tilespmem:s5+$0x840] =	vst.add.f32.msk $0xffff, v5  }
0x500: {  	[tilespmem:s5+$0x850] =	vst.add.f32.msk $0xffff, v6  }
0x501: {  	[tilespmem:s5+$0x860] =	vst.add.f32.msk $0xffff, v7  }
0x502: {  	[tilespmem:s5+$0x870] =	vst.add.f32.msk $0xffff, v8  }
0x503: {  	[tilespmem:s5+$0x880] =	vst.add.f32.msk $0xffff, v9  }
0x504: {  	[tilespmem:s5+$0x890] =	vst.add.f32.msk $0xffff, v10  }
0x505: {  	[tilespmem:s5+$0x8A0] =	vst.add.f32.msk $0xffff, v11  }
0x506: {  	[tilespmem:s5+$0x8B0] =	vst.add.f32.msk $0xffff, v12  }
0x507: {  	[tilespmem:s5+$0x8C0] =	vst.add.f32.msk $0xffff, v13  }
0x508: {  	[tilespmem:s5+$0x8D0] =	vst.add.f32.msk $0xffff, v14  }
0x509: {  	[tilespmem:s5+$0x8E0] =	vst.add.f32.msk $0xffff, v15  }
0x50a: {  	[tilespmem:s5+$0x8F0] =	vst.add.f32.msk $0xffff, v16  }
0x50b: {  	[tilespmem:s5+$0x900] =	vst.add.f32.msk $0xffff, v17  }
0x50c: {  	[tilespmem:s5+$0x910] =	vst.add.f32.msk $0xffff, v18  }
0x50d: {  	[tilespmem:s5+$0x920] =	vst.add.f32.msk $0xffff, v19  }
0x50e: {  	[tilespmem:s5+$0x930] =	vst.add.f32.msk $0xffff, v20  }
0x50f: {  	[tilespmem:s5+$0x940] =	vst.add.f32.msk $0xffff, v21  }
0x510: {  	[tilespmem:s5+$0x950] =	vst.add.f32.msk $0xffff, v22  }
0x511: {  	[tilespmem:s5+$0x960] =	vst.add.f32.msk $0xffff, v23  }
0x512: {  	[tilespmem:s5+$0x970] =	vst.add.f32.msk $0xffff, v24  }
0x513: {  	[tilespmem:s5+$0x980] =	vst.add.f32.msk $0xffff, v25  }
0x514: {  	[tilespmem:s5+$0x990] =	vst.add.f32.msk $0xffff, v26  }
0x515: {  	[tilespmem:s5+$0x9A0] =	vst.add.f32.msk $0xffff, v27  }
0x516: {  	[tilespmem:s5+$0x9B0] =	vst.add.f32.msk $0xffff, v28  }
0x517: {  	[tilespmem:s5+$0x9C0] =	vst.add.f32.msk $0xffff, v29  }
0x518: {  	s6 =	simm.s32 $0x0;
	s10 =	simm.s32 $0x800;
	[tilespmem:s5+$0x9D0] =	vst.add.f32.msk $0xffff, v30  }
.LBB2_19:
0x519: {  	s6 =	sadd.s32 $0x4, s6;
	[tilespmem:s5+$0x9E0] =	vst.add.f32.msk $0xffff, v0;
	s5 =	sshra.s32 s10, $0x2  }
0x51a: {  	v0 =	vld [tilespmem:s5+$0xA9F0];
	p1 =	slt.u32 s6, $0x4C  }
0x51b: {  	v1 =	vld [tilespmem:s5+$0xA800]  }
0x51c: {  	v2 =	vld [tilespmem:s5+$0xA810]  }
0x51d: {  	v3 =	vld [tilespmem:s5+$0xA820]  }
0x51e: {  	v4 =	vld [tilespmem:s5+$0xA830]  }
0x51f: {  	[tilespmem:s5+$0x9F0] =	vst.add.f32.msk $0xffff, v0  }
0x520: {  	v5 =	vld [tilespmem:s5+$0xA840]  }
0x521: {  	v6 =	vld [tilespmem:s5+$0xA850]  }
0x522: {  	v7 =	vld [tilespmem:s5+$0xA860]  }
0x523: {  	v8 =	vld [tilespmem:s5+$0xA870]  }
0x524: {  	v9 =	vld [tilespmem:s5+$0xA880]  }
0x525: {  	v10 =	vld [tilespmem:s5+$0xA890]  }
0x526: {  	v11 =	vld [tilespmem:s5+$0xA8A0]  }
0x527: {  	v12 =	vld [tilespmem:s5+$0xA8B0]  }
0x528: {  	v13 =	vld [tilespmem:s5+$0xA8C0]  }
0x529: {  	v14 =	vld [tilespmem:s5+$0xA8D0]  }
0x52a: {  	v15 =	vld [tilespmem:s5+$0xA8E0]  }
0x52b: {  	v16 =	vld [tilespmem:s5+$0xA8F0]  }
0x52c: {  	v17 =	vld [tilespmem:s5+$0xA900]  }
0x52d: {  	v18 =	vld [tilespmem:s5+$0xA910]  }
0x52e: {  	v19 =	vld [tilespmem:s5+$0xA920]  }
0x52f: {  	v20 =	vld [tilespmem:s5+$0xA930]  }
0x530: {  	v21 =	vld [tilespmem:s5+$0xA940]  }
0x531: {  	v22 =	vld [tilespmem:s5+$0xA950]  }
0x532: {  	v23 =	vld [tilespmem:s5+$0xA960]  }
0x533: {  	v24 =	vld [tilespmem:s5+$0xA970]  }
0x534: {  	v25 =	vld [tilespmem:s5+$0xA980]  }
0x535: {  	v26 =	vld [tilespmem:s5+$0xA990]  }
0x536: {  	v27 =	vld [tilespmem:s5+$0xA9A0]  }
0x537: {  	v28 =	vld [tilespmem:s5+$0xA9B0]  }
0x538: {  	v29 =	vld [tilespmem:s5+$0xA9C0]  }
0x539: {  	v30 =	vld [tilespmem:s5+$0xA9D0]  }
0x53a: {  	v0 =	vld [tilespmem:s5+$0xA9E0]  }
0x53b: {  	[tilespmem:s5+$0x800] =	vst.add.f32.msk $0xffff, v1  }
0x53c: {  	[tilespmem:s5+$0x810] =	vst.add.f32.msk $0xffff, v2  }
0x53d: {  	[tilespmem:s5+$0x820] =	vst.add.f32.msk $0xffff, v3  }
0x53e: {  	[tilespmem:s5+$0x830] =	vst.add.f32.msk $0xffff, v4  }
0x53f: {  	[tilespmem:s5+$0x840] =	vst.add.f32.msk $0xffff, v5  }
0x540: {  	[tilespmem:s5+$0x850] =	vst.add.f32.msk $0xffff, v6  }
0x541: {  	[tilespmem:s5+$0x860] =	vst.add.f32.msk $0xffff, v7  }
0x542: {  	[tilespmem:s5+$0x870] =	vst.add.f32.msk $0xffff, v8  }
0x543: {  	[tilespmem:s5+$0x880] =	vst.add.f32.msk $0xffff, v9  }
0x544: {  	[tilespmem:s5+$0x890] =	vst.add.f32.msk $0xffff, v10  }
0x545: {  	[tilespmem:s5+$0x8A0] =	vst.add.f32.msk $0xffff, v11  }
0x546: {  	[tilespmem:s5+$0x8B0] =	vst.add.f32.msk $0xffff, v12  }
0x547: {  	[tilespmem:s5+$0x8C0] =	vst.add.f32.msk $0xffff, v13  }
0x548: {  	[tilespmem:s5+$0x8D0] =	vst.add.f32.msk $0xffff, v14  }
0x549: {  	[tilespmem:s5+$0x8E0] =	vst.add.f32.msk $0xffff, v15  }
0x54a: {  	[tilespmem:s5+$0x8F0] =	vst.add.f32.msk $0xffff, v16  }
0x54b: {  	[tilespmem:s5+$0x900] =	vst.add.f32.msk $0xffff, v17  }
0x54c: {  	[tilespmem:s5+$0x910] =	vst.add.f32.msk $0xffff, v18  }
0x54d: {  	[tilespmem:s5+$0x920] =	vst.add.f32.msk $0xffff, v19  }
0x54e: {  	[tilespmem:s5+$0x930] =	vst.add.f32.msk $0xffff, v20  }
0x54f: {  	[tilespmem:s5+$0x940] =	vst.add.f32.msk $0xffff, v21  }
0x550: {  	[tilespmem:s5+$0x950] =	vst.add.f32.msk $0xffff, v22  }
0x551: {  	[tilespmem:s5+$0x960] =	vst.add.f32.msk $0xffff, v23  }
0x552: {  	[tilespmem:s5+$0x970] =	vst.add.f32.msk $0xffff, v24  }
0x553: {  	[tilespmem:s5+$0x980] =	vst.add.f32.msk $0xffff, v25  }
.Ltmp10:
0x554: {  	[tilespmem:s5+$0x990] =	vst.add.f32.msk $0xffff, v26;
	(pc) =	sbr.rel @p1 .LBB2_19-.Ltmp10, $4  }
0x555: {  	[tilespmem:s5+$0x9A0] =	vst.add.f32.msk $0xffff, v27  }
0x556: {  	[tilespmem:s5+$0x9B0] =	vst.add.f32.msk $0xffff, v28  }
0x557: {  	[tilespmem:s5+$0x9C0] =	vst.add.f32.msk $0xffff, v29  }
0x558: {  	s10 =	sadd.s32 $0x800, s10;
	[tilespmem:s5+$0x9D0] =	vst.add.f32.msk $0xffff, v30  }
0x559: {  	[tilespmem:s5+$0x9E0] =	vst.add.f32.msk $0xffff, v0  }
0x55a: {  	_ =	swait.ge [sflag:s30], $0x2800  }
0x55b: {  	[sflag:s30] =	ssyncset.done $0x0  }
0x55c: {  	s10 =	simm.s32 $0x100;
	[sflag:s30] =	ssyncadd.s32 $0xFFFFD800  }
0x55d: {  	[tilespmem:s13], [sflag:$0x7] =	stream.indirect.gather [spmem:s2], $0x80, s10, s19, $0xb8;
	[tilespmem:$0x19868] =	vst v63  }
0x55e: {  	s5 =	smul.u32 $0x280, s0;
	s6 =	simm.s32 $0x500;
	s17 =	rddreg [dreg:$0x7]  }
0x55f: {  	[tilespmem:s21], [sflag:$0x9] =	stream.indirect.gather [spmem:s3], $0x80, s6, s19, $0xb8;
	[tilespmem:$0x19868] =	vst v63  }
0x560: {  	s6 =	sadd.s32 s17, s5  }
0x561: {  	s6 =	sshll.u32 s6, $0x4  }
0x562: {  	s10 =	simm.s32 $0x0;
	s6 =	sadd.s32 s1, s6  }
0x563: {  	[hbm4b:s6+s10] =	stream.linear.scatter [tilespmem:s20], [sflag:$0xB], $0x2800, $0x38;
	[tilespmem:$0x19868] =	vst v63  }
0x564: {  	_ =	swait.ge [sflag:s16], $0x2800  }
0x565: {  	[sflag:s16] =	ssyncset.done $0x0  }
0x566: {  	[sflag:s16] =	ssyncadd.s32 $0xFFFFD800  }
0x567: {  	_ =	swait.ge [sflag:s22], $0x2800  }
0x568: {  	[sflag:s22] =	ssyncset.done $0x0  }
0x569: {  	s6 =	simm.s32 $0x0;
	[sflag:s22] =	ssyncadd.s32 $0xFFFFD800  }
0x56a: {  	v0 =	vld [tilespmem:s6+$0xD1F0]  }
0x56b: {  	v1 =	vld [tilespmem:s6+$0xD000]  }
0x56c: {  	v2 =	vld [tilespmem:s6+$0xD010]  }
0x56d: {  	v3 =	vld [tilespmem:s6+$0xD020]  }
0x56e: {  	v4 =	vld [tilespmem:s6+$0xD030]  }
0x56f: {  	v5 =	vld [tilespmem:s6+$0xD040]  }
0x570: {  	v6 =	vld [tilespmem:s6+$0xD050]  }
0x571: {  	v7 =	vld [tilespmem:s6+$0xD060]  }
0x572: {  	v8 =	vld [tilespmem:s6+$0xD070]  }
0x573: {  	v9 =	vld [tilespmem:s6+$0xD080]  }
0x574: {  	v10 =	vld [tilespmem:s6+$0xD090]  }
0x575: {  	v11 =	vld [tilespmem:s6+$0xD0A0]  }
0x576: {  	v12 =	vld [tilespmem:s6+$0xD0B0]  }
0x577: {  	v13 =	vld [tilespmem:s6+$0xD0C0]  }
0x578: {  	v14 =	vld [tilespmem:s6+$0xD0D0]  }
0x579: {  	v15 =	vld [tilespmem:s6+$0xD0E0]  }
0x57a: {  	v16 =	vld [tilespmem:s6+$0xD0F0]  }
0x57b: {  	v17 =	vld [tilespmem:s6+$0xD100]  }
0x57c: {  	v18 =	vld [tilespmem:s6+$0xD110]  }
0x57d: {  	v19 =	vld [tilespmem:s6+$0xD120]  }
0x57e: {  	v20 =	vld [tilespmem:s6+$0xD130]  }
0x57f: {  	v21 =	vld [tilespmem:s6+$0xD140]  }
0x580: {  	v22 =	vld [tilespmem:s6+$0xD150]  }
0x581: {  	v23 =	vld [tilespmem:s6+$0xD160]  }
0x582: {  	v24 =	vld [tilespmem:s6+$0xD170]  }
0x583: {  	v25 =	vld [tilespmem:s6+$0xD180]  }
0x584: {  	v26 =	vld [tilespmem:s6+$0xD190]  }
0x585: {  	v27 =	vld [tilespmem:s6+$0xD1A0]  }
0x586: {  	v28 =	vld [tilespmem:s6+$0xD1B0]  }
0x587: {  	v29 =	vld [tilespmem:s6+$0xD1C0]  }
0x588: {  	v30 =	vld [tilespmem:s6+$0xD1D0]  }
0x589: {  	[tilespmem:s6+$0x31F0] =	vst.add.f32.msk $0xffff, v0  }
0x58a: {  	v0 =	vld [tilespmem:s6+$0xD1E0]  }
0x58b: {  	[tilespmem:s6+$0x3000] =	vst.add.f32.msk $0xffff, v1  }
0x58c: {  	[tilespmem:s6+$0x3010] =	vst.add.f32.msk $0xffff, v2  }
0x58d: {  	[tilespmem:s6+$0x3020] =	vst.add.f32.msk $0xffff, v3  }
0x58e: {  	[tilespmem:s6+$0x3030] =	vst.add.f32.msk $0xffff, v4  }
0x58f: {  	[tilespmem:s6+$0x3040] =	vst.add.f32.msk $0xffff, v5  }
0x590: {  	[tilespmem:s6+$0x3050] =	vst.add.f32.msk $0xffff, v6  }
0x591: {  	[tilespmem:s6+$0x3060] =	vst.add.f32.msk $0xffff, v7  }
0x592: {  	[tilespmem:s6+$0x3070] =	vst.add.f32.msk $0xffff, v8  }
0x593: {  	[tilespmem:s6+$0x3080] =	vst.add.f32.msk $0xffff, v9  }
0x594: {  	[tilespmem:s6+$0x3090] =	vst.add.f32.msk $0xffff, v10  }
0x595: {  	[tilespmem:s6+$0x30A0] =	vst.add.f32.msk $0xffff, v11  }
0x596: {  	[tilespmem:s6+$0x30B0] =	vst.add.f32.msk $0xffff, v12  }
0x597: {  	[tilespmem:s6+$0x30C0] =	vst.add.f32.msk $0xffff, v13  }
0x598: {  	[tilespmem:s6+$0x30D0] =	vst.add.f32.msk $0xffff, v14  }
0x599: {  	[tilespmem:s6+$0x30E0] =	vst.add.f32.msk $0xffff, v15  }
0x59a: {  	[tilespmem:s6+$0x30F0] =	vst.add.f32.msk $0xffff, v16  }
0x59b: {  	[tilespmem:s6+$0x3100] =	vst.add.f32.msk $0xffff, v17  }
0x59c: {  	[tilespmem:s6+$0x3110] =	vst.add.f32.msk $0xffff, v18  }
0x59d: {  	[tilespmem:s6+$0x3120] =	vst.add.f32.msk $0xffff, v19  }
0x59e: {  	[tilespmem:s6+$0x3130] =	vst.add.f32.msk $0xffff, v20  }
0x59f: {  	[tilespmem:s6+$0x3140] =	vst.add.f32.msk $0xffff, v21  }
0x5a0: {  	[tilespmem:s6+$0x3150] =	vst.add.f32.msk $0xffff, v22  }
0x5a1: {  	[tilespmem:s6+$0x3160] =	vst.add.f32.msk $0xffff, v23  }
0x5a2: {  	[tilespmem:s6+$0x3170] =	vst.add.f32.msk $0xffff, v24  }
0x5a3: {  	[tilespmem:s6+$0x3180] =	vst.add.f32.msk $0xffff, v25  }
0x5a4: {  	[tilespmem:s6+$0x3190] =	vst.add.f32.msk $0xffff, v26  }
0x5a5: {  	[tilespmem:s6+$0x31A0] =	vst.add.f32.msk $0xffff, v27  }
0x5a6: {  	[tilespmem:s6+$0x31B0] =	vst.add.f32.msk $0xffff, v28  }
0x5a7: {  	[tilespmem:s6+$0x31C0] =	vst.add.f32.msk $0xffff, v29  }
0x5a8: {  	s17 =	simm.s32 $0x800;
	s10 =	simm.s32 $0x0;
	[tilespmem:s6+$0x31D0] =	vst.add.f32.msk $0xffff, v30  }
.LBB2_21:
0x5a9: {  	s10 =	sadd.s32 $0x4, s10;
	[tilespmem:s6+$0x31E0] =	vst.add.f32.msk $0xffff, v0;
	s6 =	sshra.s32 s17, $0x2  }
0x5aa: {  	v0 =	vld [tilespmem:s6+$0xD1F0];
	p1 =	slt.u32 s10, $0x4C  }
0x5ab: {  	v1 =	vld [tilespmem:s6+$0xD000]  }
0x5ac: {  	v2 =	vld [tilespmem:s6+$0xD010]  }
0x5ad: {  	v3 =	vld [tilespmem:s6+$0xD020]  }
0x5ae: {  	v4 =	vld [tilespmem:s6+$0xD030]  }
0x5af: {  	[tilespmem:s6+$0x31F0] =	vst.add.f32.msk $0xffff, v0  }
0x5b0: {  	v5 =	vld [tilespmem:s6+$0xD040]  }
0x5b1: {  	v6 =	vld [tilespmem:s6+$0xD050]  }
0x5b2: {  	v7 =	vld [tilespmem:s6+$0xD060]  }
0x5b3: {  	v8 =	vld [tilespmem:s6+$0xD070]  }
0x5b4: {  	v9 =	vld [tilespmem:s6+$0xD080]  }
0x5b5: {  	v10 =	vld [tilespmem:s6+$0xD090]  }
0x5b6: {  	v11 =	vld [tilespmem:s6+$0xD0A0]  }
0x5b7: {  	v12 =	vld [tilespmem:s6+$0xD0B0]  }
0x5b8: {  	v13 =	vld [tilespmem:s6+$0xD0C0]  }
0x5b9: {  	v14 =	vld [tilespmem:s6+$0xD0D0]  }
0x5ba: {  	v15 =	vld [tilespmem:s6+$0xD0E0]  }
0x5bb: {  	v16 =	vld [tilespmem:s6+$0xD0F0]  }
0x5bc: {  	v17 =	vld [tilespmem:s6+$0xD100]  }
0x5bd: {  	v18 =	vld [tilespmem:s6+$0xD110]  }
0x5be: {  	v19 =	vld [tilespmem:s6+$0xD120]  }
0x5bf: {  	v20 =	vld [tilespmem:s6+$0xD130]  }
0x5c0: {  	v21 =	vld [tilespmem:s6+$0xD140]  }
0x5c1: {  	v22 =	vld [tilespmem:s6+$0xD150]  }
0x5c2: {  	v23 =	vld [tilespmem:s6+$0xD160]  }
0x5c3: {  	v24 =	vld [tilespmem:s6+$0xD170]  }
0x5c4: {  	v25 =	vld [tilespmem:s6+$0xD180]  }
0x5c5: {  	v26 =	vld [tilespmem:s6+$0xD190]  }
0x5c6: {  	v27 =	vld [tilespmem:s6+$0xD1A0]  }
0x5c7: {  	v28 =	vld [tilespmem:s6+$0xD1B0]  }
0x5c8: {  	v29 =	vld [tilespmem:s6+$0xD1C0]  }
0x5c9: {  	v30 =	vld [tilespmem:s6+$0xD1D0]  }
0x5ca: {  	v0 =	vld [tilespmem:s6+$0xD1E0]  }
0x5cb: {  	[tilespmem:s6+$0x3000] =	vst.add.f32.msk $0xffff, v1  }
0x5cc: {  	[tilespmem:s6+$0x3010] =	vst.add.f32.msk $0xffff, v2  }
0x5cd: {  	[tilespmem:s6+$0x3020] =	vst.add.f32.msk $0xffff, v3  }
0x5ce: {  	[tilespmem:s6+$0x3030] =	vst.add.f32.msk $0xffff, v4  }
0x5cf: {  	[tilespmem:s6+$0x3040] =	vst.add.f32.msk $0xffff, v5  }
0x5d0: {  	[tilespmem:s6+$0x3050] =	vst.add.f32.msk $0xffff, v6  }
0x5d1: {  	[tilespmem:s6+$0x3060] =	vst.add.f32.msk $0xffff, v7  }
0x5d2: {  	[tilespmem:s6+$0x3070] =	vst.add.f32.msk $0xffff, v8  }
0x5d3: {  	[tilespmem:s6+$0x3080] =	vst.add.f32.msk $0xffff, v9  }
0x5d4: {  	[tilespmem:s6+$0x3090] =	vst.add.f32.msk $0xffff, v10  }
0x5d5: {  	[tilespmem:s6+$0x30A0] =	vst.add.f32.msk $0xffff, v11  }
0x5d6: {  	[tilespmem:s6+$0x30B0] =	vst.add.f32.msk $0xffff, v12  }
0x5d7: {  	[tilespmem:s6+$0x30C0] =	vst.add.f32.msk $0xffff, v13  }
0x5d8: {  	[tilespmem:s6+$0x30D0] =	vst.add.f32.msk $0xffff, v14  }
0x5d9: {  	[tilespmem:s6+$0x30E0] =	vst.add.f32.msk $0xffff, v15  }
0x5da: {  	[tilespmem:s6+$0x30F0] =	vst.add.f32.msk $0xffff, v16  }
0x5db: {  	[tilespmem:s6+$0x3100] =	vst.add.f32.msk $0xffff, v17  }
0x5dc: {  	[tilespmem:s6+$0x3110] =	vst.add.f32.msk $0xffff, v18  }
0x5dd: {  	[tilespmem:s6+$0x3120] =	vst.add.f32.msk $0xffff, v19  }
0x5de: {  	[tilespmem:s6+$0x3130] =	vst.add.f32.msk $0xffff, v20  }
0x5df: {  	[tilespmem:s6+$0x3140] =	vst.add.f32.msk $0xffff, v21  }
0x5e0: {  	[tilespmem:s6+$0x3150] =	vst.add.f32.msk $0xffff, v22  }
0x5e1: {  	[tilespmem:s6+$0x3160] =	vst.add.f32.msk $0xffff, v23  }
0x5e2: {  	[tilespmem:s6+$0x3170] =	vst.add.f32.msk $0xffff, v24  }
0x5e3: {  	[tilespmem:s6+$0x3180] =	vst.add.f32.msk $0xffff, v25  }
.Ltmp11:
0x5e4: {  	[tilespmem:s6+$0x3190] =	vst.add.f32.msk $0xffff, v26;
	(pc) =	sbr.rel @p1 .LBB2_21-.Ltmp11, $4  }
0x5e5: {  	[tilespmem:s6+$0x31A0] =	vst.add.f32.msk $0xffff, v27  }
0x5e6: {  	[tilespmem:s6+$0x31B0] =	vst.add.f32.msk $0xffff, v28  }
0x5e7: {  	[tilespmem:s6+$0x31C0] =	vst.add.f32.msk $0xffff, v29  }
0x5e8: {  	s17 =	sadd.s32 $0x800, s17;
	[tilespmem:s6+$0x31D0] =	vst.add.f32.msk $0xffff, v30  }
0x5e9: {  	[tilespmem:s6+$0x31E0] =	vst.add.f32.msk $0xffff, v0  }
0x5ea: {  	_ =	swait.ge [sflag:s31], $0x2800  }
0x5eb: {  	[sflag:s31] =	ssyncset.done $0x0  }
0x5ec: {  	s17 =	simm.s32 $0x180;
	[sflag:s31] =	ssyncadd.s32 $0xFFFFD800  }
0x5ed: {  	[tilespmem:s14], [sflag:$0x8] =	stream.indirect.gather [spmem:s2], $0x80, s17, s19, $0xb8;
	[tilespmem:$0x19868] =	vst v63  }
0x5ee: {  	s17 =	rddreg [dreg:$0x1b]  }
0x5ef: {  	s10 =	simm.s32 $0x580;
	s6 =	sadd.s32 s5, s17  }
0x5f0: {  	[tilespmem:s28], [sflag:$0xA] =	stream.indirect.gather [spmem:s3], $0x80, s10, s19, $0xb8;
	[tilespmem:$0x19868] =	vst v63  }
0x5f1: {  	s6 =	sshll.u32 s6, $0x4  }
0x5f2: {  	s10 =	simm.s32 $0x0;
	s6 =	sadd.s32 s1, s6  }
0x5f3: {  	[hbm4b:s6+s10] =	stream.linear.scatter [tilespmem:s25], [sflag:$0xC], $0x2800, $0x38;
	[tilespmem:$0x19868] =	vst v63  }
0x5f4: {  	_ =	swait.ge [sflag:s26], $0x2800  }
0x5f5: {  	[sflag:s26] =	ssyncset.done $0x0  }
0x5f6: {  	[sflag:s26] =	ssyncadd.s32 $0xFFFFD800  }
0x5f7: {  	_ =	swait.ge [sflag:s12], $0x2800  }
0x5f8: {  	[sflag:s12] =	ssyncset.done $0x0  }
0x5f9: {  	s6 =	simm.s32 $0x0;
	[sflag:s12] =	ssyncadd.s32 $0xFFFFD800  }
0x5fa: {  	v0 =	vld [tilespmem:s6+$0xA9F0]  }
0x5fb: {  	v1 =	vld [tilespmem:s6+$0xA800]  }
0x5fc: {  	v2 =	vld [tilespmem:s6+$0xA810]  }
0x5fd: {  	v3 =	vld [tilespmem:s6+$0xA820]  }
0x5fe: {  	v4 =	vld [tilespmem:s6+$0xA830]  }
0x5ff: {  	v5 =	vld [tilespmem:s6+$0xA840]  }
0x600: {  	v6 =	vld [tilespmem:s6+$0xA850]  }
0x601: {  	v7 =	vld [tilespmem:s6+$0xA860]  }
0x602: {  	v8 =	vld [tilespmem:s6+$0xA870]  }
0x603: {  	v9 =	vld [tilespmem:s6+$0xA880]  }
0x604: {  	v10 =	vld [tilespmem:s6+$0xA890]  }
0x605: {  	v11 =	vld [tilespmem:s6+$0xA8A0]  }
0x606: {  	v12 =	vld [tilespmem:s6+$0xA8B0]  }
0x607: {  	v13 =	vld [tilespmem:s6+$0xA8C0]  }
0x608: {  	v14 =	vld [tilespmem:s6+$0xA8D0]  }
0x609: {  	v15 =	vld [tilespmem:s6+$0xA8E0]  }
0x60a: {  	v16 =	vld [tilespmem:s6+$0xA8F0]  }
0x60b: {  	v17 =	vld [tilespmem:s6+$0xA900]  }
0x60c: {  	v18 =	vld [tilespmem:s6+$0xA910]  }
0x60d: {  	v19 =	vld [tilespmem:s6+$0xA920]  }
0x60e: {  	v20 =	vld [tilespmem:s6+$0xA930]  }
0x60f: {  	v21 =	vld [tilespmem:s6+$0xA940]  }
0x610: {  	v22 =	vld [tilespmem:s6+$0xA950]  }
0x611: {  	v23 =	vld [tilespmem:s6+$0xA960]  }
0x612: {  	v24 =	vld [tilespmem:s6+$0xA970]  }
0x613: {  	v25 =	vld [tilespmem:s6+$0xA980]  }
0x614: {  	v26 =	vld [tilespmem:s6+$0xA990]  }
0x615: {  	v27 =	vld [tilespmem:s6+$0xA9A0]  }
0x616: {  	v28 =	vld [tilespmem:s6+$0xA9B0]  }
0x617: {  	v29 =	vld [tilespmem:s6+$0xA9C0]  }
0x618: {  	v30 =	vld [tilespmem:s6+$0xA9D0]  }
0x619: {  	[tilespmem:s6+$0x59F0] =	vst.add.f32.msk $0xffff, v0  }
0x61a: {  	v0 =	vld [tilespmem:s6+$0xA9E0]  }
0x61b: {  	[tilespmem:s6+$0x5800] =	vst.add.f32.msk $0xffff, v1  }
0x61c: {  	[tilespmem:s6+$0x5810] =	vst.add.f32.msk $0xffff, v2  }
0x61d: {  	[tilespmem:s6+$0x5820] =	vst.add.f32.msk $0xffff, v3  }
0x61e: {  	[tilespmem:s6+$0x5830] =	vst.add.f32.msk $0xffff, v4  }
0x61f: {  	[tilespmem:s6+$0x5840] =	vst.add.f32.msk $0xffff, v5  }
0x620: {  	[tilespmem:s6+$0x5850] =	vst.add.f32.msk $0xffff, v6  }
0x621: {  	[tilespmem:s6+$0x5860] =	vst.add.f32.msk $0xffff, v7  }
0x622: {  	[tilespmem:s6+$0x5870] =	vst.add.f32.msk $0xffff, v8  }
0x623: {  	[tilespmem:s6+$0x5880] =	vst.add.f32.msk $0xffff, v9  }
0x624: {  	[tilespmem:s6+$0x5890] =	vst.add.f32.msk $0xffff, v10  }
0x625: {  	[tilespmem:s6+$0x58A0] =	vst.add.f32.msk $0xffff, v11  }
0x626: {  	[tilespmem:s6+$0x58B0] =	vst.add.f32.msk $0xffff, v12  }
0x627: {  	[tilespmem:s6+$0x58C0] =	vst.add.f32.msk $0xffff, v13  }
0x628: {  	[tilespmem:s6+$0x58D0] =	vst.add.f32.msk $0xffff, v14  }
0x629: {  	[tilespmem:s6+$0x58E0] =	vst.add.f32.msk $0xffff, v15  }
0x62a: {  	[tilespmem:s6+$0x58F0] =	vst.add.f32.msk $0xffff, v16  }
0x62b: {  	[tilespmem:s6+$0x5900] =	vst.add.f32.msk $0xffff, v17  }
0x62c: {  	[tilespmem:s6+$0x5910] =	vst.add.f32.msk $0xffff, v18  }
0x62d: {  	[tilespmem:s6+$0x5920] =	vst.add.f32.msk $0xffff, v19  }
0x62e: {  	[tilespmem:s6+$0x5930] =	vst.add.f32.msk $0xffff, v20  }
0x62f: {  	[tilespmem:s6+$0x5940] =	vst.add.f32.msk $0xffff, v21  }
0x630: {  	[tilespmem:s6+$0x5950] =	vst.add.f32.msk $0xffff, v22  }
0x631: {  	[tilespmem:s6+$0x5960] =	vst.add.f32.msk $0xffff, v23  }
0x632: {  	[tilespmem:s6+$0x5970] =	vst.add.f32.msk $0xffff, v24  }
0x633: {  	[tilespmem:s6+$0x5980] =	vst.add.f32.msk $0xffff, v25  }
0x634: {  	[tilespmem:s6+$0x5990] =	vst.add.f32.msk $0xffff, v26  }
0x635: {  	[tilespmem:s6+$0x59A0] =	vst.add.f32.msk $0xffff, v27  }
0x636: {  	[tilespmem:s6+$0x59B0] =	vst.add.f32.msk $0xffff, v28  }
0x637: {  	[tilespmem:s6+$0x59C0] =	vst.add.f32.msk $0xffff, v29  }
0x638: {  	s17 =	simm.s32 $0x800;
	s10 =	simm.s32 $0x0;
	[tilespmem:s6+$0x59D0] =	vst.add.f32.msk $0xffff, v30  }
.LBB2_23:
0x639: {  	s10 =	sadd.s32 $0x4, s10;
	[tilespmem:s6+$0x59E0] =	vst.add.f32.msk $0xffff, v0;
	s6 =	sshra.s32 s17, $0x2  }
0x63a: {  	v0 =	vld [tilespmem:s6+$0xA9F0];
	p1 =	slt.u32 s10, $0x4C  }
0x63b: {  	v1 =	vld [tilespmem:s6+$0xA800]  }
0x63c: {  	v2 =	vld [tilespmem:s6+$0xA810]  }
0x63d: {  	v3 =	vld [tilespmem:s6+$0xA820]  }
0x63e: {  	v4 =	vld [tilespmem:s6+$0xA830]  }
0x63f: {  	[tilespmem:s6+$0x59F0] =	vst.add.f32.msk $0xffff, v0  }
0x640: {  	v5 =	vld [tilespmem:s6+$0xA840]  }
0x641: {  	v6 =	vld [tilespmem:s6+$0xA850]  }
0x642: {  	v7 =	vld [tilespmem:s6+$0xA860]  }
0x643: {  	v8 =	vld [tilespmem:s6+$0xA870]  }
0x644: {  	v9 =	vld [tilespmem:s6+$0xA880]  }
0x645: {  	v10 =	vld [tilespmem:s6+$0xA890]  }
0x646: {  	v11 =	vld [tilespmem:s6+$0xA8A0]  }
0x647: {  	v12 =	vld [tilespmem:s6+$0xA8B0]  }
0x648: {  	v13 =	vld [tilespmem:s6+$0xA8C0]  }
0x649: {  	v14 =	vld [tilespmem:s6+$0xA8D0]  }
0x64a: {  	v15 =	vld [tilespmem:s6+$0xA8E0]  }
0x64b: {  	v16 =	vld [tilespmem:s6+$0xA8F0]  }
0x64c: {  	v17 =	vld [tilespmem:s6+$0xA900]  }
0x64d: {  	v18 =	vld [tilespmem:s6+$0xA910]  }
0x64e: {  	v19 =	vld [tilespmem:s6+$0xA920]  }
0x64f: {  	v20 =	vld [tilespmem:s6+$0xA930]  }
0x650: {  	v21 =	vld [tilespmem:s6+$0xA940]  }
0x651: {  	v22 =	vld [tilespmem:s6+$0xA950]  }
0x652: {  	v23 =	vld [tilespmem:s6+$0xA960]  }
0x653: {  	v24 =	vld [tilespmem:s6+$0xA970]  }
0x654: {  	v25 =	vld [tilespmem:s6+$0xA980]  }
0x655: {  	v26 =	vld [tilespmem:s6+$0xA990]  }
0x656: {  	v27 =	vld [tilespmem:s6+$0xA9A0]  }
0x657: {  	v28 =	vld [tilespmem:s6+$0xA9B0]  }
0x658: {  	v29 =	vld [tilespmem:s6+$0xA9C0]  }
0x659: {  	v30 =	vld [tilespmem:s6+$0xA9D0]  }
0x65a: {  	v0 =	vld [tilespmem:s6+$0xA9E0]  }
0x65b: {  	[tilespmem:s6+$0x5800] =	vst.add.f32.msk $0xffff, v1  }
0x65c: {  	[tilespmem:s6+$0x5810] =	vst.add.f32.msk $0xffff, v2  }
0x65d: {  	[tilespmem:s6+$0x5820] =	vst.add.f32.msk $0xffff, v3  }
0x65e: {  	[tilespmem:s6+$0x5830] =	vst.add.f32.msk $0xffff, v4  }
0x65f: {  	[tilespmem:s6+$0x5840] =	vst.add.f32.msk $0xffff, v5  }
0x660: {  	[tilespmem:s6+$0x5850] =	vst.add.f32.msk $0xffff, v6  }
0x661: {  	[tilespmem:s6+$0x5860] =	vst.add.f32.msk $0xffff, v7  }
0x662: {  	[tilespmem:s6+$0x5870] =	vst.add.f32.msk $0xffff, v8  }
0x663: {  	[tilespmem:s6+$0x5880] =	vst.add.f32.msk $0xffff, v9  }
0x664: {  	[tilespmem:s6+$0x5890] =	vst.add.f32.msk $0xffff, v10  }
0x665: {  	[tilespmem:s6+$0x58A0] =	vst.add.f32.msk $0xffff, v11  }
0x666: {  	[tilespmem:s6+$0x58B0] =	vst.add.f32.msk $0xffff, v12  }
0x667: {  	[tilespmem:s6+$0x58C0] =	vst.add.f32.msk $0xffff, v13  }
0x668: {  	[tilespmem:s6+$0x58D0] =	vst.add.f32.msk $0xffff, v14  }
0x669: {  	[tilespmem:s6+$0x58E0] =	vst.add.f32.msk $0xffff, v15  }
0x66a: {  	[tilespmem:s6+$0x58F0] =	vst.add.f32.msk $0xffff, v16  }
0x66b: {  	[tilespmem:s6+$0x5900] =	vst.add.f32.msk $0xffff, v17  }
0x66c: {  	[tilespmem:s6+$0x5910] =	vst.add.f32.msk $0xffff, v18  }
0x66d: {  	[tilespmem:s6+$0x5920] =	vst.add.f32.msk $0xffff, v19  }
0x66e: {  	[tilespmem:s6+$0x5930] =	vst.add.f32.msk $0xffff, v20  }
0x66f: {  	[tilespmem:s6+$0x5940] =	vst.add.f32.msk $0xffff, v21  }
0x670: {  	[tilespmem:s6+$0x5950] =	vst.add.f32.msk $0xffff, v22  }
0x671: {  	[tilespmem:s6+$0x5960] =	vst.add.f32.msk $0xffff, v23  }
0x672: {  	[tilespmem:s6+$0x5970] =	vst.add.f32.msk $0xffff, v24  }
0x673: {  	[tilespmem:s6+$0x5980] =	vst.add.f32.msk $0xffff, v25  }
.Ltmp12:
0x674: {  	[tilespmem:s6+$0x5990] =	vst.add.f32.msk $0xffff, v26;
	(pc) =	sbr.rel @p1 .LBB2_23-.Ltmp12, $4  }
0x675: {  	[tilespmem:s6+$0x59A0] =	vst.add.f32.msk $0xffff, v27  }
0x676: {  	[tilespmem:s6+$0x59B0] =	vst.add.f32.msk $0xffff, v28  }
0x677: {  	[tilespmem:s6+$0x59C0] =	vst.add.f32.msk $0xffff, v29  }
0x678: {  	s17 =	sadd.s32 $0x800, s17;
	[tilespmem:s6+$0x59D0] =	vst.add.f32.msk $0xffff, v30  }
0x679: {  	[tilespmem:s6+$0x59E0] =	vst.add.f32.msk $0xffff, v0  }
0x67a: {  	_ =	swait.ge [sflag:s15], $0x2800  }
0x67b: {  	[sflag:s15] =	ssyncset.done $0x0  }
0x67c: {  	[sflag:s15] =	ssyncadd.s32 $0xFFFFD800  }
0x67d: {  	_ =	swait.ge [sflag:s24], $0x200  }
0x67e: {  	[sflag:s24] =	ssyncset.done $0x0  }
0x67f: {  	[sflag:s24] =	ssyncadd.s32 $0xFFFFFE00  }
0x680: {  	_ =	swait.ge [sflag:s11], $0x200  }
0x681: {  	[sflag:s11] =	ssyncset.done $0x0  }
0x682: {  	[sflag:s11] =	ssyncadd.s32 $0xFFFFFE00  }
0x683: {  	[tilespmem:s20], [sflag:$0x5] =	stream.indirect.gather [spmem:s2], $0x80, s18, s19, $0xb8;
	[tilespmem:$0x19868] =	vst v63  }
0x684: {  	s18 =	rddreg [dreg:$0x1c]  }
0x685: {  	s17 =	simm.s32 $0x600;
	s6 =	sadd.s32 s5, s18  }
0x686: {  	[tilespmem:s21], [sflag:$0x9] =	stream.indirect.gather [spmem:s3], $0x80, s17, s19, $0xb8;
	[tilespmem:$0x19868] =	vst v63  }
0x687: {  	s6 =	sshll.u32 s6, $0x4  }
0x688: {  	s10 =	simm.s32 $0x0;
	s6 =	sadd.s32 s1, s6  }
0x689: {  	[hbm4b:s6+s10] =	stream.linear.scatter [tilespmem:s13], [sflag:$0xD], $0x2800, $0x38;
	[tilespmem:$0x19868] =	vst v63  }
0x68a: {  	_ =	swait.ge [sflag:s7], $0x2800  }
0x68b: {  	[sflag:s7] =	ssyncset.done $0x0  }
0x68c: {  	[sflag:s7] =	ssyncadd.s32 $0xFFFFD800  }
0x68d: {  	_ =	swait.ge [sflag:s22], $0x2800  }
0x68e: {  	[sflag:s22] =	ssyncset.done $0x0  }
0x68f: {  	s6 =	simm.s32 $0x0;
	[sflag:s22] =	ssyncadd.s32 $0xFFFFD800  }
0x690: {  	v0 =	vld [tilespmem:s6+$0xD1F0]  }
0x691: {  	v1 =	vld [tilespmem:s6+$0xD000]  }
0x692: {  	v2 =	vld [tilespmem:s6+$0xD010]  }
0x693: {  	v3 =	vld [tilespmem:s6+$0xD020]  }
0x694: {  	v4 =	vld [tilespmem:s6+$0xD030]  }
0x695: {  	v5 =	vld [tilespmem:s6+$0xD040]  }
0x696: {  	v6 =	vld [tilespmem:s6+$0xD050]  }
0x697: {  	v7 =	vld [tilespmem:s6+$0xD060]  }
0x698: {  	v8 =	vld [tilespmem:s6+$0xD070]  }
0x699: {  	v9 =	vld [tilespmem:s6+$0xD080]  }
0x69a: {  	v10 =	vld [tilespmem:s6+$0xD090]  }
0x69b: {  	v11 =	vld [tilespmem:s6+$0xD0A0]  }
0x69c: {  	v12 =	vld [tilespmem:s6+$0xD0B0]  }
0x69d: {  	v13 =	vld [tilespmem:s6+$0xD0C0]  }
0x69e: {  	v14 =	vld [tilespmem:s6+$0xD0D0]  }
0x69f: {  	v15 =	vld [tilespmem:s6+$0xD0E0]  }
0x6a0: {  	v16 =	vld [tilespmem:s6+$0xD0F0]  }
0x6a1: {  	v17 =	vld [tilespmem:s6+$0xD100]  }
0x6a2: {  	v18 =	vld [tilespmem:s6+$0xD110]  }
0x6a3: {  	v19 =	vld [tilespmem:s6+$0xD120]  }
0x6a4: {  	v20 =	vld [tilespmem:s6+$0xD130]  }
0x6a5: {  	v21 =	vld [tilespmem:s6+$0xD140]  }
0x6a6: {  	v22 =	vld [tilespmem:s6+$0xD150]  }
0x6a7: {  	v23 =	vld [tilespmem:s6+$0xD160]  }
0x6a8: {  	v24 =	vld [tilespmem:s6+$0xD170]  }
0x6a9: {  	v25 =	vld [tilespmem:s6+$0xD180]  }
0x6aa: {  	v26 =	vld [tilespmem:s6+$0xD190]  }
0x6ab: {  	v27 =	vld [tilespmem:s6+$0xD1A0]  }
0x6ac: {  	v28 =	vld [tilespmem:s6+$0xD1B0]  }
0x6ad: {  	v29 =	vld [tilespmem:s6+$0xD1C0]  }
0x6ae: {  	v30 =	vld [tilespmem:s6+$0xD1D0]  }
0x6af: {  	[tilespmem:s6+$0x81F0] =	vst.add.f32.msk $0xffff, v0  }
0x6b0: {  	v0 =	vld [tilespmem:s6+$0xD1E0]  }
0x6b1: {  	[tilespmem:s6+$0x8000] =	vst.add.f32.msk $0xffff, v1  }
0x6b2: {  	[tilespmem:s6+$0x8010] =	vst.add.f32.msk $0xffff, v2  }
0x6b3: {  	[tilespmem:s6+$0x8020] =	vst.add.f32.msk $0xffff, v3  }
0x6b4: {  	[tilespmem:s6+$0x8030] =	vst.add.f32.msk $0xffff, v4  }
0x6b5: {  	[tilespmem:s6+$0x8040] =	vst.add.f32.msk $0xffff, v5  }
0x6b6: {  	[tilespmem:s6+$0x8050] =	vst.add.f32.msk $0xffff, v6  }
0x6b7: {  	[tilespmem:s6+$0x8060] =	vst.add.f32.msk $0xffff, v7  }
0x6b8: {  	[tilespmem:s6+$0x8070] =	vst.add.f32.msk $0xffff, v8  }
0x6b9: {  	[tilespmem:s6+$0x8080] =	vst.add.f32.msk $0xffff, v9  }
0x6ba: {  	[tilespmem:s6+$0x8090] =	vst.add.f32.msk $0xffff, v10  }
0x6bb: {  	[tilespmem:s6+$0x80A0] =	vst.add.f32.msk $0xffff, v11  }
0x6bc: {  	[tilespmem:s6+$0x80B0] =	vst.add.f32.msk $0xffff, v12  }
0x6bd: {  	[tilespmem:s6+$0x80C0] =	vst.add.f32.msk $0xffff, v13  }
0x6be: {  	[tilespmem:s6+$0x80D0] =	vst.add.f32.msk $0xffff, v14  }
0x6bf: {  	[tilespmem:s6+$0x80E0] =	vst.add.f32.msk $0xffff, v15  }
0x6c0: {  	[tilespmem:s6+$0x80F0] =	vst.add.f32.msk $0xffff, v16  }
0x6c1: {  	[tilespmem:s6+$0x8100] =	vst.add.f32.msk $0xffff, v17  }
0x6c2: {  	[tilespmem:s6+$0x8110] =	vst.add.f32.msk $0xffff, v18  }
0x6c3: {  	[tilespmem:s6+$0x8120] =	vst.add.f32.msk $0xffff, v19  }
0x6c4: {  	[tilespmem:s6+$0x8130] =	vst.add.f32.msk $0xffff, v20  }
0x6c5: {  	[tilespmem:s6+$0x8140] =	vst.add.f32.msk $0xffff, v21  }
0x6c6: {  	[tilespmem:s6+$0x8150] =	vst.add.f32.msk $0xffff, v22  }
0x6c7: {  	[tilespmem:s6+$0x8160] =	vst.add.f32.msk $0xffff, v23  }
0x6c8: {  	[tilespmem:s6+$0x8170] =	vst.add.f32.msk $0xffff, v24  }
0x6c9: {  	[tilespmem:s6+$0x8180] =	vst.add.f32.msk $0xffff, v25  }
0x6ca: {  	[tilespmem:s6+$0x8190] =	vst.add.f32.msk $0xffff, v26  }
0x6cb: {  	[tilespmem:s6+$0x81A0] =	vst.add.f32.msk $0xffff, v27  }
0x6cc: {  	[tilespmem:s6+$0x81B0] =	vst.add.f32.msk $0xffff, v28  }
0x6cd: {  	[tilespmem:s6+$0x81C0] =	vst.add.f32.msk $0xffff, v29  }
0x6ce: {  	s17 =	simm.s32 $0x800;
	s10 =	simm.s32 $0x0;
	[tilespmem:s6+$0x81D0] =	vst.add.f32.msk $0xffff, v30  }
.LBB2_25:
0x6cf: {  	s10 =	sadd.s32 $0x4, s10;
	[tilespmem:s6+$0x81E0] =	vst.add.f32.msk $0xffff, v0;
	s6 =	sshra.s32 s17, $0x2  }
0x6d0: {  	v0 =	vld [tilespmem:s6+$0xD1F0];
	p1 =	slt.u32 s10, $0x4C  }
0x6d1: {  	v1 =	vld [tilespmem:s6+$0xD000]  }
0x6d2: {  	v2 =	vld [tilespmem:s6+$0xD010]  }
0x6d3: {  	v3 =	vld [tilespmem:s6+$0xD020]  }
0x6d4: {  	v4 =	vld [tilespmem:s6+$0xD030]  }
0x6d5: {  	[tilespmem:s6+$0x81F0] =	vst.add.f32.msk $0xffff, v0  }
0x6d6: {  	v5 =	vld [tilespmem:s6+$0xD040]  }
0x6d7: {  	v6 =	vld [tilespmem:s6+$0xD050]  }
0x6d8: {  	v7 =	vld [tilespmem:s6+$0xD060]  }
0x6d9: {  	v8 =	vld [tilespmem:s6+$0xD070]  }
0x6da: {  	v9 =	vld [tilespmem:s6+$0xD080]  }
0x6db: {  	v10 =	vld [tilespmem:s6+$0xD090]  }
0x6dc: {  	v11 =	vld [tilespmem:s6+$0xD0A0]  }
0x6dd: {  	v12 =	vld [tilespmem:s6+$0xD0B0]  }
0x6de: {  	v13 =	vld [tilespmem:s6+$0xD0C0]  }
0x6df: {  	v14 =	vld [tilespmem:s6+$0xD0D0]  }
0x6e0: {  	v15 =	vld [tilespmem:s6+$0xD0E0]  }
0x6e1: {  	v16 =	vld [tilespmem:s6+$0xD0F0]  }
0x6e2: {  	v17 =	vld [tilespmem:s6+$0xD100]  }
0x6e3: {  	v18 =	vld [tilespmem:s6+$0xD110]  }
0x6e4: {  	v19 =	vld [tilespmem:s6+$0xD120]  }
0x6e5: {  	v20 =	vld [tilespmem:s6+$0xD130]  }
0x6e6: {  	v21 =	vld [tilespmem:s6+$0xD140]  }
0x6e7: {  	v22 =	vld [tilespmem:s6+$0xD150]  }
0x6e8: {  	v23 =	vld [tilespmem:s6+$0xD160]  }
0x6e9: {  	v24 =	vld [tilespmem:s6+$0xD170]  }
0x6ea: {  	v25 =	vld [tilespmem:s6+$0xD180]  }
0x6eb: {  	v26 =	vld [tilespmem:s6+$0xD190]  }
0x6ec: {  	v27 =	vld [tilespmem:s6+$0xD1A0]  }
0x6ed: {  	v28 =	vld [tilespmem:s6+$0xD1B0]  }
0x6ee: {  	v29 =	vld [tilespmem:s6+$0xD1C0]  }
0x6ef: {  	v30 =	vld [tilespmem:s6+$0xD1D0]  }
0x6f0: {  	v0 =	vld [tilespmem:s6+$0xD1E0]  }
0x6f1: {  	[tilespmem:s6+$0x8000] =	vst.add.f32.msk $0xffff, v1  }
0x6f2: {  	[tilespmem:s6+$0x8010] =	vst.add.f32.msk $0xffff, v2  }
0x6f3: {  	[tilespmem:s6+$0x8020] =	vst.add.f32.msk $0xffff, v3  }
0x6f4: {  	[tilespmem:s6+$0x8030] =	vst.add.f32.msk $0xffff, v4  }
0x6f5: {  	[tilespmem:s6+$0x8040] =	vst.add.f32.msk $0xffff, v5  }
0x6f6: {  	[tilespmem:s6+$0x8050] =	vst.add.f32.msk $0xffff, v6  }
0x6f7: {  	[tilespmem:s6+$0x8060] =	vst.add.f32.msk $0xffff, v7  }
0x6f8: {  	[tilespmem:s6+$0x8070] =	vst.add.f32.msk $0xffff, v8  }
0x6f9: {  	[tilespmem:s6+$0x8080] =	vst.add.f32.msk $0xffff, v9  }
0x6fa: {  	[tilespmem:s6+$0x8090] =	vst.add.f32.msk $0xffff, v10  }
0x6fb: {  	[tilespmem:s6+$0x80A0] =	vst.add.f32.msk $0xffff, v11  }
0x6fc: {  	[tilespmem:s6+$0x80B0] =	vst.add.f32.msk $0xffff, v12  }
0x6fd: {  	[tilespmem:s6+$0x80C0] =	vst.add.f32.msk $0xffff, v13  }
0x6fe: {  	[tilespmem:s6+$0x80D0] =	vst.add.f32.msk $0xffff, v14  }
0x6ff: {  	[tilespmem:s6+$0x80E0] =	vst.add.f32.msk $0xffff, v15  }
0x700: {  	[tilespmem:s6+$0x80F0] =	vst.add.f32.msk $0xffff, v16  }
0x701: {  	[tilespmem:s6+$0x8100] =	vst.add.f32.msk $0xffff, v17  }
0x702: {  	[tilespmem:s6+$0x8110] =	vst.add.f32.msk $0xffff, v18  }
0x703: {  	[tilespmem:s6+$0x8120] =	vst.add.f32.msk $0xffff, v19  }
0x704: {  	[tilespmem:s6+$0x8130] =	vst.add.f32.msk $0xffff, v20  }
0x705: {  	[tilespmem:s6+$0x8140] =	vst.add.f32.msk $0xffff, v21  }
0x706: {  	[tilespmem:s6+$0x8150] =	vst.add.f32.msk $0xffff, v22  }
0x707: {  	[tilespmem:s6+$0x8160] =	vst.add.f32.msk $0xffff, v23  }
0x708: {  	[tilespmem:s6+$0x8170] =	vst.add.f32.msk $0xffff, v24  }
0x709: {  	[tilespmem:s6+$0x8180] =	vst.add.f32.msk $0xffff, v25  }
.Ltmp13:
0x70a: {  	[tilespmem:s6+$0x8190] =	vst.add.f32.msk $0xffff, v26;
	(pc) =	sbr.rel @p1 .LBB2_25-.Ltmp13, $4  }
0x70b: {  	[tilespmem:s6+$0x81A0] =	vst.add.f32.msk $0xffff, v27  }
0x70c: {  	[tilespmem:s6+$0x81B0] =	vst.add.f32.msk $0xffff, v28  }
0x70d: {  	[tilespmem:s6+$0x81C0] =	vst.add.f32.msk $0xffff, v29  }
0x70e: {  	s17 =	sadd.s32 $0x800, s17;
	[tilespmem:s6+$0x81D0] =	vst.add.f32.msk $0xffff, v30  }
0x70f: {  	[tilespmem:s6+$0x81E0] =	vst.add.f32.msk $0xffff, v0  }
0x710: {  	_ =	swait.ge [sflag:s23], $0x2800  }
0x711: {  	[sflag:s23] =	ssyncset.done $0x0;
	s18 =	rddreg [dreg:$0x1d]  }
0x712: {  	s10 =	simm.s32 $0x280;
	[sflag:s23] =	ssyncadd.s32 $0xFFFFD800;
	s6 =	sadd.s32 s5, s18  }
0x713: {  	[tilespmem:s25], [sflag:$0x6] =	stream.indirect.gather [spmem:s2], $0x80, s10, s19, $0xb8;
	[tilespmem:$0x19868] =	vst v63  }
0x714: {  	s17 =	simm.s32 $0x680;
	s6 =	sshll.u32 s6, $0x4  }
0x715: {  	[tilespmem:s28], [sflag:$0xA] =	stream.indirect.gather [spmem:s3], $0x80, s17, s19, $0xb8;
	[tilespmem:$0x19868] =	vst v63  }
0x716: {  	s6 =	sadd.s32 s1, s6  }
0x717: {  	[hbm4b:s6+s4] =	stream.linear.scatter [tilespmem:s14], [sflag:$0xE], $0x2800, $0x38;
	[tilespmem:$0x19868] =	vst v63  }
0x718: {  	p1 =	seq.s32 s0, $0x27;
	s10 =	rddreg [dreg:$0x15];
	s6 =	sshll.u32 s0, $0xA  }
0x719: {  	s10 =	sadd.s32 @!p1 s6, s10  }
0x71a: {  	s10 =	sshrl.u32 @!p1 s10, $0x3  }
0x71b: {  	s18 =	simm.s32 @!p1 $0x0;
	s17 =	sadd.s32 @!p1 s8, s10  }
0x71c: {  	[tilespmem:s18], [sflag:$0x1] =	stream.linear.gather @!p1 [hbm4b:s17+s18], $0x200, $0x38;
	[tilespmem:$0x19868] =	vst v63  }
0x71d: {  	s10 =	sadd.s32 @!p1 s9, s10;
	s17 =	simm.s32 @!p1 $0x400  }
0x71e: {  	[tilespmem:s17], [sflag:$0x3] =	stream.linear.gather @!p1 [hbm4b:s10+s18], $0x200, $0x38;
	[tilespmem:$0x19868] =	vst v63  }
0x71f: {  	_ =	swait.ge [sflag:s29], $0x2800  }
0x720: {  	[sflag:s29] =	ssyncset.done $0x0  }
0x721: {  	[sflag:s29] =	ssyncadd.s32 $0xFFFFD800  }
0x722: {  	_ =	swait.ge [sflag:s12], $0x2800  }
0x723: {  	[sflag:s12] =	ssyncset.done $0x0  }
0x724: {  	s10 =	simm.s32 $0x0;
	[sflag:s12] =	ssyncadd.s32 $0xFFFFD800  }
0x725: {  	v0 =	vld [tilespmem:s10+$0xA9F0]  }
0x726: {  	v1 =	vld [tilespmem:s10+$0xA800]  }
0x727: {  	v2 =	vld [tilespmem:s10+$0xA810]  }
0x728: {  	v3 =	vld [tilespmem:s10+$0xA820]  }
0x729: {  	v4 =	vld [tilespmem:s10+$0xA830]  }
0x72a: {  	v5 =	vld [tilespmem:s10+$0xA840]  }
0x72b: {  	v6 =	vld [tilespmem:s10+$0xA850]  }
0x72c: {  	v7 =	vld [tilespmem:s10+$0xA860]  }
0x72d: {  	v8 =	vld [tilespmem:s10+$0xA870]  }
0x72e: {  	v9 =	vld [tilespmem:s10+$0xA880]  }
0x72f: {  	v10 =	vld [tilespmem:s10+$0xA890]  }
0x730: {  	v11 =	vld [tilespmem:s10+$0xA8A0]  }
0x731: {  	v12 =	vld [tilespmem:s10+$0xA8B0]  }
0x732: {  	v13 =	vld [tilespmem:s10+$0xA8C0]  }
0x733: {  	v14 =	vld [tilespmem:s10+$0xA8D0]  }
0x734: {  	v15 =	vld [tilespmem:s10+$0xA8E0]  }
0x735: {  	v16 =	vld [tilespmem:s10+$0xA8F0]  }
0x736: {  	v17 =	vld [tilespmem:s10+$0xA900]  }
0x737: {  	v18 =	vld [tilespmem:s10+$0xA910]  }
0x738: {  	v19 =	vld [tilespmem:s10+$0xA920]  }
0x739: {  	v20 =	vld [tilespmem:s10+$0xA930]  }
0x73a: {  	v21 =	vld [tilespmem:s10+$0xA940]  }
0x73b: {  	v22 =	vld [tilespmem:s10+$0xA950]  }
0x73c: {  	v23 =	vld [tilespmem:s10+$0xA960]  }
0x73d: {  	v24 =	vld [tilespmem:s10+$0xA970]  }
0x73e: {  	v25 =	vld [tilespmem:s10+$0xA980]  }
0x73f: {  	v26 =	vld [tilespmem:s10+$0xA990]  }
0x740: {  	v27 =	vld [tilespmem:s10+$0xA9A0]  }
0x741: {  	v28 =	vld [tilespmem:s10+$0xA9B0]  }
0x742: {  	v29 =	vld [tilespmem:s10+$0xA9C0]  }
0x743: {  	v30 =	vld [tilespmem:s10+$0xA9D0]  }
0x744: {  	[tilespmem:s10+$0x9F0] =	vst.add.f32.msk $0xffff, v0  }
0x745: {  	v0 =	vld [tilespmem:s10+$0xA9E0]  }
0x746: {  	[tilespmem:s10+$0x800] =	vst.add.f32.msk $0xffff, v1  }
0x747: {  	[tilespmem:s10+$0x810] =	vst.add.f32.msk $0xffff, v2  }
0x748: {  	[tilespmem:s10+$0x820] =	vst.add.f32.msk $0xffff, v3  }
0x749: {  	[tilespmem:s10+$0x830] =	vst.add.f32.msk $0xffff, v4  }
0x74a: {  	[tilespmem:s10+$0x840] =	vst.add.f32.msk $0xffff, v5  }
0x74b: {  	[tilespmem:s10+$0x850] =	vst.add.f32.msk $0xffff, v6  }
0x74c: {  	[tilespmem:s10+$0x860] =	vst.add.f32.msk $0xffff, v7  }
0x74d: {  	[tilespmem:s10+$0x870] =	vst.add.f32.msk $0xffff, v8  }
0x74e: {  	[tilespmem:s10+$0x880] =	vst.add.f32.msk $0xffff, v9  }
0x74f: {  	[tilespmem:s10+$0x890] =	vst.add.f32.msk $0xffff, v10  }
0x750: {  	[tilespmem:s10+$0x8A0] =	vst.add.f32.msk $0xffff, v11  }
0x751: {  	[tilespmem:s10+$0x8B0] =	vst.add.f32.msk $0xffff, v12  }
0x752: {  	[tilespmem:s10+$0x8C0] =	vst.add.f32.msk $0xffff, v13  }
0x753: {  	[tilespmem:s10+$0x8D0] =	vst.add.f32.msk $0xffff, v14  }
0x754: {  	[tilespmem:s10+$0x8E0] =	vst.add.f32.msk $0xffff, v15  }
0x755: {  	[tilespmem:s10+$0x8F0] =	vst.add.f32.msk $0xffff, v16  }
0x756: {  	[tilespmem:s10+$0x900] =	vst.add.f32.msk $0xffff, v17  }
0x757: {  	[tilespmem:s10+$0x910] =	vst.add.f32.msk $0xffff, v18  }
0x758: {  	[tilespmem:s10+$0x920] =	vst.add.f32.msk $0xffff, v19  }
0x759: {  	[tilespmem:s10+$0x930] =	vst.add.f32.msk $0xffff, v20  }
0x75a: {  	[tilespmem:s10+$0x940] =	vst.add.f32.msk $0xffff, v21  }
0x75b: {  	[tilespmem:s10+$0x950] =	vst.add.f32.msk $0xffff, v22  }
0x75c: {  	[tilespmem:s10+$0x960] =	vst.add.f32.msk $0xffff, v23  }
0x75d: {  	[tilespmem:s10+$0x970] =	vst.add.f32.msk $0xffff, v24  }
0x75e: {  	[tilespmem:s10+$0x980] =	vst.add.f32.msk $0xffff, v25  }
0x75f: {  	[tilespmem:s10+$0x990] =	vst.add.f32.msk $0xffff, v26  }
0x760: {  	[tilespmem:s10+$0x9A0] =	vst.add.f32.msk $0xffff, v27  }
0x761: {  	[tilespmem:s10+$0x9B0] =	vst.add.f32.msk $0xffff, v28  }
0x762: {  	[tilespmem:s10+$0x9C0] =	vst.add.f32.msk $0xffff, v29  }
0x763: {  	s17 =	simm.s32 $0x0;
	s18 =	simm.s32 $0x800;
	[tilespmem:s10+$0x9D0] =	vst.add.f32.msk $0xffff, v30  }
.LBB2_27:
0x764: {  	s17 =	sadd.s32 $0x4, s17;
	[tilespmem:s10+$0x9E0] =	vst.add.f32.msk $0xffff, v0;
	s10 =	sshra.s32 s18, $0x2  }
0x765: {  	v0 =	vld [tilespmem:s10+$0xA9F0];
	p2 =	slt.u32 s17, $0x4C  }
0x766: {  	v1 =	vld [tilespmem:s10+$0xA800]  }
0x767: {  	v2 =	vld [tilespmem:s10+$0xA810]  }
0x768: {  	v3 =	vld [tilespmem:s10+$0xA820]  }
0x769: {  	v4 =	vld [tilespmem:s10+$0xA830]  }
0x76a: {  	[tilespmem:s10+$0x9F0] =	vst.add.f32.msk $0xffff, v0  }
0x76b: {  	v5 =	vld [tilespmem:s10+$0xA840]  }
0x76c: {  	v6 =	vld [tilespmem:s10+$0xA850]  }
0x76d: {  	v7 =	vld [tilespmem:s10+$0xA860]  }
0x76e: {  	v8 =	vld [tilespmem:s10+$0xA870]  }
0x76f: {  	v9 =	vld [tilespmem:s10+$0xA880]  }
0x770: {  	v10 =	vld [tilespmem:s10+$0xA890]  }
0x771: {  	v11 =	vld [tilespmem:s10+$0xA8A0]  }
0x772: {  	v12 =	vld [tilespmem:s10+$0xA8B0]  }
0x773: {  	v13 =	vld [tilespmem:s10+$0xA8C0]  }
0x774: {  	v14 =	vld [tilespmem:s10+$0xA8D0]  }
0x775: {  	v15 =	vld [tilespmem:s10+$0xA8E0]  }
0x776: {  	v16 =	vld [tilespmem:s10+$0xA8F0]  }
0x777: {  	v17 =	vld [tilespmem:s10+$0xA900]  }
0x778: {  	v18 =	vld [tilespmem:s10+$0xA910]  }
0x779: {  	v19 =	vld [tilespmem:s10+$0xA920]  }
0x77a: {  	v20 =	vld [tilespmem:s10+$0xA930]  }
0x77b: {  	v21 =	vld [tilespmem:s10+$0xA940]  }
0x77c: {  	v22 =	vld [tilespmem:s10+$0xA950]  }
0x77d: {  	v23 =	vld [tilespmem:s10+$0xA960]  }
0x77e: {  	v24 =	vld [tilespmem:s10+$0xA970]  }
0x77f: {  	v25 =	vld [tilespmem:s10+$0xA980]  }
0x780: {  	v26 =	vld [tilespmem:s10+$0xA990]  }
0x781: {  	v27 =	vld [tilespmem:s10+$0xA9A0]  }
0x782: {  	v28 =	vld [tilespmem:s10+$0xA9B0]  }
0x783: {  	v29 =	vld [tilespmem:s10+$0xA9C0]  }
0x784: {  	v30 =	vld [tilespmem:s10+$0xA9D0]  }
0x785: {  	v0 =	vld [tilespmem:s10+$0xA9E0]  }
0x786: {  	[tilespmem:s10+$0x800] =	vst.add.f32.msk $0xffff, v1  }
0x787: {  	[tilespmem:s10+$0x810] =	vst.add.f32.msk $0xffff, v2  }
0x788: {  	[tilespmem:s10+$0x820] =	vst.add.f32.msk $0xffff, v3  }
0x789: {  	[tilespmem:s10+$0x830] =	vst.add.f32.msk $0xffff, v4  }
0x78a: {  	[tilespmem:s10+$0x840] =	vst.add.f32.msk $0xffff, v5  }
0x78b: {  	[tilespmem:s10+$0x850] =	vst.add.f32.msk $0xffff, v6  }
0x78c: {  	[tilespmem:s10+$0x860] =	vst.add.f32.msk $0xffff, v7  }
0x78d: {  	[tilespmem:s10+$0x870] =	vst.add.f32.msk $0xffff, v8  }
0x78e: {  	[tilespmem:s10+$0x880] =	vst.add.f32.msk $0xffff, v9  }
0x78f: {  	[tilespmem:s10+$0x890] =	vst.add.f32.msk $0xffff, v10  }
0x790: {  	[tilespmem:s10+$0x8A0] =	vst.add.f32.msk $0xffff, v11  }
0x791: {  	[tilespmem:s10+$0x8B0] =	vst.add.f32.msk $0xffff, v12  }
0x792: {  	[tilespmem:s10+$0x8C0] =	vst.add.f32.msk $0xffff, v13  }
0x793: {  	[tilespmem:s10+$0x8D0] =	vst.add.f32.msk $0xffff, v14  }
0x794: {  	[tilespmem:s10+$0x8E0] =	vst.add.f32.msk $0xffff, v15  }
0x795: {  	[tilespmem:s10+$0x8F0] =	vst.add.f32.msk $0xffff, v16  }
0x796: {  	[tilespmem:s10+$0x900] =	vst.add.f32.msk $0xffff, v17  }
0x797: {  	[tilespmem:s10+$0x910] =	vst.add.f32.msk $0xffff, v18  }
0x798: {  	[tilespmem:s10+$0x920] =	vst.add.f32.msk $0xffff, v19  }
0x799: {  	[tilespmem:s10+$0x930] =	vst.add.f32.msk $0xffff, v20  }
0x79a: {  	[tilespmem:s10+$0x940] =	vst.add.f32.msk $0xffff, v21  }
0x79b: {  	[tilespmem:s10+$0x950] =	vst.add.f32.msk $0xffff, v22  }
0x79c: {  	[tilespmem:s10+$0x960] =	vst.add.f32.msk $0xffff, v23  }
0x79d: {  	[tilespmem:s10+$0x970] =	vst.add.f32.msk $0xffff, v24  }
0x79e: {  	[tilespmem:s10+$0x980] =	vst.add.f32.msk $0xffff, v25  }
.Ltmp14:
0x79f: {  	[tilespmem:s10+$0x990] =	vst.add.f32.msk $0xffff, v26;
	(pc) =	sbr.rel @p2 .LBB2_27-.Ltmp14, $4  }
0x7a0: {  	[tilespmem:s10+$0x9A0] =	vst.add.f32.msk $0xffff, v27  }
0x7a1: {  	[tilespmem:s10+$0x9B0] =	vst.add.f32.msk $0xffff, v28  }
0x7a2: {  	[tilespmem:s10+$0x9C0] =	vst.add.f32.msk $0xffff, v29  }
0x7a3: {  	s18 =	sadd.s32 $0x800, s18;
	[tilespmem:s10+$0x9D0] =	vst.add.f32.msk $0xffff, v30  }
0x7a4: {  	[tilespmem:s10+$0x9E0] =	vst.add.f32.msk $0xffff, v0  }
0x7a5: {  	_ =	swait.ge [sflag:s30], $0x2800  }
0x7a6: {  	[sflag:s30] =	ssyncset.done $0x0  }
0x7a7: {  	s18 =	simm.s32 $0x300;
	[sflag:s30] =	ssyncadd.s32 $0xFFFFD800  }
0x7a8: {  	[tilespmem:s13], [sflag:$0x7] =	stream.indirect.gather [spmem:s2], $0x80, s18, s19, $0xb8;
	[tilespmem:$0x19868] =	vst v63  }
0x7a9: {  	s18 =	rddreg [dreg:$0x1e]  }
0x7aa: {  	s17 =	simm.s32 $0x700;
	s10 =	sadd.s32 s5, s18  }
0x7ab: {  	[tilespmem:s21], [sflag:$0x9] =	stream.indirect.gather [spmem:s3], $0x80, s17, s19, $0xb8;
	[tilespmem:$0x19868] =	vst v63  }
0x7ac: {  	s10 =	sshll.u32 s10, $0x4  }
0x7ad: {  	s17 =	simm.s32 $0x0;
	s10 =	sadd.s32 s1, s10  }
0x7ae: {  	[hbm4b:s10+s17] =	stream.linear.scatter [tilespmem:s20], [sflag:$0xB], $0x2800, $0x38;
	[tilespmem:$0x19868] =	vst v63  }
0x7af: {  	_ =	swait.ge [sflag:s16], $0x2800  }
0x7b0: {  	[sflag:s16] =	ssyncset.done $0x0  }
0x7b1: {  	[sflag:s16] =	ssyncadd.s32 $0xFFFFD800  }
0x7b2: {  	_ =	swait.ge [sflag:s22], $0x2800  }
0x7b3: {  	[sflag:s22] =	ssyncset.done $0x0  }
0x7b4: {  	s10 =	simm.s32 $0x0;
	[sflag:s22] =	ssyncadd.s32 $0xFFFFD800  }
0x7b5: {  	v0 =	vld [tilespmem:s10+$0xD1F0]  }
0x7b6: {  	v1 =	vld [tilespmem:s10+$0xD000]  }
0x7b7: {  	v2 =	vld [tilespmem:s10+$0xD010]  }
0x7b8: {  	v3 =	vld [tilespmem:s10+$0xD020]  }
0x7b9: {  	v4 =	vld [tilespmem:s10+$0xD030]  }
0x7ba: {  	v5 =	vld [tilespmem:s10+$0xD040]  }
0x7bb: {  	v6 =	vld [tilespmem:s10+$0xD050]  }
0x7bc: {  	v7 =	vld [tilespmem:s10+$0xD060]  }
0x7bd: {  	v8 =	vld [tilespmem:s10+$0xD070]  }
0x7be: {  	v9 =	vld [tilespmem:s10+$0xD080]  }
0x7bf: {  	v10 =	vld [tilespmem:s10+$0xD090]  }
0x7c0: {  	v11 =	vld [tilespmem:s10+$0xD0A0]  }
0x7c1: {  	v12 =	vld [tilespmem:s10+$0xD0B0]  }
0x7c2: {  	v13 =	vld [tilespmem:s10+$0xD0C0]  }
0x7c3: {  	v14 =	vld [tilespmem:s10+$0xD0D0]  }
0x7c4: {  	v15 =	vld [tilespmem:s10+$0xD0E0]  }
0x7c5: {  	v16 =	vld [tilespmem:s10+$0xD0F0]  }
0x7c6: {  	v17 =	vld [tilespmem:s10+$0xD100]  }
0x7c7: {  	v18 =	vld [tilespmem:s10+$0xD110]  }
0x7c8: {  	v19 =	vld [tilespmem:s10+$0xD120]  }
0x7c9: {  	v20 =	vld [tilespmem:s10+$0xD130]  }
0x7ca: {  	v21 =	vld [tilespmem:s10+$0xD140]  }
0x7cb: {  	v22 =	vld [tilespmem:s10+$0xD150]  }
0x7cc: {  	v23 =	vld [tilespmem:s10+$0xD160]  }
0x7cd: {  	v24 =	vld [tilespmem:s10+$0xD170]  }
0x7ce: {  	v25 =	vld [tilespmem:s10+$0xD180]  }
0x7cf: {  	v26 =	vld [tilespmem:s10+$0xD190]  }
0x7d0: {  	v27 =	vld [tilespmem:s10+$0xD1A0]  }
0x7d1: {  	v28 =	vld [tilespmem:s10+$0xD1B0]  }
0x7d2: {  	v29 =	vld [tilespmem:s10+$0xD1C0]  }
0x7d3: {  	v30 =	vld [tilespmem:s10+$0xD1D0]  }
0x7d4: {  	[tilespmem:s10+$0x31F0] =	vst.add.f32.msk $0xffff, v0  }
0x7d5: {  	v0 =	vld [tilespmem:s10+$0xD1E0]  }
0x7d6: {  	[tilespmem:s10+$0x3000] =	vst.add.f32.msk $0xffff, v1  }
0x7d7: {  	[tilespmem:s10+$0x3010] =	vst.add.f32.msk $0xffff, v2  }
0x7d8: {  	[tilespmem:s10+$0x3020] =	vst.add.f32.msk $0xffff, v3  }
0x7d9: {  	[tilespmem:s10+$0x3030] =	vst.add.f32.msk $0xffff, v4  }
0x7da: {  	[tilespmem:s10+$0x3040] =	vst.add.f32.msk $0xffff, v5  }
0x7db: {  	[tilespmem:s10+$0x3050] =	vst.add.f32.msk $0xffff, v6  }
0x7dc: {  	[tilespmem:s10+$0x3060] =	vst.add.f32.msk $0xffff, v7  }
0x7dd: {  	[tilespmem:s10+$0x3070] =	vst.add.f32.msk $0xffff, v8  }
0x7de: {  	[tilespmem:s10+$0x3080] =	vst.add.f32.msk $0xffff, v9  }
0x7df: {  	[tilespmem:s10+$0x3090] =	vst.add.f32.msk $0xffff, v10  }
0x7e0: {  	[tilespmem:s10+$0x30A0] =	vst.add.f32.msk $0xffff, v11  }
0x7e1: {  	[tilespmem:s10+$0x30B0] =	vst.add.f32.msk $0xffff, v12  }
0x7e2: {  	[tilespmem:s10+$0x30C0] =	vst.add.f32.msk $0xffff, v13  }
0x7e3: {  	[tilespmem:s10+$0x30D0] =	vst.add.f32.msk $0xffff, v14  }
0x7e4: {  	[tilespmem:s10+$0x30E0] =	vst.add.f32.msk $0xffff, v15  }
0x7e5: {  	[tilespmem:s10+$0x30F0] =	vst.add.f32.msk $0xffff, v16  }
0x7e6: {  	[tilespmem:s10+$0x3100] =	vst.add.f32.msk $0xffff, v17  }
0x7e7: {  	[tilespmem:s10+$0x3110] =	vst.add.f32.msk $0xffff, v18  }
0x7e8: {  	[tilespmem:s10+$0x3120] =	vst.add.f32.msk $0xffff, v19  }
0x7e9: {  	[tilespmem:s10+$0x3130] =	vst.add.f32.msk $0xffff, v20  }
0x7ea: {  	[tilespmem:s10+$0x3140] =	vst.add.f32.msk $0xffff, v21  }
0x7eb: {  	[tilespmem:s10+$0x3150] =	vst.add.f32.msk $0xffff, v22  }
0x7ec: {  	[tilespmem:s10+$0x3160] =	vst.add.f32.msk $0xffff, v23  }
0x7ed: {  	[tilespmem:s10+$0x3170] =	vst.add.f32.msk $0xffff, v24  }
0x7ee: {  	[tilespmem:s10+$0x3180] =	vst.add.f32.msk $0xffff, v25  }
0x7ef: {  	[tilespmem:s10+$0x3190] =	vst.add.f32.msk $0xffff, v26  }
0x7f0: {  	[tilespmem:s10+$0x31A0] =	vst.add.f32.msk $0xffff, v27  }
0x7f1: {  	[tilespmem:s10+$0x31B0] =	vst.add.f32.msk $0xffff, v28  }
0x7f2: {  	[tilespmem:s10+$0x31C0] =	vst.add.f32.msk $0xffff, v29  }
0x7f3: {  	s18 =	simm.s32 $0x800;
	s17 =	simm.s32 $0x0;
	[tilespmem:s10+$0x31D0] =	vst.add.f32.msk $0xffff, v30  }
.LBB2_29:
0x7f4: {  	s17 =	sadd.s32 $0x4, s17;
	[tilespmem:s10+$0x31E0] =	vst.add.f32.msk $0xffff, v0;
	s10 =	sshra.s32 s18, $0x2  }
0x7f5: {  	v0 =	vld [tilespmem:s10+$0xD1F0];
	p2 =	slt.u32 s17, $0x4C  }
0x7f6: {  	v1 =	vld [tilespmem:s10+$0xD000]  }
0x7f7: {  	v2 =	vld [tilespmem:s10+$0xD010]  }
0x7f8: {  	v3 =	vld [tilespmem:s10+$0xD020]  }
0x7f9: {  	v4 =	vld [tilespmem:s10+$0xD030]  }
0x7fa: {  	[tilespmem:s10+$0x31F0] =	vst.add.f32.msk $0xffff, v0  }
0x7fb: {  	v5 =	vld [tilespmem:s10+$0xD040]  }
0x7fc: {  	v6 =	vld [tilespmem:s10+$0xD050]  }
0x7fd: {  	v7 =	vld [tilespmem:s10+$0xD060]  }
0x7fe: {  	v8 =	vld [tilespmem:s10+$0xD070]  }
0x7ff: {  	v9 =	vld [tilespmem:s10+$0xD080]  }
0x800: {  	v10 =	vld [tilespmem:s10+$0xD090]  }
0x801: {  	v11 =	vld [tilespmem:s10+$0xD0A0]  }
0x802: {  	v12 =	vld [tilespmem:s10+$0xD0B0]  }
0x803: {  	v13 =	vld [tilespmem:s10+$0xD0C0]  }
0x804: {  	v14 =	vld [tilespmem:s10+$0xD0D0]  }
0x805: {  	v15 =	vld [tilespmem:s10+$0xD0E0]  }
0x806: {  	v16 =	vld [tilespmem:s10+$0xD0F0]  }
0x807: {  	v17 =	vld [tilespmem:s10+$0xD100]  }
0x808: {  	v18 =	vld [tilespmem:s10+$0xD110]  }
0x809: {  	v19 =	vld [tilespmem:s10+$0xD120]  }
0x80a: {  	v20 =	vld [tilespmem:s10+$0xD130]  }
0x80b: {  	v21 =	vld [tilespmem:s10+$0xD140]  }
0x80c: {  	v22 =	vld [tilespmem:s10+$0xD150]  }
0x80d: {  	v23 =	vld [tilespmem:s10+$0xD160]  }
0x80e: {  	v24 =	vld [tilespmem:s10+$0xD170]  }
0x80f: {  	v25 =	vld [tilespmem:s10+$0xD180]  }
0x810: {  	v26 =	vld [tilespmem:s10+$0xD190]  }
0x811: {  	v27 =	vld [tilespmem:s10+$0xD1A0]  }
0x812: {  	v28 =	vld [tilespmem:s10+$0xD1B0]  }
0x813: {  	v29 =	vld [tilespmem:s10+$0xD1C0]  }
0x814: {  	v30 =	vld [tilespmem:s10+$0xD1D0]  }
0x815: {  	v0 =	vld [tilespmem:s10+$0xD1E0]  }
0x816: {  	[tilespmem:s10+$0x3000] =	vst.add.f32.msk $0xffff, v1  }
0x817: {  	[tilespmem:s10+$0x3010] =	vst.add.f32.msk $0xffff, v2  }
0x818: {  	[tilespmem:s10+$0x3020] =	vst.add.f32.msk $0xffff, v3  }
0x819: {  	[tilespmem:s10+$0x3030] =	vst.add.f32.msk $0xffff, v4  }
0x81a: {  	[tilespmem:s10+$0x3040] =	vst.add.f32.msk $0xffff, v5  }
0x81b: {  	[tilespmem:s10+$0x3050] =	vst.add.f32.msk $0xffff, v6  }
0x81c: {  	[tilespmem:s10+$0x3060] =	vst.add.f32.msk $0xffff, v7  }
0x81d: {  	[tilespmem:s10+$0x3070] =	vst.add.f32.msk $0xffff, v8  }
0x81e: {  	[tilespmem:s10+$0x3080] =	vst.add.f32.msk $0xffff, v9  }
0x81f: {  	[tilespmem:s10+$0x3090] =	vst.add.f32.msk $0xffff, v10  }
0x820: {  	[tilespmem:s10+$0x30A0] =	vst.add.f32.msk $0xffff, v11  }
0x821: {  	[tilespmem:s10+$0x30B0] =	vst.add.f32.msk $0xffff, v12  }
0x822: {  	[tilespmem:s10+$0x30C0] =	vst.add.f32.msk $0xffff, v13  }
0x823: {  	[tilespmem:s10+$0x30D0] =	vst.add.f32.msk $0xffff, v14  }
0x824: {  	[tilespmem:s10+$0x30E0] =	vst.add.f32.msk $0xffff, v15  }
0x825: {  	[tilespmem:s10+$0x30F0] =	vst.add.f32.msk $0xffff, v16  }
0x826: {  	[tilespmem:s10+$0x3100] =	vst.add.f32.msk $0xffff, v17  }
0x827: {  	[tilespmem:s10+$0x3110] =	vst.add.f32.msk $0xffff, v18  }
0x828: {  	[tilespmem:s10+$0x3120] =	vst.add.f32.msk $0xffff, v19  }
0x829: {  	[tilespmem:s10+$0x3130] =	vst.add.f32.msk $0xffff, v20  }
0x82a: {  	[tilespmem:s10+$0x3140] =	vst.add.f32.msk $0xffff, v21  }
0x82b: {  	[tilespmem:s10+$0x3150] =	vst.add.f32.msk $0xffff, v22  }
0x82c: {  	[tilespmem:s10+$0x3160] =	vst.add.f32.msk $0xffff, v23  }
0x82d: {  	[tilespmem:s10+$0x3170] =	vst.add.f32.msk $0xffff, v24  }
0x82e: {  	[tilespmem:s10+$0x3180] =	vst.add.f32.msk $0xffff, v25  }
.Ltmp15:
0x82f: {  	[tilespmem:s10+$0x3190] =	vst.add.f32.msk $0xffff, v26;
	(pc) =	sbr.rel @p2 .LBB2_29-.Ltmp15, $4  }
0x830: {  	[tilespmem:s10+$0x31A0] =	vst.add.f32.msk $0xffff, v27  }
0x831: {  	[tilespmem:s10+$0x31B0] =	vst.add.f32.msk $0xffff, v28  }
0x832: {  	[tilespmem:s10+$0x31C0] =	vst.add.f32.msk $0xffff, v29  }
0x833: {  	s18 =	sadd.s32 $0x800, s18;
	[tilespmem:s10+$0x31D0] =	vst.add.f32.msk $0xffff, v30  }
0x834: {  	[tilespmem:s10+$0x31E0] =	vst.add.f32.msk $0xffff, v0  }
0x835: {  	_ =	swait.ge [sflag:s31], $0x2800  }
0x836: {  	[sflag:s31] =	ssyncset.done $0x0  }
0x837: {  	s18 =	simm.s32 $0x380;
	[sflag:s31] =	ssyncadd.s32 $0xFFFFD800  }
0x838: {  	[tilespmem:s14], [sflag:$0x8] =	stream.indirect.gather [spmem:s2], $0x80, s18, s19, $0xb8;
	[tilespmem:$0x19868] =	vst v63  }
0x839: {  	s18 =	rddreg [dreg:$0x1f]  }
0x83a: {  	s17 =	simm.s32 $0x780;
	s10 =	sadd.s32 s5, s18  }
0x83b: {  	[tilespmem:s28], [sflag:$0xA] =	stream.indirect.gather [spmem:s3], $0x80, s17, s19, $0xb8;
	[tilespmem:$0x19868] =	vst v63  }
0x83c: {  	s10 =	sshll.u32 s10, $0x4  }
0x83d: {  	s17 =	simm.s32 $0x0;
	s10 =	sadd.s32 s1, s10  }
0x83e: {  	[hbm4b:s10+s17] =	stream.linear.scatter [tilespmem:s25], [sflag:$0xC], $0x2800, $0x38;
	[tilespmem:$0x19868] =	vst v63  }
0x83f: {  	_ =	swait.ge [sflag:s26], $0x2800  }
0x840: {  	[sflag:s26] =	ssyncset.done $0x0  }
0x841: {  	[sflag:s26] =	ssyncadd.s32 $0xFFFFD800  }
0x842: {  	_ =	swait.ge [sflag:s12], $0x2800  }
0x843: {  	[sflag:s12] =	ssyncset.done $0x0  }
0x844: {  	s10 =	simm.s32 $0x0;
	[sflag:s12] =	ssyncadd.s32 $0xFFFFD800  }
0x845: {  	v0 =	vld [tilespmem:s10+$0xA9F0]  }
0x846: {  	v1 =	vld [tilespmem:s10+$0xA800]  }
0x847: {  	v2 =	vld [tilespmem:s10+$0xA810]  }
0x848: {  	v3 =	vld [tilespmem:s10+$0xA820]  }
0x849: {  	v4 =	vld [tilespmem:s10+$0xA830]  }
0x84a: {  	v5 =	vld [tilespmem:s10+$0xA840]  }
0x84b: {  	v6 =	vld [tilespmem:s10+$0xA850]  }
0x84c: {  	v7 =	vld [tilespmem:s10+$0xA860]  }
0x84d: {  	v8 =	vld [tilespmem:s10+$0xA870]  }
0x84e: {  	v9 =	vld [tilespmem:s10+$0xA880]  }
0x84f: {  	v10 =	vld [tilespmem:s10+$0xA890]  }
0x850: {  	v11 =	vld [tilespmem:s10+$0xA8A0]  }
0x851: {  	v12 =	vld [tilespmem:s10+$0xA8B0]  }
0x852: {  	v13 =	vld [tilespmem:s10+$0xA8C0]  }
0x853: {  	v14 =	vld [tilespmem:s10+$0xA8D0]  }
0x854: {  	v15 =	vld [tilespmem:s10+$0xA8E0]  }
0x855: {  	v16 =	vld [tilespmem:s10+$0xA8F0]  }
0x856: {  	v17 =	vld [tilespmem:s10+$0xA900]  }
0x857: {  	v18 =	vld [tilespmem:s10+$0xA910]  }
0x858: {  	v19 =	vld [tilespmem:s10+$0xA920]  }
0x859: {  	v20 =	vld [tilespmem:s10+$0xA930]  }
0x85a: {  	v21 =	vld [tilespmem:s10+$0xA940]  }
0x85b: {  	v22 =	vld [tilespmem:s10+$0xA950]  }
0x85c: {  	v23 =	vld [tilespmem:s10+$0xA960]  }
0x85d: {  	v24 =	vld [tilespmem:s10+$0xA970]  }
0x85e: {  	v25 =	vld [tilespmem:s10+$0xA980]  }
0x85f: {  	v26 =	vld [tilespmem:s10+$0xA990]  }
0x860: {  	v27 =	vld [tilespmem:s10+$0xA9A0]  }
0x861: {  	v28 =	vld [tilespmem:s10+$0xA9B0]  }
0x862: {  	v29 =	vld [tilespmem:s10+$0xA9C0]  }
0x863: {  	v30 =	vld [tilespmem:s10+$0xA9D0]  }
0x864: {  	[tilespmem:s10+$0x59F0] =	vst.add.f32.msk $0xffff, v0  }
0x865: {  	v0 =	vld [tilespmem:s10+$0xA9E0]  }
0x866: {  	[tilespmem:s10+$0x5800] =	vst.add.f32.msk $0xffff, v1  }
0x867: {  	[tilespmem:s10+$0x5810] =	vst.add.f32.msk $0xffff, v2  }
0x868: {  	[tilespmem:s10+$0x5820] =	vst.add.f32.msk $0xffff, v3  }
0x869: {  	[tilespmem:s10+$0x5830] =	vst.add.f32.msk $0xffff, v4  }
0x86a: {  	[tilespmem:s10+$0x5840] =	vst.add.f32.msk $0xffff, v5  }
0x86b: {  	[tilespmem:s10+$0x5850] =	vst.add.f32.msk $0xffff, v6  }
0x86c: {  	[tilespmem:s10+$0x5860] =	vst.add.f32.msk $0xffff, v7  }
0x86d: {  	[tilespmem:s10+$0x5870] =	vst.add.f32.msk $0xffff, v8  }
0x86e: {  	[tilespmem:s10+$0x5880] =	vst.add.f32.msk $0xffff, v9  }
0x86f: {  	[tilespmem:s10+$0x5890] =	vst.add.f32.msk $0xffff, v10  }
0x870: {  	[tilespmem:s10+$0x58A0] =	vst.add.f32.msk $0xffff, v11  }
0x871: {  	[tilespmem:s10+$0x58B0] =	vst.add.f32.msk $0xffff, v12  }
0x872: {  	[tilespmem:s10+$0x58C0] =	vst.add.f32.msk $0xffff, v13  }
0x873: {  	[tilespmem:s10+$0x58D0] =	vst.add.f32.msk $0xffff, v14  }
0x874: {  	[tilespmem:s10+$0x58E0] =	vst.add.f32.msk $0xffff, v15  }
0x875: {  	[tilespmem:s10+$0x58F0] =	vst.add.f32.msk $0xffff, v16  }
0x876: {  	[tilespmem:s10+$0x5900] =	vst.add.f32.msk $0xffff, v17  }
0x877: {  	[tilespmem:s10+$0x5910] =	vst.add.f32.msk $0xffff, v18  }
0x878: {  	[tilespmem:s10+$0x5920] =	vst.add.f32.msk $0xffff, v19  }
0x879: {  	[tilespmem:s10+$0x5930] =	vst.add.f32.msk $0xffff, v20  }
0x87a: {  	[tilespmem:s10+$0x5940] =	vst.add.f32.msk $0xffff, v21  }
0x87b: {  	[tilespmem:s10+$0x5950] =	vst.add.f32.msk $0xffff, v22  }
0x87c: {  	[tilespmem:s10+$0x5960] =	vst.add.f32.msk $0xffff, v23  }
0x87d: {  	[tilespmem:s10+$0x5970] =	vst.add.f32.msk $0xffff, v24  }
0x87e: {  	[tilespmem:s10+$0x5980] =	vst.add.f32.msk $0xffff, v25  }
0x87f: {  	[tilespmem:s10+$0x5990] =	vst.add.f32.msk $0xffff, v26  }
0x880: {  	[tilespmem:s10+$0x59A0] =	vst.add.f32.msk $0xffff, v27  }
0x881: {  	[tilespmem:s10+$0x59B0] =	vst.add.f32.msk $0xffff, v28  }
0x882: {  	[tilespmem:s10+$0x59C0] =	vst.add.f32.msk $0xffff, v29  }
0x883: {  	s18 =	simm.s32 $0x800;
	s17 =	simm.s32 $0x0;
	[tilespmem:s10+$0x59D0] =	vst.add.f32.msk $0xffff, v30  }
.LBB2_31:
0x884: {  	s17 =	sadd.s32 $0x4, s17;
	[tilespmem:s10+$0x59E0] =	vst.add.f32.msk $0xffff, v0;
	s10 =	sshra.s32 s18, $0x2  }
0x885: {  	v0 =	vld [tilespmem:s10+$0xA9F0];
	p2 =	slt.u32 s17, $0x4C  }
0x886: {  	v1 =	vld [tilespmem:s10+$0xA800]  }
0x887: {  	v2 =	vld [tilespmem:s10+$0xA810]  }
0x888: {  	v3 =	vld [tilespmem:s10+$0xA820]  }
0x889: {  	v4 =	vld [tilespmem:s10+$0xA830]  }
0x88a: {  	[tilespmem:s10+$0x59F0] =	vst.add.f32.msk $0xffff, v0  }
0x88b: {  	v5 =	vld [tilespmem:s10+$0xA840]  }
0x88c: {  	v6 =	vld [tilespmem:s10+$0xA850]  }
0x88d: {  	v7 =	vld [tilespmem:s10+$0xA860]  }
0x88e: {  	v8 =	vld [tilespmem:s10+$0xA870]  }
0x88f: {  	v9 =	vld [tilespmem:s10+$0xA880]  }
0x890: {  	v10 =	vld [tilespmem:s10+$0xA890]  }
0x891: {  	v11 =	vld [tilespmem:s10+$0xA8A0]  }
0x892: {  	v12 =	vld [tilespmem:s10+$0xA8B0]  }
0x893: {  	v13 =	vld [tilespmem:s10+$0xA8C0]  }
0x894: {  	v14 =	vld [tilespmem:s10+$0xA8D0]  }
0x895: {  	v15 =	vld [tilespmem:s10+$0xA8E0]  }
0x896: {  	v16 =	vld [tilespmem:s10+$0xA8F0]  }
0x897: {  	v17 =	vld [tilespmem:s10+$0xA900]  }
0x898: {  	v18 =	vld [tilespmem:s10+$0xA910]  }
0x899: {  	v19 =	vld [tilespmem:s10+$0xA920]  }
0x89a: {  	v20 =	vld [tilespmem:s10+$0xA930]  }
0x89b: {  	v21 =	vld [tilespmem:s10+$0xA940]  }
0x89c: {  	v22 =	vld [tilespmem:s10+$0xA950]  }
0x89d: {  	v23 =	vld [tilespmem:s10+$0xA960]  }
0x89e: {  	v24 =	vld [tilespmem:s10+$0xA970]  }
0x89f: {  	v25 =	vld [tilespmem:s10+$0xA980]  }
0x8a0: {  	v26 =	vld [tilespmem:s10+$0xA990]  }
0x8a1: {  	v27 =	vld [tilespmem:s10+$0xA9A0]  }
0x8a2: {  	v28 =	vld [tilespmem:s10+$0xA9B0]  }
0x8a3: {  	v29 =	vld [tilespmem:s10+$0xA9C0]  }
0x8a4: {  	v30 =	vld [tilespmem:s10+$0xA9D0]  }
0x8a5: {  	v0 =	vld [tilespmem:s10+$0xA9E0]  }
0x8a6: {  	[tilespmem:s10+$0x5800] =	vst.add.f32.msk $0xffff, v1  }
0x8a7: {  	[tilespmem:s10+$0x5810] =	vst.add.f32.msk $0xffff, v2  }
0x8a8: {  	[tilespmem:s10+$0x5820] =	vst.add.f32.msk $0xffff, v3  }
0x8a9: {  	[tilespmem:s10+$0x5830] =	vst.add.f32.msk $0xffff, v4  }
0x8aa: {  	[tilespmem:s10+$0x5840] =	vst.add.f32.msk $0xffff, v5  }
0x8ab: {  	[tilespmem:s10+$0x5850] =	vst.add.f32.msk $0xffff, v6  }
0x8ac: {  	[tilespmem:s10+$0x5860] =	vst.add.f32.msk $0xffff, v7  }
0x8ad: {  	[tilespmem:s10+$0x5870] =	vst.add.f32.msk $0xffff, v8  }
0x8ae: {  	[tilespmem:s10+$0x5880] =	vst.add.f32.msk $0xffff, v9  }
0x8af: {  	[tilespmem:s10+$0x5890] =	vst.add.f32.msk $0xffff, v10  }
0x8b0: {  	[tilespmem:s10+$0x58A0] =	vst.add.f32.msk $0xffff, v11  }
0x8b1: {  	[tilespmem:s10+$0x58B0] =	vst.add.f32.msk $0xffff, v12  }
0x8b2: {  	[tilespmem:s10+$0x58C0] =	vst.add.f32.msk $0xffff, v13  }
0x8b3: {  	[tilespmem:s10+$0x58D0] =	vst.add.f32.msk $0xffff, v14  }
0x8b4: {  	[tilespmem:s10+$0x58E0] =	vst.add.f32.msk $0xffff, v15  }
0x8b5: {  	[tilespmem:s10+$0x58F0] =	vst.add.f32.msk $0xffff, v16  }
0x8b6: {  	[tilespmem:s10+$0x5900] =	vst.add.f32.msk $0xffff, v17  }
0x8b7: {  	[tilespmem:s10+$0x5910] =	vst.add.f32.msk $0xffff, v18  }
0x8b8: {  	[tilespmem:s10+$0x5920] =	vst.add.f32.msk $0xffff, v19  }
0x8b9: {  	[tilespmem:s10+$0x5930] =	vst.add.f32.msk $0xffff, v20  }
0x8ba: {  	[tilespmem:s10+$0x5940] =	vst.add.f32.msk $0xffff, v21  }
0x8bb: {  	[tilespmem:s10+$0x5950] =	vst.add.f32.msk $0xffff, v22  }
0x8bc: {  	[tilespmem:s10+$0x5960] =	vst.add.f32.msk $0xffff, v23  }
0x8bd: {  	[tilespmem:s10+$0x5970] =	vst.add.f32.msk $0xffff, v24  }
0x8be: {  	[tilespmem:s10+$0x5980] =	vst.add.f32.msk $0xffff, v25  }
.Ltmp16:
0x8bf: {  	[tilespmem:s10+$0x5990] =	vst.add.f32.msk $0xffff, v26;
	(pc) =	sbr.rel @p2 .LBB2_31-.Ltmp16, $4  }
0x8c0: {  	[tilespmem:s10+$0x59A0] =	vst.add.f32.msk $0xffff, v27  }
0x8c1: {  	[tilespmem:s10+$0x59B0] =	vst.add.f32.msk $0xffff, v28  }
0x8c2: {  	[tilespmem:s10+$0x59C0] =	vst.add.f32.msk $0xffff, v29  }
0x8c3: {  	s18 =	sadd.s32 $0x800, s18;
	[tilespmem:s10+$0x59D0] =	vst.add.f32.msk $0xffff, v30  }
0x8c4: {  	[tilespmem:s10+$0x59E0] =	vst.add.f32.msk $0xffff, v0  }
0x8c5: {  	_ =	swait.ge [sflag:s15], $0x2800  }
0x8c6: {  	[sflag:s15] =	ssyncset.done $0x0  }
0x8c7: {  	s10 =	simm.s32 @!p1 $0x1;
	[sflag:s15] =	ssyncadd.s32 $0xFFFFD800  }
0x8c8: {  	_ =	swait.ge @!p1 [sflag:s10], $0x200  }
0x8c9: {  	[sflag:s10] =	ssyncset.done @!p1 $0x0  }
0x8ca: {  	[sflag:s10] =	ssyncadd.s32 @!p1 $0xFFFFFE00;
	s10 =	simm.s32 @!p1 $0x3  }
0x8cb: {  	_ =	swait.ge @!p1 [sflag:s10], $0x200  }
0x8cc: {  	s17 =	simm.s32 @!p1 $0x0;
	[sflag:s10] =	ssyncset.done @!p1 $0x0  }
0x8cd: {  	s18 =	simm.s32 @!p1 $0x800;
	[sflag:s10] =	ssyncadd.s32 @!p1 $0xFFFFFE00;
	s10 =	simm.s32 @!p1 $0x50  }
0x8ce: {  	[tilespmem:s18], [sflag:$0x5] =	stream.indirect.gather @!p1 [spmem:s2], $0x80, s17, s10, $0xb8;
	[tilespmem:$0x19868] =	vst v63  }
0x8cf: {  	s17 =	simm.s32 @!p1 $0x400;
	s18 =	simm.s32 @!p1 $0xA800  }
0x8d0: {  	[tilespmem:s18], [sflag:$0x9] =	stream.indirect.gather @!p1 [spmem:s3], $0x80, s17, s10, $0xb8;
	[tilespmem:$0x19868] =	vst v63  }
0x8d1: {  	s17 =	sld [smem:$0x7FB];
	_ =	sdelay $0x2  }
0x8d2: {  	s10 =	sadd.s32 s5, s17  }
0x8d3: {  	s10 =	sshll.u32 s10, $0x4  }
0x8d4: {  	s18 =	simm.s32 $0x0;
	s10 =	sadd.s32 s1, s10  }
0x8d5: {  	[hbm4b:s10+s18] =	stream.linear.scatter [tilespmem:s13], [sflag:$0xD], $0x2800, $0x38;
	[tilespmem:$0x19868] =	vst v63  }
0x8d6: {  	_ =	swait.ge [sflag:s7], $0x2800  }
0x8d7: {  	[sflag:s7] =	ssyncset.done $0x0  }
0x8d8: {  	[sflag:s7] =	ssyncadd.s32 $0xFFFFD800  }
0x8d9: {  	_ =	swait.ge [sflag:s22], $0x2800  }
0x8da: {  	[sflag:s22] =	ssyncset.done $0x0  }
0x8db: {  	s10 =	simm.s32 $0x0;
	[sflag:s22] =	ssyncadd.s32 $0xFFFFD800  }
0x8dc: {  	v0 =	vld [tilespmem:s10+$0xD1F0]  }
0x8dd: {  	v1 =	vld [tilespmem:s10+$0xD000]  }
0x8de: {  	v2 =	vld [tilespmem:s10+$0xD010]  }
0x8df: {  	v3 =	vld [tilespmem:s10+$0xD020]  }
0x8e0: {  	v4 =	vld [tilespmem:s10+$0xD030]  }
0x8e1: {  	v5 =	vld [tilespmem:s10+$0xD040]  }
0x8e2: {  	v6 =	vld [tilespmem:s10+$0xD050]  }
0x8e3: {  	v7 =	vld [tilespmem:s10+$0xD060]  }
0x8e4: {  	v8 =	vld [tilespmem:s10+$0xD070]  }
0x8e5: {  	v9 =	vld [tilespmem:s10+$0xD080]  }
0x8e6: {  	v10 =	vld [tilespmem:s10+$0xD090]  }
0x8e7: {  	v11 =	vld [tilespmem:s10+$0xD0A0]  }
0x8e8: {  	v12 =	vld [tilespmem:s10+$0xD0B0]  }
0x8e9: {  	v13 =	vld [tilespmem:s10+$0xD0C0]  }
0x8ea: {  	v14 =	vld [tilespmem:s10+$0xD0D0]  }
0x8eb: {  	v15 =	vld [tilespmem:s10+$0xD0E0]  }
0x8ec: {  	v16 =	vld [tilespmem:s10+$0xD0F0]  }
0x8ed: {  	v17 =	vld [tilespmem:s10+$0xD100]  }
0x8ee: {  	v18 =	vld [tilespmem:s10+$0xD110]  }
0x8ef: {  	v19 =	vld [tilespmem:s10+$0xD120]  }
0x8f0: {  	v20 =	vld [tilespmem:s10+$0xD130]  }
0x8f1: {  	v21 =	vld [tilespmem:s10+$0xD140]  }
0x8f2: {  	v22 =	vld [tilespmem:s10+$0xD150]  }
0x8f3: {  	v23 =	vld [tilespmem:s10+$0xD160]  }
0x8f4: {  	v24 =	vld [tilespmem:s10+$0xD170]  }
0x8f5: {  	v25 =	vld [tilespmem:s10+$0xD180]  }
0x8f6: {  	v26 =	vld [tilespmem:s10+$0xD190]  }
0x8f7: {  	v27 =	vld [tilespmem:s10+$0xD1A0]  }
0x8f8: {  	v28 =	vld [tilespmem:s10+$0xD1B0]  }
0x8f9: {  	v29 =	vld [tilespmem:s10+$0xD1C0]  }
0x8fa: {  	v30 =	vld [tilespmem:s10+$0xD1D0]  }
0x8fb: {  	[tilespmem:s10+$0x81F0] =	vst.add.f32.msk $0xffff, v0  }
0x8fc: {  	v0 =	vld [tilespmem:s10+$0xD1E0]  }
0x8fd: {  	[tilespmem:s10+$0x8000] =	vst.add.f32.msk $0xffff, v1  }
0x8fe: {  	[tilespmem:s10+$0x8010] =	vst.add.f32.msk $0xffff, v2  }
0x8ff: {  	[tilespmem:s10+$0x8020] =	vst.add.f32.msk $0xffff, v3  }
0x900: {  	[tilespmem:s10+$0x8030] =	vst.add.f32.msk $0xffff, v4  }
0x901: {  	[tilespmem:s10+$0x8040] =	vst.add.f32.msk $0xffff, v5  }
0x902: {  	[tilespmem:s10+$0x8050] =	vst.add.f32.msk $0xffff, v6  }
0x903: {  	[tilespmem:s10+$0x8060] =	vst.add.f32.msk $0xffff, v7  }
0x904: {  	[tilespmem:s10+$0x8070] =	vst.add.f32.msk $0xffff, v8  }
0x905: {  	[tilespmem:s10+$0x8080] =	vst.add.f32.msk $0xffff, v9  }
0x906: {  	[tilespmem:s10+$0x8090] =	vst.add.f32.msk $0xffff, v10  }
0x907: {  	[tilespmem:s10+$0x80A0] =	vst.add.f32.msk $0xffff, v11  }
0x908: {  	[tilespmem:s10+$0x80B0] =	vst.add.f32.msk $0xffff, v12  }
0x909: {  	[tilespmem:s10+$0x80C0] =	vst.add.f32.msk $0xffff, v13  }
0x90a: {  	[tilespmem:s10+$0x80D0] =	vst.add.f32.msk $0xffff, v14  }
0x90b: {  	[tilespmem:s10+$0x80E0] =	vst.add.f32.msk $0xffff, v15  }
0x90c: {  	[tilespmem:s10+$0x80F0] =	vst.add.f32.msk $0xffff, v16  }
0x90d: {  	[tilespmem:s10+$0x8100] =	vst.add.f32.msk $0xffff, v17  }
0x90e: {  	[tilespmem:s10+$0x8110] =	vst.add.f32.msk $0xffff, v18  }
0x90f: {  	[tilespmem:s10+$0x8120] =	vst.add.f32.msk $0xffff, v19  }
0x910: {  	[tilespmem:s10+$0x8130] =	vst.add.f32.msk $0xffff, v20  }
0x911: {  	[tilespmem:s10+$0x8140] =	vst.add.f32.msk $0xffff, v21  }
0x912: {  	[tilespmem:s10+$0x8150] =	vst.add.f32.msk $0xffff, v22  }
0x913: {  	[tilespmem:s10+$0x8160] =	vst.add.f32.msk $0xffff, v23  }
0x914: {  	[tilespmem:s10+$0x8170] =	vst.add.f32.msk $0xffff, v24  }
0x915: {  	[tilespmem:s10+$0x8180] =	vst.add.f32.msk $0xffff, v25  }
0x916: {  	[tilespmem:s10+$0x8190] =	vst.add.f32.msk $0xffff, v26  }
0x917: {  	[tilespmem:s10+$0x81A0] =	vst.add.f32.msk $0xffff, v27  }
0x918: {  	[tilespmem:s10+$0x81B0] =	vst.add.f32.msk $0xffff, v28  }
0x919: {  	[tilespmem:s10+$0x81C0] =	vst.add.f32.msk $0xffff, v29  }
0x91a: {  	s17 =	simm.s32 $0x0;
	s18 =	simm.s32 $0x800;
	[tilespmem:s10+$0x81D0] =	vst.add.f32.msk $0xffff, v30  }
.LBB2_33:
0x91b: {  	s17 =	sadd.s32 $0x4, s17;
	[tilespmem:s10+$0x81E0] =	vst.add.f32.msk $0xffff, v0;
	s10 =	sshra.s32 s18, $0x2  }
0x91c: {  	v0 =	vld [tilespmem:s10+$0xD1F0];
	p2 =	slt.u32 s17, $0x4C  }
0x91d: {  	v1 =	vld [tilespmem:s10+$0xD000]  }
0x91e: {  	v2 =	vld [tilespmem:s10+$0xD010]  }
0x91f: {  	v3 =	vld [tilespmem:s10+$0xD020]  }
0x920: {  	v4 =	vld [tilespmem:s10+$0xD030]  }
0x921: {  	[tilespmem:s10+$0x81F0] =	vst.add.f32.msk $0xffff, v0  }
0x922: {  	v5 =	vld [tilespmem:s10+$0xD040]  }
0x923: {  	v6 =	vld [tilespmem:s10+$0xD050]  }
0x924: {  	v7 =	vld [tilespmem:s10+$0xD060]  }
0x925: {  	v8 =	vld [tilespmem:s10+$0xD070]  }
0x926: {  	v9 =	vld [tilespmem:s10+$0xD080]  }
0x927: {  	v10 =	vld [tilespmem:s10+$0xD090]  }
0x928: {  	v11 =	vld [tilespmem:s10+$0xD0A0]  }
0x929: {  	v12 =	vld [tilespmem:s10+$0xD0B0]  }
0x92a: {  	v13 =	vld [tilespmem:s10+$0xD0C0]  }
0x92b: {  	v14 =	vld [tilespmem:s10+$0xD0D0]  }
0x92c: {  	v15 =	vld [tilespmem:s10+$0xD0E0]  }
0x92d: {  	v16 =	vld [tilespmem:s10+$0xD0F0]  }
0x92e: {  	v17 =	vld [tilespmem:s10+$0xD100]  }
0x92f: {  	v18 =	vld [tilespmem:s10+$0xD110]  }
0x930: {  	v19 =	vld [tilespmem:s10+$0xD120]  }
0x931: {  	v20 =	vld [tilespmem:s10+$0xD130]  }
0x932: {  	v21 =	vld [tilespmem:s10+$0xD140]  }
0x933: {  	v22 =	vld [tilespmem:s10+$0xD150]  }
0x934: {  	v23 =	vld [tilespmem:s10+$0xD160]  }
0x935: {  	v24 =	vld [tilespmem:s10+$0xD170]  }
0x936: {  	v25 =	vld [tilespmem:s10+$0xD180]  }
0x937: {  	v26 =	vld [tilespmem:s10+$0xD190]  }
0x938: {  	v27 =	vld [tilespmem:s10+$0xD1A0]  }
0x939: {  	v28 =	vld [tilespmem:s10+$0xD1B0]  }
0x93a: {  	v29 =	vld [tilespmem:s10+$0xD1C0]  }
0x93b: {  	v30 =	vld [tilespmem:s10+$0xD1D0]  }
0x93c: {  	v0 =	vld [tilespmem:s10+$0xD1E0]  }
0x93d: {  	[tilespmem:s10+$0x8000] =	vst.add.f32.msk $0xffff, v1  }
0x93e: {  	[tilespmem:s10+$0x8010] =	vst.add.f32.msk $0xffff, v2  }
0x93f: {  	[tilespmem:s10+$0x8020] =	vst.add.f32.msk $0xffff, v3  }
0x940: {  	[tilespmem:s10+$0x8030] =	vst.add.f32.msk $0xffff, v4  }
0x941: {  	[tilespmem:s10+$0x8040] =	vst.add.f32.msk $0xffff, v5  }
0x942: {  	[tilespmem:s10+$0x8050] =	vst.add.f32.msk $0xffff, v6  }
0x943: {  	[tilespmem:s10+$0x8060] =	vst.add.f32.msk $0xffff, v7  }
0x944: {  	[tilespmem:s10+$0x8070] =	vst.add.f32.msk $0xffff, v8  }
0x945: {  	[tilespmem:s10+$0x8080] =	vst.add.f32.msk $0xffff, v9  }
0x946: {  	[tilespmem:s10+$0x8090] =	vst.add.f32.msk $0xffff, v10  }
0x947: {  	[tilespmem:s10+$0x80A0] =	vst.add.f32.msk $0xffff, v11  }
0x948: {  	[tilespmem:s10+$0x80B0] =	vst.add.f32.msk $0xffff, v12  }
0x949: {  	[tilespmem:s10+$0x80C0] =	vst.add.f32.msk $0xffff, v13  }
0x94a: {  	[tilespmem:s10+$0x80D0] =	vst.add.f32.msk $0xffff, v14  }
0x94b: {  	[tilespmem:s10+$0x80E0] =	vst.add.f32.msk $0xffff, v15  }
0x94c: {  	[tilespmem:s10+$0x80F0] =	vst.add.f32.msk $0xffff, v16  }
0x94d: {  	[tilespmem:s10+$0x8100] =	vst.add.f32.msk $0xffff, v17  }
0x94e: {  	[tilespmem:s10+$0x8110] =	vst.add.f32.msk $0xffff, v18  }
0x94f: {  	[tilespmem:s10+$0x8120] =	vst.add.f32.msk $0xffff, v19  }
0x950: {  	[tilespmem:s10+$0x8130] =	vst.add.f32.msk $0xffff, v20  }
0x951: {  	[tilespmem:s10+$0x8140] =	vst.add.f32.msk $0xffff, v21  }
0x952: {  	[tilespmem:s10+$0x8150] =	vst.add.f32.msk $0xffff, v22  }
0x953: {  	[tilespmem:s10+$0x8160] =	vst.add.f32.msk $0xffff, v23  }
0x954: {  	[tilespmem:s10+$0x8170] =	vst.add.f32.msk $0xffff, v24  }
0x955: {  	[tilespmem:s10+$0x8180] =	vst.add.f32.msk $0xffff, v25  }
.Ltmp17:
0x956: {  	[tilespmem:s10+$0x8190] =	vst.add.f32.msk $0xffff, v26;
	(pc) =	sbr.rel @p2 .LBB2_33-.Ltmp17, $4  }
0x957: {  	[tilespmem:s10+$0x81A0] =	vst.add.f32.msk $0xffff, v27  }
0x958: {  	[tilespmem:s10+$0x81B0] =	vst.add.f32.msk $0xffff, v28  }
0x959: {  	[tilespmem:s10+$0x81C0] =	vst.add.f32.msk $0xffff, v29  }
0x95a: {  	s18 =	sadd.s32 $0x800, s18;
	[tilespmem:s10+$0x81D0] =	vst.add.f32.msk $0xffff, v30  }
.Ltmp18:
0x95b: {  	(pc) =	sbr.rel @p1 .LBB2_36-.Ltmp18, $4  }
0x95c: {  	[tilespmem:s10+$0x81E0] =	vst.add.f32.msk $0xffff, v0  }
0x95d: {  	_ =	swait.ge [sflag:s23], $0x2800  }
0x95e: {  	[sflag:s23] =	ssyncset.done $0x0  }
0x95f: {  	[sflag:s23] =	ssyncadd.s32 $0xFFFFD800  }
0x960: {  	s10 =	simm.s32 $0x80;
	s17 =	sld [smem:$0x7FC]  }
0x961: {  	[tilespmem:s25], [sflag:$0x6] =	stream.indirect.gather [spmem:s2], $0x80, s10, s19, $0xb8;
	[tilespmem:$0x19868] =	vst v63  }
0x962: {  	s18 =	simm.s32 $0x480  }
0x963: {  	[tilespmem:s28], [sflag:$0xA] =	stream.indirect.gather [spmem:s3], $0x80, s18, s19, $0xb8;
	[tilespmem:$0x19868] =	vst v63  }
0x964: {  	s5 =	sadd.s32 s5, s17  }
0x965: {  	s5 =	sshll.u32 s5, $0x4  }
0x966: {  	s18 =	rddreg [dreg:$0x16];
	s5 =	sadd.s32 s1, s5  }
0x967: {  	[hbm4b:s5+s4] =	stream.linear.scatter [tilespmem:s14], [sflag:$0xE], $0x2800, $0x38;
	[tilespmem:$0x19868] =	vst v63  }
0x968: {  	s5 =	sadd.s32 s6, s18  }
.Ltmp19:
0x969: {  	s5 =	sshrl.u32 s5, $0x3;
	(pc) =	sbr.rel .LBB2_18-.Ltmp19, $4  }
0x96a: {  	s18 =	simm.s32 $0x200;
	s10 =	sadd.s32 s8, s5  }
0x96b: {  	[tilespmem:s18], [sflag:$0x2] =	stream.linear.gather [hbm4b:s10+s4], $0x200, $0x38;
	[tilespmem:$0x19868] =	vst v63  }
0x96c: {  	s0 =	sadd.s32 $0x1, s0;
	s17 =	simm.s32 $0x600;
	s5 =	sadd.s32 s9, s5  }
0x96d: {  	[tilespmem:s17], [sflag:$0x4] =	stream.linear.gather [hbm4b:s5+s4], $0x200, $0x38;
	[tilespmem:$0x19868] =	vst v63  }
.LBB2_37:
0x96e: {  	_ =	sfence.sel $0x180000  }
0x96f: {  	[bflag:$0x0] =	sbarrier.arrive $0xFFFF  }
0x970: {  	_ =	strace $0x90000047  }
0x971: {  	[bflag:$0x2] =	sbarrier.arrive $0xFFFF  }
0x972: {  	s0 =	rddreg [dreg:$0x4]  }
0x973: {  	s0 =	sadd.s32 @!p0 $0x100000, s0  }
0x974: {  	[sflag:s0] =	ssyncadd.tile.s32 @!p0 $0x1;
	_ =	shalt  }
.Lfunc_end2:
_tile_overlayer_lowered:
.L_overlay_start_2:
0x975: {  	(tag) =	ssettag $0x2  }
0x976: {  	s0 =	rddreg [dreg:$0x0];
	s2 =	stileid.u32  }
0x977: {  	s1 =	rddreg [dreg:$0x1];
	p0 =	sne.s32 s2, $0x0  }
0x978: {  	s3 =	rddreg [dreg:$0x2];
	[bflag:$0x3] =	sbarrier.arrive $0xFFFF;
	s2 =	simm.s32 @!p0 $0x1C0F  }
0x979: {  	[timem:s3], [sflag:s2] =	dma.local @!p0 [hbm:s0], s1  }
0x97a: {  	s0 =	simm.s32 @!p0 $0xF  }
0x97b: {  	_ =	swait.ge @!p0 [sflag:s0], s1  }
0x97c: {  	s1 =	ssub.s32 @!p0 $0x0, s1;
	[sflag:s0] =	ssyncset.done @!p0 $0x0  }
0x97d: {  	[sflag:s0] =	ssyncadd.s32 @!p0 s1  }
0x97e: {  	[bflag:$0x3] =	sbarrier.arrive $0xFFFF  }
0x97f: {  	_ =	shalt  }

</sc_bundles>
